<compile_context>
chip_gen: v7x
topology: tpu7x:2x2x1
jax: 0.10.2.dev20260603
libtpu: 0.0.44.dev20260713+nightly
codegen_flags: <defaults>
</compile_context>

<pallas_src>
import functools
import math

import jax
import jax.numpy as jnp
from jax.experimental import pallas as pl
from jax.experimental.pallas import tpu as pltpu
from jax.experimental.pallas import tpu_sc as plsc

_E = 8
_N = 2048
_C = 768
_F = 3072
_M = 128
_S = _N * 2 + _E * _M
_NB = _S // _M


def _gelu(x):
    c = math.sqrt(2.0 / math.pi)
    return 0.5 * x * (1.0 + jnp.tanh(c * (x + 0.044715 * x * x * x)))



def _router_kernel(x_ref, rw_ref, pos0_ref, pos1_ref, g0_ref, g1_ref, be_ref,
                   nxe_ref):
    x = x_ref[...]
    logits = jnp.dot(x, rw_ref[...], preferred_element_type=jnp.float32)

    ids = jax.lax.broadcasted_iota(jnp.int32, (_N, _E), 1)
    m1 = jnp.max(logits, axis=1, keepdims=True)
    i1 = jnp.min(jnp.where(logits == m1, ids, _E), axis=1, keepdims=True)
    oh1 = ids == i1
    ml = jnp.where(oh1, -jnp.inf, logits)
    m2 = jnp.max(ml, axis=1, keepdims=True)
    i2 = jnp.min(jnp.where(ml == m2, ids, _E), axis=1, keepdims=True)
    oh2 = ids == i2

    z = jnp.sum(jnp.exp(logits - m1), axis=1, keepdims=True)
    p1 = 1.0 / z
    p2 = jnp.exp(m2 - m1) / z
    dn = p1 + p2 + 1e-8
    g0_ref[...] = jnp.broadcast_to(p1 / dn, (_N, 16))
    g1_ref[...] = jnp.broadcast_to(p2 / dn, (_N, 16))

    q = jnp.where(oh1, 3, 0) + jnp.where(oh2, 1, 0)
    qt = jnp.transpose(q)
    oht = jnp.where(qt != 0, 1, 0)
    oh1t = qt >= 2
    oh2t = qt == 1

    cum = oht
    s = 1
    while s < _N:
        cum = cum + jnp.concatenate(
            [jnp.zeros((_E, s), jnp.int32), cum[:, :_N - s]], axis=1)
        s *= 2
    excl = cum - oht
    cnt = cum[:, _N - 1:_N]
    pc = ((cnt + (_M - 1)) // _M) * _M
    po = pc
    s = 1
    while s < _E:
        po = po + jnp.concatenate(
            [jnp.zeros((s, 1), jnp.int32), po[:_E - s, :]], axis=0)
        s *= 2
    po = po - pc

    posfull = excl + po
    pos0_ref[...] = jnp.sum(jnp.where(oh1t, posfull, 0), axis=0, keepdims=True)
    pos1_ref[...] = jnp.sum(jnp.where(oh2t, posfull, 0), axis=0, keepdims=True)

    total = jnp.sum(pc)
    bstart = jax.lax.broadcasted_iota(jnp.int32, (_E, _NB), 1) * _M
    bstart = jnp.minimum(bstart, total - 1)
    be = jnp.sum(jnp.where(jnp.broadcast_to(po, (_E, _NB)) <= bstart, 1, 0),
                 axis=0, keepdims=True) - 1
    be_ref[...] = be

    eids8 = jax.lax.broadcasted_iota(jnp.int32, (_E, _NB), 0)
    cand = (eids8 > be) & jnp.broadcast_to(pc > 0, (_E, _NB))
    nxe = jnp.min(jnp.where(cand, eids8, _E), axis=0, keepdims=True)
    nxe_ref[...] = jnp.where(nxe == _E, be, nxe)


def _run_router(xf, router_w):
    return pl.pallas_call(
        _router_kernel,
        out_shape=[
            jax.ShapeDtypeStruct((1, _N), jnp.int32),
            jax.ShapeDtypeStruct((1, _N), jnp.int32),
            jax.ShapeDtypeStruct((_N, 16), jnp.float32),
            jax.ShapeDtypeStruct((_N, 16), jnp.float32),
            jax.ShapeDtypeStruct((1, _NB), jnp.int32),
            jax.ShapeDtypeStruct((1, _NB), jnp.int32),
        ],
    )(xf, router_w)



_NW = 32
_TPW = _N // _NW


def _run_dispatch(xf, pos0, pos1):
    mesh = plsc.VectorSubcoreMesh(core_axis_name="core",
                                  subcore_axis_name="subcore")

    @functools.partial(
        pl.kernel,
        out_type=jax.ShapeDtypeStruct((_S, _C), jnp.float32),
        mesh=mesh,
        scratch_types=[
            pltpu.VMEM((_TPW,), jnp.int32),
            pltpu.VMEM((_TPW,), jnp.int32),
            pltpu.VMEM((_TPW, _C), jnp.float32),
        ],
    )
    def dispatch(x_hbm, i0_hbm, i1_hbm, xs_hbm, i0v, i1v, xv):
        wid = jax.lax.axis_index("subcore") * 2 + jax.lax.axis_index("core")
        base = wid * _TPW
        pltpu.sync_copy(i0_hbm.at[pl.ds(base, _TPW)], i0v)
        pltpu.sync_copy(i1_hbm.at[pl.ds(base, _TPW)], i1v)
        pltpu.sync_copy(x_hbm.at[pl.ds(base, _TPW)], xv)
        pltpu.sync_copy(xv, xs_hbm.at[i0v])
        pltpu.sync_copy(xv, xs_hbm.at[i1v])

    return dispatch(xf, pos0, pos1)



_NCH = 4


def _wdma(wfc_hbm, wproj_hbm, land1, land2, slot, e, sem1, sem2):
    cs = []
    for k in range(_NCH):
        cs.append(pltpu.make_async_copy(
            wfc_hbm.at[e, pl.ds(k * (_C // _NCH), _C // _NCH)],
            land1.at[slot, pl.ds(k * (_C // _NCH), _C // _NCH)], sem1))
        cs.append(pltpu.make_async_copy(
            wproj_hbm.at[e, pl.ds(k * (_F // _NCH), _F // _NCH)],
            land2.at[slot, pl.ds(k * (_F // _NCH), _F // _NCH)], sem2))
    return cs


def _ffn_kernel(be_ref, nxe_ref, xs_ref, wfc_hbm, bfc_ref, wproj_hbm,
                bproj_ref, out_ref, land1, land2, w1_s, w2_s, par_ref,
                sem1, sem2):
    s = pl.program_id(0)
    e = be_ref[s]
    nxe = nxe_ref[s]
    first = (s == 0) | (be_ref[jnp.maximum(s - 1, 0)] != e)
    last = (s == _NB - 1) | (be_ref[jnp.minimum(s + 1, _NB - 1)] != e)
    has_next = nxe != e

    @pl.when(s == 0)
    def _prologue():
        par_ref[0] = 0
        cs = _wdma(wfc_hbm, wproj_hbm, land1, land2, 0, e, sem1, sem2)
        for c in cs:
            c.start()
        for c in cs:
            c.wait()
        w1_s[0] = land1[0].astype(jnp.bfloat16)
        w2_s[0] = land2[0].astype(jnp.bfloat16)

    p = par_ref[0]

    @pl.when(first & has_next)
    def _prefetch_next():
        for c in _wdma(wfc_hbm, wproj_hbm, land1, land2, 1 - p, nxe,
                       sem1, sem2):
            c.start()

    x = xs_ref[...].astype(jnp.bfloat16)
    h = jnp.dot(x, w1_s[p], preferred_element_type=jnp.float32)
    h = _gelu(h + bfc_ref[0])
    o = jnp.dot(h.astype(jnp.bfloat16), w2_s[p],
                preferred_element_type=jnp.float32)
    out_ref[...] = o + bproj_ref[0]

    @pl.when(last & has_next)
    def _land_and_cast():
        for c in _wdma(wfc_hbm, wproj_hbm, land1, land2, 1 - p, nxe,
                       sem1, sem2):
            c.wait()
        w1_s[1 - p] = land1[1 - p].astype(jnp.bfloat16)
        w2_s[1 - p] = land2[1 - p].astype(jnp.bfloat16)
        par_ref[0] = 1 - p


def _run_ffn(be, nxe, xs, wfc, bfc, wproj, bproj):
    grid_spec = pltpu.PrefetchScalarGridSpec(
        num_scalar_prefetch=2,
        grid=(_NB,),
        in_specs=[
            pl.BlockSpec((_M, _C), lambda s, be, nxe: (s, 0)),
            pl.BlockSpec(memory_space=pl.ANY),
            pl.BlockSpec((1, 1, _F), lambda s, be, nxe: (be[s], 0, 0)),
            pl.BlockSpec(memory_space=pl.ANY),
            pl.BlockSpec((1, 1, _C), lambda s, be, nxe: (be[s], 0, 0)),
        ],
        out_specs=pl.BlockSpec((_M, _C), lambda s, be, nxe: (s, 0)),
        scratch_shapes=[
            pltpu.VMEM((2, _C, _F), jnp.float32),
            pltpu.VMEM((2, _F, _C), jnp.float32),
            pltpu.VMEM((2, _C, _F), jnp.bfloat16),
            pltpu.VMEM((2, _F, _C), jnp.bfloat16),
            pltpu.SMEM((1,), jnp.int32),
            pltpu.SemaphoreType.DMA,
            pltpu.SemaphoreType.DMA,
        ],
    )
    return pl.pallas_call(
        _ffn_kernel,
        grid_spec=grid_spec,
        out_shape=jax.ShapeDtypeStruct((_S, _C), jnp.float32),
        compiler_params=pltpu.CompilerParams(
            dimension_semantics=("arbitrary",),
            vmem_limit_bytes=63 * 1024 * 1024,
        ),
    )(be, nxe, xs, wfc, bfc.reshape(_E, 1, _F), wproj,
      bproj.reshape(_E, 1, _C))



_WIN4 = 32


def _run_combine(rows, pos0, pos1, g0, g1):
    mesh = plsc.VectorSubcoreMesh(core_axis_name="core",
                                  subcore_axis_name="subcore")

    @functools.partial(
        pl.kernel,
        out_type=jax.ShapeDtypeStruct((_N, _C), jnp.float32),
        mesh=mesh,
        scratch_types=[
            pltpu.VMEM((_WIN4,), jnp.int32),
            pltpu.VMEM((_WIN4,), jnp.int32),
            pltpu.VMEM((_WIN4 * 16,), jnp.float32),
            pltpu.VMEM((_WIN4 * 16,), jnp.float32),
            pltpu.VMEM((_WIN4, _C), jnp.float32),
            pltpu.VMEM((_WIN4, _C), jnp.float32),
            pltpu.VMEM((_WIN4, _C), jnp.float32),
        ],
    )
    def combine(rows_hbm, i0_hbm, i1_hbm, g0_hbm, g1_hbm, out_hbm,
                i0v, i1v, gav, gbv, r0, r1, ov):
        wid = jax.lax.axis_index("subcore") * 2 + jax.lax.axis_index("core")
        for chunk in range(_TPW // _WIN4):
            base = wid * _TPW + chunk * _WIN4
            pltpu.sync_copy(i0_hbm.at[pl.ds(base, _WIN4)], i0v)
            pltpu.sync_copy(i1_hbm.at[pl.ds(base, _WIN4)], i1v)
            pltpu.sync_copy(g0_hbm.at[pl.ds(base * 16, _WIN4 * 16)], gav)
            pltpu.sync_copy(g1_hbm.at[pl.ds(base * 16, _WIN4 * 16)], gbv)
            pltpu.sync_copy(rows_hbm.at[i0v], r0)
            pltpu.sync_copy(rows_hbm.at[i1v], r1)

            @pl.loop(0, _WIN4)
            def _(t):
                ga = gav[pl.ds(t * 16, 16)]
                gb = gbv[pl.ds(t * 16, 16)]
                for j in range(_C // 16):
                    sl = pl.ds(j * 16, 16)
                    ov[t, sl] = ga * r0[t, sl] + gb * r1[t, sl]

            pltpu.sync_copy(ov, out_hbm.at[pl.ds(base, _WIN4)])

    return combine(rows, pos0, pos1, g0, g1)



def kernel(x, router_w, wfc, bfc, wproj, bproj):
    B, T, C = x.shape
    xf = x.reshape(B * T, C)
    pos0, pos1, g0, g1, be, nxe = _run_router(xf, router_w)
    pos0 = pos0.reshape(_N)
    pos1 = pos1.reshape(_N)
    xs = _run_dispatch(xf, pos0, pos1)
    rows = _run_ffn(be.reshape(_NB), nxe.reshape(_NB), xs, wfc, bfc, wproj,
                    bproj)
    out = _run_combine(rows, pos0, pos1, g0.reshape(_N * 16),
                       g1.reshape(_N * 16))
    return out.reshape(B, T, C)

# --- scband reference (transcript-rebuilt; emitter-appended) ---
"""Pipeline reference for scband-mo-effn-53730040873133 (READ-ONLY COPY).

The authoritative reference and input builder live on the scoring server;
editing this copy changes nothing except your own understanding.
"""

import jax, jax.numpy as jnp
import numpy as np

NUM_EXPERTS = 8
TOP_K = 2

def new_gelu(x):
    return 0.5 * x * (1.0 + jnp.tanh(jnp.sqrt(2.0 / jnp.pi) * (x + 0.044715 * jnp.power(x, 3.0))))

def setup_inputs(seed: int = 0) -> dict:
    key = jax.random.key(seed)
    ks = jax.random.split(key, 5)
    B, T, C = 1, 2048, 768
    x = jax.random.normal(ks[0], (B, T, C), dtype=jnp.float32)
    router_w = jax.random.normal(ks[1], (C, NUM_EXPERTS), dtype=jnp.float32) * 0.02
    wfc = jax.random.normal(ks[2], (NUM_EXPERTS, C, 4 * C), dtype=jnp.float32) * 0.02
    bfc = jnp.zeros((NUM_EXPERTS, 4 * C), dtype=jnp.float32)
    wproj = jax.random.normal(ks[3], (NUM_EXPERTS, 4 * C, C), dtype=jnp.float32) * 0.02
    bproj = jnp.zeros((NUM_EXPERTS, C), dtype=jnp.float32)
    return {"x": x, "router_w": router_w, "wfc": wfc, "bfc": bfc, "wproj": wproj, "bproj": bproj}

def reference(x, router_w, wfc, bfc, wproj, bproj):
    B, T, C = x.shape
    xf = x.reshape(B * T, C)
    router_logits = xf @ router_w
    router_probs = jax.nn.softmax(router_logits, axis=-1)
    top_k_probs, top_k_indices = jax.lax.top_k(router_probs, TOP_K)
    top_k_probs = top_k_probs / (jnp.sum(top_k_probs, axis=-1, keepdims=True) + 1e-08)
    # combine weights per (token, expert): gate weight if expert selected in top-k else 0
    combine = jnp.sum(jax.nn.one_hot(top_k_indices, NUM_EXPERTS, dtype=xf.dtype) * top_k_probs[..., None], axis=1)
    # expert FFNs (dense compute; zero combine weight -> zero contribution, same math as masked loop)
    h = jnp.einsum('nc,ecf->enf', xf, wfc) + bfc[:, None, :]
    h = new_gelu(h)
    eo = jnp.einsum('enf,efc->enc', h, wproj) + bproj[:, None, :]
    output = jnp.einsum('ne,enc->nc', combine, eo)
    return output.reshape(B, T, C)

if __name__ == "__main__":
    import jax
    _d = setup_inputs()
    print(jax.jit(kernel)(*tuple(_d.values())))

</pallas_src>

<mosaic_0001>
#map = affine_map<(d0, d1) -> (0, 0)>
#map1 = affine_map<(d0, d1) -> (0)>
module attributes {stable_mosaic.version = 14 : i64} {
  func.func @dispatch(%arg0: i32, %arg1: i32, %arg2: memref<2048x768xf32, #tpu.memory_space<hbm>>, %arg3: memref<2048xi32, #tpu.memory_space<hbm>>, %arg4: memref<2048xi32, #tpu.memory_space<hbm>>, %arg5: memref<5120x768xf32, #tpu.memory_space<hbm>>, %arg6: memref<64xi32, #tpu.memory_space<vmem>>, %arg7: memref<64xi32, #tpu.memory_space<vmem>>, %arg8: memref<64x768xf32, #tpu.memory_space<vmem>>) attributes {dimension_semantics = [#tpu.dimension_semantics<core_parallel>, #tpu.dimension_semantics<subcore_parallel>], iteration_bounds = array<i64: 2, 16>, scalar_prefetch = 0 : i64, scratch_operands = 3 : i64, tpu.core_type = #tpu.core_type<sc_vector_subcore>, window_params = [{transform_indices = #map}, {transform_indices = #map1}, {transform_indices = #map1}, {transform_indices = #map}]} {
    %mul3A = arith.constant 2 : i32
    %mul3A_0 = arith.muli %arg1, %mul3A : i32
    %add3A = arith.addi %mul3A_0, %arg0 : i32
    %mul3A_1 = arith.constant 64 : i32
    %mul3A_2 = arith.muli %add3A, %mul3A_1 : i32
    "tpu.region"() ({
      %run_scoped3A = tpu.sem_alloc : memref<!tpu.dma_semaphore, #tpu.memory_space<semaphore_mem>>
      %dma_start3A = tpu.memref_slice %arg3[%mul3A_2] : memref<2048xi32, #tpu.memory_space<hbm>> -> memref<64xi32, #tpu.memory_space<hbm>>
      %dma_start3A_3 = tpu.memref_slice %arg3[%mul3A_2] : memref<2048xi32, #tpu.memory_space<hbm>> -> memref<64xi32, #tpu.memory_space<hbm>>
      tpu.enqueue_dma source(%dma_start3A_3 : memref<64xi32, #tpu.memory_space<hbm>>) target(%arg6 : memref<64xi32, #tpu.memory_space<vmem>>) target_semaphore(%run_scoped3A : memref<!tpu.dma_semaphore, #tpu.memory_space<semaphore_mem>>)
      %dma_wait3A = tpu.memref_slice %arg3[%mul3A_2] : memref<2048xi32, #tpu.memory_space<hbm>> -> memref<64xi32, #tpu.memory_space<hbm>>
      %dma_wait3A_4 = tpu.memref_slice %arg3[%mul3A_2] : memref<2048xi32, #tpu.memory_space<hbm>> -> memref<64xi32, #tpu.memory_space<hbm>>
      tpu.wait_dma2 semaphore(%run_scoped3A : memref<!tpu.dma_semaphore, #tpu.memory_space<semaphore_mem>>) src(%dma_wait3A_4 : memref<64xi32, #tpu.memory_space<hbm>>) dst(%arg6 : memref<64xi32, #tpu.memory_space<vmem>>)
      tpu.yield
    }) : () -> ()
    "tpu.region"() ({
      %run_scoped3A = tpu.sem_alloc : memref<!tpu.dma_semaphore, #tpu.memory_space<semaphore_mem>>
      %dma_start3A = tpu.memref_slice %arg4[%mul3A_2] : memref<2048xi32, #tpu.memory_space<hbm>> -> memref<64xi32, #tpu.memory_space<hbm>>
      %dma_start3A_3 = tpu.memref_slice %arg4[%mul3A_2] : memref<2048xi32, #tpu.memory_space<hbm>> -> memref<64xi32, #tpu.memory_space<hbm>>
      tpu.enqueue_dma source(%dma_start3A_3 : memref<64xi32, #tpu.memory_space<hbm>>) target(%arg7 : memref<64xi32, #tpu.memory_space<vmem>>) target_semaphore(%run_scoped3A : memref<!tpu.dma_semaphore, #tpu.memory_space<semaphore_mem>>)
      %dma_wait3A = tpu.memref_slice %arg4[%mul3A_2] : memref<2048xi32, #tpu.memory_space<hbm>> -> memref<64xi32, #tpu.memory_space<hbm>>
      %dma_wait3A_4 = tpu.memref_slice %arg4[%mul3A_2] : memref<2048xi32, #tpu.memory_space<hbm>> -> memref<64xi32, #tpu.memory_space<hbm>>
      tpu.wait_dma2 semaphore(%run_scoped3A : memref<!tpu.dma_semaphore, #tpu.memory_space<semaphore_mem>>) src(%dma_wait3A_4 : memref<64xi32, #tpu.memory_space<hbm>>) dst(%arg7 : memref<64xi32, #tpu.memory_space<vmem>>)
      tpu.yield
    }) : () -> ()
    "tpu.region"() ({
      %run_scoped3A = tpu.sem_alloc : memref<!tpu.dma_semaphore, #tpu.memory_space<semaphore_mem>>
      %dma_start3A = arith.constant 0 : i32
      %dma_start3A_3 = tpu.memref_slice %arg2[%mul3A_2, %dma_start3A] : memref<2048x768xf32, #tpu.memory_space<hbm>> -> memref<64x768xf32, #tpu.memory_space<hbm>>
      %dma_start3A_4 = arith.constant 0 : i32
      %dma_start3A_5 = tpu.memref_slice %arg2[%mul3A_2, %dma_start3A_4] : memref<2048x768xf32, #tpu.memory_space<hbm>> -> memref<64x768xf32, #tpu.memory_space<hbm>>
      tpu.enqueue_dma source(%dma_start3A_5 : memref<64x768xf32, #tpu.memory_space<hbm>>) target(%arg8 : memref<64x768xf32, #tpu.memory_space<vmem>>) target_semaphore(%run_scoped3A : memref<!tpu.dma_semaphore, #tpu.memory_space<semaphore_mem>>)
      %dma_wait3A = arith.constant 0 : i32
      %dma_wait3A_6 = tpu.memref_slice %arg2[%mul3A_2, %dma_wait3A] : memref<2048x768xf32, #tpu.memory_space<hbm>> -> memref<64x768xf32, #tpu.memory_space<hbm>>
      %dma_wait3A_7 = arith.constant 0 : i32
      %dma_wait3A_8 = tpu.memref_slice %arg2[%mul3A_2, %dma_wait3A_7] : memref<2048x768xf32, #tpu.memory_space<hbm>> -> memref<64x768xf32, #tpu.memory_space<hbm>>
      tpu.wait_dma2 semaphore(%run_scoped3A : memref<!tpu.dma_semaphore, #tpu.memory_space<semaphore_mem>>) src(%dma_wait3A_8 : memref<64x768xf32, #tpu.memory_space<hbm>>) dst(%arg8 : memref<64x768xf32, #tpu.memory_space<vmem>>)
      tpu.yield
    }) : () -> ()
    "tpu.region"() ({
      %run_scoped3A = tpu.sem_alloc : memref<!tpu.dma_semaphore, #tpu.memory_space<semaphore_mem>>
      %dma_start3A = arith.constant 0 : i32
      %dma_start3A_3 = arith.constant 0 : i32
      %dma_start3A_4 = tpu.memref_slice %arg5[%dma_start3A, %dma_start3A_3] : memref<5120x768xf32, #tpu.memory_space<hbm>> -> memref<5120x768xf32, #tpu.memory_space<hbm>>
      tpu.enqueue_indirect_dma source(%arg8 : memref<64x768xf32, #tpu.memory_space<vmem>>) target(%dma_start3A_4 : memref<5120x768xf32, #tpu.memory_space<hbm>>) offsets(%arg6 : memref<64xi32, #tpu.memory_space<vmem>>) semaphore(%run_scoped3A : memref<!tpu.dma_semaphore, #tpu.memory_space<semaphore_mem>>)
      %dma_wait3A = arith.constant 0 : i32
      %dma_wait3A_5 = arith.constant 0 : i32
      %dma_wait3A_6 = tpu.memref_slice %arg5[%dma_wait3A, %dma_wait3A_5] : memref<5120x768xf32, #tpu.memory_space<hbm>> -> memref<5120x768xf32, #tpu.memory_space<hbm>>
      tpu.wait_indirect_dma semaphore(%run_scoped3A : memref<!tpu.dma_semaphore, #tpu.memory_space<semaphore_mem>>) src(%arg8 : memref<64x768xf32, #tpu.memory_space<vmem>>) dst(%dma_wait3A_6 : memref<5120x768xf32, #tpu.memory_space<hbm>>)
      tpu.yield
    }) : () -> ()
    "tpu.region"() ({
      %run_scoped3A = tpu.sem_alloc : memref<!tpu.dma_semaphore, #tpu.memory_space<semaphore_mem>>
      %dma_start3A = arith.constant 0 : i32
      %dma_start3A_3 = arith.constant 0 : i32
      %dma_start3A_4 = tpu.memref_slice %arg5[%dma_start3A, %dma_start3A_3] : memref<5120x768xf32, #tpu.memory_space<hbm>> -> memref<5120x768xf32, #tpu.memory_space<hbm>>
      tpu.enqueue_indirect_dma source(%arg8 : memref<64x768xf32, #tpu.memory_space<vmem>>) target(%dma_start3A_4 : memref<5120x768xf32, #tpu.memory_space<hbm>>) offsets(%arg7 : memref<64xi32, #tpu.memory_space<vmem>>) semaphore(%run_scoped3A : memref<!tpu.dma_semaphore, #tpu.memory_space<semaphore_mem>>)
      %dma_wait3A = arith.constant 0 : i32
      %dma_wait3A_5 = arith.constant 0 : i32
      %dma_wait3A_6 = tpu.memref_slice %arg5[%dma_wait3A, %dma_wait3A_5] : memref<5120x768xf32, #tpu.memory_space<hbm>> -> memref<5120x768xf32, #tpu.memory_space<hbm>>
      tpu.wait_indirect_dma semaphore(%run_scoped3A : memref<!tpu.dma_semaphore, #tpu.memory_space<semaphore_mem>>) src(%arg8 : memref<64x768xf32, #tpu.memory_space<vmem>>) dst(%dma_wait3A_6 : memref<5120x768xf32, #tpu.memory_space<hbm>>)
      tpu.yield
    }) : () -> ()
    return
  }
}

#map = affine_map<(d0, d1) -> (0, 0)>
#map1 = affine_map<(d0, d1) -> (0)>
module attributes {stable_mosaic.version = 14 : i64} {
  func.func @combine(%arg0: i32, %arg1: i32, %arg2: memref<5120x768xf32, #tpu.memory_space<hbm>>, %arg3: memref<2048xi32, #tpu.memory_space<hbm>>, %arg4: memref<2048xi32, #tpu.memory_space<hbm>>, %arg5: memref<32768xf32, #tpu.memory_space<hbm>>, %arg6: memref<32768xf32, #tpu.memory_space<hbm>>, %arg7: memref<2048x768xf32, #tpu.memory_space<hbm>>, %arg8: memref<32xi32, #tpu.memory_space<vmem>>, %arg9: memref<32xi32, #tpu.memory_space<vmem>>, %arg10: memref<512xf32, #tpu.memory_space<vmem>>, %arg11: memref<512xf32, #tpu.memory_space<vmem>>, %arg12: memref<32x768xf32, #tpu.memory_space<vmem>>, %arg13: memref<32x768xf32, #tpu.memory_space<vmem>>, %arg14: memref<32x768xf32, #tpu.memory_space<vmem>>) attributes {dimension_semantics = [#tpu.dimension_semantics<core_parallel>, #tpu.dimension_semantics<subcore_parallel>], iteration_bounds = array<i64: 2, 16>, scalar_prefetch = 0 : i64, scratch_operands = 7 : i64, tpu.core_type = #tpu.core_type<sc_vector_subcore>, window_params = [{transform_indices = #map}, {transform_indices = #map1}, {transform_indices = #map1}, {transform_indices = #map1}, {transform_indices = #map1}, {transform_indices = #map}]} {
    %mul3A = arith.constant 2 : i32
    %mul3A_0 = arith.muli %arg1, %mul3A : i32
    %add3A = arith.addi %mul3A_0, %arg0 : i32
    %mul3A_1 = arith.constant 64 : i32
    %mul3A_2 = arith.muli %add3A, %mul3A_1 : i32
    %add3A_3 = arith.constant 0 : i32
    %add3A_4 = arith.addi %mul3A_2, %add3A_3 : i32
    "tpu.region"() ({
      %run_scoped3A = tpu.sem_alloc : memref<!tpu.dma_semaphore, #tpu.memory_space<semaphore_mem>>
      %dma_start3A = tpu.memref_slice %arg3[%add3A_4] : memref<2048xi32, #tpu.memory_space<hbm>> -> memref<32xi32, #tpu.memory_space<hbm>>
      %dma_start3A_26 = tpu.memref_slice %arg3[%add3A_4] : memref<2048xi32, #tpu.memory_space<hbm>> -> memref<32xi32, #tpu.memory_space<hbm>>
      tpu.enqueue_dma source(%dma_start3A_26 : memref<32xi32, #tpu.memory_space<hbm>>) target(%arg8 : memref<32xi32, #tpu.memory_space<vmem>>) target_semaphore(%run_scoped3A : memref<!tpu.dma_semaphore, #tpu.memory_space<semaphore_mem>>)
      %dma_wait3A = tpu.memref_slice %arg3[%add3A_4] : memref<2048xi32, #tpu.memory_space<hbm>> -> memref<32xi32, #tpu.memory_space<hbm>>
      %dma_wait3A_27 = tpu.memref_slice %arg3[%add3A_4] : memref<2048xi32, #tpu.memory_space<hbm>> -> memref<32xi32, #tpu.memory_space<hbm>>
      tpu.wait_dma2 semaphore(%run_scoped3A : memref<!tpu.dma_semaphore, #tpu.memory_space<semaphore_mem>>) src(%dma_wait3A_27 : memref<32xi32, #tpu.memory_space<hbm>>) dst(%arg8 : memref<32xi32, #tpu.memory_space<vmem>>)
      tpu.yield
    }) : () -> ()
    "tpu.region"() ({
      %run_scoped3A = tpu.sem_alloc : memref<!tpu.dma_semaphore, #tpu.memory_space<semaphore_mem>>
      %dma_start3A = tpu.memref_slice %arg4[%add3A_4] : memref<2048xi32, #tpu.memory_space<hbm>> -> memref<32xi32, #tpu.memory_space<hbm>>
      %dma_start3A_26 = tpu.memref_slice %arg4[%add3A_4] : memref<2048xi32, #tpu.memory_space<hbm>> -> memref<32xi32, #tpu.memory_space<hbm>>
      tpu.enqueue_dma source(%dma_start3A_26 : memref<32xi32, #tpu.memory_space<hbm>>) target(%arg9 : memref<32xi32, #tpu.memory_space<vmem>>) target_semaphore(%run_scoped3A : memref<!tpu.dma_semaphore, #tpu.memory_space<semaphore_mem>>)
      %dma_wait3A = tpu.memref_slice %arg4[%add3A_4] : memref<2048xi32, #tpu.memory_space<hbm>> -> memref<32xi32, #tpu.memory_space<hbm>>
      %dma_wait3A_27 = tpu.memref_slice %arg4[%add3A_4] : memref<2048xi32, #tpu.memory_space<hbm>> -> memref<32xi32, #tpu.memory_space<hbm>>
      tpu.wait_dma2 semaphore(%run_scoped3A : memref<!tpu.dma_semaphore, #tpu.memory_space<semaphore_mem>>) src(%dma_wait3A_27 : memref<32xi32, #tpu.memory_space<hbm>>) dst(%arg9 : memref<32xi32, #tpu.memory_space<vmem>>)
      tpu.yield
    }) : () -> ()
    %mul3A_5 = arith.constant 16 : i32
    %mul3A_6 = arith.muli %add3A_4, %mul3A_5 : i32
    "tpu.region"() ({
      %run_scoped3A = tpu.sem_alloc : memref<!tpu.dma_semaphore, #tpu.memory_space<semaphore_mem>>
      %dma_start3A = tpu.memref_slice %arg5[%mul3A_6] : memref<32768xf32, #tpu.memory_space<hbm>> -> memref<512xf32, #tpu.memory_space<hbm>>
      %dma_start3A_26 = tpu.memref_slice %arg5[%mul3A_6] : memref<32768xf32, #tpu.memory_space<hbm>> -> memref<512xf32, #tpu.memory_space<hbm>>
      tpu.enqueue_dma source(%dma_start3A_26 : memref<512xf32, #tpu.memory_space<hbm>>) target(%arg10 : memref<512xf32, #tpu.memory_space<vmem>>) target_semaphore(%run_scoped3A : memref<!tpu.dma_semaphore, #tpu.memory_space<semaphore_mem>>)
      %dma_wait3A = tpu.memref_slice %arg5[%mul3A_6] : memref<32768xf32, #tpu.memory_space<hbm>> -> memref<512xf32, #tpu.memory_space<hbm>>
      %dma_wait3A_27 = tpu.memref_slice %arg5[%mul3A_6] : memref<32768xf32, #tpu.memory_space<hbm>> -> memref<512xf32, #tpu.memory_space<hbm>>
      tpu.wait_dma2 semaphore(%run_scoped3A : memref<!tpu.dma_semaphore, #tpu.memory_space<semaphore_mem>>) src(%dma_wait3A_27 : memref<512xf32, #tpu.memory_space<hbm>>) dst(%arg10 : memref<512xf32, #tpu.memory_space<vmem>>)
      tpu.yield
    }) : () -> ()
    %mul3A_7 = arith.constant 16 : i32
    %mul3A_8 = arith.muli %add3A_4, %mul3A_7 : i32
    "tpu.region"() ({
      %run_scoped3A = tpu.sem_alloc : memref<!tpu.dma_semaphore, #tpu.memory_space<semaphore_mem>>
      %dma_start3A = tpu.memref_slice %arg6[%mul3A_8] : memref<32768xf32, #tpu.memory_space<hbm>> -> memref<512xf32, #tpu.memory_space<hbm>>
      %dma_start3A_26 = tpu.memref_slice %arg6[%mul3A_8] : memref<32768xf32, #tpu.memory_space<hbm>> -> memref<512xf32, #tpu.memory_space<hbm>>
      tpu.enqueue_dma source(%dma_start3A_26 : memref<512xf32, #tpu.memory_space<hbm>>) target(%arg11 : memref<512xf32, #tpu.memory_space<vmem>>) target_semaphore(%run_scoped3A : memref<!tpu.dma_semaphore, #tpu.memory_space<semaphore_mem>>)
      %dma_wait3A = tpu.memref_slice %arg6[%mul3A_8] : memref<32768xf32, #tpu.memory_space<hbm>> -> memref<512xf32, #tpu.memory_space<hbm>>
      %dma_wait3A_27 = tpu.memref_slice %arg6[%mul3A_8] : memref<32768xf32, #tpu.memory_space<hbm>> -> memref<512xf32, #tpu.memory_space<hbm>>
      tpu.wait_dma2 semaphore(%run_scoped3A : memref<!tpu.dma_semaphore, #tpu.memory_space<semaphore_mem>>) src(%dma_wait3A_27 : memref<512xf32, #tpu.memory_space<hbm>>) dst(%arg11 : memref<512xf32, #tpu.memory_space<vmem>>)
      tpu.yield
    }) : () -> ()
    "tpu.region"() ({
      %run_scoped3A = tpu.sem_alloc : memref<!tpu.dma_semaphore, #tpu.memory_space<semaphore_mem>>
      %dma_start3A = arith.constant 0 : i32
      %dma_start3A_26 = arith.constant 0 : i32
      %dma_start3A_27 = tpu.memref_slice %arg2[%dma_start3A, %dma_start3A_26] : memref<5120x768xf32, #tpu.memory_space<hbm>> -> memref<5120x768xf32, #tpu.memory_space<hbm>>
      tpu.enqueue_indirect_dma source(%dma_start3A_27 : memref<5120x768xf32, #tpu.memory_space<hbm>>) target(%arg12 : memref<32x768xf32, #tpu.memory_space<vmem>>) offsets(%arg8 : memref<32xi32, #tpu.memory_space<vmem>>) semaphore(%run_scoped3A : memref<!tpu.dma_semaphore, #tpu.memory_space<semaphore_mem>>)
      %dma_wait3A = arith.constant 0 : i32
      %dma_wait3A_28 = arith.constant 0 : i32
      %dma_wait3A_29 = tpu.memref_slice %arg2[%dma_wait3A, %dma_wait3A_28] : memref<5120x768xf32, #tpu.memory_space<hbm>> -> memref<5120x768xf32, #tpu.memory_space<hbm>>
      tpu.wait_indirect_dma semaphore(%run_scoped3A : memref<!tpu.dma_semaphore, #tpu.memory_space<semaphore_mem>>) src(%dma_wait3A_29 : memref<5120x768xf32, #tpu.memory_space<hbm>>) dst(%arg12 : memref<32x768xf32, #tpu.memory_space<vmem>>)
      tpu.yield
    }) : () -> ()
    "tpu.region"() ({
      %run_scoped3A = tpu.sem_alloc : memref<!tpu.dma_semaphore, #tpu.memory_space<semaphore_mem>>
      %dma_start3A = arith.constant 0 : i32
      %dma_start3A_26 = arith.constant 0 : i32
      %dma_start3A_27 = tpu.memref_slice %arg2[%dma_start3A, %dma_start3A_26] : memref<5120x768xf32, #tpu.memory_space<hbm>> -> memref<5120x768xf32, #tpu.memory_space<hbm>>
      tpu.enqueue_indirect_dma source(%dma_start3A_27 : memref<5120x768xf32, #tpu.memory_space<hbm>>) target(%arg13 : memref<32x768xf32, #tpu.memory_space<vmem>>) offsets(%arg9 : memref<32xi32, #tpu.memory_space<vmem>>) semaphore(%run_scoped3A : memref<!tpu.dma_semaphore, #tpu.memory_space<semaphore_mem>>)
      %dma_wait3A = arith.constant 0 : i32
      %dma_wait3A_28 = arith.constant 0 : i32
      %dma_wait3A_29 = tpu.memref_slice %arg2[%dma_wait3A, %dma_wait3A_28] : memref<5120x768xf32, #tpu.memory_space<hbm>> -> memref<5120x768xf32, #tpu.memory_space<hbm>>
      tpu.wait_indirect_dma semaphore(%run_scoped3A : memref<!tpu.dma_semaphore, #tpu.memory_space<semaphore_mem>>) src(%dma_wait3A_29 : memref<5120x768xf32, #tpu.memory_space<hbm>>) dst(%arg13 : memref<32x768xf32, #tpu.memory_space<vmem>>)
      tpu.yield
    }) : () -> ()
    %scan3A = arith.constant 0 : i32
    %scan3A_9 = arith.constant 32 : i32
    %scan3A_10 = arith.addi %scan3A, %scan3A_9 : i32
    %scan3A_11 = arith.constant 1 : i32
    scf.for %scan3A_26 = %scan3A to %scan3A_10 step %scan3A_11  : i32 {
      %mul3A_27 = arith.constant 1 : i32
      %mul3A_28 = arith.muli %scan3A_26, %mul3A_27 : i32
      %add3A_29 = arith.constant 0 : i32
      %add3A_30 = arith.addi %add3A_29, %mul3A_28 : i32
      %mul3A_31 = arith.constant 16 : i32
      %mul3A_32 = arith.muli %add3A_30, %mul3A_31 : i32
      %get3A = arith.index_cast %mul3A_32 : i32 to index
      %get3A_33 = tpu.vector_load %arg10[%get3A] {strides = array<i32>} : memref<512xf32, #tpu.memory_space<vmem>>, vector<16xf32>,
      %get3A_34 = vector.shape_cast %get3A_33 : vector<16xf32> to vector<16xf32>
      %mul3A_35 = arith.constant 16 : i32
      %mul3A_36 = arith.muli %add3A_30, %mul3A_35 : i32
      %get3A_37 = arith.index_cast %mul3A_36 : i32 to index
      %get3A_38 = tpu.vector_load %arg11[%get3A_37] {strides = array<i32>} : memref<512xf32, #tpu.memory_space<vmem>>, vector<16xf32>,
      %get3A_39 = vector.shape_cast %get3A_38 : vector<16xf32> to vector<16xf32>
      %get3A_40 = arith.index_cast %add3A_30 : i32 to index
      %get3A_41 = arith.constant 0 : index
      %get3A_42 = tpu.vector_load %arg12[%get3A_40, %get3A_41] {strides = array<i32>} : memref<32x768xf32, #tpu.memory_space<vmem>>, vector<1x16xf32>,
      %get3A_43 = vector.shape_cast %get3A_42 : vector<1x16xf32> to vector<16xf32>
      %mul3A_44 = arith.mulf %get3A_34, %get3A_43 : vector<16xf32>
      %get3A_45 = arith.index_cast %add3A_30 : i32 to index
      %get3A_46 = arith.constant 0 : index
      %get3A_47 = tpu.vector_load %arg13[%get3A_45, %get3A_46] {strides = array<i32>} : memref<32x768xf32, #tpu.memory_space<vmem>>, vector<1x16xf32>,
      %get3A_48 = vector.shape_cast %get3A_47 : vector<1x16xf32> to vector<16xf32>
      %mul3A_49 = arith.mulf %get3A_39, %get3A_48 : vector<16xf32>
      %add3A_50 = arith.addf %mul3A_44, %mul3A_49 : vector<16xf32>
      %swap3A = arith.index_cast %add3A_30 : i32 to index
      %swap3A_51 = arith.constant 0 : index
      %swap3A_52 = tpu.vector_load %arg14[%swap3A, %swap3A_51] {strides = array<i32>} : memref<32x768xf32, #tpu.memory_space<vmem>>, vector<1x16xf32>,
      %swap3A_53 = vector.shape_cast %swap3A_52 : vector<1x16xf32> to vector<16xf32>
      %swap3A_54 = vector.shape_cast %add3A_50 : vector<16xf32> to vector<1x16xf32>
      tpu.vector_store %arg14[%swap3A, %swap3A_51], %swap3A_54 {strides = array<i32>} : memref<32x768xf32, #tpu.memory_space<vmem>>, vector<1x16xf32>,
      %get3A_55 = arith.index_cast %add3A_30 : i32 to index
      %get3A_56 = arith.constant 16 : index
      %get3A_57 = tpu.vector_load %arg12[%get3A_55, %get3A_56] {strides = array<i32>} : memref<32x768xf32, #tpu.memory_space<vmem>>, vector<1x16xf32>,
      %get3A_58 = vector.shape_cast %get3A_57 : vector<1x16xf32> to vector<16xf32>
      %mul3A_59 = arith.mulf %get3A_34, %get3A_58 : vector<16xf32>
      %get3A_60 = arith.index_cast %add3A_30 : i32 to index
      %get3A_61 = arith.constant 16 : index
      %get3A_62 = tpu.vector_load %arg13[%get3A_60, %get3A_61] {strides = array<i32>} : memref<32x768xf32, #tpu.memory_space<vmem>>, vector<1x16xf32>,
      %get3A_63 = vector.shape_cast %get3A_62 : vector<1x16xf32> to vector<16xf32>
      %mul3A_64 = arith.mulf %get3A_39, %get3A_63 : vector<16xf32>
      %add3A_65 = arith.addf %mul3A_59, %mul3A_64 : vector<16xf32>
      %swap3A_66 = arith.index_cast %add3A_30 : i32 to index
      %swap3A_67 = arith.constant 16 : index
      %swap3A_68 = tpu.vector_load %arg14[%swap3A_66, %swap3A_67] {strides = array<i32>} : memref<32x768xf32, #tpu.memory_space<vmem>>, vector<1x16xf32>,
      %swap3A_69 = vector.shape_cast %swap3A_68 : vector<1x16xf32> to vector<16xf32>
      %swap3A_70 = vector.shape_cast %add3A_65 : vector<16xf32> to vector<1x16xf32>
      tpu.vector_store %arg14[%swap3A_66, %swap3A_67], %swap3A_70 {strides = array<i32>} : memref<32x768xf32, #tpu.memory_space<vmem>>, vector<1x16xf32>,
      %get3A_71 = arith.index_cast %add3A_30 : i32 to index
      %get3A_72 = arith.constant 32 : index
      %get3A_73 = tpu.vector_load %arg12[%get3A_71, %get3A_72] {strides = array<i32>} : memref<32x768xf32, #tpu.memory_space<vmem>>, vector<1x16xf32>,
      %get3A_74 = vector.shape_cast %get3A_73 : vector<1x16xf32> to vector<16xf32>
      %mul3A_75 = arith.mulf %get3A_34, %get3A_74 : vector<16xf32>
      %get3A_76 = arith.index_cast %add3A_30 : i32 to index
      %get3A_77 = arith.constant 32 : index
      %get3A_78 = tpu.vector_load %arg13[%get3A_76, %get3A_77] {strides = array<i32>} : memref<32x768xf32, #tpu.memory_space<vmem>>, vector<1x16xf32>,
      %get3A_79 = vector.shape_cast %get3A_78 : vector<1x16xf32> to vector<16xf32>
      %mul3A_80 = arith.mulf %get3A_39, %get3A_79 : vector<16xf32>
      %add3A_81 = arith.addf %mul3A_75, %mul3A_80 : vector<16xf32>
      %swap3A_82 = arith.index_cast %add3A_30 : i32 to index
      %swap3A_83 = arith.constant 32 : index
      %swap3A_84 = tpu.vector_load %arg14[%swap3A_82, %swap3A_83] {strides = array<i32>} : memref<32x768xf32, #tpu.memory_space<vmem>>, vector<1x16xf32>,
      %swap3A_85 = vector.shape_cast %swap3A_84 : vector<1x16xf32> to vector<16xf32>
      %swap3A_86 = vector.shape_cast %add3A_81 : vector<16xf32> to vector<1x16xf32>
      tpu.vector_store %arg14[%swap3A_82, %swap3A_83], %swap3A_86 {strides = array<i32>} : memref<32x768xf32, #tpu.memory_space<vmem>>, vector<1x16xf32>,
      %get3A_87 = arith.index_cast %add3A_30 : i32 to index
      %get3A_88 = arith.constant 48 : index
      %get3A_89 = tpu.vector_load %arg12[%get3A_87, %get3A_88] {strides = array<i32>} : memref<32x768xf32, #tpu.memory_space<vmem>>, vector<1x16xf32>,
      %get3A_90 = vector.shape_cast %get3A_89 : vector<1x16xf32> to vector<16xf32>
      %mul3A_91 = arith.mulf %get3A_34, %get3A_90 : vector<16xf32>
      %get3A_92 = arith.index_cast %add3A_30 : i32 to index
      %get3A_93 = arith.constant 48 : index
      %get3A_94 = tpu.vector_load %arg13[%get3A_92, %get3A_93] {strides = array<i32>} : memref<32x768xf32, #tpu.memory_space<vmem>>, vector<1x16xf32>,
      %get3A_95 = vector.shape_cast %get3A_94 : vector<1x16xf32> to vector<16xf32>
      %mul3A_96 = arith.mulf %get3A_39, %get3A_95 : vector<16xf32>
      %add3A_97 = arith.addf %mul3A_91, %mul3A_96 : vector<16xf32>
      %swap3A_98 = arith.index_cast %add3A_30 : i32 to index
      %swap3A_99 = arith.constant 48 : index
      %swap3A_100 = tpu.vector_load %arg14[%swap3A_98, %swap3A_99] {strides = array<i32>} : memref<32x768xf32, #tpu.memory_space<vmem>>, vector<1x16xf32>,
      %swap3A_101 = vector.shape_cast %swap3A_100 : vector<1x16xf32> to vector<16xf32>
      %swap3A_102 = vector.shape_cast %add3A_97 : vector<16xf32> to vector<1x16xf32>
      tpu.vector_store %arg14[%swap3A_98, %swap3A_99], %swap3A_102 {strides = array<i32>} : memref<32x768xf32, #tpu.memory_space<vmem>>, vector<1x16xf32>,
      %get3A_103 = arith.index_cast %add3A_30 : i32 to index
      %get3A_104 = arith.constant 64 : index
      %get3A_105 = tpu.vector_load %arg12[%get3A_103, %get3A_104] {strides = array<i32>} : memref<32x768xf32, #tpu.memory_space<vmem>>, vector<1x16xf32>,
      %get3A_106 = vector.shape_cast %get3A_105 : vector<1x16xf32> to vector<16xf32>
      %mul3A_107 = arith.mulf %get3A_34, %get3A_106 : vector<16xf32>
      %get3A_108 = arith.index_cast %add3A_30 : i32 to index
      %get3A_109 = arith.constant 64 : index
      %get3A_110 = tpu.vector_load %arg13[%get3A_108, %get3A_109] {strides = array<i32>} : memref<32x768xf32, #tpu.memory_space<vmem>>, vector<1x16xf32>,
      %get3A_111 = vector.shape_cast %get3A_110 : vector<1x16xf32> to vector<16xf32>
      %mul3A_112 = arith.mulf %get3A_39, %get3A_111 : vector<16xf32>
      %add3A_113 = arith.addf %mul3A_107, %mul3A_112 : vector<16xf32>
      %swap3A_114 = arith.index_cast %add3A_30 : i32 to index
      %swap3A_115 = arith.constant 64 : index
      %swap3A_116 = tpu.vector_load %arg14[%swap3A_114, %swap3A_115] {strides = array<i32>} : memref<32x768xf32, #tpu.memory_space<vmem>>, vector<1x16xf32>,
      %swap3A_117 = vector.shape_cast %swap3A_116 : vector<1x16xf32> to vector<16xf32>
      %swap3A_118 = vector.shape_cast %add3A_113 : vector<16xf32> to vector<1x16xf32>
      tpu.vector_store %arg14[%swap3A_114, %swap3A_115], %swap3A_118 {strides = array<i32>} : memref<32x768xf32, #tpu.memory_space<vmem>>, vector<1x16xf32>,
      %get3A_119 = arith.index_cast %add3A_30 : i32 to index
      %get3A_120 = arith.constant 80 : index
      %get3A_121 = tpu.vector_load %arg12[%get3A_119, %get3A_120] {strides = array<i32>} : memref<32x768xf32, #tpu.memory_space<vmem>>, vector<1x16xf32>,
      %get3A_122 = vector.shape_cast %get3A_121 : vector<1x16xf32> to vector<16xf32>
      %mul3A_123 = arith.mulf %get3A_34, %get3A_122 : vector<16xf32>
      %get3A_124 = arith.index_cast %add3A_30 : i32 to index
      %get3A_125 = arith.constant 80 : index
      %get3A_126 = tpu.vector_load %arg13[%get3A_124, %get3A_125] {strides = array<i32>} : memref<32x768xf32, #tpu.memory_space<vmem>>, vector<1x16xf32>,
      %get3A_127 = vector.shape_cast %get3A_126 : vector<1x16xf32> to vector<16xf32>
      %mul3A_128 = arith.mulf %get3A_39, %get3A_127 : vector<16xf32>
      %add3A_129 = arith.addf %mul3A_123, %mul3A_128 : vector<16xf32>
      %swap3A_130 = arith.index_cast %add3A_30 : i32 to index
      %swap3A_131 = arith.constant 80 : index
      %swap3A_132 = tpu.vector_load %arg14[%swap3A_130, %swap3A_131] {strides = array<i32>} : memref<32x768xf32, #tpu.memory_space<vmem>>, vector<1x16xf32>,
      %swap3A_133 = vector.shape_cast %swap3A_132 : vector<1x16xf32> to vector<16xf32>
      %swap3A_134 = vector.shape_cast %add3A_129 : vector<16xf32> to vector<1x16xf32>
      tpu.vector_store %arg14[%swap3A_130, %swap3A_131], %swap3A_134 {strides = array<i32>} : memref<32x768xf32, #tpu.memory_space<vmem>>, vector<1x16xf32>,
      %get3A_135 = arith.index_cast %add3A_30 : i32 to index
      %get3A_136 = arith.constant 96 : index
      %get3A_137 = tpu.vector_load %arg12[%get3A_135, %get3A_136] {strides = array<i32>} : memref<32x768xf32, #tpu.memory_space<vmem>>, vector<1x16xf32>,
      %get3A_138 = vector.shape_cast %get3A_137 : vector<1x16xf32> to vector<16xf32>
      %mul3A_139 = arith.mulf %get3A_34, %get3A_138 : vector<16xf32>
      %get3A_140 = arith.index_cast %add3A_30 : i32 to index
      %get3A_141 = arith.constant 96 : index
      %get3A_142 = tpu.vector_load %arg13[%get3A_140, %get3A_141] {strides = array<i32>} : memref<32x768xf32, #tpu.memory_space<vmem>>, vector<1x16xf32>,
      %get3A_143 = vector.shape_cast %get3A_142 : vector<1x16xf32> to vector<16xf32>
      %mul3A_144 = arith.mulf %get3A_39, %get3A_143 : vector<16xf32>
      %add3A_145 = arith.addf %mul3A_139, %mul3A_144 : vector<16xf32>
      %swap3A_146 = arith.index_cast %add3A_30 : i32 to index
      %swap3A_147 = arith.constant 96 : index
      %swap3A_148 = tpu.vector_load %arg14[%swap3A_146, %swap3A_147] {strides = array<i32>} : memref<32x768xf32, #tpu.memory_space<vmem>>, vector<1x16xf32>,
      %swap3A_149 = vector.shape_cast %swap3A_148 : vector<1x16xf32> to vector<16xf32>
      %swap3A_150 = vector.shape_cast %add3A_145 : vector<16xf32> to vector<1x16xf32>
      tpu.vector_store %arg14[%swap3A_146, %swap3A_147], %swap3A_150 {strides = array<i32>} : memref<32x768xf32, #tpu.memory_space<vmem>>, vector<1x16xf32>,
      %get3A_151 = arith.index_cast %add3A_30 : i32 to index
      %get3A_152 = arith.constant 112 : index
      %get3A_153 = tpu.vector_load %arg12[%get3A_151, %get3A_152] {strides = array<i32>} : memref<32x768xf32, #tpu.memory_space<vmem>>, vector<1x16xf32>,
      %get3A_154 = vector.shape_cast %get3A_153 : vector<1x16xf32> to vector<16xf32>
      %mul3A_155 = arith.mulf %get3A_34, %get3A_154 : vector<16xf32>
      %get3A_156 = arith.index_cast %add3A_30 : i32 to index
      %get3A_157 = arith.constant 112 : index
      %get3A_158 = tpu.vector_load %arg13[%get3A_156, %get3A_157] {strides = array<i32>} : memref<32x768xf32, #tpu.memory_space<vmem>>, vector<1x16xf32>,
      %get3A_159 = vector.shape_cast %get3A_158 : vector<1x16xf32> to vector<16xf32>
      %mul3A_160 = arith.mulf %get3A_39, %get3A_159 : vector<16xf32>
      %add3A_161 = arith.addf %mul3A_155, %mul3A_160 : vector<16xf32>
      %swap3A_162 = arith.index_cast %add3A_30 : i32 to index
      %swap3A_163 = arith.constant 112 : index
      %swap3A_164 = tpu.vector_load %arg14[%swap3A_162, %swap3A_163] {strides = array<i32>} : memref<32x768xf32, #tpu.memory_space<vmem>>, vector<1x16xf32>,
      %swap3A_165 = vector.shape_cast %swap3A_164 : vector<1x16xf32> to vector<16xf32>
      %swap3A_166 = vector.shape_cast %add3A_161 : vector<16xf32> to vector<1x16xf32>
      tpu.vector_store %arg14[%swap3A_162, %swap3A_163], %swap3A_166 {strides = array<i32>} : memref<32x768xf32, #tpu.memory_space<vmem>>, vector<1x16xf32>,
      %get3A_167 = arith.index_cast %add3A_30 : i32 to index
      %get3A_168 = arith.constant 128 : index
      %get3A_169 = tpu.vector_load %arg12[%get3A_167, %get3A_168] {strides = array<i32>} : memref<32x768xf32, #tpu.memory_space<vmem>>, vector<1x16xf32>,
      %get3A_170 = vector.shape_cast %get3A_169 : vector<1x16xf32> to vector<16xf32>
      %mul3A_171 = arith.mulf %get3A_34, %get3A_170 : vector<16xf32>
      %get3A_172 = arith.index_cast %add3A_30 : i32 to index
      %get3A_173 = arith.constant 128 : index
      %get3A_174 = tpu.vector_load %arg13[%get3A_172, %get3A_173] {strides = array<i32>} : memref<32x768xf32, #tpu.memory_space<vmem>>, vector<1x16xf32>,
      %get3A_175 = vector.shape_cast %get3A_174 : vector<1x16xf32> to vector<16xf32>
      %mul3A_176 = arith.mulf %get3A_39, %get3A_175 : vector<16xf32>
      %add3A_177 = arith.addf %mul3A_171, %mul3A_176 : vector<16xf32>
      %swap3A_178 = arith.index_cast %add3A_30 : i32 to index
      %swap3A_179 = arith.constant 128 : index
      %swap3A_180 = tpu.vector_load %arg14[%swap3A_178, %swap3A_179] {strides = array<i32>} : memref<32x768xf32, #tpu.memory_space<vmem>>, vector<1x16xf32>,
      %swap3A_181 = vector.shape_cast %swap3A_180 : vector<1x16xf32> to vector<16xf32>
      %swap3A_182 = vector.shape_cast %add3A_177 : vector<16xf32> to vector<1x16xf32>
      tpu.vector_store %arg14[%swap3A_178, %swap3A_179], %swap3A_182 {strides = array<i32>} : memref<32x768xf32, #tpu.memory_space<vmem>>, vector<1x16xf32>,
      %get3A_183 = arith.index_cast %add3A_30 : i32 to index
      %get3A_184 = arith.constant 144 : index
      %get3A_185 = tpu.vector_load %arg12[%get3A_183, %get3A_184] {strides = array<i32>} : memref<32x768xf32, #tpu.memory_space<vmem>>, vector<1x16xf32>,
      %get3A_186 = vector.shape_cast %get3A_185 : vector<1x16xf32> to vector<16xf32>
      %mul3A_187 = arith.mulf %get3A_34, %get3A_186 : vector<16xf32>
      %get3A_188 = arith.index_cast %add3A_30 : i32 to index
      %get3A_189 = arith.constant 144 : index
      %get3A_190 = tpu.vector_load %arg13[%get3A_188, %get3A_189] {strides = array<i32>} : memref<32x768xf32, #tpu.memory_space<vmem>>, vector<1x16xf32>,
      %get3A_191 = vector.shape_cast %get3A_190 : vector<1x16xf32> to vector<16xf32>
      %mul3A_192 = arith.mulf %get3A_39, %get3A_191 : vector<16xf32>
      %add3A_193 = arith.addf %mul3A_187, %mul3A_192 : vector<16xf32>
      %swap3A_194 = arith.index_cast %add3A_30 : i32 to index
      %swap3A_195 = arith.constant 144 : index
      %swap3A_196 = tpu.vector_load %arg14[%swap3A_194, %swap3A_195] {strides = array<i32>} : memref<32x768xf32, #tpu.memory_space<vmem>>, vector<1x16xf32>,
      %swap3A_197 = vector.shape_cast %swap3A_196 : vector<1x16xf32> to vector<16xf32>
      %swap3A_198 = vector.shape_cast %add3A_193 : vector<16xf32> to vector<1x16xf32>
      tpu.vector_store %arg14[%swap3A_194, %swap3A_195], %swap3A_198 {strides = array<i32>} : memref<32x768xf32, #tpu.memory_space<vmem>>, vector<1x16xf32>,
      %get3A_199 = arith.index_cast %add3A_30 : i32 to index
      %get3A_200 = arith.constant 160 : index
      %get3A_201 = tpu.vector_load %arg12[%get3A_199, %get3A_200] {strides = array<i32>} : memref<32x768xf32, #tpu.memory_space<vmem>>, vector<1x16xf32>,
      %get3A_202 = vector.shape_cast %get3A_201 : vector<1x16xf32> to vector<16xf32>
      %mul3A_203 = arith.mulf %get3A_34, %get3A_202 : vector<16xf32>
      %get3A_204 = arith.index_cast %add3A_30 : i32 to index
      %get3A_205 = arith.constant 160 : index
      %get3A_206 = tpu.vector_load %arg13[%get3A_204, %get3A_205] {strides = array<i32>} : memref<32x768xf32, #tpu.memory_space<vmem>>, vector<1x16xf32>,
      %get3A_207 = vector.shape_cast %get3A_206 : vector<1x16xf32> to vector<16xf32>
      %mul3A_208 = arith.mulf %get3A_39, %get3A_207 : vector<16xf32>
      %add3A_209 = arith.addf %mul3A_203, %mul3A_208 : vector<16xf32>
      %swap3A_210 = arith.index_cast %add3A_30 : i32 to index
      %swap3A_211 = arith.constant 160 : index
      %swap3A_212 = tpu.vector_load %arg14[%swap3A_210, %swap3A_211] {strides = array<i32>} : memref<32x768xf32, #tpu.memory_space<vmem>>, vector<1x16xf32>,
      %swap3A_213 = vector.shape_cast %swap3A_212 : vector<1x16xf32> to vector<16xf32>
      %swap3A_214 = vector.shape_cast %add3A_209 : vector<16xf32> to vector<1x16xf32>
      tpu.vector_store %arg14[%swap3A_210, %swap3A_211], %swap3A_214 {strides = array<i32>} : memref<32x768xf32, #tpu.memory_space<vmem>>, vector<1x16xf32>,
      %get3A_215 = arith.index_cast %add3A_30 : i32 to index
      %get3A_216 = arith.constant 176 : index
      %get3A_217 = tpu.vector_load %arg12[%get3A_215, %get3A_216] {strides = array<i32>} : memref<32x768xf32, #tpu.memory_space<vmem>>, vector<1x16xf32>,
      %get3A_218 = vector.shape_cast %get3A_217 : vector<1x16xf32> to vector<16xf32>
      %mul3A_219 = arith.mulf %get3A_34, %get3A_218 : vector<16xf32>
      %get3A_220 = arith.index_cast %add3A_30 : i32 to index
      %get3A_221 = arith.constant 176 : index
      %get3A_222 = tpu.vector_load %arg13[%get3A_220, %get3A_221] {strides = array<i32>} : memref<32x768xf32, #tpu.memory_space<vmem>>, vector<1x16xf32>,
      %get3A_223 = vector.shape_cast %get3A_222 : vector<1x16xf32> to vector<16xf32>
      %mul3A_224 = arith.mulf %get3A_39, %get3A_223 : vector<16xf32>
      %add3A_225 = arith.addf %mul3A_219, %mul3A_224 : vector<16xf32>
      %swap3A_226 = arith.index_cast %add3A_30 : i32 to index
      %swap3A_227 = arith.constant 176 : index
      %swap3A_228 = tpu.vector_load %arg14[%swap3A_226, %swap3A_227] {strides = array<i32>} : memref<32x768xf32, #tpu.memory_space<vmem>>, vector<1x16xf32>,
      %swap3A_229 = vector.shape_cast %swap3A_228 : vector<1x16xf32> to vector<16xf32>
      %swap3A_230 = vector.shape_cast %add3A_225 : vector<16xf32> to vector<1x16xf32>
      tpu.vector_store %arg14[%swap3A_226, %swap3A_227], %swap3A_230 {strides = array<i32>} : memref<32x768xf32, #tpu.memory_space<vmem>>, vector<1x16xf32>,
      %get3A_231 = arith.index_cast %add3A_30 : i32 to index
      %get3A_232 = arith.constant 192 : index
      %get3A_233 = tpu.vector_load %arg12[%get3A_231, %get3A_232] {strides = array<i32>} : memref<32x768xf32, #tpu.memory_space<vmem>>, vector<1x16xf32>,
      %get3A_234 = vector.shape_cast %get3A_233 : vector<1x16xf32> to vector<16xf32>
      %mul3A_235 = arith.mulf %get3A_34, %get3A_234 : vector<16xf32>
      %get3A_236 = arith.index_cast %add3A_30 : i32 to index
      %get3A_237 = arith.constant 192 : index
      %get3A_238 = tpu.vector_load %arg13[%get3A_236, %get3A_237] {strides = array<i32>} : memref<32x768xf32, #tpu.memory_space<vmem>>, vector<1x16xf32>,
      %get3A_239 = vector.shape_cast %get3A_238 : vector<1x16xf32> to vector<16xf32>
      %mul3A_240 = arith.mulf %get3A_39, %get3A_239 : vector<16xf32>
      %add3A_241 = arith.addf %mul3A_235, %mul3A_240 : vector<16xf32>
      %swap3A_242 = arith.index_cast %add3A_30 : i32 to index
      %swap3A_243 = arith.constant 192 : index
      %swap3A_244 = tpu.vector_load %arg14[%swap3A_242, %swap3A_243] {strides = array<i32>} : memref<32x768xf32, #tpu.memory_space<vmem>>, vector<1x16xf32>,
      %swap3A_245 = vector.shape_cast %swap3A_244 : vector<1x16xf32> to vector<16xf32>
      %swap3A_246 = vector.shape_cast %add3A_241 : vector<16xf32> to vector<1x16xf32>
      tpu.vector_store %arg14[%swap3A_242, %swap3A_243], %swap3A_246 {strides = array<i32>} : memref<32x768xf32, #tpu.memory_space<vmem>>, vector<1x16xf32>,
      %get3A_247 = arith.index_cast %add3A_30 : i32 to index
      %get3A_248 = arith.constant 208 : index
      %get3A_249 = tpu.vector_load %arg12[%get3A_247, %get3A_248] {strides = array<i32>} : memref<32x768xf32, #tpu.memory_space<vmem>>, vector<1x16xf32>,
      %get3A_250 = vector.shape_cast %get3A_249 : vector<1x16xf32> to vector<16xf32>
      %mul3A_251 = arith.mulf %get3A_34, %get3A_250 : vector<16xf32>
      %get3A_252 = arith.index_cast %add3A_30 : i32 to index
      %get3A_253 = arith.constant 208 : index
      %get3A_254 = tpu.vector_load %arg13[%get3A_252, %get3A_253] {strides = array<i32>} : memref<32x768xf32, #tpu.memory_space<vmem>>, vector<1x16xf32>,
      %get3A_255 = vector.shape_cast %get3A_254 : vector<1x16xf32> to vector<16xf32>
      %mul3A_256 = arith.mulf %get3A_39, %get3A_255 : vector<16xf32>
      %add3A_257 = arith.addf %mul3A_251, %mul3A_256 : vector<16xf32>
      %swap3A_258 = arith.index_cast %add3A_30 : i32 to index
      %swap3A_259 = arith.constant 208 : index
      %swap3A_260 = tpu.vector_load %arg14[%swap3A_258, %swap3A_259] {strides = array<i32>} : memref<32x768xf32, #tpu.memory_space<vmem>>, vector<1x16xf32>,
      %swap3A_261 = vector.shape_cast %swap3A_260 : vector<1x16xf32> to vector<16xf32>
      %swap3A_262 = vector.shape_cast %add3A_257 : vector<16xf32> to vector<1x16xf32>
      tpu.vector_store %arg14[%swap3A_258, %swap3A_259], %swap3A_262 {strides = array<i32>} : memref<32x768xf32, #tpu.memory_space<vmem>>, vector<1x16xf32>,
      %get3A_263 = arith.index_cast %add3A_30 : i32 to index
      %get3A_264 = arith.constant 224 : index
      %get3A_265 = tpu.vector_load %arg12[%get3A_263, %get3A_264] {strides = array<i32>} : memref<32x768xf32, #tpu.memory_space<vmem>>, vector<1x16xf32>,
      %get3A_266 = vector.shape_cast %get3A_265 : vector<1x16xf32> to vector<16xf32>
      %mul3A_267 = arith.mulf %get3A_34, %get3A_266 : vector<16xf32>
      %get3A_268 = arith.index_cast %add3A_30 : i32 to index
      %get3A_269 = arith.constant 224 : index
      %get3A_270 = tpu.vector_load %arg13[%get3A_268, %get3A_269] {strides = array<i32>} : memref<32x768xf32, #tpu.memory_space<vmem>>, vector<1x16xf32>,
      %get3A_271 = vector.shape_cast %get3A_270 : vector<1x16xf32> to vector<16xf32>
      %mul3A_272 = arith.mulf %get3A_39, %get3A_271 : vector<16xf32>
      %add3A_273 = arith.addf %mul3A_267, %mul3A_272 : vector<16xf32>
      %swap3A_274 = arith.index_cast %add3A_30 : i32 to index
      %swap3A_275 = arith.constant 224 : index
      %swap3A_276 = tpu.vector_load %arg14[%swap3A_274, %swap3A_275] {strides = array<i32>} : memref<32x768xf32, #tpu.memory_space<vmem>>, vector<1x16xf32>,
      %swap3A_277 = vector.shape_cast %swap3A_276 : vector<1x16xf32> to vector<16xf32>
      %swap3A_278 = vector.shape_cast %add3A_273 : vector<16xf32> to vector<1x16xf32>
      tpu.vector_store %arg14[%swap3A_274, %swap3A_275], %swap3A_278 {strides = array<i32>} : memref<32x768xf32, #tpu.memory_space<vmem>>, vector<1x16xf32>,
      %get3A_279 = arith.index_cast %add3A_30 : i32 to index
      %get3A_280 = arith.constant 240 : index
      %get3A_281 = tpu.vector_load %arg12[%get3A_279, %get3A_280] {strides = array<i32>} : memref<32x768xf32, #tpu.memory_space<vmem>>, vector<1x16xf32>,
      %get3A_282 = vector.shape_cast %get3A_281 : vector<1x16xf32> to vector<16xf32>
      %mul3A_283 = arith.mulf %get3A_34, %get3A_282 : vector<16xf32>
      %get3A_284 = arith.index_cast %add3A_30 : i32 to index
      %get3A_285 = arith.constant 240 : index
      %get3A_286 = tpu.vector_load %arg13[%get3A_284, %get3A_285] {strides = array<i32>} : memref<32x768xf32, #tpu.memory_space<vmem>>, vector<1x16xf32>,
      %get3A_287 = vector.shape_cast %get3A_286 : vector<1x16xf32> to vector<16xf32>
      %mul3A_288 = arith.mulf %get3A_39, %get3A_287 : vector<16xf32>
      %add3A_289 = arith.addf %mul3A_283, %mul3A_288 : vector<16xf32>
      %swap3A_290 = arith.index_cast %add3A_30 : i32 to index
      %swap3A_291 = arith.constant 240 : index
      %swap3A_292 = tpu.vector_load %arg14[%swap3A_290, %swap3A_291] {strides = array<i32>} : memref<32x768xf32, #tpu.memory_space<vmem>>, vector<1x16xf32>,
      %swap3A_293 = vector.shape_cast %swap3A_292 : vector<1x16xf32> to vector<16xf32>
      %swap3A_294 = vector.shape_cast %add3A_289 : vector<16xf32> to vector<1x16xf32>
      tpu.vector_store %arg14[%swap3A_290, %swap3A_291], %swap3A_294 {strides = array<i32>} : memref<32x768xf32, #tpu.memory_space<vmem>>, vector<1x16xf32>,
      %get3A_295 = arith.index_cast %add3A_30 : i32 to index
      %get3A_296 = arith.constant 256 : index
      %get3A_297 = tpu.vector_load %arg12[%get3A_295, %get3A_296] {strides = array<i32>} : memref<32x768xf32, #tpu.memory_space<vmem>>, vector<1x16xf32>,
      %get3A_298 = vector.shape_cast %get3A_297 : vector<1x16xf32> to vector<16xf32>
      %mul3A_299 = arith.mulf %get3A_34, %get3A_298 : vector<16xf32>
      %get3A_300 = arith.index_cast %add3A_30 : i32 to index
      %get3A_301 = arith.constant 256 : index
      %get3A_302 = tpu.vector_load %arg13[%get3A_300, %get3A_301] {strides = array<i32>} : memref<32x768xf32, #tpu.memory_space<vmem>>, vector<1x16xf32>,
      %get3A_303 = vector.shape_cast %get3A_302 : vector<1x16xf32> to vector<16xf32>
      %mul3A_304 = arith.mulf %get3A_39, %get3A_303 : vector<16xf32>
      %add3A_305 = arith.addf %mul3A_299, %mul3A_304 : vector<16xf32>
      %swap3A_306 = arith.index_cast %add3A_30 : i32 to index
      %swap3A_307 = arith.constant 256 : index
      %swap3A_308 = tpu.vector_load %arg14[%swap3A_306, %swap3A_307] {strides = array<i32>} : memref<32x768xf32, #tpu.memory_space<vmem>>, vector<1x16xf32>,
      %swap3A_309 = vector.shape_cast %swap3A_308 : vector<1x16xf32> to vector<16xf32>
      %swap3A_310 = vector.shape_cast %add3A_305 : vector<16xf32> to vector<1x16xf32>
      tpu.vector_store %arg14[%swap3A_306, %swap3A_307], %swap3A_310 {strides = array<i32>} : memref<32x768xf32, #tpu.memory_space<vmem>>, vector<1x16xf32>,
      %get3A_311 = arith.index_cast %add3A_30 : i32 to index
      %get3A_312 = arith.constant 272 : index
      %get3A_313 = tpu.vector_load %arg12[%get3A_311, %get3A_312] {strides = array<i32>} : memref<32x768xf32, #tpu.memory_space<vmem>>, vector<1x16xf32>,
      %get3A_314 = vector.shape_cast %get3A_313 : vector<1x16xf32> to vector<16xf32>
      %mul3A_315 = arith.mulf %get3A_34, %get3A_314 : vector<16xf32>
      %get3A_316 = arith.index_cast %add3A_30 : i32 to index
      %get3A_317 = arith.constant 272 : index
      %get3A_318 = tpu.vector_load %arg13[%get3A_316, %get3A_317] {strides = array<i32>} : memref<32x768xf32, #tpu.memory_space<vmem>>, vector<1x16xf32>,
      %get3A_319 = vector.shape_cast %get3A_318 : vector<1x16xf32> to vector<16xf32>
      %mul3A_320 = arith.mulf %get3A_39, %get3A_319 : vector<16xf32>
      %add3A_321 = arith.addf %mul3A_315, %mul3A_320 : vector<16xf32>
      %swap3A_322 = arith.index_cast %add3A_30 : i32 to index
      %swap3A_323 = arith.constant 272 : index
      %swap3A_324 = tpu.vector_load %arg14[%swap3A_322, %swap3A_323] {strides = array<i32>} : memref<32x768xf32, #tpu.memory_space<vmem>>, vector<1x16xf32>,
      %swap3A_325 = vector.shape_cast %swap3A_324 : vector<1x16xf32> to vector<16xf32>
      %swap3A_326 = vector.shape_cast %add3A_321 : vector<16xf32> to vector<1x16xf32>
      tpu.vector_store %arg14[%swap3A_322, %swap3A_323], %swap3A_326 {strides = array<i32>} : memref<32x768xf32, #tpu.memory_space<vmem>>, vector<1x16xf32>,
      %get3A_327 = arith.index_cast %add3A_30 : i32 to index
      %get3A_328 = arith.constant 288 : index
      %get3A_329 = tpu.vector_load %arg12[%get3A_327, %get3A_328] {strides = array<i32>} : memref<32x768xf32, #tpu.memory_space<vmem>>, vector<1x16xf32>,
      %get3A_330 = vector.shape_cast %get3A_329 : vector<1x16xf32> to vector<16xf32>
      %mul3A_331 = arith.mulf %get3A_34, %get3A_330 : vector<16xf32>
      %get3A_332 = arith.index_cast %add3A_30 : i32 to index
      %get3A_333 = arith.constant 288 : index
      %get3A_334 = tpu.vector_load %arg13[%get3A_332, %get3A_333] {strides = array<i32>} : memref<32x768xf32, #tpu.memory_space<vmem>>, vector<1x16xf32>,
      %get3A_335 = vector.shape_cast %get3A_334 : vector<1x16xf32> to vector<16xf32>
      %mul3A_336 = arith.mulf %get3A_39, %get3A_335 : vector<16xf32>
      %add3A_337 = arith.addf %mul3A_331, %mul3A_336 : vector<16xf32>
      %swap3A_338 = arith.index_cast %add3A_30 : i32 to index
      %swap3A_339 = arith.constant 288 : index
      %swap3A_340 = tpu.vector_load %arg14[%swap3A_338, %swap3A_339] {strides = array<i32>} : memref<32x768xf32, #tpu.memory_space<vmem>>, vector<1x16xf32>,
      %swap3A_341 = vector.shape_cast %swap3A_340 : vector<1x16xf32> to vector<16xf32>
      %swap3A_342 = vector.shape_cast %add3A_337 : vector<16xf32> to vector<1x16xf32>
      tpu.vector_store %arg14[%swap3A_338, %swap3A_339], %swap3A_342 {strides = array<i32>} : memref<32x768xf32, #tpu.memory_space<vmem>>, vector<1x16xf32>,
      %get3A_343 = arith.index_cast %add3A_30 : i32 to index
      %get3A_344 = arith.constant 304 : index
      %get3A_345 = tpu.vector_load %arg12[%get3A_343, %get3A_344] {strides = array<i32>} : memref<32x768xf32, #tpu.memory_space<vmem>>, vector<1x16xf32>,
      %get3A_346 = vector.shape_cast %get3A_345 : vector<1x16xf32> to vector<16xf32>
      %mul3A_347 = arith.mulf %get3A_34, %get3A_346 : vector<16xf32>
      %get3A_348 = arith.index_cast %add3A_30 : i32 to index
      %get3A_349 = arith.constant 304 : index
      %get3A_350 = tpu.vector_load %arg13[%get3A_348, %get3A_349] {strides = array<i32>} : memref<32x768xf32, #tpu.memory_space<vmem>>, vector<1x16xf32>,
      %get3A_351 = vector.shape_cast %get3A_350 : vector<1x16xf32> to vector<16xf32>
      %mul3A_352 = arith.mulf %get3A_39, %get3A_351 : vector<16xf32>
      %add3A_353 = arith.addf %mul3A_347, %mul3A_352 : vector<16xf32>
      %swap3A_354 = arith.index_cast %add3A_30 : i32 to index
      %swap3A_355 = arith.constant 304 : index
      %swap3A_356 = tpu.vector_load %arg14[%swap3A_354, %swap3A_355] {strides = array<i32>} : memref<32x768xf32, #tpu.memory_space<vmem>>, vector<1x16xf32>,
      %swap3A_357 = vector.shape_cast %swap3A_356 : vector<1x16xf32> to vector<16xf32>
      %swap3A_358 = vector.shape_cast %add3A_353 : vector<16xf32> to vector<1x16xf32>
      tpu.vector_store %arg14[%swap3A_354, %swap3A_355], %swap3A_358 {strides = array<i32>} : memref<32x768xf32, #tpu.memory_space<vmem>>, vector<1x16xf32>,
      %get3A_359 = arith.index_cast %add3A_30 : i32 to index
      %get3A_360 = arith.constant 320 : index
      %get3A_361 = tpu.vector_load %arg12[%get3A_359, %get3A_360] {strides = array<i32>} : memref<32x768xf32, #tpu.memory_space<vmem>>, vector<1x16xf32>,
      %get3A_362 = vector.shape_cast %get3A_361 : vector<1x16xf32> to vector<16xf32>
      %mul3A_363 = arith.mulf %get3A_34, %get3A_362 : vector<16xf32>
      %get3A_364 = arith.index_cast %add3A_30 : i32 to index
      %get3A_365 = arith.constant 320 : index
      %get3A_366 = tpu.vector_load %arg13[%get3A_364, %get3A_365] {strides = array<i32>} : memref<32x768xf32, #tpu.memory_space<vmem>>, vector<1x16xf32>,
      %get3A_367 = vector.shape_cast %get3A_366 : vector<1x16xf32> to vector<16xf32>
      %mul3A_368 = arith.mulf %get3A_39, %get3A_367 : vector<16xf32>
      %add3A_369 = arith.addf %mul3A_363, %mul3A_368 : vector<16xf32>
      %swap3A_370 = arith.index_cast %add3A_30 : i32 to index
      %swap3A_371 = arith.constant 320 : index
      %swap3A_372 = tpu.vector_load %arg14[%swap3A_370, %swap3A_371] {strides = array<i32>} : memref<32x768xf32, #tpu.memory_space<vmem>>, vector<1x16xf32>,
      %swap3A_373 = vector.shape_cast %swap3A_372 : vector<1x16xf32> to vector<16xf32>
      %swap3A_374 = vector.shape_cast %add3A_369 : vector<16xf32> to vector<1x16xf32>
      tpu.vector_store %arg14[%swap3A_370, %swap3A_371], %swap3A_374 {strides = array<i32>} : memref<32x768xf32, #tpu.memory_space<vmem>>, vector<1x16xf32>,
      %get3A_375 = arith.index_cast %add3A_30 : i32 to index
      %get3A_376 = arith.constant 336 : index
      %get3A_377 = tpu.vector_load %arg12[%get3A_375, %get3A_376] {strides = array<i32>} : memref<32x768xf32, #tpu.memory_space<vmem>>, vector<1x16xf32>,
      %get3A_378 = vector.shape_cast %get3A_377 : vector<1x16xf32> to vector<16xf32>
      %mul3A_379 = arith.mulf %get3A_34, %get3A_378 : vector<16xf32>
      %get3A_380 = arith.index_cast %add3A_30 : i32 to index
      %get3A_381 = arith.constant 336 : index
      %get3A_382 = tpu.vector_load %arg13[%get3A_380, %get3A_381] {strides = array<i32>} : memref<32x768xf32, #tpu.memory_space<vmem>>, vector<1x16xf32>,
      %get3A_383 = vector.shape_cast %get3A_382 : vector<1x16xf32> to vector<16xf32>
      %mul3A_384 = arith.mulf %get3A_39, %get3A_383 : vector<16xf32>
      %add3A_385 = arith.addf %mul3A_379, %mul3A_384 : vector<16xf32>
      %swap3A_386 = arith.index_cast %add3A_30 : i32 to index
      %swap3A_387 = arith.constant 336 : index
      %swap3A_388 = tpu.vector_load %arg14[%swap3A_386, %swap3A_387] {strides = array<i32>} : memref<32x768xf32, #tpu.memory_space<vmem>>, vector<1x16xf32>,
      %swap3A_389 = vector.shape_cast %swap3A_388 : vector<1x16xf32> to vector<16xf32>
      %swap3A_390 = vector.shape_cast %add3A_385 : vector<16xf32> to vector<1x16xf32>
      tpu.vector_store %arg14[%swap3A_386, %swap3A_387], %swap3A_390 {strides = array<i32>} : memref<32x768xf32, #tpu.memory_space<vmem>>, vector<1x16xf32>,
      %get3A_391 = arith.index_cast %add3A_30 : i32 to index
      %get3A_392 = arith.constant 352 : index
      %get3A_393 = tpu.vector_load %arg12[%get3A_391, %get3A_392] {strides = array<i32>} : memref<32x768xf32, #tpu.memory_space<vmem>>, vector<1x16xf32>,
      %get3A_394 = vector.shape_cast %get3A_393 : vector<1x16xf32> to vector<16xf32>
      %mul3A_395 = arith.mulf %get3A_34, %get3A_394 : vector<16xf32>
      %get3A_396 = arith.index_cast %add3A_30 : i32 to index
      %get3A_397 = arith.constant 352 : index
      %get3A_398 = tpu.vector_load %arg13[%get3A_396, %get3A_397] {strides = array<i32>} : memref<32x768xf32, #tpu.memory_space<vmem>>, vector<1x16xf32>,
      %get3A_399 = vector.shape_cast %get3A_398 : vector<1x16xf32> to vector<16xf32>
      %mul3A_400 = arith.mulf %get3A_39, %get3A_399 : vector<16xf32>
      %add3A_401 = arith.addf %mul3A_395, %mul3A_400 : vector<16xf32>
      %swap3A_402 = arith.index_cast %add3A_30 : i32 to index
      %swap3A_403 = arith.constant 352 : index
      %swap3A_404 = tpu.vector_load %arg14[%swap3A_402, %swap3A_403] {strides = array<i32>} : memref<32x768xf32, #tpu.memory_space<vmem>>, vector<1x16xf32>,
      %swap3A_405 = vector.shape_cast %swap3A_404 : vector<1x16xf32> to vector<16xf32>
      %swap3A_406 = vector.shape_cast %add3A_401 : vector<16xf32> to vector<1x16xf32>
      tpu.vector_store %arg14[%swap3A_402, %swap3A_403], %swap3A_406 {strides = array<i32>} : memref<32x768xf32, #tpu.memory_space<vmem>>, vector<1x16xf32>,
      %get3A_407 = arith.index_cast %add3A_30 : i32 to index
      %get3A_408 = arith.constant 368 : index
      %get3A_409 = tpu.vector_load %arg12[%get3A_407, %get3A_408] {strides = array<i32>} : memref<32x768xf32, #tpu.memory_space<vmem>>, vector<1x16xf32>,
      %get3A_410 = vector.shape_cast %get3A_409 : vector<1x16xf32> to vector<16xf32>
      %mul3A_411 = arith.mulf %get3A_34, %get3A_410 : vector<16xf32>
      %get3A_412 = arith.index_cast %add3A_30 : i32 to index
      %get3A_413 = arith.constant 368 : index
      %get3A_414 = tpu.vector_load %arg13[%get3A_412, %get3A_413] {strides = array<i32>} : memref<32x768xf32, #tpu.memory_space<vmem>>, vector<1x16xf32>,
      %get3A_415 = vector.shape_cast %get3A_414 : vector<1x16xf32> to vector<16xf32>
      %mul3A_416 = arith.mulf %get3A_39, %get3A_415 : vector<16xf32>
      %add3A_417 = arith.addf %mul3A_411, %mul3A_416 : vector<16xf32>
      %swap3A_418 = arith.index_cast %add3A_30 : i32 to index
      %swap3A_419 = arith.constant 368 : index
      %swap3A_420 = tpu.vector_load %arg14[%swap3A_418, %swap3A_419] {strides = array<i32>} : memref<32x768xf32, #tpu.memory_space<vmem>>, vector<1x16xf32>,
      %swap3A_421 = vector.shape_cast %swap3A_420 : vector<1x16xf32> to vector<16xf32>
      %swap3A_422 = vector.shape_cast %add3A_417 : vector<16xf32> to vector<1x16xf32>
      tpu.vector_store %arg14[%swap3A_418, %swap3A_419], %swap3A_422 {strides = array<i32>} : memref<32x768xf32, #tpu.memory_space<vmem>>, vector<1x16xf32>,
      %get3A_423 = arith.index_cast %add3A_30 : i32 to index
      %get3A_424 = arith.constant 384 : index
      %get3A_425 = tpu.vector_load %arg12[%get3A_423, %get3A_424] {strides = array<i32>} : memref<32x768xf32, #tpu.memory_space<vmem>>, vector<1x16xf32>,
      %get3A_426 = vector.shape_cast %get3A_425 : vector<1x16xf32> to vector<16xf32>
      %mul3A_427 = arith.mulf %get3A_34, %get3A_426 : vector<16xf32>
      %get3A_428 = arith.index_cast %add3A_30 : i32 to index
      %get3A_429 = arith.constant 384 : index
      %get3A_430 = tpu.vector_load %arg13[%get3A_428, %get3A_429] {strides = array<i32>} : memref<32x768xf32, #tpu.memory_space<vmem>>, vector<1x16xf32>,
      %get3A_431 = vector.shape_cast %get3A_430 : vector<1x16xf32> to vector<16xf32>
      %mul3A_432 = arith.mulf %get3A_39, %get3A_431 : vector<16xf32>
      %add3A_433 = arith.addf %mul3A_427, %mul3A_432 : vector<16xf32>
      %swap3A_434 = arith.index_cast %add3A_30 : i32 to index
      %swap3A_435 = arith.constant 384 : index
      %swap3A_436 = tpu.vector_load %arg14[%swap3A_434, %swap3A_435] {strides = array<i32>} : memref<32x768xf32, #tpu.memory_space<vmem>>, vector<1x16xf32>,
      %swap3A_437 = vector.shape_cast %swap3A_436 : vector<1x16xf32> to vector<16xf32>
      %swap3A_438 = vector.shape_cast %add3A_433 : vector<16xf32> to vector<1x16xf32>
      tpu.vector_store %arg14[%swap3A_434, %swap3A_435], %swap3A_438 {strides = array<i32>} : memref<32x768xf32, #tpu.memory_space<vmem>>, vector<1x16xf32>,
      %get3A_439 = arith.index_cast %add3A_30 : i32 to index
      %get3A_440 = arith.constant 400 : index
      %get3A_441 = tpu.vector_load %arg12[%get3A_439, %get3A_440] {strides = array<i32>} : memref<32x768xf32, #tpu.memory_space<vmem>>, vector<1x16xf32>,
      %get3A_442 = vector.shape_cast %get3A_441 : vector<1x16xf32> to vector<16xf32>
      %mul3A_443 = arith.mulf %get3A_34, %get3A_442 : vector<16xf32>
      %get3A_444 = arith.index_cast %add3A_30 : i32 to index
      %get3A_445 = arith.constant 400 : index
      %get3A_446 = tpu.vector_load %arg13[%get3A_444, %get3A_445] {strides = array<i32>} : memref<32x768xf32, #tpu.memory_space<vmem>>, vector<1x16xf32>,
      %get3A_447 = vector.shape_cast %get3A_446 : vector<1x16xf32> to vector<16xf32>
      %mul3A_448 = arith.mulf %get3A_39, %get3A_447 : vector<16xf32>
      %add3A_449 = arith.addf %mul3A_443, %mul3A_448 : vector<16xf32>
      %swap3A_450 = arith.index_cast %add3A_30 : i32 to index
      %swap3A_451 = arith.constant 400 : index
      %swap3A_452 = tpu.vector_load %arg14[%swap3A_450, %swap3A_451] {strides = array<i32>} : memref<32x768xf32, #tpu.memory_space<vmem>>, vector<1x16xf32>,
      %swap3A_453 = vector.shape_cast %swap3A_452 : vector<1x16xf32> to vector<16xf32>
      %swap3A_454 = vector.shape_cast %add3A_449 : vector<16xf32> to vector<1x16xf32>
      tpu.vector_store %arg14[%swap3A_450, %swap3A_451], %swap3A_454 {strides = array<i32>} : memref<32x768xf32, #tpu.memory_space<vmem>>, vector<1x16xf32>,
      %get3A_455 = arith.index_cast %add3A_30 : i32 to index
      %get3A_456 = arith.constant 416 : index
      %get3A_457 = tpu.vector_load %arg12[%get3A_455, %get3A_456] {strides = array<i32>} : memref<32x768xf32, #tpu.memory_space<vmem>>, vector<1x16xf32>,
      %get3A_458 = vector.shape_cast %get3A_457 : vector<1x16xf32> to vector<16xf32>
      %mul3A_459 = arith.mulf %get3A_34, %get3A_458 : vector<16xf32>
      %get3A_460 = arith.index_cast %add3A_30 : i32 to index
      %get3A_461 = arith.constant 416 : index
      %get3A_462 = tpu.vector_load %arg13[%get3A_460, %get3A_461] {strides = array<i32>} : memref<32x768xf32, #tpu.memory_space<vmem>>, vector<1x16xf32>,
      %get3A_463 = vector.shape_cast %get3A_462 : vector<1x16xf32> to vector<16xf32>
      %mul3A_464 = arith.mulf %get3A_39, %get3A_463 : vector<16xf32>
      %add3A_465 = arith.addf %mul3A_459, %mul3A_464 : vector<16xf32>
      %swap3A_466 = arith.index_cast %add3A_30 : i32 to index
      %swap3A_467 = arith.constant 416 : index
      %swap3A_468 = tpu.vector_load %arg14[%swap3A_466, %swap3A_467] {strides = array<i32>} : memref<32x768xf32, #tpu.memory_space<vmem>>, vector<1x16xf32>,
      %swap3A_469 = vector.shape_cast %swap3A_468 : vector<1x16xf32> to vector<16xf32>
      %swap3A_470 = vector.shape_cast %add3A_465 : vector<16xf32> to vector<1x16xf32>
      tpu.vector_store %arg14[%swap3A_466, %swap3A_467], %swap3A_470 {strides = array<i32>} : memref<32x768xf32, #tpu.memory_space<vmem>>, vector<1x16xf32>,
      %get3A_471 = arith.index_cast %add3A_30 : i32 to index
      %get3A_472 = arith.constant 432 : index
      %get3A_473 = tpu.vector_load %arg12[%get3A_471, %get3A_472] {strides = array<i32>} : memref<32x768xf32, #tpu.memory_space<vmem>>, vector<1x16xf32>,
      %get3A_474 = vector.shape_cast %get3A_473 : vector<1x16xf32> to vector<16xf32>
      %mul3A_475 = arith.mulf %get3A_34, %get3A_474 : vector<16xf32>
      %get3A_476 = arith.index_cast %add3A_30 : i32 to index
      %get3A_477 = arith.constant 432 : index
      %get3A_478 = tpu.vector_load %arg13[%get3A_476, %get3A_477] {strides = array<i32>} : memref<32x768xf32, #tpu.memory_space<vmem>>, vector<1x16xf32>,
      %get3A_479 = vector.shape_cast %get3A_478 : vector<1x16xf32> to vector<16xf32>
      %mul3A_480 = arith.mulf %get3A_39, %get3A_479 : vector<16xf32>
      %add3A_481 = arith.addf %mul3A_475, %mul3A_480 : vector<16xf32>
      %swap3A_482 = arith.index_cast %add3A_30 : i32 to index
      %swap3A_483 = arith.constant 432 : index
      %swap3A_484 = tpu.vector_load %arg14[%swap3A_482, %swap3A_483] {strides = array<i32>} : memref<32x768xf32, #tpu.memory_space<vmem>>, vector<1x16xf32>,
      %swap3A_485 = vector.shape_cast %swap3A_484 : vector<1x16xf32> to vector<16xf32>
      %swap3A_486 = vector.shape_cast %add3A_481 : vector<16xf32> to vector<1x16xf32>
      tpu.vector_store %arg14[%swap3A_482, %swap3A_483], %swap3A_486 {strides = array<i32>} : memref<32x768xf32, #tpu.memory_space<vmem>>, vector<1x16xf32>,
      %get3A_487 = arith.index_cast %add3A_30 : i32 to index
      %get3A_488 = arith.constant 448 : index
      %get3A_489 = tpu.vector_load %arg12[%get3A_487, %get3A_488] {strides = array<i32>} : memref<32x768xf32, #tpu.memory_space<vmem>>, vector<1x16xf32>,
      %get3A_490 = vector.shape_cast %get3A_489 : vector<1x16xf32> to vector<16xf32>
      %mul3A_491 = arith.mulf %get3A_34, %get3A_490 : vector<16xf32>
      %get3A_492 = arith.index_cast %add3A_30 : i32 to index
      %get3A_493 = arith.constant 448 : index
      %get3A_494 = tpu.vector_load %arg13[%get3A_492, %get3A_493] {strides = array<i32>} : memref<32x768xf32, #tpu.memory_space<vmem>>, vector<1x16xf32>,
      %get3A_495 = vector.shape_cast %get3A_494 : vector<1x16xf32> to vector<16xf32>
      %mul3A_496 = arith.mulf %get3A_39, %get3A_495 : vector<16xf32>
      %add3A_497 = arith.addf %mul3A_491, %mul3A_496 : vector<16xf32>
      %swap3A_498 = arith.index_cast %add3A_30 : i32 to index
      %swap3A_499 = arith.constant 448 : index
      %swap3A_500 = tpu.vector_load %arg14[%swap3A_498, %swap3A_499] {strides = array<i32>} : memref<32x768xf32, #tpu.memory_space<vmem>>, vector<1x16xf32>,
      %swap3A_501 = vector.shape_cast %swap3A_500 : vector<1x16xf32> to vector<16xf32>
      %swap3A_502 = vector.shape_cast %add3A_497 : vector<16xf32> to vector<1x16xf32>
      tpu.vector_store %arg14[%swap3A_498, %swap3A_499], %swap3A_502 {strides = array<i32>} : memref<32x768xf32, #tpu.memory_space<vmem>>, vector<1x16xf32>,
      %get3A_503 = arith.index_cast %add3A_30 : i32 to index
      %get3A_504 = arith.constant 464 : index
      %get3A_505 = tpu.vector_load %arg12[%get3A_503, %get3A_504] {strides = array<i32>} : memref<32x768xf32, #tpu.memory_space<vmem>>, vector<1x16xf32>,
      %get3A_506 = vector.shape_cast %get3A_505 : vector<1x16xf32> to vector<16xf32>
      %mul3A_507 = arith.mulf %get3A_34, %get3A_506 : vector<16xf32>
      %get3A_508 = arith.index_cast %add3A_30 : i32 to index
      %get3A_509 = arith.constant 464 : index
      %get3A_510 = tpu.vector_load %arg13[%get3A_508, %get3A_509] {strides = array<i32>} : memref<32x768xf32, #tpu.memory_space<vmem>>, vector<1x16xf32>,
      %get3A_511 = vector.shape_cast %get3A_510 : vector<1x16xf32> to vector<16xf32>
      %mul3A_512 = arith.mulf %get3A_39, %get3A_511 : vector<16xf32>
      %add3A_513 = arith.addf %mul3A_507, %mul3A_512 : vector<16xf32>
      %swap3A_514 = arith.index_cast %add3A_30 : i32 to index
      %swap3A_515 = arith.constant 464 : index
      %swap3A_516 = tpu.vector_load %arg14[%swap3A_514, %swap3A_515] {strides = array<i32>} : memref<32x768xf32, #tpu.memory_space<vmem>>, vector<1x16xf32>,
      %swap3A_517 = vector.shape_cast %swap3A_516 : vector<1x16xf32> to vector<16xf32>
      %swap3A_518 = vector.shape_cast %add3A_513 : vector<16xf32> to vector<1x16xf32>
      tpu.vector_store %arg14[%swap3A_514, %swap3A_515], %swap3A_518 {strides = array<i32>} : memref<32x768xf32, #tpu.memory_space<vmem>>, vector<1x16xf32>,
      %get3A_519 = arith.index_cast %add3A_30 : i32 to index
      %get3A_520 = arith.constant 480 : index
      %get3A_521 = tpu.vector_load %arg12[%get3A_519, %get3A_520] {strides = array<i32>} : memref<32x768xf32, #tpu.memory_space<vmem>>, vector<1x16xf32>,
      %get3A_522 = vector.shape_cast %get3A_521 : vector<1x16xf32> to vector<16xf32>
      %mul3A_523 = arith.mulf %get3A_34, %get3A_522 : vector<16xf32>
      %get3A_524 = arith.index_cast %add3A_30 : i32 to index
      %get3A_525 = arith.constant 480 : index
      %get3A_526 = tpu.vector_load %arg13[%get3A_524, %get3A_525] {strides = array<i32>} : memref<32x768xf32, #tpu.memory_space<vmem>>, vector<1x16xf32>,
      %get3A_527 = vector.shape_cast %get3A_526 : vector<1x16xf32> to vector<16xf32>
      %mul3A_528 = arith.mulf %get3A_39, %get3A_527 : vector<16xf32>
      %add3A_529 = arith.addf %mul3A_523, %mul3A_528 : vector<16xf32>
      %swap3A_530 = arith.index_cast %add3A_30 : i32 to index
      %swap3A_531 = arith.constant 480 : index
      %swap3A_532 = tpu.vector_load %arg14[%swap3A_530, %swap3A_531] {strides = array<i32>} : memref<32x768xf32, #tpu.memory_space<vmem>>, vector<1x16xf32>,
      %swap3A_533 = vector.shape_cast %swap3A_532 : vector<1x16xf32> to vector<16xf32>
      %swap3A_534 = vector.shape_cast %add3A_529 : vector<16xf32> to vector<1x16xf32>
      tpu.vector_store %arg14[%swap3A_530, %swap3A_531], %swap3A_534 {strides = array<i32>} : memref<32x768xf32, #tpu.memory_space<vmem>>, vector<1x16xf32>,
      %get3A_535 = arith.index_cast %add3A_30 : i32 to index
      %get3A_536 = arith.constant 496 : index
      %get3A_537 = tpu.vector_load %arg12[%get3A_535, %get3A_536] {strides = array<i32>} : memref<32x768xf32, #tpu.memory_space<vmem>>, vector<1x16xf32>,
      %get3A_538 = vector.shape_cast %get3A_537 : vector<1x16xf32> to vector<16xf32>
      %mul3A_539 = arith.mulf %get3A_34, %get3A_538 : vector<16xf32>
      %get3A_540 = arith.index_cast %add3A_30 : i32 to index
      %get3A_541 = arith.constant 496 : index
      %get3A_542 = tpu.vector_load %arg13[%get3A_540, %get3A_541] {strides = array<i32>} : memref<32x768xf32, #tpu.memory_space<vmem>>, vector<1x16xf32>,
      %get3A_543 = vector.shape_cast %get3A_542 : vector<1x16xf32> to vector<16xf32>
      %mul3A_544 = arith.mulf %get3A_39, %get3A_543 : vector<16xf32>
      %add3A_545 = arith.addf %mul3A_539, %mul3A_544 : vector<16xf32>
      %swap3A_546 = arith.index_cast %add3A_30 : i32 to index
      %swap3A_547 = arith.constant 496 : index
      %swap3A_548 = tpu.vector_load %arg14[%swap3A_546, %swap3A_547] {strides = array<i32>} : memref<32x768xf32, #tpu.memory_space<vmem>>, vector<1x16xf32>,
      %swap3A_549 = vector.shape_cast %swap3A_548 : vector<1x16xf32> to vector<16xf32>
      %swap3A_550 = vector.shape_cast %add3A_545 : vector<16xf32> to vector<1x16xf32>
      tpu.vector_store %arg14[%swap3A_546, %swap3A_547], %swap3A_550 {strides = array<i32>} : memref<32x768xf32, #tpu.memory_space<vmem>>, vector<1x16xf32>,
      %get3A_551 = arith.index_cast %add3A_30 : i32 to index
      %get3A_552 = arith.constant 512 : index
      %get3A_553 = tpu.vector_load %arg12[%get3A_551, %get3A_552] {strides = array<i32>} : memref<32x768xf32, #tpu.memory_space<vmem>>, vector<1x16xf32>,
      %get3A_554 = vector.shape_cast %get3A_553 : vector<1x16xf32> to vector<16xf32>
      %mul3A_555 = arith.mulf %get3A_34, %get3A_554 : vector<16xf32>
      %get3A_556 = arith.index_cast %add3A_30 : i32 to index
      %get3A_557 = arith.constant 512 : index
      %get3A_558 = tpu.vector_load %arg13[%get3A_556, %get3A_557] {strides = array<i32>} : memref<32x768xf32, #tpu.memory_space<vmem>>, vector<1x16xf32>,
      %get3A_559 = vector.shape_cast %get3A_558 : vector<1x16xf32> to vector<16xf32>
      %mul3A_560 = arith.mulf %get3A_39, %get3A_559 : vector<16xf32>
      %add3A_561 = arith.addf %mul3A_555, %mul3A_560 : vector<16xf32>
      %swap3A_562 = arith.index_cast %add3A_30 : i32 to index
      %swap3A_563 = arith.constant 512 : index
      %swap3A_564 = tpu.vector_load %arg14[%swap3A_562, %swap3A_563] {strides = array<i32>} : memref<32x768xf32, #tpu.memory_space<vmem>>, vector<1x16xf32>,
      %swap3A_565 = vector.shape_cast %swap3A_564 : vector<1x16xf32> to vector<16xf32>
      %swap3A_566 = vector.shape_cast %add3A_561 : vector<16xf32> to vector<1x16xf32>
      tpu.vector_store %arg14[%swap3A_562, %swap3A_563], %swap3A_566 {strides = array<i32>} : memref<32x768xf32, #tpu.memory_space<vmem>>, vector<1x16xf32>,
      %get3A_567 = arith.index_cast %add3A_30 : i32 to index
      %get3A_568 = arith.constant 528 : index
      %get3A_569 = tpu.vector_load %arg12[%get3A_567, %get3A_568] {strides = array<i32>} : memref<32x768xf32, #tpu.memory_space<vmem>>, vector<1x16xf32>,
      %get3A_570 = vector.shape_cast %get3A_569 : vector<1x16xf32> to vector<16xf32>
      %mul3A_571 = arith.mulf %get3A_34, %get3A_570 : vector<16xf32>
      %get3A_572 = arith.index_cast %add3A_30 : i32 to index
      %get3A_573 = arith.constant 528 : index
      %get3A_574 = tpu.vector_load %arg13[%get3A_572, %get3A_573] {strides = array<i32>} : memref<32x768xf32, #tpu.memory_space<vmem>>, vector<1x16xf32>,
      %get3A_575 = vector.shape_cast %get3A_574 : vector<1x16xf32> to vector<16xf32>
      %mul3A_576 = arith.mulf %get3A_39, %get3A_575 : vector<16xf32>
      %add3A_577 = arith.addf %mul3A_571, %mul3A_576 : vector<16xf32>
      %swap3A_578 = arith.index_cast %add3A_30 : i32 to index
      %swap3A_579 = arith.constant 528 : index
      %swap3A_580 = tpu.vector_load %arg14[%swap3A_578, %swap3A_579] {strides = array<i32>} : memref<32x768xf32, #tpu.memory_space<vmem>>, vector<1x16xf32>,
      %swap3A_581 = vector.shape_cast %swap3A_580 : vector<1x16xf32> to vector<16xf32>
      %swap3A_582 = vector.shape_cast %add3A_577 : vector<16xf32> to vector<1x16xf32>
      tpu.vector_store %arg14[%swap3A_578, %swap3A_579], %swap3A_582 {strides = array<i32>} : memref<32x768xf32, #tpu.memory_space<vmem>>, vector<1x16xf32>,
      %get3A_583 = arith.index_cast %add3A_30 : i32 to index
      %get3A_584 = arith.constant 544 : index
      %get3A_585 = tpu.vector_load %arg12[%get3A_583, %get3A_584] {strides = array<i32>} : memref<32x768xf32, #tpu.memory_space<vmem>>, vector<1x16xf32>,
      %get3A_586 = vector.shape_cast %get3A_585 : vector<1x16xf32> to vector<16xf32>
      %mul3A_587 = arith.mulf %get3A_34, %get3A_586 : vector<16xf32>
      %get3A_588 = arith.index_cast %add3A_30 : i32 to index
      %get3A_589 = arith.constant 544 : index
      %get3A_590 = tpu.vector_load %arg13[%get3A_588, %get3A_589] {strides = array<i32>} : memref<32x768xf32, #tpu.memory_space<vmem>>, vector<1x16xf32>,
      %get3A_591 = vector.shape_cast %get3A_590 : vector<1x16xf32> to vector<16xf32>
      %mul3A_592 = arith.mulf %get3A_39, %get3A_591 : vector<16xf32>
      %add3A_593 = arith.addf %mul3A_587, %mul3A_592 : vector<16xf32>
      %swap3A_594 = arith.index_cast %add3A_30 : i32 to index
      %swap3A_595 = arith.constant 544 : index
      %swap3A_596 = tpu.vector_load %arg14[%swap3A_594, %swap3A_595] {strides = array<i32>} : memref<32x768xf32, #tpu.memory_space<vmem>>, vector<1x16xf32>,
      %swap3A_597 = vector.shape_cast %swap3A_596 : vector<1x16xf32> to vector<16xf32>
      %swap3A_598 = vector.shape_cast %add3A_593 : vector<16xf32> to vector<1x16xf32>
      tpu.vector_store %arg14[%swap3A_594, %swap3A_595], %swap3A_598 {strides = array<i32>} : memref<32x768xf32, #tpu.memory_space<vmem>>, vector<1x16xf32>,
      %get3A_599 = arith.index_cast %add3A_30 : i32 to index
      %get3A_600 = arith.constant 560 : index
      %get3A_601 = tpu.vector_load %arg12[%get3A_599, %get3A_600] {strides = array<i32>} : memref<32x768xf32, #tpu.memory_space<vmem>>, vector<1x16xf32>,
      %get3A_602 = vector.shape_cast %get3A_601 : vector<1x16xf32> to vector<16xf32>
      %mul3A_603 = arith.mulf %get3A_34, %get3A_602 : vector<16xf32>
      %get3A_604 = arith.index_cast %add3A_30 : i32 to index
      %get3A_605 = arith.constant 560 : index
      %get3A_606 = tpu.vector_load %arg13[%get3A_604, %get3A_605] {strides = array<i32>} : memref<32x768xf32, #tpu.memory_space<vmem>>, vector<1x16xf32>,
      %get3A_607 = vector.shape_cast %get3A_606 : vector<1x16xf32> to vector<16xf32>
      %mul3A_608 = arith.mulf %get3A_39, %get3A_607 : vector<16xf32>
      %add3A_609 = arith.addf %mul3A_603, %mul3A_608 : vector<16xf32>
      %swap3A_610 = arith.index_cast %add3A_30 : i32 to index
      %swap3A_611 = arith.constant 560 : index
      %swap3A_612 = tpu.vector_load %arg14[%swap3A_610, %swap3A_611] {strides = array<i32>} : memref<32x768xf32, #tpu.memory_space<vmem>>, vector<1x16xf32>,
      %swap3A_613 = vector.shape_cast %swap3A_612 : vector<1x16xf32> to vector<16xf32>
      %swap3A_614 = vector.shape_cast %add3A_609 : vector<16xf32> to vector<1x16xf32>
      tpu.vector_store %arg14[%swap3A_610, %swap3A_611], %swap3A_614 {strides = array<i32>} : memref<32x768xf32, #tpu.memory_space<vmem>>, vector<1x16xf32>,
      %get3A_615 = arith.index_cast %add3A_30 : i32 to index
      %get3A_616 = arith.constant 576 : index
      %get3A_617 = tpu.vector_load %arg12[%get3A_615, %get3A_616] {strides = array<i32>} : memref<32x768xf32, #tpu.memory_space<vmem>>, vector<1x16xf32>,
      %get3A_618 = vector.shape_cast %get3A_617 : vector<1x16xf32> to vector<16xf32>
      %mul3A_619 = arith.mulf %get3A_34, %get3A_618 : vector<16xf32>
      %get3A_620 = arith.index_cast %add3A_30 : i32 to index
      %get3A_621 = arith.constant 576 : index
      %get3A_622 = tpu.vector_load %arg13[%get3A_620, %get3A_621] {strides = array<i32>} : memref<32x768xf32, #tpu.memory_space<vmem>>, vector<1x16xf32>,
      %get3A_623 = vector.shape_cast %get3A_622 : vector<1x16xf32> to vector<16xf32>
      %mul3A_624 = arith.mulf %get3A_39, %get3A_623 : vector<16xf32>
      %add3A_625 = arith.addf %mul3A_619, %mul3A_624 : vector<16xf32>
      %swap3A_626 = arith.index_cast %add3A_30 : i32 to index
      %swap3A_627 = arith.constant 576 : index
      %swap3A_628 = tpu.vector_load %arg14[%swap3A_626, %swap3A_627] {strides = array<i32>} : memref<32x768xf32, #tpu.memory_space<vmem>>, vector<1x16xf32>,
      %swap3A_629 = vector.shape_cast %swap3A_628 : vector<1x16xf32> to vector<16xf32>
      %swap3A_630 = vector.shape_cast %add3A_625 : vector<16xf32> to vector<1x16xf32>
      tpu.vector_store %arg14[%swap3A_626, %swap3A_627], %swap3A_630 {strides = array<i32>} : memref<32x768xf32, #tpu.memory_space<vmem>>, vector<1x16xf32>,
      %get3A_631 = arith.index_cast %add3A_30 : i32 to index
      %get3A_632 = arith.constant 592 : index
      %get3A_633 = tpu.vector_load %arg12[%get3A_631, %get3A_632] {strides = array<i32>} : memref<32x768xf32, #tpu.memory_space<vmem>>, vector<1x16xf32>,
      %get3A_634 = vector.shape_cast %get3A_633 : vector<1x16xf32> to vector<16xf32>
      %mul3A_635 = arith.mulf %get3A_34, %get3A_634 : vector<16xf32>
      %get3A_636 = arith.index_cast %add3A_30 : i32 to index
      %get3A_637 = arith.constant 592 : index
      %get3A_638 = tpu.vector_load %arg13[%get3A_636, %get3A_637] {strides = array<i32>} : memref<32x768xf32, #tpu.memory_space<vmem>>, vector<1x16xf32>,
      %get3A_639 = vector.shape_cast %get3A_638 : vector<1x16xf32> to vector<16xf32>
      %mul3A_640 = arith.mulf %get3A_39, %get3A_639 : vector<16xf32>
      %add3A_641 = arith.addf %mul3A_635, %mul3A_640 : vector<16xf32>
      %swap3A_642 = arith.index_cast %add3A_30 : i32 to index
      %swap3A_643 = arith.constant 592 : index
      %swap3A_644 = tpu.vector_load %arg14[%swap3A_642, %swap3A_643] {strides = array<i32>} : memref<32x768xf32, #tpu.memory_space<vmem>>, vector<1x16xf32>,
      %swap3A_645 = vector.shape_cast %swap3A_644 : vector<1x16xf32> to vector<16xf32>
      %swap3A_646 = vector.shape_cast %add3A_641 : vector<16xf32> to vector<1x16xf32>
      tpu.vector_store %arg14[%swap3A_642, %swap3A_643], %swap3A_646 {strides = array<i32>} : memref<32x768xf32, #tpu.memory_space<vmem>>, vector<1x16xf32>,
      %get3A_647 = arith.index_cast %add3A_30 : i32 to index
      %get3A_648 = arith.constant 608 : index
      %get3A_649 = tpu.vector_load %arg12[%get3A_647, %get3A_648] {strides = array<i32>} : memref<32x768xf32, #tpu.memory_space<vmem>>, vector<1x16xf32>,
      %get3A_650 = vector.shape_cast %get3A_649 : vector<1x16xf32> to vector<16xf32>
      %mul3A_651 = arith.mulf %get3A_34, %get3A_650 : vector<16xf32>
      %get3A_652 = arith.index_cast %add3A_30 : i32 to index
      %get3A_653 = arith.constant 608 : index
      %get3A_654 = tpu.vector_load %arg13[%get3A_652, %get3A_653] {strides = array<i32>} : memref<32x768xf32, #tpu.memory_space<vmem>>, vector<1x16xf32>,
      %get3A_655 = vector.shape_cast %get3A_654 : vector<1x16xf32> to vector<16xf32>
      %mul3A_656 = arith.mulf %get3A_39, %get3A_655 : vector<16xf32>
      %add3A_657 = arith.addf %mul3A_651, %mul3A_656 : vector<16xf32>
      %swap3A_658 = arith.index_cast %add3A_30 : i32 to index
      %swap3A_659 = arith.constant 608 : index
      %swap3A_660 = tpu.vector_load %arg14[%swap3A_658, %swap3A_659] {strides = array<i32>} : memref<32x768xf32, #tpu.memory_space<vmem>>, vector<1x16xf32>,
      %swap3A_661 = vector.shape_cast %swap3A_660 : vector<1x16xf32> to vector<16xf32>
      %swap3A_662 = vector.shape_cast %add3A_657 : vector<16xf32> to vector<1x16xf32>
      tpu.vector_store %arg14[%swap3A_658, %swap3A_659], %swap3A_662 {strides = array<i32>} : memref<32x768xf32, #tpu.memory_space<vmem>>, vector<1x16xf32>,
      %get3A_663 = arith.index_cast %add3A_30 : i32 to index
      %get3A_664 = arith.constant 624 : index
      %get3A_665 = tpu.vector_load %arg12[%get3A_663, %get3A_664] {strides = array<i32>} : memref<32x768xf32, #tpu.memory_space<vmem>>, vector<1x16xf32>,
      %get3A_666 = vector.shape_cast %get3A_665 : vector<1x16xf32> to vector<16xf32>
      %mul3A_667 = arith.mulf %get3A_34, %get3A_666 : vector<16xf32>
      %get3A_668 = arith.index_cast %add3A_30 : i32 to index
      %get3A_669 = arith.constant 624 : index
      %get3A_670 = tpu.vector_load %arg13[%get3A_668, %get3A_669] {strides = array<i32>} : memref<32x768xf32, #tpu.memory_space<vmem>>, vector<1x16xf32>,
      %get3A_671 = vector.shape_cast %get3A_670 : vector<1x16xf32> to vector<16xf32>
      %mul3A_672 = arith.mulf %get3A_39, %get3A_671 : vector<16xf32>
      %add3A_673 = arith.addf %mul3A_667, %mul3A_672 : vector<16xf32>
      %swap3A_674 = arith.index_cast %add3A_30 : i32 to index
      %swap3A_675 = arith.constant 624 : index
      %swap3A_676 = tpu.vector_load %arg14[%swap3A_674, %swap3A_675] {strides = array<i32>} : memref<32x768xf32, #tpu.memory_space<vmem>>, vector<1x16xf32>,
      %swap3A_677 = vector.shape_cast %swap3A_676 : vector<1x16xf32> to vector<16xf32>
      %swap3A_678 = vector.shape_cast %add3A_673 : vector<16xf32> to vector<1x16xf32>
      tpu.vector_store %arg14[%swap3A_674, %swap3A_675], %swap3A_678 {strides = array<i32>} : memref<32x768xf32, #tpu.memory_space<vmem>>, vector<1x16xf32>,
      %get3A_679 = arith.index_cast %add3A_30 : i32 to index
      %get3A_680 = arith.constant 640 : index
      %get3A_681 = tpu.vector_load %arg12[%get3A_679, %get3A_680] {strides = array<i32>} : memref<32x768xf32, #tpu.memory_space<vmem>>, vector<1x16xf32>,
      %get3A_682 = vector.shape_cast %get3A_681 : vector<1x16xf32> to vector<16xf32>
      %mul3A_683 = arith.mulf %get3A_34, %get3A_682 : vector<16xf32>
      %get3A_684 = arith.index_cast %add3A_30 : i32 to index
      %get3A_685 = arith.constant 640 : index
      %get3A_686 = tpu.vector_load %arg13[%get3A_684, %get3A_685] {strides = array<i32>} : memref<32x768xf32, #tpu.memory_space<vmem>>, vector<1x16xf32>,
      %get3A_687 = vector.shape_cast %get3A_686 : vector<1x16xf32> to vector<16xf32>
      %mul3A_688 = arith.mulf %get3A_39, %get3A_687 : vector<16xf32>
      %add3A_689 = arith.addf %mul3A_683, %mul3A_688 : vector<16xf32>
      %swap3A_690 = arith.index_cast %add3A_30 : i32 to index
      %swap3A_691 = arith.constant 640 : index
      %swap3A_692 = tpu.vector_load %arg14[%swap3A_690, %swap3A_691] {strides = array<i32>} : memref<32x768xf32, #tpu.memory_space<vmem>>, vector<1x16xf32>,
      %swap3A_693 = vector.shape_cast %swap3A_692 : vector<1x16xf32> to vector<16xf32>
      %swap3A_694 = vector.shape_cast %add3A_689 : vector<16xf32> to vector<1x16xf32>
      tpu.vector_store %arg14[%swap3A_690, %swap3A_691], %swap3A_694 {strides = array<i32>} : memref<32x768xf32, #tpu.memory_space<vmem>>, vector<1x16xf32>,
      %get3A_695 = arith.index_cast %add3A_30 : i32 to index
      %get3A_696 = arith.constant 656 : index
      %get3A_697 = tpu.vector_load %arg12[%get3A_695, %get3A_696] {strides = array<i32>} : memref<32x768xf32, #tpu.memory_space<vmem>>, vector<1x16xf32>,
      %get3A_698 = vector.shape_cast %get3A_697 : vector<1x16xf32> to vector<16xf32>
      %mul3A_699 = arith.mulf %get3A_34, %get3A_698 : vector<16xf32>
      %get3A_700 = arith.index_cast %add3A_30 : i32 to index
      %get3A_701 = arith.constant 656 : index
      %get3A_702 = tpu.vector_load %arg13[%get3A_700, %get3A_701] {strides = array<i32>} : memref<32x768xf32, #tpu.memory_space<vmem>>, vector<1x16xf32>,
      %get3A_703 = vector.shape_cast %get3A_702 : vector<1x16xf32> to vector<16xf32>
      %mul3A_704 = arith.mulf %get3A_39, %get3A_703 : vector<16xf32>
      %add3A_705 = arith.addf %mul3A_699, %mul3A_704 : vector<16xf32>
      %swap3A_706 = arith.index_cast %add3A_30 : i32 to index
      %swap3A_707 = arith.constant 656 : index
      %swap3A_708 = tpu.vector_load %arg14[%swap3A_706, %swap3A_707] {strides = array<i32>} : memref<32x768xf32, #tpu.memory_space<vmem>>, vector<1x16xf32>,
      %swap3A_709 = vector.shape_cast %swap3A_708 : vector<1x16xf32> to vector<16xf32>
      %swap3A_710 = vector.shape_cast %add3A_705 : vector<16xf32> to vector<1x16xf32>
      tpu.vector_store %arg14[%swap3A_706, %swap3A_707], %swap3A_710 {strides = array<i32>} : memref<32x768xf32, #tpu.memory_space<vmem>>, vector<1x16xf32>,
      %get3A_711 = arith.index_cast %add3A_30 : i32 to index
      %get3A_712 = arith.constant 672 : index
      %get3A_713 = tpu.vector_load %arg12[%get3A_711, %get3A_712] {strides = array<i32>} : memref<32x768xf32, #tpu.memory_space<vmem>>, vector<1x16xf32>,
      %get3A_714 = vector.shape_cast %get3A_713 : vector<1x16xf32> to vector<16xf32>
      %mul3A_715 = arith.mulf %get3A_34, %get3A_714 : vector<16xf32>
      %get3A_716 = arith.index_cast %add3A_30 : i32 to index
      %get3A_717 = arith.constant 672 : index
      %get3A_718 = tpu.vector_load %arg13[%get3A_716, %get3A_717] {strides = array<i32>} : memref<32x768xf32, #tpu.memory_space<vmem>>, vector<1x16xf32>,
      %get3A_719 = vector.shape_cast %get3A_718 : vector<1x16xf32> to vector<16xf32>
      %mul3A_720 = arith.mulf %get3A_39, %get3A_719 : vector<16xf32>
      %add3A_721 = arith.addf %mul3A_715, %mul3A_720 : vector<16xf32>
      %swap3A_722 = arith.index_cast %add3A_30 : i32 to index
      %swap3A_723 = arith.constant 672 : index
      %swap3A_724 = tpu.vector_load %arg14[%swap3A_722, %swap3A_723] {strides = array<i32>} : memref<32x768xf32, #tpu.memory_space<vmem>>, vector<1x16xf32>,
      %swap3A_725 = vector.shape_cast %swap3A_724 : vector<1x16xf32> to vector<16xf32>
      %swap3A_726 = vector.shape_cast %add3A_721 : vector<16xf32> to vector<1x16xf32>
      tpu.vector_store %arg14[%swap3A_722, %swap3A_723], %swap3A_726 {strides = array<i32>} : memref<32x768xf32, #tpu.memory_space<vmem>>, vector<1x16xf32>,
      %get3A_727 = arith.index_cast %add3A_30 : i32 to index
      %get3A_728 = arith.constant 688 : index
      %get3A_729 = tpu.vector_load %arg12[%get3A_727, %get3A_728] {strides = array<i32>} : memref<32x768xf32, #tpu.memory_space<vmem>>, vector<1x16xf32>,
      %get3A_730 = vector.shape_cast %get3A_729 : vector<1x16xf32> to vector<16xf32>
      %mul3A_731 = arith.mulf %get3A_34, %get3A_730 : vector<16xf32>
      %get3A_732 = arith.index_cast %add3A_30 : i32 to index
      %get3A_733 = arith.constant 688 : index
      %get3A_734 = tpu.vector_load %arg13[%get3A_732, %get3A_733] {strides = array<i32>} : memref<32x768xf32, #tpu.memory_space<vmem>>, vector<1x16xf32>,
      %get3A_735 = vector.shape_cast %get3A_734 : vector<1x16xf32> to vector<16xf32>
      %mul3A_736 = arith.mulf %get3A_39, %get3A_735 : vector<16xf32>
      %add3A_737 = arith.addf %mul3A_731, %mul3A_736 : vector<16xf32>
      %swap3A_738 = arith.index_cast %add3A_30 : i32 to index
      %swap3A_739 = arith.constant 688 : index
      %swap3A_740 = tpu.vector_load %arg14[%swap3A_738, %swap3A_739] {strides = array<i32>} : memref<32x768xf32, #tpu.memory_space<vmem>>, vector<1x16xf32>,
      %swap3A_741 = vector.shape_cast %swap3A_740 : vector<1x16xf32> to vector<16xf32>
      %swap3A_742 = vector.shape_cast %add3A_737 : vector<16xf32> to vector<1x16xf32>
      tpu.vector_store %arg14[%swap3A_738, %swap3A_739], %swap3A_742 {strides = array<i32>} : memref<32x768xf32, #tpu.memory_space<vmem>>, vector<1x16xf32>,
      %get3A_743 = arith.index_cast %add3A_30 : i32 to index
      %get3A_744 = arith.constant 704 : index
      %get3A_745 = tpu.vector_load %arg12[%get3A_743, %get3A_744] {strides = array<i32>} : memref<32x768xf32, #tpu.memory_space<vmem>>, vector<1x16xf32>,
      %get3A_746 = vector.shape_cast %get3A_745 : vector<1x16xf32> to vector<16xf32>
      %mul3A_747 = arith.mulf %get3A_34, %get3A_746 : vector<16xf32>
      %get3A_748 = arith.index_cast %add3A_30 : i32 to index
      %get3A_749 = arith.constant 704 : index
      %get3A_750 = tpu.vector_load %arg13[%get3A_748, %get3A_749] {strides = array<i32>} : memref<32x768xf32, #tpu.memory_space<vmem>>, vector<1x16xf32>,
      %get3A_751 = vector.shape_cast %get3A_750 : vector<1x16xf32> to vector<16xf32>
      %mul3A_752 = arith.mulf %get3A_39, %get3A_751 : vector<16xf32>
      %add3A_753 = arith.addf %mul3A_747, %mul3A_752 : vector<16xf32>
      %swap3A_754 = arith.index_cast %add3A_30 : i32 to index
      %swap3A_755 = arith.constant 704 : index
      %swap3A_756 = tpu.vector_load %arg14[%swap3A_754, %swap3A_755] {strides = array<i32>} : memref<32x768xf32, #tpu.memory_space<vmem>>, vector<1x16xf32>,
      %swap3A_757 = vector.shape_cast %swap3A_756 : vector<1x16xf32> to vector<16xf32>
      %swap3A_758 = vector.shape_cast %add3A_753 : vector<16xf32> to vector<1x16xf32>
      tpu.vector_store %arg14[%swap3A_754, %swap3A_755], %swap3A_758 {strides = array<i32>} : memref<32x768xf32, #tpu.memory_space<vmem>>, vector<1x16xf32>,
      %get3A_759 = arith.index_cast %add3A_30 : i32 to index
      %get3A_760 = arith.constant 720 : index
      %get3A_761 = tpu.vector_load %arg12[%get3A_759, %get3A_760] {strides = array<i32>} : memref<32x768xf32, #tpu.memory_space<vmem>>, vector<1x16xf32>,
      %get3A_762 = vector.shape_cast %get3A_761 : vector<1x16xf32> to vector<16xf32>
      %mul3A_763 = arith.mulf %get3A_34, %get3A_762 : vector<16xf32>
      %get3A_764 = arith.index_cast %add3A_30 : i32 to index
      %get3A_765 = arith.constant 720 : index
      %get3A_766 = tpu.vector_load %arg13[%get3A_764, %get3A_765] {strides = array<i32>} : memref<32x768xf32, #tpu.memory_space<vmem>>, vector<1x16xf32>,
      %get3A_767 = vector.shape_cast %get3A_766 : vector<1x16xf32> to vector<16xf32>
      %mul3A_768 = arith.mulf %get3A_39, %get3A_767 : vector<16xf32>
      %add3A_769 = arith.addf %mul3A_763, %mul3A_768 : vector<16xf32>
      %swap3A_770 = arith.index_cast %add3A_30 : i32 to index
      %swap3A_771 = arith.constant 720 : index
      %swap3A_772 = tpu.vector_load %arg14[%swap3A_770, %swap3A_771] {strides = array<i32>} : memref<32x768xf32, #tpu.memory_space<vmem>>, vector<1x16xf32>,
      %swap3A_773 = vector.shape_cast %swap3A_772 : vector<1x16xf32> to vector<16xf32>
      %swap3A_774 = vector.shape_cast %add3A_769 : vector<16xf32> to vector<1x16xf32>
      tpu.vector_store %arg14[%swap3A_770, %swap3A_771], %swap3A_774 {strides = array<i32>} : memref<32x768xf32, #tpu.memory_space<vmem>>, vector<1x16xf32>,
      %get3A_775 = arith.index_cast %add3A_30 : i32 to index
      %get3A_776 = arith.constant 736 : index
      %get3A_777 = tpu.vector_load %arg12[%get3A_775, %get3A_776] {strides = array<i32>} : memref<32x768xf32, #tpu.memory_space<vmem>>, vector<1x16xf32>,
      %get3A_778 = vector.shape_cast %get3A_777 : vector<1x16xf32> to vector<16xf32>
      %mul3A_779 = arith.mulf %get3A_34, %get3A_778 : vector<16xf32>
      %get3A_780 = arith.index_cast %add3A_30 : i32 to index
      %get3A_781 = arith.constant 736 : index
      %get3A_782 = tpu.vector_load %arg13[%get3A_780, %get3A_781] {strides = array<i32>} : memref<32x768xf32, #tpu.memory_space<vmem>>, vector<1x16xf32>,
      %get3A_783 = vector.shape_cast %get3A_782 : vector<1x16xf32> to vector<16xf32>
      %mul3A_784 = arith.mulf %get3A_39, %get3A_783 : vector<16xf32>
      %add3A_785 = arith.addf %mul3A_779, %mul3A_784 : vector<16xf32>
      %swap3A_786 = arith.index_cast %add3A_30 : i32 to index
      %swap3A_787 = arith.constant 736 : index
      %swap3A_788 = tpu.vector_load %arg14[%swap3A_786, %swap3A_787] {strides = array<i32>} : memref<32x768xf32, #tpu.memory_space<vmem>>, vector<1x16xf32>,
      %swap3A_789 = vector.shape_cast %swap3A_788 : vector<1x16xf32> to vector<16xf32>
      %swap3A_790 = vector.shape_cast %add3A_785 : vector<16xf32> to vector<1x16xf32>
      tpu.vector_store %arg14[%swap3A_786, %swap3A_787], %swap3A_790 {strides = array<i32>} : memref<32x768xf32, #tpu.memory_space<vmem>>, vector<1x16xf32>,
      %get3A_791 = arith.index_cast %add3A_30 : i32 to index
      %get3A_792 = arith.constant 752 : index
      %get3A_793 = tpu.vector_load %arg12[%get3A_791, %get3A_792] {strides = array<i32>} : memref<32x768xf32, #tpu.memory_space<vmem>>, vector<1x16xf32>,
      %get3A_794 = vector.shape_cast %get3A_793 : vector<1x16xf32> to vector<16xf32>
      %mul3A_795 = arith.mulf %get3A_34, %get3A_794 : vector<16xf32>
      %get3A_796 = arith.index_cast %add3A_30 : i32 to index
      %get3A_797 = arith.constant 752 : index
      %get3A_798 = tpu.vector_load %arg13[%get3A_796, %get3A_797] {strides = array<i32>} : memref<32x768xf32, #tpu.memory_space<vmem>>, vector<1x16xf32>,
      %get3A_799 = vector.shape_cast %get3A_798 : vector<1x16xf32> to vector<16xf32>
      %mul3A_800 = arith.mulf %get3A_39, %get3A_799 : vector<16xf32>
      %add3A_801 = arith.addf %mul3A_795, %mul3A_800 : vector<16xf32>
      %swap3A_802 = arith.index_cast %add3A_30 : i32 to index
      %swap3A_803 = arith.constant 752 : index
      %swap3A_804 = tpu.vector_load %arg14[%swap3A_802, %swap3A_803] {strides = array<i32>} : memref<32x768xf32, #tpu.memory_space<vmem>>, vector<1x16xf32>,
      %swap3A_805 = vector.shape_cast %swap3A_804 : vector<1x16xf32> to vector<16xf32>
      %swap3A_806 = vector.shape_cast %add3A_801 : vector<16xf32> to vector<1x16xf32>
      tpu.vector_store %arg14[%swap3A_802, %swap3A_803], %swap3A_806 {strides = array<i32>} : memref<32x768xf32, #tpu.memory_space<vmem>>, vector<1x16xf32>,
    }
    %scan3A_12 = arith.constant 32 : i32
    "tpu.region"() ({
      %run_scoped3A = tpu.sem_alloc : memref<!tpu.dma_semaphore, #tpu.memory_space<semaphore_mem>>
      %dma_start3A = arith.constant 0 : i32
      %dma_start3A_26 = tpu.memref_slice %arg7[%add3A_4, %dma_start3A] : memref<2048x768xf32, #tpu.memory_space<hbm>> -> memref<32x768xf32, #tpu.memory_space<hbm>>
      %dma_start3A_27 = arith.constant 0 : i32
      %dma_start3A_28 = tpu.memref_slice %arg7[%add3A_4, %dma_start3A_27] : memref<2048x768xf32, #tpu.memory_space<hbm>> -> memref<32x768xf32, #tpu.memory_space<hbm>>
      tpu.enqueue_dma source(%arg14 : memref<32x768xf32, #tpu.memory_space<vmem>>) target(%dma_start3A_28 : memref<32x768xf32, #tpu.memory_space<hbm>>) target_semaphore(%run_scoped3A : memref<!tpu.dma_semaphore, #tpu.memory_space<semaphore_mem>>)
      %dma_wait3A = arith.constant 0 : i32
      %dma_wait3A_29 = tpu.memref_slice %arg7[%add3A_4, %dma_wait3A] : memref<2048x768xf32, #tpu.memory_space<hbm>> -> memref<32x768xf32, #tpu.memory_space<hbm>>
      %dma_wait3A_30 = arith.constant 0 : i32
      %dma_wait3A_31 = tpu.memref_slice %arg7[%add3A_4, %dma_wait3A_30] : memref<2048x768xf32, #tpu.memory_space<hbm>> -> memref<32x768xf32, #tpu.memory_space<hbm>>
      tpu.wait_dma2 semaphore(%run_scoped3A : memref<!tpu.dma_semaphore, #tpu.memory_space<semaphore_mem>>) src(%arg14 : memref<32x768xf32, #tpu.memory_space<vmem>>) dst(%dma_wait3A_31 : memref<32x768xf32, #tpu.memory_space<hbm>>)
      tpu.yield
    }) : () -> ()
    %mul3A_13 = arith.constant 64 : i32
    %mul3A_14 = arith.muli %add3A, %mul3A_13 : i32
    %add3A_15 = arith.constant 32 : i32
    %add3A_16 = arith.addi %mul3A_14, %add3A_15 : i32
    "tpu.region"() ({
      %run_scoped3A = tpu.sem_alloc : memref<!tpu.dma_semaphore, #tpu.memory_space<semaphore_mem>>
      %dma_start3A = tpu.memref_slice %arg3[%add3A_16] : memref<2048xi32, #tpu.memory_space<hbm>> -> memref<32xi32, #tpu.memory_space<hbm>>
      %dma_start3A_26 = tpu.memref_slice %arg3[%add3A_16] : memref<2048xi32, #tpu.memory_space<hbm>> -> memref<32xi32, #tpu.memory_space<hbm>>
      tpu.enqueue_dma source(%dma_start3A_26 : memref<32xi32, #tpu.memory_space<hbm>>) target(%arg8 : memref<32xi32, #tpu.memory_space<vmem>>) target_semaphore(%run_scoped3A : memref<!tpu.dma_semaphore, #tpu.memory_space<semaphore_mem>>)
      %dma_wait3A = tpu.memref_slice %arg3[%add3A_16] : memref<2048xi32, #tpu.memory_space<hbm>> -> memref<32xi32, #tpu.memory_space<hbm>>
      %dma_wait3A_27 = tpu.memref_slice %arg3[%add3A_16] : memref<2048xi32, #tpu.memory_space<hbm>> -> memref<32xi32, #tpu.memory_space<hbm>>
      tpu.wait_dma2 semaphore(%run_scoped3A : memref<!tpu.dma_semaphore, #tpu.memory_space<semaphore_mem>>) src(%dma_wait3A_27 : memref<32xi32, #tpu.memory_space<hbm>>) dst(%arg8 : memref<32xi32, #tpu.memory_space<vmem>>)
      tpu.yield
    }) : () -> ()
    "tpu.region"() ({
      %run_scoped3A = tpu.sem_alloc : memref<!tpu.dma_semaphore, #tpu.memory_space<semaphore_mem>>
      %dma_start3A = tpu.memref_slice %arg4[%add3A_16] : memref<2048xi32, #tpu.memory_space<hbm>> -> memref<32xi32, #tpu.memory_space<hbm>>
      %dma_start3A_26 = tpu.memref_slice %arg4[%add3A_16] : memref<2048xi32, #tpu.memory_space<hbm>> -> memref<32xi32, #tpu.memory_space<hbm>>
      tpu.enqueue_dma source(%dma_start3A_26 : memref<32xi32, #tpu.memory_space<hbm>>) target(%arg9 : memref<32xi32, #tpu.memory_space<vmem>>) target_semaphore(%run_scoped3A : memref<!tpu.dma_semaphore, #tpu.memory_space<semaphore_mem>>)
      %dma_wait3A = tpu.memref_slice %arg4[%add3A_16] : memref<2048xi32, #tpu.memory_space<hbm>> -> memref<32xi32, #tpu.memory_space<hbm>>
      %dma_wait3A_27 = tpu.memref_slice %arg4[%add3A_16] : memref<2048xi32, #tpu.memory_space<hbm>> -> memref<32xi32, #tpu.memory_space<hbm>>
      tpu.wait_dma2 semaphore(%run_scoped3A : memref<!tpu.dma_semaphore, #tpu.memory_space<semaphore_mem>>) src(%dma_wait3A_27 : memref<32xi32, #tpu.memory_space<hbm>>) dst(%arg9 : memref<32xi32, #tpu.memory_space<vmem>>)
      tpu.yield
    }) : () -> ()
    %mul3A_17 = arith.constant 16 : i32
    %mul3A_18 = arith.muli %add3A_16, %mul3A_17 : i32
    "tpu.region"() ({
      %run_scoped3A = tpu.sem_alloc : memref<!tpu.dma_semaphore, #tpu.memory_space<semaphore_mem>>
      %dma_start3A = tpu.memref_slice %arg5[%mul3A_18] : memref<32768xf32, #tpu.memory_space<hbm>> -> memref<512xf32, #tpu.memory_space<hbm>>
      %dma_start3A_26 = tpu.memref_slice %arg5[%mul3A_18] : memref<32768xf32, #tpu.memory_space<hbm>> -> memref<512xf32, #tpu.memory_space<hbm>>
      tpu.enqueue_dma source(%dma_start3A_26 : memref<512xf32, #tpu.memory_space<hbm>>) target(%arg10 : memref<512xf32, #tpu.memory_space<vmem>>) target_semaphore(%run_scoped3A : memref<!tpu.dma_semaphore, #tpu.memory_space<semaphore_mem>>)
      %dma_wait3A = tpu.memref_slice %arg5[%mul3A_18] : memref<32768xf32, #tpu.memory_space<hbm>> -> memref<512xf32, #tpu.memory_space<hbm>>
      %dma_wait3A_27 = tpu.memref_slice %arg5[%mul3A_18] : memref<32768xf32, #tpu.memory_space<hbm>> -> memref<512xf32, #tpu.memory_space<hbm>>
      tpu.wait_dma2 semaphore(%run_scoped3A : memref<!tpu.dma_semaphore, #tpu.memory_space<semaphore_mem>>) src(%dma_wait3A_27 : memref<512xf32, #tpu.memory_space<hbm>>) dst(%arg10 : memref<512xf32, #tpu.memory_space<vmem>>)
      tpu.yield
    }) : () -> ()
    %mul3A_19 = arith.constant 16 : i32
    %mul3A_20 = arith.muli %add3A_16, %mul3A_19 : i32
    "tpu.region"() ({
      %run_scoped3A = tpu.sem_alloc : memref<!tpu.dma_semaphore, #tpu.memory_space<semaphore_mem>>
      %dma_start3A = tpu.memref_slice %arg6[%mul3A_20] : memref<32768xf32, #tpu.memory_space<hbm>> -> memref<512xf32, #tpu.memory_space<hbm>>
      %dma_start3A_26 = tpu.memref_slice %arg6[%mul3A_20] : memref<32768xf32, #tpu.memory_space<hbm>> -> memref<512xf32, #tpu.memory_space<hbm>>
      tpu.enqueue_dma source(%dma_start3A_26 : memref<512xf32, #tpu.memory_space<hbm>>) target(%arg11 : memref<512xf32, #tpu.memory_space<vmem>>) target_semaphore(%run_scoped3A : memref<!tpu.dma_semaphore, #tpu.memory_space<semaphore_mem>>)
      %dma_wait3A = tpu.memref_slice %arg6[%mul3A_20] : memref<32768xf32, #tpu.memory_space<hbm>> -> memref<512xf32, #tpu.memory_space<hbm>>
      %dma_wait3A_27 = tpu.memref_slice %arg6[%mul3A_20] : memref<32768xf32, #tpu.memory_space<hbm>> -> memref<512xf32, #tpu.memory_space<hbm>>
      tpu.wait_dma2 semaphore(%run_scoped3A : memref<!tpu.dma_semaphore, #tpu.memory_space<semaphore_mem>>) src(%dma_wait3A_27 : memref<512xf32, #tpu.memory_space<hbm>>) dst(%arg11 : memref<512xf32, #tpu.memory_space<vmem>>)
      tpu.yield
    }) : () -> ()
    "tpu.region"() ({
      %run_scoped3A = tpu.sem_alloc : memref<!tpu.dma_semaphore, #tpu.memory_space<semaphore_mem>>
      %dma_start3A = arith.constant 0 : i32
      %dma_start3A_26 = arith.constant 0 : i32
      %dma_start3A_27 = tpu.memref_slice %arg2[%dma_start3A, %dma_start3A_26] : memref<5120x768xf32, #tpu.memory_space<hbm>> -> memref<5120x768xf32, #tpu.memory_space<hbm>>
      tpu.enqueue_indirect_dma source(%dma_start3A_27 : memref<5120x768xf32, #tpu.memory_space<hbm>>) target(%arg12 : memref<32x768xf32, #tpu.memory_space<vmem>>) offsets(%arg8 : memref<32xi32, #tpu.memory_space<vmem>>) semaphore(%run_scoped3A : memref<!tpu.dma_semaphore, #tpu.memory_space<semaphore_mem>>)
      %dma_wait3A = arith.constant 0 : i32
      %dma_wait3A_28 = arith.constant 0 : i32
      %dma_wait3A_29 = tpu.memref_slice %arg2[%dma_wait3A, %dma_wait3A_28] : memref<5120x768xf32, #tpu.memory_space<hbm>> -> memref<5120x768xf32, #tpu.memory_space<hbm>>
      tpu.wait_indirect_dma semaphore(%run_scoped3A : memref<!tpu.dma_semaphore, #tpu.memory_space<semaphore_mem>>) src(%dma_wait3A_29 : memref<5120x768xf32, #tpu.memory_space<hbm>>) dst(%arg12 : memref<32x768xf32, #tpu.memory_space<vmem>>)
      tpu.yield
    }) : () -> ()
    "tpu.region"() ({
      %run_scoped3A = tpu.sem_alloc : memref<!tpu.dma_semaphore, #tpu.memory_space<semaphore_mem>>
      %dma_start3A = arith.constant 0 : i32
      %dma_start3A_26 = arith.constant 0 : i32
      %dma_start3A_27 = tpu.memref_slice %arg2[%dma_start3A, %dma_start3A_26] : memref<5120x768xf32, #tpu.memory_space<hbm>> -> memref<5120x768xf32, #tpu.memory_space<hbm>>
      tpu.enqueue_indirect_dma source(%dma_start3A_27 : memref<5120x768xf32, #tpu.memory_space<hbm>>) target(%arg13 : memref<32x768xf32, #tpu.memory_space<vmem>>) offsets(%arg9 : memref<32xi32, #tpu.memory_space<vmem>>) semaphore(%run_scoped3A : memref<!tpu.dma_semaphore, #tpu.memory_space<semaphore_mem>>)
      %dma_wait3A = arith.constant 0 : i32
      %dma_wait3A_28 = arith.constant 0 : i32
      %dma_wait3A_29 = tpu.memref_slice %arg2[%dma_wait3A, %dma_wait3A_28] : memref<5120x768xf32, #tpu.memory_space<hbm>> -> memref<5120x768xf32, #tpu.memory_space<hbm>>
      tpu.wait_indirect_dma semaphore(%run_scoped3A : memref<!tpu.dma_semaphore, #tpu.memory_space<semaphore_mem>>) src(%dma_wait3A_29 : memref<5120x768xf32, #tpu.memory_space<hbm>>) dst(%arg13 : memref<32x768xf32, #tpu.memory_space<vmem>>)
      tpu.yield
    }) : () -> ()
    %scan3A_21 = arith.constant 0 : i32
    %scan3A_22 = arith.constant 32 : i32
    %scan3A_23 = arith.addi %scan3A_21, %scan3A_22 : i32
    %scan3A_24 = arith.constant 1 : i32
    scf.for %scan3A_26 = %scan3A_21 to %scan3A_23 step %scan3A_24  : i32 {
      %mul3A_27 = arith.constant 1 : i32
      %mul3A_28 = arith.muli %scan3A_26, %mul3A_27 : i32
      %add3A_29 = arith.constant 0 : i32
      %add3A_30 = arith.addi %add3A_29, %mul3A_28 : i32
      %mul3A_31 = arith.constant 16 : i32
      %mul3A_32 = arith.muli %add3A_30, %mul3A_31 : i32
      %get3A = arith.index_cast %mul3A_32 : i32 to index
      %get3A_33 = tpu.vector_load %arg10[%get3A] {strides = array<i32>} : memref<512xf32, #tpu.memory_space<vmem>>, vector<16xf32>,
      %get3A_34 = vector.shape_cast %get3A_33 : vector<16xf32> to vector<16xf32>
      %mul3A_35 = arith.constant 16 : i32
      %mul3A_36 = arith.muli %add3A_30, %mul3A_35 : i32
      %get3A_37 = arith.index_cast %mul3A_36 : i32 to index
      %get3A_38 = tpu.vector_load %arg11[%get3A_37] {strides = array<i32>} : memref<512xf32, #tpu.memory_space<vmem>>, vector<16xf32>,
      %get3A_39 = vector.shape_cast %get3A_38 : vector<16xf32> to vector<16xf32>
      %get3A_40 = arith.index_cast %add3A_30 : i32 to index
      %get3A_41 = arith.constant 0 : index
      %get3A_42 = tpu.vector_load %arg12[%get3A_40, %get3A_41] {strides = array<i32>} : memref<32x768xf32, #tpu.memory_space<vmem>>, vector<1x16xf32>,
      %get3A_43 = vector.shape_cast %get3A_42 : vector<1x16xf32> to vector<16xf32>
      %mul3A_44 = arith.mulf %get3A_34, %get3A_43 : vector<16xf32>
      %get3A_45 = arith.index_cast %add3A_30 : i32 to index
      %get3A_46 = arith.constant 0 : index
      %get3A_47 = tpu.vector_load %arg13[%get3A_45, %get3A_46] {strides = array<i32>} : memref<32x768xf32, #tpu.memory_space<vmem>>, vector<1x16xf32>,
      %get3A_48 = vector.shape_cast %get3A_47 : vector<1x16xf32> to vector<16xf32>
      %mul3A_49 = arith.mulf %get3A_39, %get3A_48 : vector<16xf32>
      %add3A_50 = arith.addf %mul3A_44, %mul3A_49 : vector<16xf32>
      %swap3A = arith.index_cast %add3A_30 : i32 to index
      %swap3A_51 = arith.constant 0 : index
      %swap3A_52 = tpu.vector_load %arg14[%swap3A, %swap3A_51] {strides = array<i32>} : memref<32x768xf32, #tpu.memory_space<vmem>>, vector<1x16xf32>,
      %swap3A_53 = vector.shape_cast %swap3A_52 : vector<1x16xf32> to vector<16xf32>
      %swap3A_54 = vector.shape_cast %add3A_50 : vector<16xf32> to vector<1x16xf32>
      tpu.vector_store %arg14[%swap3A, %swap3A_51], %swap3A_54 {strides = array<i32>} : memref<32x768xf32, #tpu.memory_space<vmem>>, vector<1x16xf32>,
      %get3A_55 = arith.index_cast %add3A_30 : i32 to index
      %get3A_56 = arith.constant 16 : index
      %get3A_57 = tpu.vector_load %arg12[%get3A_55, %get3A_56] {strides = array<i32>} : memref<32x768xf32, #tpu.memory_space<vmem>>, vector<1x16xf32>,
      %get3A_58 = vector.shape_cast %get3A_57 : vector<1x16xf32> to vector<16xf32>
      %mul3A_59 = arith.mulf %get3A_34, %get3A_58 : vector<16xf32>
      %get3A_60 = arith.index_cast %add3A_30 : i32 to index
      %get3A_61 = arith.constant 16 : index
      %get3A_62 = tpu.vector_load %arg13[%get3A_60, %get3A_61] {strides = array<i32>} : memref<32x768xf32, #tpu.memory_space<vmem>>, vector<1x16xf32>,
      %get3A_63 = vector.shape_cast %get3A_62 : vector<1x16xf32> to vector<16xf32>
      %mul3A_64 = arith.mulf %get3A_39, %get3A_63 : vector<16xf32>
      %add3A_65 = arith.addf %mul3A_59, %mul3A_64 : vector<16xf32>
      %swap3A_66 = arith.index_cast %add3A_30 : i32 to index
      %swap3A_67 = arith.constant 16 : index
      %swap3A_68 = tpu.vector_load %arg14[%swap3A_66, %swap3A_67] {strides = array<i32>} : memref<32x768xf32, #tpu.memory_space<vmem>>, vector<1x16xf32>,
      %swap3A_69 = vector.shape_cast %swap3A_68 : vector<1x16xf32> to vector<16xf32>
      %swap3A_70 = vector.shape_cast %add3A_65 : vector<16xf32> to vector<1x16xf32>
      tpu.vector_store %arg14[%swap3A_66, %swap3A_67], %swap3A_70 {strides = array<i32>} : memref<32x768xf32, #tpu.memory_space<vmem>>, vector<1x16xf32>,
      %get3A_71 = arith.index_cast %add3A_30 : i32 to index
      %get3A_72 = arith.constant 32 : index
      %get3A_73 = tpu.vector_load %arg12[%get3A_71, %get3A_72] {strides = array<i32>} : memref<32x768xf32, #tpu.memory_space<vmem>>, vector<1x16xf32>,
      %get3A_74 = vector.shape_cast %get3A_73 : vector<1x16xf32> to vector<16xf32>
      %mul3A_75 = arith.mulf %get3A_34, %get3A_74 : vector<16xf32>
      %get3A_76 = arith.index_cast %add3A_30 : i32 to index
      %get3A_77 = arith.constant 32 : index
      %get3A_78 = tpu.vector_load %arg13[%get3A_76, %get3A_77] {strides = array<i32>} : memref<32x768xf32, #tpu.memory_space<vmem>>, vector<1x16xf32>,
      %get3A_79 = vector.shape_cast %get3A_78 : vector<1x16xf32> to vector<16xf32>
      %mul3A_80 = arith.mulf %get3A_39, %get3A_79 : vector<16xf32>
      %add3A_81 = arith.addf %mul3A_75, %mul3A_80 : vector<16xf32>
      %swap3A_82 = arith.index_cast %add3A_30 : i32 to index
      %swap3A_83 = arith.constant 32 : index
      %swap3A_84 = tpu.vector_load %arg14[%swap3A_82, %swap3A_83] {strides = array<i32>} : memref<32x768xf32, #tpu.memory_space<vmem>>, vector<1x16xf32>,
      %swap3A_85 = vector.shape_cast %swap3A_84 : vector<1x16xf32> to vector<16xf32>
      %swap3A_86 = vector.shape_cast %add3A_81 : vector<16xf32> to vector<1x16xf32>
      tpu.vector_store %arg14[%swap3A_82, %swap3A_83], %swap3A_86 {strides = array<i32>} : memref<32x768xf32, #tpu.memory_space<vmem>>, vector<1x16xf32>,
      %get3A_87 = arith.index_cast %add3A_30 : i32 to index
      %get3A_88 = arith.constant 48 : index
      %get3A_89 = tpu.vector_load %arg12[%get3A_87, %get3A_88] {strides = array<i32>} : memref<32x768xf32, #tpu.memory_space<vmem>>, vector<1x16xf32>,
      %get3A_90 = vector.shape_cast %get3A_89 : vector<1x16xf32> to vector<16xf32>
      %mul3A_91 = arith.mulf %get3A_34, %get3A_90 : vector<16xf32>
      %get3A_92 = arith.index_cast %add3A_30 : i32 to index
      %get3A_93 = arith.constant 48 : index
      %get3A_94 = tpu.vector_load %arg13[%get3A_92, %get3A_93] {strides = array<i32>} : memref<32x768xf32, #tpu.memory_space<vmem>>, vector<1x16xf32>,
      %get3A_95 = vector.shape_cast %get3A_94 : vector<1x16xf32> to vector<16xf32>
      %mul3A_96 = arith.mulf %get3A_39, %get3A_95 : vector<16xf32>
      %add3A_97 = arith.addf %mul3A_91, %mul3A_96 : vector<16xf32>
      %swap3A_98 = arith.index_cast %add3A_30 : i32 to index
      %swap3A_99 = arith.constant 48 : index
      %swap3A_100 = tpu.vector_load %arg14[%swap3A_98, %swap3A_99] {strides = array<i32>} : memref<32x768xf32, #tpu.memory_space<vmem>>, vector<1x16xf32>,
      %swap3A_101 = vector.shape_cast %swap3A_100 : vector<1x16xf32> to vector<16xf32>
      %swap3A_102 = vector.shape_cast %add3A_97 : vector<16xf32> to vector<1x16xf32>
      tpu.vector_store %arg14[%swap3A_98, %swap3A_99], %swap3A_102 {strides = array<i32>} : memref<32x768xf32, #tpu.memory_space<vmem>>, vector<1x16xf32>,
      %get3A_103 = arith.index_cast %add3A_30 : i32 to index
      %get3A_104 = arith.constant 64 : index
      %get3A_105 = tpu.vector_load %arg12[%get3A_103, %get3A_104] {strides = array<i32>} : memref<32x768xf32, #tpu.memory_space<vmem>>, vector<1x16xf32>,
      %get3A_106 = vector.shape_cast %get3A_105 : vector<1x16xf32> to vector<16xf32>
      %mul3A_107 = arith.mulf %get3A_34, %get3A_106 : vector<16xf32>
      %get3A_108 = arith.index_cast %add3A_30 : i32 to index
      %get3A_109 = arith.constant 64 : index
      %get3A_110 = tpu.vector_load %arg13[%get3A_108, %get3A_109] {strides = array<i32>} : memref<32x768xf32, #tpu.memory_space<vmem>>, vector<1x16xf32>,
      %get3A_111 = vector.shape_cast %get3A_110 : vector<1x16xf32> to vector<16xf32>
      %mul3A_112 = arith.mulf %get3A_39, %get3A_111 : vector<16xf32>
      %add3A_113 = arith.addf %mul3A_107, %mul3A_112 : vector<16xf32>
      %swap3A_114 = arith.index_cast %add3A_30 : i32 to index
      %swap3A_115 = arith.constant 64 : index
      %swap3A_116 = tpu.vector_load %arg14[%swap3A_114, %swap3A_115] {strides = array<i32>} : memref<32x768xf32, #tpu.memory_space<vmem>>, vector<1x16xf32>,
      %swap3A_117 = vector.shape_cast %swap3A_116 : vector<1x16xf32> to vector<16xf32>
      %swap3A_118 = vector.shape_cast %add3A_113 : vector<16xf32> to vector<1x16xf32>
      tpu.vector_store %arg14[%swap3A_114, %swap3A_115], %swap3A_118 {strides = array<i32>} : memref<32x768xf32, #tpu.memory_space<vmem>>, vector<1x16xf32>,
      %get3A_119 = arith.index_cast %add3A_30 : i32 to index
      %get3A_120 = arith.constant 80 : index
      %get3A_121 = tpu.vector_load %arg12[%get3A_119, %get3A_120] {strides = array<i32>} : memref<32x768xf32, #tpu.memory_space<vmem>>, vector<1x16xf32>,
      %get3A_122 = vector.shape_cast %get3A_121 : vector<1x16xf32> to vector<16xf32>
      %mul3A_123 = arith.mulf %get3A_34, %get3A_122 : vector<16xf32>
      %get3A_124 = arith.index_cast %add3A_30 : i32 to index
      %get3A_125 = arith.constant 80 : index
      %get3A_126 = tpu.vector_load %arg13[%get3A_124, %get3A_125] {strides = array<i32>} : memref<32x768xf32, #tpu.memory_space<vmem>>, vector<1x16xf32>,
      %get3A_127 = vector.shape_cast %get3A_126 : vector<1x16xf32> to vector<16xf32>
      %mul3A_128 = arith.mulf %get3A_39, %get3A_127 : vector<16xf32>
      %add3A_129 = arith.addf %mul3A_123, %mul3A_128 : vector<16xf32>
      %swap3A_130 = arith.index_cast %add3A_30 : i32 to index
      %swap3A_131 = arith.constant 80 : index
      %swap3A_132 = tpu.vector_load %arg14[%swap3A_130, %swap3A_131] {strides = array<i32>} : memref<32x768xf32, #tpu.memory_space<vmem>>, vector<1x16xf32>,
      %swap3A_133 = vector.shape_cast %swap3A_132 : vector<1x16xf32> to vector<16xf32>
      %swap3A_134 = vector.shape_cast %add3A_129 : vector<16xf32> to vector<1x16xf32>
      tpu.vector_store %arg14[%swap3A_130, %swap3A_131], %swap3A_134 {strides = array<i32>} : memref<32x768xf32, #tpu.memory_space<vmem>>, vector<1x16xf32>,
      %get3A_135 = arith.index_cast %add3A_30 : i32 to index
      %get3A_136 = arith.constant 96 : index
      %get3A_137 = tpu.vector_load %arg12[%get3A_135, %get3A_136] {strides = array<i32>} : memref<32x768xf32, #tpu.memory_space<vmem>>, vector<1x16xf32>,
      %get3A_138 = vector.shape_cast %get3A_137 : vector<1x16xf32> to vector<16xf32>
      %mul3A_139 = arith.mulf %get3A_34, %get3A_138 : vector<16xf32>
      %get3A_140 = arith.index_cast %add3A_30 : i32 to index
      %get3A_141 = arith.constant 96 : index
      %get3A_142 = tpu.vector_load %arg13[%get3A_140, %get3A_141] {strides = array<i32>} : memref<32x768xf32, #tpu.memory_space<vmem>>, vector<1x16xf32>,
      %get3A_143 = vector.shape_cast %get3A_142 : vector<1x16xf32> to vector<16xf32>
      %mul3A_144 = arith.mulf %get3A_39, %get3A_143 : vector<16xf32>
      %add3A_145 = arith.addf %mul3A_139, %mul3A_144 : vector<16xf32>
      %swap3A_146 = arith.index_cast %add3A_30 : i32 to index
      %swap3A_147 = arith.constant 96 : index
      %swap3A_148 = tpu.vector_load %arg14[%swap3A_146, %swap3A_147] {strides = array<i32>} : memref<32x768xf32, #tpu.memory_space<vmem>>, vector<1x16xf32>,
      %swap3A_149 = vector.shape_cast %swap3A_148 : vector<1x16xf32> to vector<16xf32>
      %swap3A_150 = vector.shape_cast %add3A_145 : vector<16xf32> to vector<1x16xf32>
      tpu.vector_store %arg14[%swap3A_146, %swap3A_147], %swap3A_150 {strides = array<i32>} : memref<32x768xf32, #tpu.memory_space<vmem>>, vector<1x16xf32>,
      %get3A_151 = arith.index_cast %add3A_30 : i32 to index
      %get3A_152 = arith.constant 112 : index
      %get3A_153 = tpu.vector_load %arg12[%get3A_151, %get3A_152] {strides = array<i32>} : memref<32x768xf32, #tpu.memory_space<vmem>>, vector<1x16xf32>,
      %get3A_154 = vector.shape_cast %get3A_153 : vector<1x16xf32> to vector<16xf32>
      %mul3A_155 = arith.mulf %get3A_34, %get3A_154 : vector<16xf32>
      %get3A_156 = arith.index_cast %add3A_30 : i32 to index
      %get3A_157 = arith.constant 112 : index
      %get3A_158 = tpu.vector_load %arg13[%get3A_156, %get3A_157] {strides = array<i32>} : memref<32x768xf32, #tpu.memory_space<vmem>>, vector<1x16xf32>,
      %get3A_159 = vector.shape_cast %get3A_158 : vector<1x16xf32> to vector<16xf32>
      %mul3A_160 = arith.mulf %get3A_39, %get3A_159 : vector<16xf32>
      %add3A_161 = arith.addf %mul3A_155, %mul3A_160 : vector<16xf32>
      %swap3A_162 = arith.index_cast %add3A_30 : i32 to index
      %swap3A_163 = arith.constant 112 : index
      %swap3A_164 = tpu.vector_load %arg14[%swap3A_162, %swap3A_163] {strides = array<i32>} : memref<32x768xf32, #tpu.memory_space<vmem>>, vector<1x16xf32>,
      %swap3A_165 = vector.shape_cast %swap3A_164 : vector<1x16xf32> to vector<16xf32>
      %swap3A_166 = vector.shape_cast %add3A_161 : vector<16xf32> to vector<1x16xf32>
      tpu.vector_store %arg14[%swap3A_162, %swap3A_163], %swap3A_166 {strides = array<i32>} : memref<32x768xf32, #tpu.memory_space<vmem>>, vector<1x16xf32>,
      %get3A_167 = arith.index_cast %add3A_30 : i32 to index
      %get3A_168 = arith.constant 128 : index
      %get3A_169 = tpu.vector_load %arg12[%get3A_167, %get3A_168] {strides = array<i32>} : memref<32x768xf32, #tpu.memory_space<vmem>>, vector<1x16xf32>,
      %get3A_170 = vector.shape_cast %get3A_169 : vector<1x16xf32> to vector<16xf32>
      %mul3A_171 = arith.mulf %get3A_34, %get3A_170 : vector<16xf32>
      %get3A_172 = arith.index_cast %add3A_30 : i32 to index
      %get3A_173 = arith.constant 128 : index
      %get3A_174 = tpu.vector_load %arg13[%get3A_172, %get3A_173] {strides = array<i32>} : memref<32x768xf32, #tpu.memory_space<vmem>>, vector<1x16xf32>,
      %get3A_175 = vector.shape_cast %get3A_174 : vector<1x16xf32> to vector<16xf32>
      %mul3A_176 = arith.mulf %get3A_39, %get3A_175 : vector<16xf32>
      %add3A_177 = arith.addf %mul3A_171, %mul3A_176 : vector<16xf32>
      %swap3A_178 = arith.index_cast %add3A_30 : i32 to index
      %swap3A_179 = arith.constant 128 : index
      %swap3A_180 = tpu.vector_load %arg14[%swap3A_178, %swap3A_179] {strides = array<i32>} : memref<32x768xf32, #tpu.memory_space<vmem>>, vector<1x16xf32>,
      %swap3A_181 = vector.shape_cast %swap3A_180 : vector<1x16xf32> to vector<16xf32>
      %swap3A_182 = vector.shape_cast %add3A_177 : vector<16xf32> to vector<1x16xf32>
      tpu.vector_store %arg14[%swap3A_178, %swap3A_179], %swap3A_182 {strides = array<i32>} : memref<32x768xf32, #tpu.memory_space<vmem>>, vector<1x16xf32>,
      %get3A_183 = arith.index_cast %add3A_30 : i32 to index
      %get3A_184 = arith.constant 144 : index
      %get3A_185 = tpu.vector_load %arg12[%get3A_183, %get3A_184] {strides = array<i32>} : memref<32x768xf32, #tpu.memory_space<vmem>>, vector<1x16xf32>,
      %get3A_186 = vector.shape_cast %get3A_185 : vector<1x16xf32> to vector<16xf32>
      %mul3A_187 = arith.mulf %get3A_34, %get3A_186 : vector<16xf32>
      %get3A_188 = arith.index_cast %add3A_30 : i32 to index
      %get3A_189 = arith.constant 144 : index
      %get3A_190 = tpu.vector_load %arg13[%get3A_188, %get3A_189] {strides = array<i32>} : memref<32x768xf32, #tpu.memory_space<vmem>>, vector<1x16xf32>,
      %get3A_191 = vector.shape_cast %get3A_190 : vector<1x16xf32> to vector<16xf32>
      %mul3A_192 = arith.mulf %get3A_39, %get3A_191 : vector<16xf32>
      %add3A_193 = arith.addf %mul3A_187, %mul3A_192 : vector<16xf32>
      %swap3A_194 = arith.index_cast %add3A_30 : i32 to index
      %swap3A_195 = arith.constant 144 : index
      %swap3A_196 = tpu.vector_load %arg14[%swap3A_194, %swap3A_195] {strides = array<i32>} : memref<32x768xf32, #tpu.memory_space<vmem>>, vector<1x16xf32>,
      %swap3A_197 = vector.shape_cast %swap3A_196 : vector<1x16xf32> to vector<16xf32>
      %swap3A_198 = vector.shape_cast %add3A_193 : vector<16xf32> to vector<1x16xf32>
      tpu.vector_store %arg14[%swap3A_194, %swap3A_195], %swap3A_198 {strides = array<i32>} : memref<32x768xf32, #tpu.memory_space<vmem>>, vector<1x16xf32>,
      %get3A_199 = arith.index_cast %add3A_30 : i32 to index
      %get3A_200 = arith.constant 160 : index
      %get3A_201 = tpu.vector_load %arg12[%get3A_199, %get3A_200] {strides = array<i32>} : memref<32x768xf32, #tpu.memory_space<vmem>>, vector<1x16xf32>,
      %get3A_202 = vector.shape_cast %get3A_201 : vector<1x16xf32> to vector<16xf32>
      %mul3A_203 = arith.mulf %get3A_34, %get3A_202 : vector<16xf32>
      %get3A_204 = arith.index_cast %add3A_30 : i32 to index
      %get3A_205 = arith.constant 160 : index
      %get3A_206 = tpu.vector_load %arg13[%get3A_204, %get3A_205] {strides = array<i32>} : memref<32x768xf32, #tpu.memory_space<vmem>>, vector<1x16xf32>,
      %get3A_207 = vector.shape_cast %get3A_206 : vector<1x16xf32> to vector<16xf32>
      %mul3A_208 = arith.mulf %get3A_39, %get3A_207 : vector<16xf32>
      %add3A_209 = arith.addf %mul3A_203, %mul3A_208 : vector<16xf32>
      %swap3A_210 = arith.index_cast %add3A_30 : i32 to index
      %swap3A_211 = arith.constant 160 : index
      %swap3A_212 = tpu.vector_load %arg14[%swap3A_210, %swap3A_211] {strides = array<i32>} : memref<32x768xf32, #tpu.memory_space<vmem>>, vector<1x16xf32>,
      %swap3A_213 = vector.shape_cast %swap3A_212 : vector<1x16xf32> to vector<16xf32>
      %swap3A_214 = vector.shape_cast %add3A_209 : vector<16xf32> to vector<1x16xf32>
      tpu.vector_store %arg14[%swap3A_210, %swap3A_211], %swap3A_214 {strides = array<i32>} : memref<32x768xf32, #tpu.memory_space<vmem>>, vector<1x16xf32>,
      %get3A_215 = arith.index_cast %add3A_30 : i32 to index
      %get3A_216 = arith.constant 176 : index
      %get3A_217 = tpu.vector_load %arg12[%get3A_215, %get3A_216] {strides = array<i32>} : memref<32x768xf32, #tpu.memory_space<vmem>>, vector<1x16xf32>,
      %get3A_218 = vector.shape_cast %get3A_217 : vector<1x16xf32> to vector<16xf32>
      %mul3A_219 = arith.mulf %get3A_34, %get3A_218 : vector<16xf32>
      %get3A_220 = arith.index_cast %add3A_30 : i32 to index
      %get3A_221 = arith.constant 176 : index
      %get3A_222 = tpu.vector_load %arg13[%get3A_220, %get3A_221] {strides = array<i32>} : memref<32x768xf32, #tpu.memory_space<vmem>>, vector<1x16xf32>,
      %get3A_223 = vector.shape_cast %get3A_222 : vector<1x16xf32> to vector<16xf32>
      %mul3A_224 = arith.mulf %get3A_39, %get3A_223 : vector<16xf32>
      %add3A_225 = arith.addf %mul3A_219, %mul3A_224 : vector<16xf32>
      %swap3A_226 = arith.index_cast %add3A_30 : i32 to index
      %swap3A_227 = arith.constant 176 : index
      %swap3A_228 = tpu.vector_load %arg14[%swap3A_226, %swap3A_227] {strides = array<i32>} : memref<32x768xf32, #tpu.memory_space<vmem>>, vector<1x16xf32>,
      %swap3A_229 = vector.shape_cast %swap3A_228 : vector<1x16xf32> to vector<16xf32>
      %swap3A_230 = vector.shape_cast %add3A_225 : vector<16xf32> to vector<1x16xf32>
      tpu.vector_store %arg14[%swap3A_226, %swap3A_227], %swap3A_230 {strides = array<i32>} : memref<32x768xf32, #tpu.memory_space<vmem>>, vector<1x16xf32>,
      %get3A_231 = arith.index_cast %add3A_30 : i32 to index
      %get3A_232 = arith.constant 192 : index
      %get3A_233 = tpu.vector_load %arg12[%get3A_231, %get3A_232] {strides = array<i32>} : memref<32x768xf32, #tpu.memory_space<vmem>>, vector<1x16xf32>,
      %get3A_234 = vector.shape_cast %get3A_233 : vector<1x16xf32> to vector<16xf32>
      %mul3A_235 = arith.mulf %get3A_34, %get3A_234 : vector<16xf32>
      %get3A_236 = arith.index_cast %add3A_30 : i32 to index
      %get3A_237 = arith.constant 192 : index
      %get3A_238 = tpu.vector_load %arg13[%get3A_236, %get3A_237] {strides = array<i32>} : memref<32x768xf32, #tpu.memory_space<vmem>>, vector<1x16xf32>,
      %get3A_239 = vector.shape_cast %get3A_238 : vector<1x16xf32> to vector<16xf32>
      %mul3A_240 = arith.mulf %get3A_39, %get3A_239 : vector<16xf32>
      %add3A_241 = arith.addf %mul3A_235, %mul3A_240 : vector<16xf32>
      %swap3A_242 = arith.index_cast %add3A_30 : i32 to index
      %swap3A_243 = arith.constant 192 : index
      %swap3A_244 = tpu.vector_load %arg14[%swap3A_242, %swap3A_243] {strides = array<i32>} : memref<32x768xf32, #tpu.memory_space<vmem>>, vector<1x16xf32>,
      %swap3A_245 = vector.shape_cast %swap3A_244 : vector<1x16xf32> to vector<16xf32>
      %swap3A_246 = vector.shape_cast %add3A_241 : vector<16xf32> to vector<1x16xf32>
      tpu.vector_store %arg14[%swap3A_242, %swap3A_243], %swap3A_246 {strides = array<i32>} : memref<32x768xf32, #tpu.memory_space<vmem>>, vector<1x16xf32>,
      %get3A_247 = arith.index_cast %add3A_30 : i32 to index
      %get3A_248 = arith.constant 208 : index
      %get3A_249 = tpu.vector_load %arg12[%get3A_247, %get3A_248] {strides = array<i32>} : memref<32x768xf32, #tpu.memory_space<vmem>>, vector<1x16xf32>,
      %get3A_250 = vector.shape_cast %get3A_249 : vector<1x16xf32> to vector<16xf32>
      %mul3A_251 = arith.mulf %get3A_34, %get3A_250 : vector<16xf32>
      %get3A_252 = arith.index_cast %add3A_30 : i32 to index
      %get3A_253 = arith.constant 208 : index
      %get3A_254 = tpu.vector_load %arg13[%get3A_252, %get3A_253] {strides = array<i32>} : memref<32x768xf32, #tpu.memory_space<vmem>>, vector<1x16xf32>,
      %get3A_255 = vector.shape_cast %get3A_254 : vector<1x16xf32> to vector<16xf32>
      %mul3A_256 = arith.mulf %get3A_39, %get3A_255 : vector<16xf32>
      %add3A_257 = arith.addf %mul3A_251, %mul3A_256 : vector<16xf32>
      %swap3A_258 = arith.index_cast %add3A_30 : i32 to index
      %swap3A_259 = arith.constant 208 : index
      %swap3A_260 = tpu.vector_load %arg14[%swap3A_258, %swap3A_259] {strides = array<i32>} : memref<32x768xf32, #tpu.memory_space<vmem>>, vector<1x16xf32>,
      %swap3A_261 = vector.shape_cast %swap3A_260 : vector<1x16xf32> to vector<16xf32>
      %swap3A_262 = vector.shape_cast %add3A_257 : vector<16xf32> to vector<1x16xf32>
      tpu.vector_store %arg14[%swap3A_258, %swap3A_259], %swap3A_262 {strides = array<i32>} : memref<32x768xf32, #tpu.memory_space<vmem>>, vector<1x16xf32>,
      %get3A_263 = arith.index_cast %add3A_30 : i32 to index
      %get3A_264 = arith.constant 224 : index
      %get3A_265 = tpu.vector_load %arg12[%get3A_263, %get3A_264] {strides = array<i32>} : memref<32x768xf32, #tpu.memory_space<vmem>>, vector<1x16xf32>,
      %get3A_266 = vector.shape_cast %get3A_265 : vector<1x16xf32> to vector<16xf32>
      %mul3A_267 = arith.mulf %get3A_34, %get3A_266 : vector<16xf32>
      %get3A_268 = arith.index_cast %add3A_30 : i32 to index
      %get3A_269 = arith.constant 224 : index
      %get3A_270 = tpu.vector_load %arg13[%get3A_268, %get3A_269] {strides = array<i32>} : memref<32x768xf32, #tpu.memory_space<vmem>>, vector<1x16xf32>,
      %get3A_271 = vector.shape_cast %get3A_270 : vector<1x16xf32> to vector<16xf32>
      %mul3A_272 = arith.mulf %get3A_39, %get3A_271 : vector<16xf32>
      %add3A_273 = arith.addf %mul3A_267, %mul3A_272 : vector<16xf32>
      %swap3A_274 = arith.index_cast %add3A_30 : i32 to index
      %swap3A_275 = arith.constant 224 : index
      %swap3A_276 = tpu.vector_load %arg14[%swap3A_274, %swap3A_275] {strides = array<i32>} : memref<32x768xf32, #tpu.memory_space<vmem>>, vector<1x16xf32>,
      %swap3A_277 = vector.shape_cast %swap3A_276 : vector<1x16xf32> to vector<16xf32>
      %swap3A_278 = vector.shape_cast %add3A_273 : vector<16xf32> to vector<1x16xf32>
      tpu.vector_store %arg14[%swap3A_274, %swap3A_275], %swap3A_278 {strides = array<i32>} : memref<32x768xf32, #tpu.memory_space<vmem>>, vector<1x16xf32>,
      %get3A_279 = arith.index_cast %add3A_30 : i32 to index
      %get3A_280 = arith.constant 240 : index
      %get3A_281 = tpu.vector_load %arg12[%get3A_279, %get3A_280] {strides = array<i32>} : memref<32x768xf32, #tpu.memory_space<vmem>>, vector<1x16xf32>,
      %get3A_282 = vector.shape_cast %get3A_281 : vector<1x16xf32> to vector<16xf32>
      %mul3A_283 = arith.mulf %get3A_34, %get3A_282 : vector<16xf32>
      %get3A_284 = arith.index_cast %add3A_30 : i32 to index
      %get3A_285 = arith.constant 240 : index
      %get3A_286 = tpu.vector_load %arg13[%get3A_284, %get3A_285] {strides = array<i32>} : memref<32x768xf32, #tpu.memory_space<vmem>>, vector<1x16xf32>,
      %get3A_287 = vector.shape_cast %get3A_286 : vector<1x16xf32> to vector<16xf32>
      %mul3A_288 = arith.mulf %get3A_39, %get3A_287 : vector<16xf32>
      %add3A_289 = arith.addf %mul3A_283, %mul3A_288 : vector<16xf32>
      %swap3A_290 = arith.index_cast %add3A_30 : i32 to index
      %swap3A_291 = arith.constant 240 : index
      %swap3A_292 = tpu.vector_load %arg14[%swap3A_290, %swap3A_291] {strides = array<i32>} : memref<32x768xf32, #tpu.memory_space<vmem>>, vector<1x16xf32>,
      %swap3A_293 = vector.shape_cast %swap3A_292 : vector<1x16xf32> to vector<16xf32>
      %swap3A_294 = vector.shape_cast %add3A_289 : vector<16xf32> to vector<1x16xf32>
      tpu.vector_store %arg14[%swap3A_290, %swap3A_291], %swap3A_294 {strides = array<i32>} : memref<32x768xf32, #tpu.memory_space<vmem>>, vector<1x16xf32>,
      %get3A_295 = arith.index_cast %add3A_30 : i32 to index
      %get3A_296 = arith.constant 256 : index
      %get3A_297 = tpu.vector_load %arg12[%get3A_295, %get3A_296] {strides = array<i32>} : memref<32x768xf32, #tpu.memory_space<vmem>>, vector<1x16xf32>,
      %get3A_298 = vector.shape_cast %get3A_297 : vector<1x16xf32> to vector<16xf32>
      %mul3A_299 = arith.mulf %get3A_34, %get3A_298 : vector<16xf32>
      %get3A_300 = arith.index_cast %add3A_30 : i32 to index
      %get3A_301 = arith.constant 256 : index
      %get3A_302 = tpu.vector_load %arg13[%get3A_300, %get3A_301] {strides = array<i32>} : memref<32x768xf32, #tpu.memory_space<vmem>>, vector<1x16xf32>,
      %get3A_303 = vector.shape_cast %get3A_302 : vector<1x16xf32> to vector<16xf32>
      %mul3A_304 = arith.mulf %get3A_39, %get3A_303 : vector<16xf32>
      %add3A_305 = arith.addf %mul3A_299, %mul3A_304 : vector<16xf32>
      %swap3A_306 = arith.index_cast %add3A_30 : i32 to index
      %swap3A_307 = arith.constant 256 : index
      %swap3A_308 = tpu.vector_load %arg14[%swap3A_306, %swap3A_307] {strides = array<i32>} : memref<32x768xf32, #tpu.memory_space<vmem>>, vector<1x16xf32>,
      %swap3A_309 = vector.shape_cast %swap3A_308 : vector<1x16xf32> to vector<16xf32>
      %swap3A_310 = vector.shape_cast %add3A_305 : vector<16xf32> to vector<1x16xf32>
      tpu.vector_store %arg14[%swap3A_306, %swap3A_307], %swap3A_310 {strides = array<i32>} : memref<32x768xf32, #tpu.memory_space<vmem>>, vector<1x16xf32>,
      %get3A_311 = arith.index_cast %add3A_30 : i32 to index
      %get3A_312 = arith.constant 272 : index
      %get3A_313 = tpu.vector_load %arg12[%get3A_311, %get3A_312] {strides = array<i32>} : memref<32x768xf32, #tpu.memory_space<vmem>>, vector<1x16xf32>,
      %get3A_314 = vector.shape_cast %get3A_313 : vector<1x16xf32> to vector<16xf32>
      %mul3A_315 = arith.mulf %get3A_34, %get3A_314 : vector<16xf32>
      %get3A_316 = arith.index_cast %add3A_30 : i32 to index
      %get3A_317 = arith.constant 272 : index
      %get3A_318 = tpu.vector_load %arg13[%get3A_316, %get3A_317] {strides = array<i32>} : memref<32x768xf32, #tpu.memory_space<vmem>>, vector<1x16xf32>,
      %get3A_319 = vector.shape_cast %get3A_318 : vector<1x16xf32> to vector<16xf32>
      %mul3A_320 = arith.mulf %get3A_39, %get3A_319 : vector<16xf32>
      %add3A_321 = arith.addf %mul3A_315, %mul3A_320 : vector<16xf32>
      %swap3A_322 = arith.index_cast %add3A_30 : i32 to index
      %swap3A_323 = arith.constant 272 : index
      %swap3A_324 = tpu.vector_load %arg14[%swap3A_322, %swap3A_323] {strides = array<i32>} : memref<32x768xf32, #tpu.memory_space<vmem>>, vector<1x16xf32>,
      %swap3A_325 = vector.shape_cast %swap3A_324 : vector<1x16xf32> to vector<16xf32>
      %swap3A_326 = vector.shape_cast %add3A_321 : vector<16xf32> to vector<1x16xf32>
      tpu.vector_store %arg14[%swap3A_322, %swap3A_323], %swap3A_326 {strides = array<i32>} : memref<32x768xf32, #tpu.memory_space<vmem>>, vector<1x16xf32>,
      %get3A_327 = arith.index_cast %add3A_30 : i32 to index
      %get3A_328 = arith.constant 288 : index
      %get3A_329 = tpu.vector_load %arg12[%get3A_327, %get3A_328] {strides = array<i32>} : memref<32x768xf32, #tpu.memory_space<vmem>>, vector<1x16xf32>,
      %get3A_330 = vector.shape_cast %get3A_329 : vector<1x16xf32> to vector<16xf32>
      %mul3A_331 = arith.mulf %get3A_34, %get3A_330 : vector<16xf32>
      %get3A_332 = arith.index_cast %add3A_30 : i32 to index
      %get3A_333 = arith.constant 288 : index
      %get3A_334 = tpu.vector_load %arg13[%get3A_332, %get3A_333] {strides = array<i32>} : memref<32x768xf32, #tpu.memory_space<vmem>>, vector<1x16xf32>,
      %get3A_335 = vector.shape_cast %get3A_334 : vector<1x16xf32> to vector<16xf32>
      %mul3A_336 = arith.mulf %get3A_39, %get3A_335 : vector<16xf32>
      %add3A_337 = arith.addf %mul3A_331, %mul3A_336 : vector<16xf32>
      %swap3A_338 = arith.index_cast %add3A_30 : i32 to index
      %swap3A_339 = arith.constant 288 : index
      %swap3A_340 = tpu.vector_load %arg14[%swap3A_338, %swap3A_339] {strides = array<i32>} : memref<32x768xf32, #tpu.memory_space<vmem>>, vector<1x16xf32>,
      %swap3A_341 = vector.shape_cast %swap3A_340 : vector<1x16xf32> to vector<16xf32>
      %swap3A_342 = vector.shape_cast %add3A_337 : vector<16xf32> to vector<1x16xf32>
      tpu.vector_store %arg14[%swap3A_338, %swap3A_339], %swap3A_342 {strides = array<i32>} : memref<32x768xf32, #tpu.memory_space<vmem>>, vector<1x16xf32>,
      %get3A_343 = arith.index_cast %add3A_30 : i32 to index
      %get3A_344 = arith.constant 304 : index
      %get3A_345 = tpu.vector_load %arg12[%get3A_343, %get3A_344] {strides = array<i32>} : memref<32x768xf32, #tpu.memory_space<vmem>>, vector<1x16xf32>,
      %get3A_346 = vector.shape_cast %get3A_345 : vector<1x16xf32> to vector<16xf32>
      %mul3A_347 = arith.mulf %get3A_34, %get3A_346 : vector<16xf32>
      %get3A_348 = arith.index_cast %add3A_30 : i32 to index
      %get3A_349 = arith.constant 304 : index
      %get3A_350 = tpu.vector_load %arg13[%get3A_348, %get3A_349] {strides = array<i32>} : memref<32x768xf32, #tpu.memory_space<vmem>>, vector<1x16xf32>,
      %get3A_351 = vector.shape_cast %get3A_350 : vector<1x16xf32> to vector<16xf32>
      %mul3A_352 = arith.mulf %get3A_39, %get3A_351 : vector<16xf32>
      %add3A_353 = arith.addf %mul3A_347, %mul3A_352 : vector<16xf32>
      %swap3A_354 = arith.index_cast %add3A_30 : i32 to index
      %swap3A_355 = arith.constant 304 : index
      %swap3A_356 = tpu.vector_load %arg14[%swap3A_354, %swap3A_355] {strides = array<i32>} : memref<32x768xf32, #tpu.memory_space<vmem>>, vector<1x16xf32>,
      %swap3A_357 = vector.shape_cast %swap3A_356 : vector<1x16xf32> to vector<16xf32>
      %swap3A_358 = vector.shape_cast %add3A_353 : vector<16xf32> to vector<1x16xf32>
      tpu.vector_store %arg14[%swap3A_354, %swap3A_355], %swap3A_358 {strides = array<i32>} : memref<32x768xf32, #tpu.memory_space<vmem>>, vector<1x16xf32>,
      %get3A_359 = arith.index_cast %add3A_30 : i32 to index
      %get3A_360 = arith.constant 320 : index
      %get3A_361 = tpu.vector_load %arg12[%get3A_359, %get3A_360] {strides = array<i32>} : memref<32x768xf32, #tpu.memory_space<vmem>>, vector<1x16xf32>,
      %get3A_362 = vector.shape_cast %get3A_361 : vector<1x16xf32> to vector<16xf32>
      %mul3A_363 = arith.mulf %get3A_34, %get3A_362 : vector<16xf32>
      %get3A_364 = arith.index_cast %add3A_30 : i32 to index
      %get3A_365 = arith.constant 320 : index
      %get3A_366 = tpu.vector_load %arg13[%get3A_364, %get3A_365] {strides = array<i32>} : memref<32x768xf32, #tpu.memory_space<vmem>>, vector<1x16xf32>,
      %get3A_367 = vector.shape_cast %get3A_366 : vector<1x16xf32> to vector<16xf32>
      %mul3A_368 = arith.mulf %get3A_39, %get3A_367 : vector<16xf32>
      %add3A_369 = arith.addf %mul3A_363, %mul3A_368 : vector<16xf32>
      %swap3A_370 = arith.index_cast %add3A_30 : i32 to index
      %swap3A_371 = arith.constant 320 : index
      %swap3A_372 = tpu.vector_load %arg14[%swap3A_370, %swap3A_371] {strides = array<i32>} : memref<32x768xf32, #tpu.memory_space<vmem>>, vector<1x16xf32>,
      %swap3A_373 = vector.shape_cast %swap3A_372 : vector<1x16xf32> to vector<16xf32>
      %swap3A_374 = vector.shape_cast %add3A_369 : vector<16xf32> to vector<1x16xf32>
      tpu.vector_store %arg14[%swap3A_370, %swap3A_371], %swap3A_374 {strides = array<i32>} : memref<32x768xf32, #tpu.memory_space<vmem>>, vector<1x16xf32>,
      %get3A_375 = arith.index_cast %add3A_30 : i32 to index
      %get3A_376 = arith.constant 336 : index
      %get3A_377 = tpu.vector_load %arg12[%get3A_375, %get3A_376] {strides = array<i32>} : memref<32x768xf32, #tpu.memory_space<vmem>>, vector<1x16xf32>,
      %get3A_378 = vector.shape_cast %get3A_377 : vector<1x16xf32> to vector<16xf32>
      %mul3A_379 = arith.mulf %get3A_34, %get3A_378 : vector<16xf32>
      %get3A_380 = arith.index_cast %add3A_30 : i32 to index
      %get3A_381 = arith.constant 336 : index
      %get3A_382 = tpu.vector_load %arg13[%get3A_380, %get3A_381] {strides = array<i32>} : memref<32x768xf32, #tpu.memory_space<vmem>>, vector<1x16xf32>,
      %get3A_383 = vector.shape_cast %get3A_382 : vector<1x16xf32> to vector<16xf32>
      %mul3A_384 = arith.mulf %get3A_39, %get3A_383 : vector<16xf32>
      %add3A_385 = arith.addf %mul3A_379, %mul3A_384 : vector<16xf32>
      %swap3A_386 = arith.index_cast %add3A_30 : i32 to index
      %swap3A_387 = arith.constant 336 : index
      %swap3A_388 = tpu.vector_load %arg14[%swap3A_386, %swap3A_387] {strides = array<i32>} : memref<32x768xf32, #tpu.memory_space<vmem>>, vector<1x16xf32>,
      %swap3A_389 = vector.shape_cast %swap3A_388 : vector<1x16xf32> to vector<16xf32>
      %swap3A_390 = vector.shape_cast %add3A_385 : vector<16xf32> to vector<1x16xf32>
      tpu.vector_store %arg14[%swap3A_386, %swap3A_387], %swap3A_390 {strides = array<i32>} : memref<32x768xf32, #tpu.memory_space<vmem>>, vector<1x16xf32>,
      %get3A_391 = arith.index_cast %add3A_30 : i32 to index
      %get3A_392 = arith.constant 352 : index
      %get3A_393 = tpu.vector_load %arg12[%get3A_391, %get3A_392] {strides = array<i32>} : memref<32x768xf32, #tpu.memory_space<vmem>>, vector<1x16xf32>,
      %get3A_394 = vector.shape_cast %get3A_393 : vector<1x16xf32> to vector<16xf32>
      %mul3A_395 = arith.mulf %get3A_34, %get3A_394 : vector<16xf32>
      %get3A_396 = arith.index_cast %add3A_30 : i32 to index
      %get3A_397 = arith.constant 352 : index
      %get3A_398 = tpu.vector_load %arg13[%get3A_396, %get3A_397] {strides = array<i32>} : memref<32x768xf32, #tpu.memory_space<vmem>>, vector<1x16xf32>,
      %get3A_399 = vector.shape_cast %get3A_398 : vector<1x16xf32> to vector<16xf32>
      %mul3A_400 = arith.mulf %get3A_39, %get3A_399 : vector<16xf32>
      %add3A_401 = arith.addf %mul3A_395, %mul3A_400 : vector<16xf32>
      %swap3A_402 = arith.index_cast %add3A_30 : i32 to index
      %swap3A_403 = arith.constant 352 : index
      %swap3A_404 = tpu.vector_load %arg14[%swap3A_402, %swap3A_403] {strides = array<i32>} : memref<32x768xf32, #tpu.memory_space<vmem>>, vector<1x16xf32>,
      %swap3A_405 = vector.shape_cast %swap3A_404 : vector<1x16xf32> to vector<16xf32>
      %swap3A_406 = vector.shape_cast %add3A_401 : vector<16xf32> to vector<1x16xf32>
      tpu.vector_store %arg14[%swap3A_402, %swap3A_403], %swap3A_406 {strides = array<i32>} : memref<32x768xf32, #tpu.memory_space<vmem>>, vector<1x16xf32>,
      %get3A_407 = arith.index_cast %add3A_30 : i32 to index
      %get3A_408 = arith.constant 368 : index
      %get3A_409 = tpu.vector_load %arg12[%get3A_407, %get3A_408] {strides = array<i32>} : memref<32x768xf32, #tpu.memory_space<vmem>>, vector<1x16xf32>,
      %get3A_410 = vector.shape_cast %get3A_409 : vector<1x16xf32> to vector<16xf32>
      %mul3A_411 = arith.mulf %get3A_34, %get3A_410 : vector<16xf32>
      %get3A_412 = arith.index_cast %add3A_30 : i32 to index
      %get3A_413 = arith.constant 368 : index
      %get3A_414 = tpu.vector_load %arg13[%get3A_412, %get3A_413] {strides = array<i32>} : memref<32x768xf32, #tpu.memory_space<vmem>>, vector<1x16xf32>,
      %get3A_415 = vector.shape_cast %get3A_414 : vector<1x16xf32> to vector<16xf32>
      %mul3A_416 = arith.mulf %get3A_39, %get3A_415 : vector<16xf32>
      %add3A_417 = arith.addf %mul3A_411, %mul3A_416 : vector<16xf32>
      %swap3A_418 = arith.index_cast %add3A_30 : i32 to index
      %swap3A_419 = arith.constant 368 : index
      %swap3A_420 = tpu.vector_load %arg14[%swap3A_418, %swap3A_419] {strides = array<i32>} : memref<32x768xf32, #tpu.memory_space<vmem>>, vector<1x16xf32>,
      %swap3A_421 = vector.shape_cast %swap3A_420 : vector<1x16xf32> to vector<16xf32>
      %swap3A_422 = vector.shape_cast %add3A_417 : vector<16xf32> to vector<1x16xf32>
      tpu.vector_store %arg14[%swap3A_418, %swap3A_419], %swap3A_422 {strides = array<i32>} : memref<32x768xf32, #tpu.memory_space<vmem>>, vector<1x16xf32>,
      %get3A_423 = arith.index_cast %add3A_30 : i32 to index
      %get3A_424 = arith.constant 384 : index
      %get3A_425 = tpu.vector_load %arg12[%get3A_423, %get3A_424] {strides = array<i32>} : memref<32x768xf32, #tpu.memory_space<vmem>>, vector<1x16xf32>,
      %get3A_426 = vector.shape_cast %get3A_425 : vector<1x16xf32> to vector<16xf32>
      %mul3A_427 = arith.mulf %get3A_34, %get3A_426 : vector<16xf32>
      %get3A_428 = arith.index_cast %add3A_30 : i32 to index
      %get3A_429 = arith.constant 384 : index
      %get3A_430 = tpu.vector_load %arg13[%get3A_428, %get3A_429] {strides = array<i32>} : memref<32x768xf32, #tpu.memory_space<vmem>>, vector<1x16xf32>,
      %get3A_431 = vector.shape_cast %get3A_430 : vector<1x16xf32> to vector<16xf32>
      %mul3A_432 = arith.mulf %get3A_39, %get3A_431 : vector<16xf32>
      %add3A_433 = arith.addf %mul3A_427, %mul3A_432 : vector<16xf32>
      %swap3A_434 = arith.index_cast %add3A_30 : i32 to index
      %swap3A_435 = arith.constant 384 : index
      %swap3A_436 = tpu.vector_load %arg14[%swap3A_434, %swap3A_435] {strides = array<i32>} : memref<32x768xf32, #tpu.memory_space<vmem>>, vector<1x16xf32>,
      %swap3A_437 = vector.shape_cast %swap3A_436 : vector<1x16xf32> to vector<16xf32>
      %swap3A_438 = vector.shape_cast %add3A_433 : vector<16xf32> to vector<1x16xf32>
      tpu.vector_store %arg14[%swap3A_434, %swap3A_435], %swap3A_438 {strides = array<i32>} : memref<32x768xf32, #tpu.memory_space<vmem>>, vector<1x16xf32>,
      %get3A_439 = arith.index_cast %add3A_30 : i32 to index
      %get3A_440 = arith.constant 400 : index
      %get3A_441 = tpu.vector_load %arg12[%get3A_439, %get3A_440] {strides = array<i32>} : memref<32x768xf32, #tpu.memory_space<vmem>>, vector<1x16xf32>,
      %get3A_442 = vector.shape_cast %get3A_441 : vector<1x16xf32> to vector<16xf32>
      %mul3A_443 = arith.mulf %get3A_34, %get3A_442 : vector<16xf32>
      %get3A_444 = arith.index_cast %add3A_30 : i32 to index
      %get3A_445 = arith.constant 400 : index
      %get3A_446 = tpu.vector_load %arg13[%get3A_444, %get3A_445] {strides = array<i32>} : memref<32x768xf32, #tpu.memory_space<vmem>>, vector<1x16xf32>,
      %get3A_447 = vector.shape_cast %get3A_446 : vector<1x16xf32> to vector<16xf32>
      %mul3A_448 = arith.mulf %get3A_39, %get3A_447 : vector<16xf32>
      %add3A_449 = arith.addf %mul3A_443, %mul3A_448 : vector<16xf32>
      %swap3A_450 = arith.index_cast %add3A_30 : i32 to index
      %swap3A_451 = arith.constant 400 : index
      %swap3A_452 = tpu.vector_load %arg14[%swap3A_450, %swap3A_451] {strides = array<i32>} : memref<32x768xf32, #tpu.memory_space<vmem>>, vector<1x16xf32>,
      %swap3A_453 = vector.shape_cast %swap3A_452 : vector<1x16xf32> to vector<16xf32>
      %swap3A_454 = vector.shape_cast %add3A_449 : vector<16xf32> to vector<1x16xf32>
      tpu.vector_store %arg14[%swap3A_450, %swap3A_451], %swap3A_454 {strides = array<i32>} : memref<32x768xf32, #tpu.memory_space<vmem>>, vector<1x16xf32>,
      %get3A_455 = arith.index_cast %add3A_30 : i32 to index
      %get3A_456 = arith.constant 416 : index
      %get3A_457 = tpu.vector_load %arg12[%get3A_455, %get3A_456] {strides = array<i32>} : memref<32x768xf32, #tpu.memory_space<vmem>>, vector<1x16xf32>,
      %get3A_458 = vector.shape_cast %get3A_457 : vector<1x16xf32> to vector<16xf32>
      %mul3A_459 = arith.mulf %get3A_34, %get3A_458 : vector<16xf32>
      %get3A_460 = arith.index_cast %add3A_30 : i32 to index
      %get3A_461 = arith.constant 416 : index
      %get3A_462 = tpu.vector_load %arg13[%get3A_460, %get3A_461] {strides = array<i32>} : memref<32x768xf32, #tpu.memory_space<vmem>>, vector<1x16xf32>,
      %get3A_463 = vector.shape_cast %get3A_462 : vector<1x16xf32> to vector<16xf32>
      %mul3A_464 = arith.mulf %get3A_39, %get3A_463 : vector<16xf32>
      %add3A_465 = arith.addf %mul3A_459, %mul3A_464 : vector<16xf32>
      %swap3A_466 = arith.index_cast %add3A_30 : i32 to index
      %swap3A_467 = arith.constant 416 : index
      %swap3A_468 = tpu.vector_load %arg14[%swap3A_466, %swap3A_467] {strides = array<i32>} : memref<32x768xf32, #tpu.memory_space<vmem>>, vector<1x16xf32>,
      %swap3A_469 = vector.shape_cast %swap3A_468 : vector<1x16xf32> to vector<16xf32>
      %swap3A_470 = vector.shape_cast %add3A_465 : vector<16xf32> to vector<1x16xf32>
      tpu.vector_store %arg14[%swap3A_466, %swap3A_467], %swap3A_470 {strides = array<i32>} : memref<32x768xf32, #tpu.memory_space<vmem>>, vector<1x16xf32>,
      %get3A_471 = arith.index_cast %add3A_30 : i32 to index
      %get3A_472 = arith.constant 432 : index
      %get3A_473 = tpu.vector_load %arg12[%get3A_471, %get3A_472] {strides = array<i32>} : memref<32x768xf32, #tpu.memory_space<vmem>>, vector<1x16xf32>,
      %get3A_474 = vector.shape_cast %get3A_473 : vector<1x16xf32> to vector<16xf32>
      %mul3A_475 = arith.mulf %get3A_34, %get3A_474 : vector<16xf32>
      %get3A_476 = arith.index_cast %add3A_30 : i32 to index
      %get3A_477 = arith.constant 432 : index
      %get3A_478 = tpu.vector_load %arg13[%get3A_476, %get3A_477] {strides = array<i32>} : memref<32x768xf32, #tpu.memory_space<vmem>>, vector<1x16xf32>,
      %get3A_479 = vector.shape_cast %get3A_478 : vector<1x16xf32> to vector<16xf32>
      %mul3A_480 = arith.mulf %get3A_39, %get3A_479 : vector<16xf32>
      %add3A_481 = arith.addf %mul3A_475, %mul3A_480 : vector<16xf32>
      %swap3A_482 = arith.index_cast %add3A_30 : i32 to index
      %swap3A_483 = arith.constant 432 : index
      %swap3A_484 = tpu.vector_load %arg14[%swap3A_482, %swap3A_483] {strides = array<i32>} : memref<32x768xf32, #tpu.memory_space<vmem>>, vector<1x16xf32>,
      %swap3A_485 = vector.shape_cast %swap3A_484 : vector<1x16xf32> to vector<16xf32>
      %swap3A_486 = vector.shape_cast %add3A_481 : vector<16xf32> to vector<1x16xf32>
      tpu.vector_store %arg14[%swap3A_482, %swap3A_483], %swap3A_486 {strides = array<i32>} : memref<32x768xf32, #tpu.memory_space<vmem>>, vector<1x16xf32>,
      %get3A_487 = arith.index_cast %add3A_30 : i32 to index
      %get3A_488 = arith.constant 448 : index
      %get3A_489 = tpu.vector_load %arg12[%get3A_487, %get3A_488] {strides = array<i32>} : memref<32x768xf32, #tpu.memory_space<vmem>>, vector<1x16xf32>,
      %get3A_490 = vector.shape_cast %get3A_489 : vector<1x16xf32> to vector<16xf32>
      %mul3A_491 = arith.mulf %get3A_34, %get3A_490 : vector<16xf32>
      %get3A_492 = arith.index_cast %add3A_30 : i32 to index
      %get3A_493 = arith.constant 448 : index
      %get3A_494 = tpu.vector_load %arg13[%get3A_492, %get3A_493] {strides = array<i32>} : memref<32x768xf32, #tpu.memory_space<vmem>>, vector<1x16xf32>,
      %get3A_495 = vector.shape_cast %get3A_494 : vector<1x16xf32> to vector<16xf32>
      %mul3A_496 = arith.mulf %get3A_39, %get3A_495 : vector<16xf32>
      %add3A_497 = arith.addf %mul3A_491, %mul3A_496 : vector<16xf32>
      %swap3A_498 = arith.index_cast %add3A_30 : i32 to index
      %swap3A_499 = arith.constant 448 : index
      %swap3A_500 = tpu.vector_load %arg14[%swap3A_498, %swap3A_499] {strides = array<i32>} : memref<32x768xf32, #tpu.memory_space<vmem>>, vector<1x16xf32>,
      %swap3A_501 = vector.shape_cast %swap3A_500 : vector<1x16xf32> to vector<16xf32>
      %swap3A_502 = vector.shape_cast %add3A_497 : vector<16xf32> to vector<1x16xf32>
      tpu.vector_store %arg14[%swap3A_498, %swap3A_499], %swap3A_502 {strides = array<i32>} : memref<32x768xf32, #tpu.memory_space<vmem>>, vector<1x16xf32>,
      %get3A_503 = arith.index_cast %add3A_30 : i32 to index
      %get3A_504 = arith.constant 464 : index
      %get3A_505 = tpu.vector_load %arg12[%get3A_503, %get3A_504] {strides = array<i32>} : memref<32x768xf32, #tpu.memory_space<vmem>>, vector<1x16xf32>,
      %get3A_506 = vector.shape_cast %get3A_505 : vector<1x16xf32> to vector<16xf32>
      %mul3A_507 = arith.mulf %get3A_34, %get3A_506 : vector<16xf32>
      %get3A_508 = arith.index_cast %add3A_30 : i32 to index
      %get3A_509 = arith.constant 464 : index
      %get3A_510 = tpu.vector_load %arg13[%get3A_508, %get3A_509] {strides = array<i32>} : memref<32x768xf32, #tpu.memory_space<vmem>>, vector<1x16xf32>,
      %get3A_511 = vector.shape_cast %get3A_510 : vector<1x16xf32> to vector<16xf32>
      %mul3A_512 = arith.mulf %get3A_39, %get3A_511 : vector<16xf32>
      %add3A_513 = arith.addf %mul3A_507, %mul3A_512 : vector<16xf32>
      %swap3A_514 = arith.index_cast %add3A_30 : i32 to index
      %swap3A_515 = arith.constant 464 : index
      %swap3A_516 = tpu.vector_load %arg14[%swap3A_514, %swap3A_515] {strides = array<i32>} : memref<32x768xf32, #tpu.memory_space<vmem>>, vector<1x16xf32>,
      %swap3A_517 = vector.shape_cast %swap3A_516 : vector<1x16xf32> to vector<16xf32>
      %swap3A_518 = vector.shape_cast %add3A_513 : vector<16xf32> to vector<1x16xf32>
      tpu.vector_store %arg14[%swap3A_514, %swap3A_515], %swap3A_518 {strides = array<i32>} : memref<32x768xf32, #tpu.memory_space<vmem>>, vector<1x16xf32>,
      %get3A_519 = arith.index_cast %add3A_30 : i32 to index
      %get3A_520 = arith.constant 480 : index
      %get3A_521 = tpu.vector_load %arg12[%get3A_519, %get3A_520] {strides = array<i32>} : memref<32x768xf32, #tpu.memory_space<vmem>>, vector<1x16xf32>,
      %get3A_522 = vector.shape_cast %get3A_521 : vector<1x16xf32> to vector<16xf32>
      %mul3A_523 = arith.mulf %get3A_34, %get3A_522 : vector<16xf32>
      %get3A_524 = arith.index_cast %add3A_30 : i32 to index
      %get3A_525 = arith.constant 480 : index
      %get3A_526 = tpu.vector_load %arg13[%get3A_524, %get3A_525] {strides = array<i32>} : memref<32x768xf32, #tpu.memory_space<vmem>>, vector<1x16xf32>,
      %get3A_527 = vector.shape_cast %get3A_526 : vector<1x16xf32> to vector<16xf32>
      %mul3A_528 = arith.mulf %get3A_39, %get3A_527 : vector<16xf32>
      %add3A_529 = arith.addf %mul3A_523, %mul3A_528 : vector<16xf32>
      %swap3A_530 = arith.index_cast %add3A_30 : i32 to index
      %swap3A_531 = arith.constant 480 : index
      %swap3A_532 = tpu.vector_load %arg14[%swap3A_530, %swap3A_531] {strides = array<i32>} : memref<32x768xf32, #tpu.memory_space<vmem>>, vector<1x16xf32>,
      %swap3A_533 = vector.shape_cast %swap3A_532 : vector<1x16xf32> to vector<16xf32>
      %swap3A_534 = vector.shape_cast %add3A_529 : vector<16xf32> to vector<1x16xf32>
      tpu.vector_store %arg14[%swap3A_530, %swap3A_531], %swap3A_534 {strides = array<i32>} : memref<32x768xf32, #tpu.memory_space<vmem>>, vector<1x16xf32>,
      %get3A_535 = arith.index_cast %add3A_30 : i32 to index
      %get3A_536 = arith.constant 496 : index
      %get3A_537 = tpu.vector_load %arg12[%get3A_535, %get3A_536] {strides = array<i32>} : memref<32x768xf32, #tpu.memory_space<vmem>>, vector<1x16xf32>,
      %get3A_538 = vector.shape_cast %get3A_537 : vector<1x16xf32> to vector<16xf32>
      %mul3A_539 = arith.mulf %get3A_34, %get3A_538 : vector<16xf32>
      %get3A_540 = arith.index_cast %add3A_30 : i32 to index
      %get3A_541 = arith.constant 496 : index
      %get3A_542 = tpu.vector_load %arg13[%get3A_540, %get3A_541] {strides = array<i32>} : memref<32x768xf32, #tpu.memory_space<vmem>>, vector<1x16xf32>,
      %get3A_543 = vector.shape_cast %get3A_542 : vector<1x16xf32> to vector<16xf32>
      %mul3A_544 = arith.mulf %get3A_39, %get3A_543 : vector<16xf32>
      %add3A_545 = arith.addf %mul3A_539, %mul3A_544 : vector<16xf32>
      %swap3A_546 = arith.index_cast %add3A_30 : i32 to index
      %swap3A_547 = arith.constant 496 : index
      %swap3A_548 = tpu.vector_load %arg14[%swap3A_546, %swap3A_547] {strides = array<i32>} : memref<32x768xf32, #tpu.memory_space<vmem>>, vector<1x16xf32>,
      %swap3A_549 = vector.shape_cast %swap3A_548 : vector<1x16xf32> to vector<16xf32>
      %swap3A_550 = vector.shape_cast %add3A_545 : vector<16xf32> to vector<1x16xf32>
      tpu.vector_store %arg14[%swap3A_546, %swap3A_547], %swap3A_550 {strides = array<i32>} : memref<32x768xf32, #tpu.memory_space<vmem>>, vector<1x16xf32>,
      %get3A_551 = arith.index_cast %add3A_30 : i32 to index
      %get3A_552 = arith.constant 512 : index
      %get3A_553 = tpu.vector_load %arg12[%get3A_551, %get3A_552] {strides = array<i32>} : memref<32x768xf32, #tpu.memory_space<vmem>>, vector<1x16xf32>,
      %get3A_554 = vector.shape_cast %get3A_553 : vector<1x16xf32> to vector<16xf32>
      %mul3A_555 = arith.mulf %get3A_34, %get3A_554 : vector<16xf32>
      %get3A_556 = arith.index_cast %add3A_30 : i32 to index
      %get3A_557 = arith.constant 512 : index
      %get3A_558 = tpu.vector_load %arg13[%get3A_556, %get3A_557] {strides = array<i32>} : memref<32x768xf32, #tpu.memory_space<vmem>>, vector<1x16xf32>,
      %get3A_559 = vector.shape_cast %get3A_558 : vector<1x16xf32> to vector<16xf32>
      %mul3A_560 = arith.mulf %get3A_39, %get3A_559 : vector<16xf32>
      %add3A_561 = arith.addf %mul3A_555, %mul3A_560 : vector<16xf32>
      %swap3A_562 = arith.index_cast %add3A_30 : i32 to index
      %swap3A_563 = arith.constant 512 : index
      %swap3A_564 = tpu.vector_load %arg14[%swap3A_562, %swap3A_563] {strides = array<i32>} : memref<32x768xf32, #tpu.memory_space<vmem>>, vector<1x16xf32>,
      %swap3A_565 = vector.shape_cast %swap3A_564 : vector<1x16xf32> to vector<16xf32>
      %swap3A_566 = vector.shape_cast %add3A_561 : vector<16xf32> to vector<1x16xf32>
      tpu.vector_store %arg14[%swap3A_562, %swap3A_563], %swap3A_566 {strides = array<i32>} : memref<32x768xf32, #tpu.memory_space<vmem>>, vector<1x16xf32>,
      %get3A_567 = arith.index_cast %add3A_30 : i32 to index
      %get3A_568 = arith.constant 528 : index
      %get3A_569 = tpu.vector_load %arg12[%get3A_567, %get3A_568] {strides = array<i32>} : memref<32x768xf32, #tpu.memory_space<vmem>>, vector<1x16xf32>,
      %get3A_570 = vector.shape_cast %get3A_569 : vector<1x16xf32> to vector<16xf32>
      %mul3A_571 = arith.mulf %get3A_34, %get3A_570 : vector<16xf32>
      %get3A_572 = arith.index_cast %add3A_30 : i32 to index
      %get3A_573 = arith.constant 528 : index
      %get3A_574 = tpu.vector_load %arg13[%get3A_572, %get3A_573] {strides = array<i32>} : memref<32x768xf32, #tpu.memory_space<vmem>>, vector<1x16xf32>,
      %get3A_575 = vector.shape_cast %get3A_574 : vector<1x16xf32> to vector<16xf32>
      %mul3A_576 = arith.mulf %get3A_39, %get3A_575 : vector<16xf32>
      %add3A_577 = arith.addf %mul3A_571, %mul3A_576 : vector<16xf32>
      %swap3A_578 = arith.index_cast %add3A_30 : i32 to index
      %swap3A_579 = arith.constant 528 : index
      %swap3A_580 = tpu.vector_load %arg14[%swap3A_578, %swap3A_579] {strides = array<i32>} : memref<32x768xf32, #tpu.memory_space<vmem>>, vector<1x16xf32>,
      %swap3A_581 = vector.shape_cast %swap3A_580 : vector<1x16xf32> to vector<16xf32>
      %swap3A_582 = vector.shape_cast %add3A_577 : vector<16xf32> to vector<1x16xf32>
      tpu.vector_store %arg14[%swap3A_578, %swap3A_579], %swap3A_582 {strides = array<i32>} : memref<32x768xf32, #tpu.memory_space<vmem>>, vector<1x16xf32>,
      %get3A_583 = arith.index_cast %add3A_30 : i32 to index
      %get3A_584 = arith.constant 544 : index
      %get3A_585 = tpu.vector_load %arg12[%get3A_583, %get3A_584] {strides = array<i32>} : memref<32x768xf32, #tpu.memory_space<vmem>>, vector<1x16xf32>,
      %get3A_586 = vector.shape_cast %get3A_585 : vector<1x16xf32> to vector<16xf32>
      %mul3A_587 = arith.mulf %get3A_34, %get3A_586 : vector<16xf32>
      %get3A_588 = arith.index_cast %add3A_30 : i32 to index
      %get3A_589 = arith.constant 544 : index
      %get3A_590 = tpu.vector_load %arg13[%get3A_588, %get3A_589] {strides = array<i32>} : memref<32x768xf32, #tpu.memory_space<vmem>>, vector<1x16xf32>,
      %get3A_591 = vector.shape_cast %get3A_590 : vector<1x16xf32> to vector<16xf32>
      %mul3A_592 = arith.mulf %get3A_39, %get3A_591 : vector<16xf32>
      %add3A_593 = arith.addf %mul3A_587, %mul3A_592 : vector<16xf32>
      %swap3A_594 = arith.index_cast %add3A_30 : i32 to index
      %swap3A_595 = arith.constant 544 : index
      %swap3A_596 = tpu.vector_load %arg14[%swap3A_594, %swap3A_595] {strides = array<i32>} : memref<32x768xf32, #tpu.memory_space<vmem>>, vector<1x16xf32>,
      %swap3A_597 = vector.shape_cast %swap3A_596 : vector<1x16xf32> to vector<16xf32>
      %swap3A_598 = vector.shape_cast %add3A_593 : vector<16xf32> to vector<1x16xf32>
      tpu.vector_store %arg14[%swap3A_594, %swap3A_595], %swap3A_598 {strides = array<i32>} : memref<32x768xf32, #tpu.memory_space<vmem>>, vector<1x16xf32>,
      %get3A_599 = arith.index_cast %add3A_30 : i32 to index
      %get3A_600 = arith.constant 560 : index
      %get3A_601 = tpu.vector_load %arg12[%get3A_599, %get3A_600] {strides = array<i32>} : memref<32x768xf32, #tpu.memory_space<vmem>>, vector<1x16xf32>,
      %get3A_602 = vector.shape_cast %get3A_601 : vector<1x16xf32> to vector<16xf32>
      %mul3A_603 = arith.mulf %get3A_34, %get3A_602 : vector<16xf32>
      %get3A_604 = arith.index_cast %add3A_30 : i32 to index
      %get3A_605 = arith.constant 560 : index
      %get3A_606 = tpu.vector_load %arg13[%get3A_604, %get3A_605] {strides = array<i32>} : memref<32x768xf32, #tpu.memory_space<vmem>>, vector<1x16xf32>,
      %get3A_607 = vector.shape_cast %get3A_606 : vector<1x16xf32> to vector<16xf32>
      %mul3A_608 = arith.mulf %get3A_39, %get3A_607 : vector<16xf32>
      %add3A_609 = arith.addf %mul3A_603, %mul3A_608 : vector<16xf32>
      %swap3A_610 = arith.index_cast %add3A_30 : i32 to index
      %swap3A_611 = arith.constant 560 : index
      %swap3A_612 = tpu.vector_load %arg14[%swap3A_610, %swap3A_611] {strides = array<i32>} : memref<32x768xf32, #tpu.memory_space<vmem>>, vector<1x16xf32>,
      %swap3A_613 = vector.shape_cast %swap3A_612 : vector<1x16xf32> to vector<16xf32>
      %swap3A_614 = vector.shape_cast %add3A_609 : vector<16xf32> to vector<1x16xf32>
      tpu.vector_store %arg14[%swap3A_610, %swap3A_611], %swap3A_614 {strides = array<i32>} : memref<32x768xf32, #tpu.memory_space<vmem>>, vector<1x16xf32>,
      %get3A_615 = arith.index_cast %add3A_30 : i32 to index
      %get3A_616 = arith.constant 576 : index
      %get3A_617 = tpu.vector_load %arg12[%get3A_615, %get3A_616] {strides = array<i32>} : memref<32x768xf32, #tpu.memory_space<vmem>>, vector<1x16xf32>,
      %get3A_618 = vector.shape_cast %get3A_617 : vector<1x16xf32> to vector<16xf32>
      %mul3A_619 = arith.mulf %get3A_34, %get3A_618 : vector<16xf32>
      %get3A_620 = arith.index_cast %add3A_30 : i32 to index
      %get3A_621 = arith.constant 576 : index
      %get3A_622 = tpu.vector_load %arg13[%get3A_620, %get3A_621] {strides = array<i32>} : memref<32x768xf32, #tpu.memory_space<vmem>>, vector<1x16xf32>,
      %get3A_623 = vector.shape_cast %get3A_622 : vector<1x16xf32> to vector<16xf32>
      %mul3A_624 = arith.mulf %get3A_39, %get3A_623 : vector<16xf32>
      %add3A_625 = arith.addf %mul3A_619, %mul3A_624 : vector<16xf32>
      %swap3A_626 = arith.index_cast %add3A_30 : i32 to index
      %swap3A_627 = arith.constant 576 : index
      %swap3A_628 = tpu.vector_load %arg14[%swap3A_626, %swap3A_627] {strides = array<i32>} : memref<32x768xf32, #tpu.memory_space<vmem>>, vector<1x16xf32>,
      %swap3A_629 = vector.shape_cast %swap3A_628 : vector<1x16xf32> to vector<16xf32>
      %swap3A_630 = vector.shape_cast %add3A_625 : vector<16xf32> to vector<1x16xf32>
      tpu.vector_store %arg14[%swap3A_626, %swap3A_627], %swap3A_630 {strides = array<i32>} : memref<32x768xf32, #tpu.memory_space<vmem>>, vector<1x16xf32>,
      %get3A_631 = arith.index_cast %add3A_30 : i32 to index
      %get3A_632 = arith.constant 592 : index
      %get3A_633 = tpu.vector_load %arg12[%get3A_631, %get3A_632] {strides = array<i32>} : memref<32x768xf32, #tpu.memory_space<vmem>>, vector<1x16xf32>,
      %get3A_634 = vector.shape_cast %get3A_633 : vector<1x16xf32> to vector<16xf32>
      %mul3A_635 = arith.mulf %get3A_34, %get3A_634 : vector<16xf32>
      %get3A_636 = arith.index_cast %add3A_30 : i32 to index
      %get3A_637 = arith.constant 592 : index
      %get3A_638 = tpu.vector_load %arg13[%get3A_636, %get3A_637] {strides = array<i32>} : memref<32x768xf32, #tpu.memory_space<vmem>>, vector<1x16xf32>,
      %get3A_639 = vector.shape_cast %get3A_638 : vector<1x16xf32> to vector<16xf32>
      %mul3A_640 = arith.mulf %get3A_39, %get3A_639 : vector<16xf32>
      %add3A_641 = arith.addf %mul3A_635, %mul3A_640 : vector<16xf32>
      %swap3A_642 = arith.index_cast %add3A_30 : i32 to index
      %swap3A_643 = arith.constant 592 : index
      %swap3A_644 = tpu.vector_load %arg14[%swap3A_642, %swap3A_643] {strides = array<i32>} : memref<32x768xf32, #tpu.memory_space<vmem>>, vector<1x16xf32>,
      %swap3A_645 = vector.shape_cast %swap3A_644 : vector<1x16xf32> to vector<16xf32>
      %swap3A_646 = vector.shape_cast %add3A_641 : vector<16xf32> to vector<1x16xf32>
      tpu.vector_store %arg14[%swap3A_642, %swap3A_643], %swap3A_646 {strides = array<i32>} : memref<32x768xf32, #tpu.memory_space<vmem>>, vector<1x16xf32>,
      %get3A_647 = arith.index_cast %add3A_30 : i32 to index
      %get3A_648 = arith.constant 608 : index
      %get3A_649 = tpu.vector_load %arg12[%get3A_647, %get3A_648] {strides = array<i32>} : memref<32x768xf32, #tpu.memory_space<vmem>>, vector<1x16xf32>,
      %get3A_650 = vector.shape_cast %get3A_649 : vector<1x16xf32> to vector<16xf32>
      %mul3A_651 = arith.mulf %get3A_34, %get3A_650 : vector<16xf32>
      %get3A_652 = arith.index_cast %add3A_30 : i32 to index
      %get3A_653 = arith.constant 608 : index
      %get3A_654 = tpu.vector_load %arg13[%get3A_652, %get3A_653] {strides = array<i32>} : memref<32x768xf32, #tpu.memory_space<vmem>>, vector<1x16xf32>,
      %get3A_655 = vector.shape_cast %get3A_654 : vector<1x16xf32> to vector<16xf32>
      %mul3A_656 = arith.mulf %get3A_39, %get3A_655 : vector<16xf32>
      %add3A_657 = arith.addf %mul3A_651, %mul3A_656 : vector<16xf32>
      %swap3A_658 = arith.index_cast %add3A_30 : i32 to index
      %swap3A_659 = arith.constant 608 : index
      %swap3A_660 = tpu.vector_load %arg14[%swap3A_658, %swap3A_659] {strides = array<i32>} : memref<32x768xf32, #tpu.memory_space<vmem>>, vector<1x16xf32>,
      %swap3A_661 = vector.shape_cast %swap3A_660 : vector<1x16xf32> to vector<16xf32>
      %swap3A_662 = vector.shape_cast %add3A_657 : vector<16xf32> to vector<1x16xf32>
      tpu.vector_store %arg14[%swap3A_658, %swap3A_659], %swap3A_662 {strides = array<i32>} : memref<32x768xf32, #tpu.memory_space<vmem>>, vector<1x16xf32>,
      %get3A_663 = arith.index_cast %add3A_30 : i32 to index
      %get3A_664 = arith.constant 624 : index
      %get3A_665 = tpu.vector_load %arg12[%get3A_663, %get3A_664] {strides = array<i32>} : memref<32x768xf32, #tpu.memory_space<vmem>>, vector<1x16xf32>,
      %get3A_666 = vector.shape_cast %get3A_665 : vector<1x16xf32> to vector<16xf32>
      %mul3A_667 = arith.mulf %get3A_34, %get3A_666 : vector<16xf32>
      %get3A_668 = arith.index_cast %add3A_30 : i32 to index
      %get3A_669 = arith.constant 624 : index
      %get3A_670 = tpu.vector_load %arg13[%get3A_668, %get3A_669] {strides = array<i32>} : memref<32x768xf32, #tpu.memory_space<vmem>>, vector<1x16xf32>,
      %get3A_671 = vector.shape_cast %get3A_670 : vector<1x16xf32> to vector<16xf32>
      %mul3A_672 = arith.mulf %get3A_39, %get3A_671 : vector<16xf32>
      %add3A_673 = arith.addf %mul3A_667, %mul3A_672 : vector<16xf32>
      %swap3A_674 = arith.index_cast %add3A_30 : i32 to index
      %swap3A_675 = arith.constant 624 : index
      %swap3A_676 = tpu.vector_load %arg14[%swap3A_674, %swap3A_675] {strides = array<i32>} : memref<32x768xf32, #tpu.memory_space<vmem>>, vector<1x16xf32>,
      %swap3A_677 = vector.shape_cast %swap3A_676 : vector<1x16xf32> to vector<16xf32>
      %swap3A_678 = vector.shape_cast %add3A_673 : vector<16xf32> to vector<1x16xf32>
      tpu.vector_store %arg14[%swap3A_674, %swap3A_675], %swap3A_678 {strides = array<i32>} : memref<32x768xf32, #tpu.memory_space<vmem>>, vector<1x16xf32>,
      %get3A_679 = arith.index_cast %add3A_30 : i32 to index
      %get3A_680 = arith.constant 640 : index
      %get3A_681 = tpu.vector_load %arg12[%get3A_679, %get3A_680] {strides = array<i32>} : memref<32x768xf32, #tpu.memory_space<vmem>>, vector<1x16xf32>,
      %get3A_682 = vector.shape_cast %get3A_681 : vector<1x16xf32> to vector<16xf32>
      %mul3A_683 = arith.mulf %get3A_34, %get3A_682 : vector<16xf32>
      %get3A_684 = arith.index_cast %add3A_30 : i32 to index
      %get3A_685 = arith.constant 640 : index
      %get3A_686 = tpu.vector_load %arg13[%get3A_684, %get3A_685] {strides = array<i32>} : memref<32x768xf32, #tpu.memory_space<vmem>>, vector<1x16xf32>,
      %get3A_687 = vector.shape_cast %get3A_686 : vector<1x16xf32> to vector<16xf32>
      %mul3A_688 = arith.mulf %get3A_39, %get3A_687 : vector<16xf32>
      %add3A_689 = arith.addf %mul3A_683, %mul3A_688 : vector<16xf32>
      %swap3A_690 = arith.index_cast %add3A_30 : i32 to index
      %swap3A_691 = arith.constant 640 : index
      %swap3A_692 = tpu.vector_load %arg14[%swap3A_690, %swap3A_691] {strides = array<i32>} : memref<32x768xf32, #tpu.memory_space<vmem>>, vector<1x16xf32>,
      %swap3A_693 = vector.shape_cast %swap3A_692 : vector<1x16xf32> to vector<16xf32>
      %swap3A_694 = vector.shape_cast %add3A_689 : vector<16xf32> to vector<1x16xf32>
      tpu.vector_store %arg14[%swap3A_690, %swap3A_691], %swap3A_694 {strides = array<i32>} : memref<32x768xf32, #tpu.memory_space<vmem>>, vector<1x16xf32>,
      %get3A_695 = arith.index_cast %add3A_30 : i32 to index
      %get3A_696 = arith.constant 656 : index
      %get3A_697 = tpu.vector_load %arg12[%get3A_695, %get3A_696] {strides = array<i32>} : memref<32x768xf32, #tpu.memory_space<vmem>>, vector<1x16xf32>,
      %get3A_698 = vector.shape_cast %get3A_697 : vector<1x16xf32> to vector<16xf32>
      %mul3A_699 = arith.mulf %get3A_34, %get3A_698 : vector<16xf32>
      %get3A_700 = arith.index_cast %add3A_30 : i32 to index
      %get3A_701 = arith.constant 656 : index
      %get3A_702 = tpu.vector_load %arg13[%get3A_700, %get3A_701] {strides = array<i32>} : memref<32x768xf32, #tpu.memory_space<vmem>>, vector<1x16xf32>,
      %get3A_703 = vector.shape_cast %get3A_702 : vector<1x16xf32> to vector<16xf32>
      %mul3A_704 = arith.mulf %get3A_39, %get3A_703 : vector<16xf32>
      %add3A_705 = arith.addf %mul3A_699, %mul3A_704 : vector<16xf32>
      %swap3A_706 = arith.index_cast %add3A_30 : i32 to index
      %swap3A_707 = arith.constant 656 : index
      %swap3A_708 = tpu.vector_load %arg14[%swap3A_706, %swap3A_707] {strides = array<i32>} : memref<32x768xf32, #tpu.memory_space<vmem>>, vector<1x16xf32>,
      %swap3A_709 = vector.shape_cast %swap3A_708 : vector<1x16xf32> to vector<16xf32>
      %swap3A_710 = vector.shape_cast %add3A_705 : vector<16xf32> to vector<1x16xf32>
      tpu.vector_store %arg14[%swap3A_706, %swap3A_707], %swap3A_710 {strides = array<i32>} : memref<32x768xf32, #tpu.memory_space<vmem>>, vector<1x16xf32>,
      %get3A_711 = arith.index_cast %add3A_30 : i32 to index
      %get3A_712 = arith.constant 672 : index
      %get3A_713 = tpu.vector_load %arg12[%get3A_711, %get3A_712] {strides = array<i32>} : memref<32x768xf32, #tpu.memory_space<vmem>>, vector<1x16xf32>,
      %get3A_714 = vector.shape_cast %get3A_713 : vector<1x16xf32> to vector<16xf32>
      %mul3A_715 = arith.mulf %get3A_34, %get3A_714 : vector<16xf32>
      %get3A_716 = arith.index_cast %add3A_30 : i32 to index
      %get3A_717 = arith.constant 672 : index
      %get3A_718 = tpu.vector_load %arg13[%get3A_716, %get3A_717] {strides = array<i32>} : memref<32x768xf32, #tpu.memory_space<vmem>>, vector<1x16xf32>,
      %get3A_719 = vector.shape_cast %get3A_718 : vector<1x16xf32> to vector<16xf32>
      %mul3A_720 = arith.mulf %get3A_39, %get3A_719 : vector<16xf32>
      %add3A_721 = arith.addf %mul3A_715, %mul3A_720 : vector<16xf32>
      %swap3A_722 = arith.index_cast %add3A_30 : i32 to index
      %swap3A_723 = arith.constant 672 : index
      %swap3A_724 = tpu.vector_load %arg14[%swap3A_722, %swap3A_723] {strides = array<i32>} : memref<32x768xf32, #tpu.memory_space<vmem>>, vector<1x16xf32>,
      %swap3A_725 = vector.shape_cast %swap3A_724 : vector<1x16xf32> to vector<16xf32>
      %swap3A_726 = vector.shape_cast %add3A_721 : vector<16xf32> to vector<1x16xf32>
      tpu.vector_store %arg14[%swap3A_722, %swap3A_723], %swap3A_726 {strides = array<i32>} : memref<32x768xf32, #tpu.memory_space<vmem>>, vector<1x16xf32>,
      %get3A_727 = arith.index_cast %add3A_30 : i32 to index
      %get3A_728 = arith.constant 688 : index
      %get3A_729 = tpu.vector_load %arg12[%get3A_727, %get3A_728] {strides = array<i32>} : memref<32x768xf32, #tpu.memory_space<vmem>>, vector<1x16xf32>,
      %get3A_730 = vector.shape_cast %get3A_729 : vector<1x16xf32> to vector<16xf32>
      %mul3A_731 = arith.mulf %get3A_34, %get3A_730 : vector<16xf32>
      %get3A_732 = arith.index_cast %add3A_30 : i32 to index
      %get3A_733 = arith.constant 688 : index
      %get3A_734 = tpu.vector_load %arg13[%get3A_732, %get3A_733] {strides = array<i32>} : memref<32x768xf32, #tpu.memory_space<vmem>>, vector<1x16xf32>,
      %get3A_735 = vector.shape_cast %get3A_734 : vector<1x16xf32> to vector<16xf32>
      %mul3A_736 = arith.mulf %get3A_39, %get3A_735 : vector<16xf32>
      %add3A_737 = arith.addf %mul3A_731, %mul3A_736 : vector<16xf32>
      %swap3A_738 = arith.index_cast %add3A_30 : i32 to index
      %swap3A_739 = arith.constant 688 : index
      %swap3A_740 = tpu.vector_load %arg14[%swap3A_738, %swap3A_739] {strides = array<i32>} : memref<32x768xf32, #tpu.memory_space<vmem>>, vector<1x16xf32>,
      %swap3A_741 = vector.shape_cast %swap3A_740 : vector<1x16xf32> to vector<16xf32>
      %swap3A_742 = vector.shape_cast %add3A_737 : vector<16xf32> to vector<1x16xf32>
      tpu.vector_store %arg14[%swap3A_738, %swap3A_739], %swap3A_742 {strides = array<i32>} : memref<32x768xf32, #tpu.memory_space<vmem>>, vector<1x16xf32>,
      %get3A_743 = arith.index_cast %add3A_30 : i32 to index
      %get3A_744 = arith.constant 704 : index
      %get3A_745 = tpu.vector_load %arg12[%get3A_743, %get3A_744] {strides = array<i32>} : memref<32x768xf32, #tpu.memory_space<vmem>>, vector<1x16xf32>,
      %get3A_746 = vector.shape_cast %get3A_745 : vector<1x16xf32> to vector<16xf32>
      %mul3A_747 = arith.mulf %get3A_34, %get3A_746 : vector<16xf32>
      %get3A_748 = arith.index_cast %add3A_30 : i32 to index
      %get3A_749 = arith.constant 704 : index
      %get3A_750 = tpu.vector_load %arg13[%get3A_748, %get3A_749] {strides = array<i32>} : memref<32x768xf32, #tpu.memory_space<vmem>>, vector<1x16xf32>,
      %get3A_751 = vector.shape_cast %get3A_750 : vector<1x16xf32> to vector<16xf32>
      %mul3A_752 = arith.mulf %get3A_39, %get3A_751 : vector<16xf32>
      %add3A_753 = arith.addf %mul3A_747, %mul3A_752 : vector<16xf32>
      %swap3A_754 = arith.index_cast %add3A_30 : i32 to index
      %swap3A_755 = arith.constant 704 : index
      %swap3A_756 = tpu.vector_load %arg14[%swap3A_754, %swap3A_755] {strides = array<i32>} : memref<32x768xf32, #tpu.memory_space<vmem>>, vector<1x16xf32>,
      %swap3A_757 = vector.shape_cast %swap3A_756 : vector<1x16xf32> to vector<16xf32>
      %swap3A_758 = vector.shape_cast %add3A_753 : vector<16xf32> to vector<1x16xf32>
      tpu.vector_store %arg14[%swap3A_754, %swap3A_755], %swap3A_758 {strides = array<i32>} : memref<32x768xf32, #tpu.memory_space<vmem>>, vector<1x16xf32>,
      %get3A_759 = arith.index_cast %add3A_30 : i32 to index
      %get3A_760 = arith.constant 720 : index
      %get3A_761 = tpu.vector_load %arg12[%get3A_759, %get3A_760] {strides = array<i32>} : memref<32x768xf32, #tpu.memory_space<vmem>>, vector<1x16xf32>,
      %get3A_762 = vector.shape_cast %get3A_761 : vector<1x16xf32> to vector<16xf32>
      %mul3A_763 = arith.mulf %get3A_34, %get3A_762 : vector<16xf32>
      %get3A_764 = arith.index_cast %add3A_30 : i32 to index
      %get3A_765 = arith.constant 720 : index
      %get3A_766 = tpu.vector_load %arg13[%get3A_764, %get3A_765] {strides = array<i32>} : memref<32x768xf32, #tpu.memory_space<vmem>>, vector<1x16xf32>,
      %get3A_767 = vector.shape_cast %get3A_766 : vector<1x16xf32> to vector<16xf32>
      %mul3A_768 = arith.mulf %get3A_39, %get3A_767 : vector<16xf32>
      %add3A_769 = arith.addf %mul3A_763, %mul3A_768 : vector<16xf32>
      %swap3A_770 = arith.index_cast %add3A_30 : i32 to index
      %swap3A_771 = arith.constant 720 : index
      %swap3A_772 = tpu.vector_load %arg14[%swap3A_770, %swap3A_771] {strides = array<i32>} : memref<32x768xf32, #tpu.memory_space<vmem>>, vector<1x16xf32>,
      %swap3A_773 = vector.shape_cast %swap3A_772 : vector<1x16xf32> to vector<16xf32>
      %swap3A_774 = vector.shape_cast %add3A_769 : vector<16xf32> to vector<1x16xf32>
      tpu.vector_store %arg14[%swap3A_770, %swap3A_771], %swap3A_774 {strides = array<i32>} : memref<32x768xf32, #tpu.memory_space<vmem>>, vector<1x16xf32>,
      %get3A_775 = arith.index_cast %add3A_30 : i32 to index
      %get3A_776 = arith.constant 736 : index
      %get3A_777 = tpu.vector_load %arg12[%get3A_775, %get3A_776] {strides = array<i32>} : memref<32x768xf32, #tpu.memory_space<vmem>>, vector<1x16xf32>,
      %get3A_778 = vector.shape_cast %get3A_777 : vector<1x16xf32> to vector<16xf32>
      %mul3A_779 = arith.mulf %get3A_34, %get3A_778 : vector<16xf32>
      %get3A_780 = arith.index_cast %add3A_30 : i32 to index
      %get3A_781 = arith.constant 736 : index
      %get3A_782 = tpu.vector_load %arg13[%get3A_780, %get3A_781] {strides = array<i32>} : memref<32x768xf32, #tpu.memory_space<vmem>>, vector<1x16xf32>,
      %get3A_783 = vector.shape_cast %get3A_782 : vector<1x16xf32> to vector<16xf32>
      %mul3A_784 = arith.mulf %get3A_39, %get3A_783 : vector<16xf32>
      %add3A_785 = arith.addf %mul3A_779, %mul3A_784 : vector<16xf32>
      %swap3A_786 = arith.index_cast %add3A_30 : i32 to index
      %swap3A_787 = arith.constant 736 : index
      %swap3A_788 = tpu.vector_load %arg14[%swap3A_786, %swap3A_787] {strides = array<i32>} : memref<32x768xf32, #tpu.memory_space<vmem>>, vector<1x16xf32>,
      %swap3A_789 = vector.shape_cast %swap3A_788 : vector<1x16xf32> to vector<16xf32>
      %swap3A_790 = vector.shape_cast %add3A_785 : vector<16xf32> to vector<1x16xf32>
      tpu.vector_store %arg14[%swap3A_786, %swap3A_787], %swap3A_790 {strides = array<i32>} : memref<32x768xf32, #tpu.memory_space<vmem>>, vector<1x16xf32>,
      %get3A_791 = arith.index_cast %add3A_30 : i32 to index
      %get3A_792 = arith.constant 752 : index
      %get3A_793 = tpu.vector_load %arg12[%get3A_791, %get3A_792] {strides = array<i32>} : memref<32x768xf32, #tpu.memory_space<vmem>>, vector<1x16xf32>,
      %get3A_794 = vector.shape_cast %get3A_793 : vector<1x16xf32> to vector<16xf32>
      %mul3A_795 = arith.mulf %get3A_34, %get3A_794 : vector<16xf32>
      %get3A_796 = arith.index_cast %add3A_30 : i32 to index
      %get3A_797 = arith.constant 752 : index
      %get3A_798 = tpu.vector_load %arg13[%get3A_796, %get3A_797] {strides = array<i32>} : memref<32x768xf32, #tpu.memory_space<vmem>>, vector<1x16xf32>,
      %get3A_799 = vector.shape_cast %get3A_798 : vector<1x16xf32> to vector<16xf32>
      %mul3A_800 = arith.mulf %get3A_39, %get3A_799 : vector<16xf32>
      %add3A_801 = arith.addf %mul3A_795, %mul3A_800 : vector<16xf32>
      %swap3A_802 = arith.index_cast %add3A_30 : i32 to index
      %swap3A_803 = arith.constant 752 : index
      %swap3A_804 = tpu.vector_load %arg14[%swap3A_802, %swap3A_803] {strides = array<i32>} : memref<32x768xf32, #tpu.memory_space<vmem>>, vector<1x16xf32>,
      %swap3A_805 = vector.shape_cast %swap3A_804 : vector<1x16xf32> to vector<16xf32>
      %swap3A_806 = vector.shape_cast %add3A_801 : vector<16xf32> to vector<1x16xf32>
      tpu.vector_store %arg14[%swap3A_802, %swap3A_803], %swap3A_806 {strides = array<i32>} : memref<32x768xf32, #tpu.memory_space<vmem>>, vector<1x16xf32>,
    }
    %scan3A_25 = arith.constant 32 : i32
    "tpu.region"() ({
      %run_scoped3A = tpu.sem_alloc : memref<!tpu.dma_semaphore, #tpu.memory_space<semaphore_mem>>
      %dma_start3A = arith.constant 0 : i32
      %dma_start3A_26 = tpu.memref_slice %arg7[%add3A_16, %dma_start3A] : memref<2048x768xf32, #tpu.memory_space<hbm>> -> memref<32x768xf32, #tpu.memory_space<hbm>>
      %dma_start3A_27 = arith.constant 0 : i32
      %dma_start3A_28 = tpu.memref_slice %arg7[%add3A_16, %dma_start3A_27] : memref<2048x768xf32, #tpu.memory_space<hbm>> -> memref<32x768xf32, #tpu.memory_space<hbm>>
      tpu.enqueue_dma source(%arg14 : memref<32x768xf32, #tpu.memory_space<vmem>>) target(%dma_start3A_28 : memref<32x768xf32, #tpu.memory_space<hbm>>) target_semaphore(%run_scoped3A : memref<!tpu.dma_semaphore, #tpu.memory_space<semaphore_mem>>)
      %dma_wait3A = arith.constant 0 : i32
      %dma_wait3A_29 = tpu.memref_slice %arg7[%add3A_16, %dma_wait3A] : memref<2048x768xf32, #tpu.memory_space<hbm>> -> memref<32x768xf32, #tpu.memory_space<hbm>>
      %dma_wait3A_30 = arith.constant 0 : i32
      %dma_wait3A_31 = tpu.memref_slice %arg7[%add3A_16, %dma_wait3A_30] : memref<2048x768xf32, #tpu.memory_space<hbm>> -> memref<32x768xf32, #tpu.memory_space<hbm>>
      tpu.wait_dma2 semaphore(%run_scoped3A : memref<!tpu.dma_semaphore, #tpu.memory_space<semaphore_mem>>) src(%arg14 : memref<32x768xf32, #tpu.memory_space<vmem>>) dst(%dma_wait3A_31 : memref<32x768xf32, #tpu.memory_space<hbm>>)
      tpu.yield
    }) : () -> ()
    return
  }
}

module attributes {stable_mosaic.version = 14 : i64} {
  func.func @_router_kernel(%arg0: memref<2048x768xf32, #tpu.memory_space<vmem>>, %arg1: memref<768x8xf32, #tpu.memory_space<vmem>>, %arg2: memref<1x2048xi32, #tpu.memory_space<vmem>>, %arg3: memref<1x2048xi32, #tpu.memory_space<vmem>>, %arg4: memref<2048x16xf32, #tpu.memory_space<vmem>>, %arg5: memref<2048x16xf32, #tpu.memory_space<vmem>>, %arg6: memref<1x40xi32, #tpu.memory_space<vmem>>, %arg7: memref<1x40xi32, #tpu.memory_space<vmem>>) attributes {dimension_semantics = [], scalar_prefetch = 0 : i64, scratch_operands = 0 : i64, tpu.core_type = #tpu.core_type<tc>} {
    %get3A = arith.constant 0 : index
    %get3A_0 = arith.constant 0 : index
    %get3A_1 = vector.load %arg0[%get3A, %get3A_0] : memref<2048x768xf32, #tpu.memory_space<vmem>>, vector<2048x768xf32>
    %get3A_2 = arith.constant 0 : index
    %get3A_3 = arith.constant 0 : index
    %get3A_4 = vector.load %arg1[%get3A_2, %get3A_3] : memref<768x8xf32, #tpu.memory_space<vmem>>, vector<768x8xf32>
    %dot_general3A = arith.constant dense<0.000000e+00> : vector<2048x8xf32>
    %dot_general3A_5 = tpu.matmul %get3A_1, %get3A_4, %dot_general3A {dimension_numbers = #tpu.dot_dimension_numbers<[1], [0], [0], [1], [0, 0, 1, 1], [], []>, transpose_lhs_hint = false} : vector<2048x768xf32>, vector<768x8xf32>, vector<2048x8xf32> -> vector<2048x8xf32>
    %iota3A = tpu.iota {dimensions = array<i32: 1>} : vector<2048x8xi32>
    %reduce_max3A = arith.constant dense<0xFF800000> : vector<2048xf32>
    %reduce_max3A_6 = vector.multi_reduction <maximumf>, %dot_general3A_5, %reduce_max3A [1] : vector<2048x8xf32> to vector<2048xf32>
    %broadcast_in_dim3A = vector.shape_cast %reduce_max3A_6 : vector<2048xf32> to vector<2048x1xf32>
    %eq3A = vector.broadcast %broadcast_in_dim3A : vector<2048x1xf32> to vector<2048x8xf32>
    %eq3A_7 = arith.cmpf oeq, %dot_general3A_5, %eq3A : vector<2048x8xf32>
    %jit3A = arith.constant 8 : i32
    %broadcast_in_dim3A_8 = vector.broadcast %jit3A : i32 to vector<2048x8xi32>
    %select_n3A = arith.select %eq3A_7, %iota3A, %broadcast_in_dim3A_8 : vector<2048x8xi1>, vector<2048x8xi32>
    %reduce_min3A = arith.constant dense<2147483647> : vector<2048xi32>
    %reduce_min3A_9 = vector.multi_reduction <minsi>, %select_n3A, %reduce_min3A [1] : vector<2048x8xi32> to vector<2048xi32>
    %broadcast_in_dim3A_10 = vector.shape_cast %reduce_min3A_9 : vector<2048xi32> to vector<2048x1xi32>
    %eq3A_11 = vector.broadcast %broadcast_in_dim3A_10 : vector<2048x1xi32> to vector<2048x8xi32>
    %eq3A_12 = arith.cmpi eq, %iota3A, %eq3A_11 : vector<2048x8xi32>
    %jit3A_13 = arith.constant 0xFF800000 : f32
    %broadcast_in_dim3A_14 = vector.broadcast %jit3A_13 : f32 to vector<2048x8xf32>
    %select_n3A_15 = arith.select %eq3A_12, %broadcast_in_dim3A_14, %dot_general3A_5 : vector<2048x8xi1>, vector<2048x8xf32>
    %reduce_max3A_16 = arith.constant dense<0xFF800000> : vector<2048xf32>
    %reduce_max3A_17 = vector.multi_reduction <maximumf>, %select_n3A_15, %reduce_max3A_16 [1] : vector<2048x8xf32> to vector<2048xf32>
    %broadcast_in_dim3A_18 = vector.shape_cast %reduce_max3A_17 : vector<2048xf32> to vector<2048x1xf32>
    %eq3A_19 = vector.broadcast %broadcast_in_dim3A_18 : vector<2048x1xf32> to vector<2048x8xf32>
    %eq3A_20 = arith.cmpf oeq, %select_n3A_15, %eq3A_19 : vector<2048x8xf32>
    %jit3A_21 = arith.constant 8 : i32
    %broadcast_in_dim3A_22 = vector.broadcast %jit3A_21 : i32 to vector<2048x8xi32>
    %select_n3A_23 = arith.select %eq3A_20, %iota3A, %broadcast_in_dim3A_22 : vector<2048x8xi1>, vector<2048x8xi32>
    %reduce_min3A_24 = arith.constant dense<2147483647> : vector<2048xi32>
    %reduce_min3A_25 = vector.multi_reduction <minsi>, %select_n3A_23, %reduce_min3A_24 [1] : vector<2048x8xi32> to vector<2048xi32>
    %broadcast_in_dim3A_26 = vector.shape_cast %reduce_min3A_25 : vector<2048xi32> to vector<2048x1xi32>
    %eq3A_27 = vector.broadcast %broadcast_in_dim3A_26 : vector<2048x1xi32> to vector<2048x8xi32>
    %eq3A_28 = arith.cmpi eq, %iota3A, %eq3A_27 : vector<2048x8xi32>
    %sub3A = vector.broadcast %broadcast_in_dim3A : vector<2048x1xf32> to vector<2048x8xf32>
    %sub3A_29 = arith.subf %dot_general3A_5, %sub3A : vector<2048x8xf32>
    %exp3A = math.exp %sub3A_29 : vector<2048x8xf32>
    %reduce_sum3A = arith.constant dense<0.000000e+00> : vector<2048xf32>
    %reduce_sum3A_30 = vector.multi_reduction <add>, %exp3A, %reduce_sum3A [1] : vector<2048x8xf32> to vector<2048xf32>
    %broadcast_in_dim3A_31 = vector.shape_cast %reduce_sum3A_30 : vector<2048xf32> to vector<2048x1xf32>
    %div3A = arith.constant 1.000000e+00 : f32
    %div3A_32 = vector.broadcast %div3A : f32 to vector<2048x1xf32>
    %div3A_33 = arith.divf %div3A_32, %broadcast_in_dim3A_31 : vector<2048x1xf32>
    %sub3A_34 = arith.subf %broadcast_in_dim3A_18, %broadcast_in_dim3A : vector<2048x1xf32>
    %exp3A_35 = math.exp %sub3A_34 : vector<2048x1xf32>
    %div3A_36 = arith.divf %exp3A_35, %broadcast_in_dim3A_31 : vector<2048x1xf32>
    %add3A = arith.addf %div3A_33, %div3A_36 : vector<2048x1xf32>
    %add3A_37 = arith.constant 9.99999993E-9 : f32
    %add3A_38 = vector.broadcast %add3A_37 : f32 to vector<2048x1xf32>
    %add3A_39 = arith.addf %add3A, %add3A_38 : vector<2048x1xf32>
    %div3A_40 = arith.divf %div3A_33, %add3A_39 : vector<2048x1xf32>
    %broadcast_in_dim3A_41 = vector.shape_cast %div3A_40 : vector<2048x1xf32> to vector<2048x1xf32>
    %broadcast_in_dim3A_42 = vector.broadcast %broadcast_in_dim3A_41 : vector<2048x1xf32> to vector<2048x16xf32>
    %swap3A = arith.constant 0 : index
    %swap3A_43 = arith.constant 0 : index
    %swap3A_44 = vector.load %arg4[%swap3A, %swap3A_43] : memref<2048x16xf32, #tpu.memory_space<vmem>>, vector<2048x16xf32>
    tpu.vector_store %arg4[%swap3A, %swap3A_43], %broadcast_in_dim3A_42 {strides = array<i32>} : memref<2048x16xf32, #tpu.memory_space<vmem>>, vector<2048x16xf32>,
    %div3A_45 = arith.divf %div3A_36, %add3A_39 : vector<2048x1xf32>
    %broadcast_in_dim3A_46 = vector.shape_cast %div3A_45 : vector<2048x1xf32> to vector<2048x1xf32>
    %broadcast_in_dim3A_47 = vector.broadcast %broadcast_in_dim3A_46 : vector<2048x1xf32> to vector<2048x16xf32>
    %swap3A_48 = arith.constant 0 : index
    %swap3A_49 = arith.constant 0 : index
    %swap3A_50 = vector.load %arg5[%swap3A_48, %swap3A_49] : memref<2048x16xf32, #tpu.memory_space<vmem>>, vector<2048x16xf32>
    tpu.vector_store %arg5[%swap3A_48, %swap3A_49], %broadcast_in_dim3A_47 {strides = array<i32>} : memref<2048x16xf32, #tpu.memory_space<vmem>>, vector<2048x16xf32>,
    %jit3A_51 = arith.constant 3 : i32
    %jit3A_52 = arith.constant 0 : i32
    %broadcast_in_dim3A_53 = vector.broadcast %jit3A_51 : i32 to vector<2048x8xi32>
    %broadcast_in_dim3A_54 = vector.broadcast %jit3A_52 : i32 to vector<2048x8xi32>
    %select_n3A_55 = arith.select %eq3A_12, %broadcast_in_dim3A_53, %broadcast_in_dim3A_54 : vector<2048x8xi1>, vector<2048x8xi32>
    %jit3A_56 = arith.constant 1 : i32
    %jit3A_57 = arith.constant 0 : i32
    %broadcast_in_dim3A_58 = vector.broadcast %jit3A_56 : i32 to vector<2048x8xi32>
    %broadcast_in_dim3A_59 = vector.broadcast %jit3A_57 : i32 to vector<2048x8xi32>
    %select_n3A_60 = arith.select %eq3A_28, %broadcast_in_dim3A_58, %broadcast_in_dim3A_59 : vector<2048x8xi1>, vector<2048x8xi32>
    %add3A_61 = arith.addi %select_n3A_55, %select_n3A_60 : vector<2048x8xi32>
    %transpose3A = tpu.transpose %add3A_61, [1, 0] : vector<2048x8xi32> -> vector<8x2048xi32>
    %ne3A = arith.constant 0 : i32
    %ne3A_62 = vector.broadcast %ne3A : i32 to vector<8x2048xi32>
    %ne3A_63 = arith.cmpi ne, %transpose3A, %ne3A_62 : vector<8x2048xi32>
    %jit3A_64 = arith.constant 1 : i32
    %jit3A_65 = arith.constant 0 : i32
    %broadcast_in_dim3A_66 = vector.broadcast %jit3A_64 : i32 to vector<8x2048xi32>
    %broadcast_in_dim3A_67 = vector.broadcast %jit3A_65 : i32 to vector<8x2048xi32>
    %select_n3A_68 = arith.select %ne3A_63, %broadcast_in_dim3A_66, %broadcast_in_dim3A_67 : vector<8x2048xi1>, vector<8x2048xi32>
    %ge3A = arith.constant 2 : i32
    %ge3A_69 = vector.broadcast %ge3A : i32 to vector<8x2048xi32>
    %ge3A_70 = arith.cmpi sge, %transpose3A, %ge3A_69 : vector<8x2048xi32>
    %eq3A_71 = arith.constant 1 : i32
    %eq3A_72 = vector.broadcast %eq3A_71 : i32 to vector<8x2048xi32>
    %eq3A_73 = arith.cmpi eq, %transpose3A, %eq3A_72 : vector<8x2048xi32>
    %broadcast_in_dim3A_74 = arith.constant 0 : i32
    %broadcast_in_dim3A_75 = vector.broadcast %broadcast_in_dim3A_74 : i32 to vector<8x1xi32>
    %slice3A = vector.extract_strided_slice %select_n3A_68 {offsets = [0, 0], sizes = [8, 2047], strides = [1, 1]} : vector<8x2048xi32> to vector<8x2047xi32>
    %concatenate3A = tpu.concatenate %broadcast_in_dim3A_75, %slice3A in 1 : vector<8x1xi32>, vector<8x2047xi32> -> vector<8x2048xi32>
    %add3A_76 = arith.addi %select_n3A_68, %concatenate3A : vector<8x2048xi32>
    %broadcast_in_dim3A_77 = arith.constant 0 : i32
    %broadcast_in_dim3A_78 = vector.broadcast %broadcast_in_dim3A_77 : i32 to vector<8x2xi32>
    %slice3A_79 = vector.extract_strided_slice %add3A_76 {offsets = [0, 0], sizes = [8, 2046], strides = [1, 1]} : vector<8x2048xi32> to vector<8x2046xi32>
    %concatenate3A_80 = tpu.concatenate %broadcast_in_dim3A_78, %slice3A_79 in 1 : vector<8x2xi32>, vector<8x2046xi32> -> vector<8x2048xi32>
    %add3A_81 = arith.addi %add3A_76, %concatenate3A_80 : vector<8x2048xi32>
    %broadcast_in_dim3A_82 = arith.constant 0 : i32
    %broadcast_in_dim3A_83 = vector.broadcast %broadcast_in_dim3A_82 : i32 to vector<8x4xi32>
    %slice3A_84 = vector.extract_strided_slice %add3A_81 {offsets = [0, 0], sizes = [8, 2044], strides = [1, 1]} : vector<8x2048xi32> to vector<8x2044xi32>
    %concatenate3A_85 = tpu.concatenate %broadcast_in_dim3A_83, %slice3A_84 in 1 : vector<8x4xi32>, vector<8x2044xi32> -> vector<8x2048xi32>
    %add3A_86 = arith.addi %add3A_81, %concatenate3A_85 : vector<8x2048xi32>
    %broadcast_in_dim3A_87 = arith.constant 0 : i32
    %broadcast_in_dim3A_88 = vector.broadcast %broadcast_in_dim3A_87 : i32 to vector<8x8xi32>
    %slice3A_89 = vector.extract_strided_slice %add3A_86 {offsets = [0, 0], sizes = [8, 2040], strides = [1, 1]} : vector<8x2048xi32> to vector<8x2040xi32>
    %concatenate3A_90 = tpu.concatenate %broadcast_in_dim3A_88, %slice3A_89 in 1 : vector<8x8xi32>, vector<8x2040xi32> -> vector<8x2048xi32>
    %add3A_91 = arith.addi %add3A_86, %concatenate3A_90 : vector<8x2048xi32>
    %broadcast_in_dim3A_92 = arith.constant 0 : i32
    %broadcast_in_dim3A_93 = vector.broadcast %broadcast_in_dim3A_92 : i32 to vector<8x16xi32>
    %slice3A_94 = vector.extract_strided_slice %add3A_91 {offsets = [0, 0], sizes = [8, 2032], strides = [1, 1]} : vector<8x2048xi32> to vector<8x2032xi32>
    %concatenate3A_95 = tpu.concatenate %broadcast_in_dim3A_93, %slice3A_94 in 1 : vector<8x16xi32>, vector<8x2032xi32> -> vector<8x2048xi32>
    %add3A_96 = arith.addi %add3A_91, %concatenate3A_95 : vector<8x2048xi32>
    %broadcast_in_dim3A_97 = arith.constant 0 : i32
    %broadcast_in_dim3A_98 = vector.broadcast %broadcast_in_dim3A_97 : i32 to vector<8x32xi32>
    %slice3A_99 = vector.extract_strided_slice %add3A_96 {offsets = [0, 0], sizes = [8, 2016], strides = [1, 1]} : vector<8x2048xi32> to vector<8x2016xi32>
    %concatenate3A_100 = tpu.concatenate %broadcast_in_dim3A_98, %slice3A_99 in 1 : vector<8x32xi32>, vector<8x2016xi32> -> vector<8x2048xi32>
    %add3A_101 = arith.addi %add3A_96, %concatenate3A_100 : vector<8x2048xi32>
    %broadcast_in_dim3A_102 = arith.constant 0 : i32
    %broadcast_in_dim3A_103 = vector.broadcast %broadcast_in_dim3A_102 : i32 to vector<8x64xi32>
    %slice3A_104 = vector.extract_strided_slice %add3A_101 {offsets = [0, 0], sizes = [8, 1984], strides = [1, 1]} : vector<8x2048xi32> to vector<8x1984xi32>
    %concatenate3A_105 = tpu.concatenate %broadcast_in_dim3A_103, %slice3A_104 in 1 : vector<8x64xi32>, vector<8x1984xi32> -> vector<8x2048xi32>
    %add3A_106 = arith.addi %add3A_101, %concatenate3A_105 : vector<8x2048xi32>
    %broadcast_in_dim3A_107 = arith.constant 0 : i32
    %broadcast_in_dim3A_108 = vector.broadcast %broadcast_in_dim3A_107 : i32 to vector<8x128xi32>
    %slice3A_109 = vector.extract_strided_slice %add3A_106 {offsets = [0, 0], sizes = [8, 1920], strides = [1, 1]} : vector<8x2048xi32> to vector<8x1920xi32>
    %concatenate3A_110 = tpu.concatenate %broadcast_in_dim3A_108, %slice3A_109 in 1 : vector<8x128xi32>, vector<8x1920xi32> -> vector<8x2048xi32>
    %add3A_111 = arith.addi %add3A_106, %concatenate3A_110 : vector<8x2048xi32>
    %broadcast_in_dim3A_112 = arith.constant 0 : i32
    %broadcast_in_dim3A_113 = vector.broadcast %broadcast_in_dim3A_112 : i32 to vector<8x256xi32>
    %slice3A_114 = vector.extract_strided_slice %add3A_111 {offsets = [0, 0], sizes = [8, 1792], strides = [1, 1]} : vector<8x2048xi32> to vector<8x1792xi32>
    %concatenate3A_115 = tpu.concatenate %broadcast_in_dim3A_113, %slice3A_114 in 1 : vector<8x256xi32>, vector<8x1792xi32> -> vector<8x2048xi32>
    %add3A_116 = arith.addi %add3A_111, %concatenate3A_115 : vector<8x2048xi32>
    %broadcast_in_dim3A_117 = arith.constant 0 : i32
    %broadcast_in_dim3A_118 = vector.broadcast %broadcast_in_dim3A_117 : i32 to vector<8x512xi32>
    %slice3A_119 = vector.extract_strided_slice %add3A_116 {offsets = [0, 0], sizes = [8, 1536], strides = [1, 1]} : vector<8x2048xi32> to vector<8x1536xi32>
    %concatenate3A_120 = tpu.concatenate %broadcast_in_dim3A_118, %slice3A_119 in 1 : vector<8x512xi32>, vector<8x1536xi32> -> vector<8x2048xi32>
    %add3A_121 = arith.addi %add3A_116, %concatenate3A_120 : vector<8x2048xi32>
    %broadcast_in_dim3A_122 = arith.constant 0 : i32
    %broadcast_in_dim3A_123 = vector.broadcast %broadcast_in_dim3A_122 : i32 to vector<8x1024xi32>
    %slice3A_124 = vector.extract_strided_slice %add3A_121 {offsets = [0, 0], sizes = [8, 1024], strides = [1, 1]} : vector<8x2048xi32> to vector<8x1024xi32>
    %concatenate3A_125 = tpu.concatenate %broadcast_in_dim3A_123, %slice3A_124 in 1 : vector<8x1024xi32>, vector<8x1024xi32> -> vector<8x2048xi32>
    %add3A_126 = arith.addi %add3A_121, %concatenate3A_125 : vector<8x2048xi32>
    %sub3A_127 = arith.subi %add3A_126, %select_n3A_68 : vector<8x2048xi32>
    %slice3A_128 = vector.extract_strided_slice %add3A_126 {offsets = [0, 2047], sizes = [8, 1], strides = [1, 1]} : vector<8x2048xi32> to vector<8x1xi32>
    %add3A_129 = arith.constant 127 : i32
    %add3A_130 = vector.broadcast %add3A_129 : i32 to vector<8x1xi32>
    %add3A_131 = arith.addi %slice3A_128, %add3A_130 : vector<8x1xi32>
    %jit3A_132 = arith.constant 128 : i32
    %div3A_133 = vector.broadcast %jit3A_132 : i32 to vector<8x1xi32>
    %div3A_134 = arith.divsi %add3A_131, %div3A_133 : vector<8x1xi32>
    %sign3A = arith.constant 0 : i32
    %sign3A_135 = vector.broadcast %sign3A : i32 to vector<8x1xi32>
    %sign3A_136 = arith.cmpi sgt, %add3A_131, %sign3A_135 : vector<8x1xi32>
    %sign3A_137 = arith.extui %sign3A_136 : vector<8x1xi1> to vector<8x1xi32>
    %sign3A_138 = arith.constant 0 : i32
    %sign3A_139 = vector.broadcast %sign3A_138 : i32 to vector<8x1xi32>
    %sign3A_140 = arith.cmpi slt, %add3A_131, %sign3A_139 : vector<8x1xi32>
    %sign3A_141 = arith.extui %sign3A_140 : vector<8x1xi1> to vector<8x1xi32>
    %sign3A_142 = arith.subi %sign3A_137, %sign3A_141 : vector<8x1xi32>
    %sign3A_143 = arith.constant 0 : i32
    %sign3A_144 = arith.cmpi sgt, %jit3A_132, %sign3A_143 : i32
    %sign3A_145 = arith.extui %sign3A_144 : i1 to i32
    %sign3A_146 = arith.constant 0 : i32
    %sign3A_147 = arith.cmpi slt, %jit3A_132, %sign3A_146 : i32
    %sign3A_148 = arith.extui %sign3A_147 : i1 to i32
    %sign3A_149 = arith.subi %sign3A_145, %sign3A_148 : i32
    %ne3A_150 = vector.broadcast %sign3A_149 : i32 to vector<8x1xi32>
    %ne3A_151 = arith.cmpi ne, %sign3A_142, %ne3A_150 : vector<8x1xi32>
    %rem3A = vector.broadcast %jit3A_132 : i32 to vector<8x1xi32>
    %rem3A_152 = arith.remsi %add3A_131, %rem3A : vector<8x1xi32>
    %ne3A_153 = arith.constant 0 : i32
    %ne3A_154 = vector.broadcast %ne3A_153 : i32 to vector<8x1xi32>
    %ne3A_155 = arith.cmpi ne, %rem3A_152, %ne3A_154 : vector<8x1xi32>
    %and3A = arith.andi %ne3A_151, %ne3A_155 : vector<8x1xi1>
    %sub3A_156 = arith.constant 1 : i32
    %sub3A_157 = vector.broadcast %sub3A_156 : i32 to vector<8x1xi32>
    %sub3A_158 = arith.subi %div3A_134, %sub3A_157 : vector<8x1xi32>
    %select_n3A_159 = arith.select %and3A, %sub3A_158, %div3A_134 : vector<8x1xi1>, vector<8x1xi32>
    %mul3A = arith.constant 128 : i32
    %mul3A_160 = vector.broadcast %mul3A : i32 to vector<8x1xi32>
    %mul3A_161 = arith.muli %select_n3A_159, %mul3A_160 : vector<8x1xi32>
    %broadcast_in_dim3A_162 = arith.constant 0 : i32
    %broadcast_in_dim3A_163 = vector.broadcast %broadcast_in_dim3A_162 : i32 to vector<1x1xi32>
    %slice3A_164 = vector.extract_strided_slice %mul3A_161 {offsets = [0, 0], sizes = [7, 1], strides = [1, 1]} : vector<8x1xi32> to vector<7x1xi32>
    %concatenate3A_165 = tpu.concatenate %broadcast_in_dim3A_163, %slice3A_164 in 0 : vector<1x1xi32>, vector<7x1xi32> -> vector<8x1xi32>
    %add3A_166 = arith.addi %mul3A_161, %concatenate3A_165 : vector<8x1xi32>
    %broadcast_in_dim3A_167 = arith.constant 0 : i32
    %broadcast_in_dim3A_168 = vector.broadcast %broadcast_in_dim3A_167 : i32 to vector<2x1xi32>
    %slice3A_169 = vector.extract_strided_slice %add3A_166 {offsets = [0, 0], sizes = [6, 1], strides = [1, 1]} : vector<8x1xi32> to vector<6x1xi32>
    %concatenate3A_170 = tpu.concatenate %broadcast_in_dim3A_168, %slice3A_169 in 0 : vector<2x1xi32>, vector<6x1xi32> -> vector<8x1xi32>
    %add3A_171 = arith.addi %add3A_166, %concatenate3A_170 : vector<8x1xi32>
    %broadcast_in_dim3A_172 = arith.constant 0 : i32
    %broadcast_in_dim3A_173 = vector.broadcast %broadcast_in_dim3A_172 : i32 to vector<4x1xi32>
    %slice3A_174 = vector.extract_strided_slice %add3A_171 {offsets = [0, 0], sizes = [4, 1], strides = [1, 1]} : vector<8x1xi32> to vector<4x1xi32>
    %concatenate3A_175 = tpu.concatenate %broadcast_in_dim3A_173, %slice3A_174 in 0 : vector<4x1xi32>, vector<4x1xi32> -> vector<8x1xi32>
    %add3A_176 = arith.addi %add3A_171, %concatenate3A_175 : vector<8x1xi32>
    %sub3A_177 = arith.subi %add3A_176, %mul3A_161 : vector<8x1xi32>
    %add3A_178 = vector.broadcast %sub3A_177 : vector<8x1xi32> to vector<8x2048xi32>
    %add3A_179 = arith.addi %sub3A_127, %add3A_178 : vector<8x2048xi32>
    %jit3A_180 = arith.constant 0 : i32
    %broadcast_in_dim3A_181 = vector.broadcast %jit3A_180 : i32 to vector<8x2048xi32>
    %select_n3A_182 = arith.select %ge3A_70, %add3A_179, %broadcast_in_dim3A_181 : vector<8x2048xi1>, vector<8x2048xi32>
    %reduce_sum3A_183 = arith.constant dense<0> : vector<2048xi32>
    %reduce_sum3A_184 = vector.multi_reduction <add>, %select_n3A_182, %reduce_sum3A_183 [0] : vector<8x2048xi32> to vector<2048xi32>
    %broadcast_in_dim3A_185 = vector.shape_cast %reduce_sum3A_184 : vector<2048xi32> to vector<1x2048xi32>
    %swap3A_186 = arith.constant 0 : index
    %swap3A_187 = arith.constant 0 : index
    %swap3A_188 = vector.load %arg2[%swap3A_186, %swap3A_187] : memref<1x2048xi32, #tpu.memory_space<vmem>>, vector<1x2048xi32>
    tpu.vector_store %arg2[%swap3A_186, %swap3A_187], %broadcast_in_dim3A_185 {strides = array<i32>} : memref<1x2048xi32, #tpu.memory_space<vmem>>, vector<1x2048xi32>,
    %jit3A_189 = arith.constant 0 : i32
    %broadcast_in_dim3A_190 = vector.broadcast %jit3A_189 : i32 to vector<8x2048xi32>
    %select_n3A_191 = arith.select %eq3A_73, %add3A_179, %broadcast_in_dim3A_190 : vector<8x2048xi1>, vector<8x2048xi32>
    %reduce_sum3A_192 = arith.constant dense<0> : vector<2048xi32>
    %reduce_sum3A_193 = vector.multi_reduction <add>, %select_n3A_191, %reduce_sum3A_192 [0] : vector<8x2048xi32> to vector<2048xi32>
    %broadcast_in_dim3A_194 = vector.shape_cast %reduce_sum3A_193 : vector<2048xi32> to vector<1x2048xi32>
    %swap3A_195 = arith.constant 0 : index
    %swap3A_196 = arith.constant 0 : index
    %swap3A_197 = vector.load %arg3[%swap3A_195, %swap3A_196] : memref<1x2048xi32, #tpu.memory_space<vmem>>, vector<1x2048xi32>
    tpu.vector_store %arg3[%swap3A_195, %swap3A_196], %broadcast_in_dim3A_194 {strides = array<i32>} : memref<1x2048xi32, #tpu.memory_space<vmem>>, vector<1x2048xi32>,
    %reduce_sum3A_198 = vector.shape_cast %mul3A_161 : vector<8x1xi32> to vector<1x8x1xi32>
    %reduce_sum3A_199 = arith.constant dense<0> : vector<1xi32>
    %reduce_sum3A_200 = vector.multi_reduction <add>, %reduce_sum3A_198, %reduce_sum3A_199 [1, 2] : vector<1x8x1xi32> to vector<1xi32>
    %reduce_sum3A_201 = vector.shape_cast %reduce_sum3A_200 : vector<1xi32> to vector<1x1x1xi32>
    %reduce_sum3A_202 = vector.extract %reduce_sum3A_201[0, 0, 0] : i32 from vector<1x1x1xi32>
    %iota3A_203 = tpu.iota {dimensions = array<i32: 1>} : vector<8x40xi32>
    %mul3A_204 = arith.constant 128 : i32
    %mul3A_205 = vector.broadcast %mul3A_204 : i32 to vector<8x40xi32>
    %mul3A_206 = arith.muli %iota3A_203, %mul3A_205 : vector<8x40xi32>
    %sub3A_207 = arith.constant 1 : i32
    %sub3A_208 = arith.subi %reduce_sum3A_202, %sub3A_207 : i32
    %min3A = vector.broadcast %sub3A_208 : i32 to vector<8x40xi32>
    %min3A_209 = arith.minsi %mul3A_206, %min3A : vector<8x40xi32>
    %broadcast_in_dim3A_210 = vector.shape_cast %sub3A_177 : vector<8x1xi32> to vector<8x1xi32>
    %broadcast_in_dim3A_211 = vector.broadcast %broadcast_in_dim3A_210 : vector<8x1xi32> to vector<8x40xi32>
    %le3A = arith.cmpi sle, %broadcast_in_dim3A_211, %min3A_209 : vector<8x40xi32>
    %jit3A_212 = arith.constant 1 : i32
    %jit3A_213 = arith.constant 0 : i32
    %broadcast_in_dim3A_214 = vector.broadcast %jit3A_212 : i32 to vector<8x40xi32>
    %broadcast_in_dim3A_215 = vector.broadcast %jit3A_213 : i32 to vector<8x40xi32>
    %select_n3A_216 = arith.select %le3A, %broadcast_in_dim3A_214, %broadcast_in_dim3A_215 : vector<8x40xi1>, vector<8x40xi32>
    %reduce_sum3A_217 = arith.constant dense<0> : vector<40xi32>
    %reduce_sum3A_218 = vector.multi_reduction <add>, %select_n3A_216, %reduce_sum3A_217 [0] : vector<8x40xi32> to vector<40xi32>
    %broadcast_in_dim3A_219 = vector.shape_cast %reduce_sum3A_218 : vector<40xi32> to vector<1x40xi32>
    %sub3A_220 = arith.constant 1 : i32
    %sub3A_221 = vector.broadcast %sub3A_220 : i32 to vector<1x40xi32>
    %sub3A_222 = arith.subi %broadcast_in_dim3A_219, %sub3A_221 : vector<1x40xi32>
    %swap3A_223 = arith.constant 0 : index
    %swap3A_224 = arith.constant 0 : index
    %swap3A_225 = vector.load %arg6[%swap3A_223, %swap3A_224] : memref<1x40xi32, #tpu.memory_space<vmem>>, vector<1x40xi32>
    tpu.vector_store %arg6[%swap3A_223, %swap3A_224], %sub3A_222 {strides = array<i32>} : memref<1x40xi32, #tpu.memory_space<vmem>>, vector<1x40xi32>,
    %iota3A_226 = tpu.iota {dimensions = array<i32: 0>} : vector<8x40xi32>
    %gt3A = vector.broadcast %sub3A_222 : vector<1x40xi32> to vector<8x40xi32>
    %gt3A_227 = arith.cmpi sgt, %iota3A_226, %gt3A : vector<8x40xi32>
    %gt3A_228 = arith.constant 0 : i32
    %gt3A_229 = vector.broadcast %gt3A_228 : i32 to vector<8x1xi32>
    %gt3A_230 = arith.cmpi sgt, %mul3A_161, %gt3A_229 : vector<8x1xi32>
    %broadcast_in_dim3A_231 = vector.shape_cast %gt3A_230 : vector<8x1xi1> to vector<8x1xi1>
    %broadcast_in_dim3A_232 = vector.broadcast %broadcast_in_dim3A_231 : vector<8x1xi1> to vector<8x40xi1>
    %and3A_233 = arith.andi %gt3A_227, %broadcast_in_dim3A_232 : vector<8x40xi1>
    %jit3A_234 = arith.constant 8 : i32
    %broadcast_in_dim3A_235 = vector.broadcast %jit3A_234 : i32 to vector<8x40xi32>
    %select_n3A_236 = arith.select %and3A_233, %iota3A_226, %broadcast_in_dim3A_235 : vector<8x40xi1>, vector<8x40xi32>
    %reduce_min3A_237 = arith.constant dense<2147483647> : vector<40xi32>
    %reduce_min3A_238 = vector.multi_reduction <minsi>, %select_n3A_236, %reduce_min3A_237 [0] : vector<8x40xi32> to vector<40xi32>
    %broadcast_in_dim3A_239 = vector.shape_cast %reduce_min3A_238 : vector<40xi32> to vector<1x40xi32>
    %eq3A_240 = arith.constant 8 : i32
    %eq3A_241 = vector.broadcast %eq3A_240 : i32 to vector<1x40xi32>
    %eq3A_242 = arith.cmpi eq, %broadcast_in_dim3A_239, %eq3A_241 : vector<1x40xi32>
    %select_n3A_243 = arith.select %eq3A_242, %sub3A_222, %broadcast_in_dim3A_239 : vector<1x40xi1>, vector<1x40xi32>
    %swap3A_244 = arith.constant 0 : index
    %swap3A_245 = arith.constant 0 : index
    %swap3A_246 = vector.load %arg7[%swap3A_244, %swap3A_245] : memref<1x40xi32, #tpu.memory_space<vmem>>, vector<1x40xi32>
    tpu.vector_store %arg7[%swap3A_244, %swap3A_245], %select_n3A_243 {strides = array<i32>} : memref<1x40xi32, #tpu.memory_space<vmem>>, vector<1x40xi32>,
    return
  }
}

module attributes {stable_mosaic.version = 14 : i64} {
  func.func @_ffn_kernel(%arg0: i32, %arg1: memref<40xi32, #tpu.memory_space<smem>>, %arg2: memref<40xi32, #tpu.memory_space<smem>>, %arg3: memref<128x768xf32, #tpu.memory_space<vmem>>, %arg4: memref<8x768x3072xf32, #tpu.memory_space<any>>, %arg5: memref<1x1x3072xf32, #tpu.memory_space<vmem>>, %arg6: memref<8x3072x768xf32, #tpu.memory_space<any>>, %arg7: memref<1x1x768xf32, #tpu.memory_space<vmem>>, %arg8: memref<128x768xf32, #tpu.memory_space<vmem>>, %arg9: memref<2x768x3072xf32, #tpu.memory_space<vmem>>, %arg10: memref<2x3072x768xf32, #tpu.memory_space<vmem>>, %arg11: memref<2x768x3072xbf16, #tpu.memory_space<vmem>>, %arg12: memref<2x3072x768xbf16, #tpu.memory_space<vmem>>, %arg13: memref<1xi32, #tpu.memory_space<smem>>, %arg14: memref<!tpu.dma_semaphore, #tpu.memory_space<semaphore_mem>>, %arg15: memref<!tpu.dma_semaphore, #tpu.memory_space<semaphore_mem>>) attributes {dimension_semantics = [#tpu.dimension_semantics<arbitrary>], iteration_bounds = array<i64: 40>, scalar_prefetch = 2 : i64, scratch_operands = 7 : i64, tpu.core_type = #tpu.core_type<tc>, window_params = [{transform_indices = @transform_0, window_bounds = array<i64: 128, 768>}, {}, {transform_indices = @transform_2, window_bounds = array<i64: 1, 1, 3072>}, {}, {transform_indices = @transform_4, window_bounds = array<i64: 1, 1, 768>}, {transform_indices = @transform_5, window_bounds = array<i64: 128, 768>}]} {
    %get3A = arith.index_cast %arg0 : i32 to index
    %get3A_0 = memref.load %arg1[%get3A] : memref<40xi32, #tpu.memory_space<smem>>
    %get3A_1 = arith.index_cast %arg0 : i32 to index
    %get3A_2 = memref.load %arg2[%get3A_1] : memref<40xi32, #tpu.memory_space<smem>>
    %eq3A = arith.constant 0 : i32
    %eq3A_3 = arith.cmpi eq, %arg0, %eq3A : i32
    %sub3A = arith.constant 1 : i32
    %sub3A_4 = arith.subi %arg0, %sub3A : i32
    %max3A = arith.constant 0 : i32
    %max3A_5 = arith.maxsi %sub3A_4, %max3A : i32
    %get3A_6 = arith.index_cast %max3A_5 : i32 to index
    %get3A_7 = memref.load %arg1[%get3A_6] : memref<40xi32, #tpu.memory_space<smem>>
    %ne3A = arith.cmpi ne, %get3A_7, %get3A_0 : i32
    %or3A = arith.ori %eq3A_3, %ne3A : i1
    %eq3A_8 = arith.constant 39 : i32
    %eq3A_9 = arith.cmpi eq, %arg0, %eq3A_8 : i32
    %add3A = arith.constant 1 : i32
    %add3A_10 = arith.addi %arg0, %add3A : i32
    %min3A = arith.constant 39 : i32
    %min3A_11 = arith.minsi %add3A_10, %min3A : i32
    %get3A_12 = arith.index_cast %min3A_11 : i32 to index
    %get3A_13 = memref.load %arg1[%get3A_12] : memref<40xi32, #tpu.memory_space<smem>>
    %ne3A_14 = arith.cmpi ne, %get3A_13, %get3A_0 : i32
    %or3A_15 = arith.ori %eq3A_9, %ne3A_14 : i1
    %ne3A_16 = arith.cmpi ne, %get3A_2, %get3A_0 : i32
    %eq3A_17 = arith.constant 0 : i32
    %eq3A_18 = arith.cmpi eq, %arg0, %eq3A_17 : i32
    %convert_element_type3A = arith.extui %eq3A_18 : i1 to i32
    %cond3A = arith.constant 0 : i32
    %cond3A_19 = arith.cmpi ne, %convert_element_type3A, %cond3A : i32
    scf.if %cond3A_19 {
      %swap3A_78 = arith.constant 0 : i32
      %swap3A_79 = arith.constant 0 : index
      %swap3A_80 = memref.load %arg13[%swap3A_79] : memref<1xi32, #tpu.memory_space<smem>>
      memref.store %swap3A_78, %arg13[%swap3A_79] : memref<1xi32, #tpu.memory_space<smem>>
      %dma_start3A = arith.constant 0 : i32
      %dma_start3A_81 = arith.constant 0 : i32
      %dma_start3A_82 = arith.constant 0 : i32
      %dma_start3A_83 = tpu.memref_slice %arg9[%dma_start3A, %dma_start3A_81, %dma_start3A_82] : memref<2x768x3072xf32, #tpu.memory_space<vmem>> -> memref<1x192x3072xf32, #tpu.memory_space<vmem>>
      %dma_start3A_84 = tpu.memref_squeeze %dma_start3A_83 : memref<1x192x3072xf32, #tpu.memory_space<vmem>> -> memref<192x3072xf32, #tpu.memory_space<vmem>>
      %dma_start3A_85 = arith.constant 0 : i32
      %dma_start3A_86 = arith.constant 0 : i32
      %dma_start3A_87 = tpu.memref_slice %arg4[%get3A_0, %dma_start3A_85, %dma_start3A_86] : memref<8x768x3072xf32, #tpu.memory_space<any>> -> memref<1x192x3072xf32, #tpu.memory_space<any>>
      %dma_start3A_88 = tpu.memref_squeeze %dma_start3A_87 : memref<1x192x3072xf32, #tpu.memory_space<any>> -> memref<192x3072xf32, #tpu.memory_space<any>>
      tpu.enqueue_dma source(%dma_start3A_88 : memref<192x3072xf32, #tpu.memory_space<any>>) target(%dma_start3A_84 : memref<192x3072xf32, #tpu.memory_space<vmem>>) target_semaphore(%arg14 : memref<!tpu.dma_semaphore, #tpu.memory_space<semaphore_mem>>)
      %dma_start3A_89 = arith.constant 0 : i32
      %dma_start3A_90 = arith.constant 0 : i32
      %dma_start3A_91 = arith.constant 0 : i32
      %dma_start3A_92 = tpu.memref_slice %arg10[%dma_start3A_89, %dma_start3A_90, %dma_start3A_91] : memref<2x3072x768xf32, #tpu.memory_space<vmem>> -> memref<1x768x768xf32, #tpu.memory_space<vmem>>
      %dma_start3A_93 = tpu.memref_squeeze %dma_start3A_92 : memref<1x768x768xf32, #tpu.memory_space<vmem>> -> memref<768x768xf32, #tpu.memory_space<vmem>>
      %dma_start3A_94 = arith.constant 0 : i32
      %dma_start3A_95 = arith.constant 0 : i32
      %dma_start3A_96 = tpu.memref_slice %arg6[%get3A_0, %dma_start3A_94, %dma_start3A_95] : memref<8x3072x768xf32, #tpu.memory_space<any>> -> memref<1x768x768xf32, #tpu.memory_space<any>>
      %dma_start3A_97 = tpu.memref_squeeze %dma_start3A_96 : memref<1x768x768xf32, #tpu.memory_space<any>> -> memref<768x768xf32, #tpu.memory_space<any>>
      tpu.enqueue_dma source(%dma_start3A_97 : memref<768x768xf32, #tpu.memory_space<any>>) target(%dma_start3A_93 : memref<768x768xf32, #tpu.memory_space<vmem>>) target_semaphore(%arg15 : memref<!tpu.dma_semaphore, #tpu.memory_space<semaphore_mem>>)
      %dma_start3A_98 = arith.constant 0 : i32
      %dma_start3A_99 = arith.constant 192 : i32
      %dma_start3A_100 = arith.constant 0 : i32
      %dma_start3A_101 = tpu.memref_slice %arg9[%dma_start3A_98, %dma_start3A_99, %dma_start3A_100] : memref<2x768x3072xf32, #tpu.memory_space<vmem>> -> memref<1x192x3072xf32, #tpu.memory_space<vmem>>
      %dma_start3A_102 = tpu.memref_squeeze %dma_start3A_101 : memref<1x192x3072xf32, #tpu.memory_space<vmem>> -> memref<192x3072xf32, #tpu.memory_space<vmem>>
      %dma_start3A_103 = arith.constant 192 : i32
      %dma_start3A_104 = arith.constant 0 : i32
      %dma_start3A_105 = tpu.memref_slice %arg4[%get3A_0, %dma_start3A_103, %dma_start3A_104] : memref<8x768x3072xf32, #tpu.memory_space<any>> -> memref<1x192x3072xf32, #tpu.memory_space<any>>
      %dma_start3A_106 = tpu.memref_squeeze %dma_start3A_105 : memref<1x192x3072xf32, #tpu.memory_space<any>> -> memref<192x3072xf32, #tpu.memory_space<any>>
      tpu.enqueue_dma source(%dma_start3A_106 : memref<192x3072xf32, #tpu.memory_space<any>>) target(%dma_start3A_102 : memref<192x3072xf32, #tpu.memory_space<vmem>>) target_semaphore(%arg14 : memref<!tpu.dma_semaphore, #tpu.memory_space<semaphore_mem>>)
      %dma_start3A_107 = arith.constant 0 : i32
      %dma_start3A_108 = arith.constant 768 : i32
      %dma_start3A_109 = arith.constant 0 : i32
      %dma_start3A_110 = tpu.memref_slice %arg10[%dma_start3A_107, %dma_start3A_108, %dma_start3A_109] : memref<2x3072x768xf32, #tpu.memory_space<vmem>> -> memref<1x768x768xf32, #tpu.memory_space<vmem>>
      %dma_start3A_111 = tpu.memref_squeeze %dma_start3A_110 : memref<1x768x768xf32, #tpu.memory_space<vmem>> -> memref<768x768xf32, #tpu.memory_space<vmem>>
      %dma_start3A_112 = arith.constant 768 : i32
      %dma_start3A_113 = arith.constant 0 : i32
      %dma_start3A_114 = tpu.memref_slice %arg6[%get3A_0, %dma_start3A_112, %dma_start3A_113] : memref<8x3072x768xf32, #tpu.memory_space<any>> -> memref<1x768x768xf32, #tpu.memory_space<any>>
      %dma_start3A_115 = tpu.memref_squeeze %dma_start3A_114 : memref<1x768x768xf32, #tpu.memory_space<any>> -> memref<768x768xf32, #tpu.memory_space<any>>
      tpu.enqueue_dma source(%dma_start3A_115 : memref<768x768xf32, #tpu.memory_space<any>>) target(%dma_start3A_111 : memref<768x768xf32, #tpu.memory_space<vmem>>) target_semaphore(%arg15 : memref<!tpu.dma_semaphore, #tpu.memory_space<semaphore_mem>>)
      %dma_start3A_116 = arith.constant 0 : i32
      %dma_start3A_117 = arith.constant 384 : i32
      %dma_start3A_118 = arith.constant 0 : i32
      %dma_start3A_119 = tpu.memref_slice %arg9[%dma_start3A_116, %dma_start3A_117, %dma_start3A_118] : memref<2x768x3072xf32, #tpu.memory_space<vmem>> -> memref<1x192x3072xf32, #tpu.memory_space<vmem>>
      %dma_start3A_120 = tpu.memref_squeeze %dma_start3A_119 : memref<1x192x3072xf32, #tpu.memory_space<vmem>> -> memref<192x3072xf32, #tpu.memory_space<vmem>>
      %dma_start3A_121 = arith.constant 384 : i32
      %dma_start3A_122 = arith.constant 0 : i32
      %dma_start3A_123 = tpu.memref_slice %arg4[%get3A_0, %dma_start3A_121, %dma_start3A_122] : memref<8x768x3072xf32, #tpu.memory_space<any>> -> memref<1x192x3072xf32, #tpu.memory_space<any>>
      %dma_start3A_124 = tpu.memref_squeeze %dma_start3A_123 : memref<1x192x3072xf32, #tpu.memory_space<any>> -> memref<192x3072xf32, #tpu.memory_space<any>>
      tpu.enqueue_dma source(%dma_start3A_124 : memref<192x3072xf32, #tpu.memory_space<any>>) target(%dma_start3A_120 : memref<192x3072xf32, #tpu.memory_space<vmem>>) target_semaphore(%arg14 : memref<!tpu.dma_semaphore, #tpu.memory_space<semaphore_mem>>)
      %dma_start3A_125 = arith.constant 0 : i32
      %dma_start3A_126 = arith.constant 1536 : i32
      %dma_start3A_127 = arith.constant 0 : i32
      %dma_start3A_128 = tpu.memref_slice %arg10[%dma_start3A_125, %dma_start3A_126, %dma_start3A_127] : memref<2x3072x768xf32, #tpu.memory_space<vmem>> -> memref<1x768x768xf32, #tpu.memory_space<vmem>>
      %dma_start3A_129 = tpu.memref_squeeze %dma_start3A_128 : memref<1x768x768xf32, #tpu.memory_space<vmem>> -> memref<768x768xf32, #tpu.memory_space<vmem>>
      %dma_start3A_130 = arith.constant 1536 : i32
      %dma_start3A_131 = arith.constant 0 : i32
      %dma_start3A_132 = tpu.memref_slice %arg6[%get3A_0, %dma_start3A_130, %dma_start3A_131] : memref<8x3072x768xf32, #tpu.memory_space<any>> -> memref<1x768x768xf32, #tpu.memory_space<any>>
      %dma_start3A_133 = tpu.memref_squeeze %dma_start3A_132 : memref<1x768x768xf32, #tpu.memory_space<any>> -> memref<768x768xf32, #tpu.memory_space<any>>
      tpu.enqueue_dma source(%dma_start3A_133 : memref<768x768xf32, #tpu.memory_space<any>>) target(%dma_start3A_129 : memref<768x768xf32, #tpu.memory_space<vmem>>) target_semaphore(%arg15 : memref<!tpu.dma_semaphore, #tpu.memory_space<semaphore_mem>>)
      %dma_start3A_134 = arith.constant 0 : i32
      %dma_start3A_135 = arith.constant 576 : i32
      %dma_start3A_136 = arith.constant 0 : i32
      %dma_start3A_137 = tpu.memref_slice %arg9[%dma_start3A_134, %dma_start3A_135, %dma_start3A_136] : memref<2x768x3072xf32, #tpu.memory_space<vmem>> -> memref<1x192x3072xf32, #tpu.memory_space<vmem>>
      %dma_start3A_138 = tpu.memref_squeeze %dma_start3A_137 : memref<1x192x3072xf32, #tpu.memory_space<vmem>> -> memref<192x3072xf32, #tpu.memory_space<vmem>>
      %dma_start3A_139 = arith.constant 576 : i32
      %dma_start3A_140 = arith.constant 0 : i32
      %dma_start3A_141 = tpu.memref_slice %arg4[%get3A_0, %dma_start3A_139, %dma_start3A_140] : memref<8x768x3072xf32, #tpu.memory_space<any>> -> memref<1x192x3072xf32, #tpu.memory_space<any>>
      %dma_start3A_142 = tpu.memref_squeeze %dma_start3A_141 : memref<1x192x3072xf32, #tpu.memory_space<any>> -> memref<192x3072xf32, #tpu.memory_space<any>>
      tpu.enqueue_dma source(%dma_start3A_142 : memref<192x3072xf32, #tpu.memory_space<any>>) target(%dma_start3A_138 : memref<192x3072xf32, #tpu.memory_space<vmem>>) target_semaphore(%arg14 : memref<!tpu.dma_semaphore, #tpu.memory_space<semaphore_mem>>)
      %dma_start3A_143 = arith.constant 0 : i32
      %dma_start3A_144 = arith.constant 2304 : i32
      %dma_start3A_145 = arith.constant 0 : i32
      %dma_start3A_146 = tpu.memref_slice %arg10[%dma_start3A_143, %dma_start3A_144, %dma_start3A_145] : memref<2x3072x768xf32, #tpu.memory_space<vmem>> -> memref<1x768x768xf32, #tpu.memory_space<vmem>>
      %dma_start3A_147 = tpu.memref_squeeze %dma_start3A_146 : memref<1x768x768xf32, #tpu.memory_space<vmem>> -> memref<768x768xf32, #tpu.memory_space<vmem>>
      %dma_start3A_148 = arith.constant 2304 : i32
      %dma_start3A_149 = arith.constant 0 : i32
      %dma_start3A_150 = tpu.memref_slice %arg6[%get3A_0, %dma_start3A_148, %dma_start3A_149] : memref<8x3072x768xf32, #tpu.memory_space<any>> -> memref<1x768x768xf32, #tpu.memory_space<any>>
      %dma_start3A_151 = tpu.memref_squeeze %dma_start3A_150 : memref<1x768x768xf32, #tpu.memory_space<any>> -> memref<768x768xf32, #tpu.memory_space<any>>
      tpu.enqueue_dma source(%dma_start3A_151 : memref<768x768xf32, #tpu.memory_space<any>>) target(%dma_start3A_147 : memref<768x768xf32, #tpu.memory_space<vmem>>) target_semaphore(%arg15 : memref<!tpu.dma_semaphore, #tpu.memory_space<semaphore_mem>>)
      %dma_wait3A = arith.constant 0 : i32
      %dma_wait3A_152 = arith.constant 0 : i32
      %dma_wait3A_153 = arith.constant 0 : i32
      %dma_wait3A_154 = tpu.memref_slice %arg9[%dma_wait3A, %dma_wait3A_152, %dma_wait3A_153] : memref<2x768x3072xf32, #tpu.memory_space<vmem>> -> memref<1x192x3072xf32, #tpu.memory_space<vmem>>
      %dma_wait3A_155 = tpu.memref_squeeze %dma_wait3A_154 : memref<1x192x3072xf32, #tpu.memory_space<vmem>> -> memref<192x3072xf32, #tpu.memory_space<vmem>>
      %dma_wait3A_156 = arith.constant 0 : i32
      %dma_wait3A_157 = arith.constant 0 : i32
      %dma_wait3A_158 = tpu.memref_slice %arg4[%get3A_0, %dma_wait3A_156, %dma_wait3A_157] : memref<8x768x3072xf32, #tpu.memory_space<any>> -> memref<1x192x3072xf32, #tpu.memory_space<any>>
      %dma_wait3A_159 = tpu.memref_squeeze %dma_wait3A_158 : memref<1x192x3072xf32, #tpu.memory_space<any>> -> memref<192x3072xf32, #tpu.memory_space<any>>
      tpu.wait_dma2 semaphore(%arg14 : memref<!tpu.dma_semaphore, #tpu.memory_space<semaphore_mem>>) src(%dma_wait3A_159 : memref<192x3072xf32, #tpu.memory_space<any>>) dst(%dma_wait3A_155 : memref<192x3072xf32, #tpu.memory_space<vmem>>)
      %dma_wait3A_160 = arith.constant 0 : i32
      %dma_wait3A_161 = arith.constant 0 : i32
      %dma_wait3A_162 = arith.constant 0 : i32
      %dma_wait3A_163 = tpu.memref_slice %arg10[%dma_wait3A_160, %dma_wait3A_161, %dma_wait3A_162] : memref<2x3072x768xf32, #tpu.memory_space<vmem>> -> memref<1x768x768xf32, #tpu.memory_space<vmem>>
      %dma_wait3A_164 = tpu.memref_squeeze %dma_wait3A_163 : memref<1x768x768xf32, #tpu.memory_space<vmem>> -> memref<768x768xf32, #tpu.memory_space<vmem>>
      %dma_wait3A_165 = arith.constant 0 : i32
      %dma_wait3A_166 = arith.constant 0 : i32
      %dma_wait3A_167 = tpu.memref_slice %arg6[%get3A_0, %dma_wait3A_165, %dma_wait3A_166] : memref<8x3072x768xf32, #tpu.memory_space<any>> -> memref<1x768x768xf32, #tpu.memory_space<any>>
      %dma_wait3A_168 = tpu.memref_squeeze %dma_wait3A_167 : memref<1x768x768xf32, #tpu.memory_space<any>> -> memref<768x768xf32, #tpu.memory_space<any>>
      tpu.wait_dma2 semaphore(%arg15 : memref<!tpu.dma_semaphore, #tpu.memory_space<semaphore_mem>>) src(%dma_wait3A_168 : memref<768x768xf32, #tpu.memory_space<any>>) dst(%dma_wait3A_164 : memref<768x768xf32, #tpu.memory_space<vmem>>)
      %dma_wait3A_169 = arith.constant 0 : i32
      %dma_wait3A_170 = arith.constant 192 : i32
      %dma_wait3A_171 = arith.constant 0 : i32
      %dma_wait3A_172 = tpu.memref_slice %arg9[%dma_wait3A_169, %dma_wait3A_170, %dma_wait3A_171] : memref<2x768x3072xf32, #tpu.memory_space<vmem>> -> memref<1x192x3072xf32, #tpu.memory_space<vmem>>
      %dma_wait3A_173 = tpu.memref_squeeze %dma_wait3A_172 : memref<1x192x3072xf32, #tpu.memory_space<vmem>> -> memref<192x3072xf32, #tpu.memory_space<vmem>>
      %dma_wait3A_174 = arith.constant 192 : i32
      %dma_wait3A_175 = arith.constant 0 : i32
      %dma_wait3A_176 = tpu.memref_slice %arg4[%get3A_0, %dma_wait3A_174, %dma_wait3A_175] : memref<8x768x3072xf32, #tpu.memory_space<any>> -> memref<1x192x3072xf32, #tpu.memory_space<any>>
      %dma_wait3A_177 = tpu.memref_squeeze %dma_wait3A_176 : memref<1x192x3072xf32, #tpu.memory_space<any>> -> memref<192x3072xf32, #tpu.memory_space<any>>
      tpu.wait_dma2 semaphore(%arg14 : memref<!tpu.dma_semaphore, #tpu.memory_space<semaphore_mem>>) src(%dma_wait3A_177 : memref<192x3072xf32, #tpu.memory_space<any>>) dst(%dma_wait3A_173 : memref<192x3072xf32, #tpu.memory_space<vmem>>)
      %dma_wait3A_178 = arith.constant 0 : i32
      %dma_wait3A_179 = arith.constant 768 : i32
      %dma_wait3A_180 = arith.constant 0 : i32
      %dma_wait3A_181 = tpu.memref_slice %arg10[%dma_wait3A_178, %dma_wait3A_179, %dma_wait3A_180] : memref<2x3072x768xf32, #tpu.memory_space<vmem>> -> memref<1x768x768xf32, #tpu.memory_space<vmem>>
      %dma_wait3A_182 = tpu.memref_squeeze %dma_wait3A_181 : memref<1x768x768xf32, #tpu.memory_space<vmem>> -> memref<768x768xf32, #tpu.memory_space<vmem>>
      %dma_wait3A_183 = arith.constant 768 : i32
      %dma_wait3A_184 = arith.constant 0 : i32
      %dma_wait3A_185 = tpu.memref_slice %arg6[%get3A_0, %dma_wait3A_183, %dma_wait3A_184] : memref<8x3072x768xf32, #tpu.memory_space<any>> -> memref<1x768x768xf32, #tpu.memory_space<any>>
      %dma_wait3A_186 = tpu.memref_squeeze %dma_wait3A_185 : memref<1x768x768xf32, #tpu.memory_space<any>> -> memref<768x768xf32, #tpu.memory_space<any>>
      tpu.wait_dma2 semaphore(%arg15 : memref<!tpu.dma_semaphore, #tpu.memory_space<semaphore_mem>>) src(%dma_wait3A_186 : memref<768x768xf32, #tpu.memory_space<any>>) dst(%dma_wait3A_182 : memref<768x768xf32, #tpu.memory_space<vmem>>)
      %dma_wait3A_187 = arith.constant 0 : i32
      %dma_wait3A_188 = arith.constant 384 : i32
      %dma_wait3A_189 = arith.constant 0 : i32
      %dma_wait3A_190 = tpu.memref_slice %arg9[%dma_wait3A_187, %dma_wait3A_188, %dma_wait3A_189] : memref<2x768x3072xf32, #tpu.memory_space<vmem>> -> memref<1x192x3072xf32, #tpu.memory_space<vmem>>
      %dma_wait3A_191 = tpu.memref_squeeze %dma_wait3A_190 : memref<1x192x3072xf32, #tpu.memory_space<vmem>> -> memref<192x3072xf32, #tpu.memory_space<vmem>>
      %dma_wait3A_192 = arith.constant 384 : i32
      %dma_wait3A_193 = arith.constant 0 : i32
      %dma_wait3A_194 = tpu.memref_slice %arg4[%get3A_0, %dma_wait3A_192, %dma_wait3A_193] : memref<8x768x3072xf32, #tpu.memory_space<any>> -> memref<1x192x3072xf32, #tpu.memory_space<any>>
      %dma_wait3A_195 = tpu.memref_squeeze %dma_wait3A_194 : memref<1x192x3072xf32, #tpu.memory_space<any>> -> memref<192x3072xf32, #tpu.memory_space<any>>
      tpu.wait_dma2 semaphore(%arg14 : memref<!tpu.dma_semaphore, #tpu.memory_space<semaphore_mem>>) src(%dma_wait3A_195 : memref<192x3072xf32, #tpu.memory_space<any>>) dst(%dma_wait3A_191 : memref<192x3072xf32, #tpu.memory_space<vmem>>)
      %dma_wait3A_196 = arith.constant 0 : i32
      %dma_wait3A_197 = arith.constant 1536 : i32
      %dma_wait3A_198 = arith.constant 0 : i32
      %dma_wait3A_199 = tpu.memref_slice %arg10[%dma_wait3A_196, %dma_wait3A_197, %dma_wait3A_198] : memref<2x3072x768xf32, #tpu.memory_space<vmem>> -> memref<1x768x768xf32, #tpu.memory_space<vmem>>
      %dma_wait3A_200 = tpu.memref_squeeze %dma_wait3A_199 : memref<1x768x768xf32, #tpu.memory_space<vmem>> -> memref<768x768xf32, #tpu.memory_space<vmem>>
      %dma_wait3A_201 = arith.constant 1536 : i32
      %dma_wait3A_202 = arith.constant 0 : i32
      %dma_wait3A_203 = tpu.memref_slice %arg6[%get3A_0, %dma_wait3A_201, %dma_wait3A_202] : memref<8x3072x768xf32, #tpu.memory_space<any>> -> memref<1x768x768xf32, #tpu.memory_space<any>>
      %dma_wait3A_204 = tpu.memref_squeeze %dma_wait3A_203 : memref<1x768x768xf32, #tpu.memory_space<any>> -> memref<768x768xf32, #tpu.memory_space<any>>
      tpu.wait_dma2 semaphore(%arg15 : memref<!tpu.dma_semaphore, #tpu.memory_space<semaphore_mem>>) src(%dma_wait3A_204 : memref<768x768xf32, #tpu.memory_space<any>>) dst(%dma_wait3A_200 : memref<768x768xf32, #tpu.memory_space<vmem>>)
      %dma_wait3A_205 = arith.constant 0 : i32
      %dma_wait3A_206 = arith.constant 576 : i32
      %dma_wait3A_207 = arith.constant 0 : i32
      %dma_wait3A_208 = tpu.memref_slice %arg9[%dma_wait3A_205, %dma_wait3A_206, %dma_wait3A_207] : memref<2x768x3072xf32, #tpu.memory_space<vmem>> -> memref<1x192x3072xf32, #tpu.memory_space<vmem>>
      %dma_wait3A_209 = tpu.memref_squeeze %dma_wait3A_208 : memref<1x192x3072xf32, #tpu.memory_space<vmem>> -> memref<192x3072xf32, #tpu.memory_space<vmem>>
      %dma_wait3A_210 = arith.constant 576 : i32
      %dma_wait3A_211 = arith.constant 0 : i32
      %dma_wait3A_212 = tpu.memref_slice %arg4[%get3A_0, %dma_wait3A_210, %dma_wait3A_211] : memref<8x768x3072xf32, #tpu.memory_space<any>> -> memref<1x192x3072xf32, #tpu.memory_space<any>>
      %dma_wait3A_213 = tpu.memref_squeeze %dma_wait3A_212 : memref<1x192x3072xf32, #tpu.memory_space<any>> -> memref<192x3072xf32, #tpu.memory_space<any>>
      tpu.wait_dma2 semaphore(%arg14 : memref<!tpu.dma_semaphore, #tpu.memory_space<semaphore_mem>>) src(%dma_wait3A_213 : memref<192x3072xf32, #tpu.memory_space<any>>) dst(%dma_wait3A_209 : memref<192x3072xf32, #tpu.memory_space<vmem>>)
      %dma_wait3A_214 = arith.constant 0 : i32
      %dma_wait3A_215 = arith.constant 2304 : i32
      %dma_wait3A_216 = arith.constant 0 : i32
      %dma_wait3A_217 = tpu.memref_slice %arg10[%dma_wait3A_214, %dma_wait3A_215, %dma_wait3A_216] : memref<2x3072x768xf32, #tpu.memory_space<vmem>> -> memref<1x768x768xf32, #tpu.memory_space<vmem>>
      %dma_wait3A_218 = tpu.memref_squeeze %dma_wait3A_217 : memref<1x768x768xf32, #tpu.memory_space<vmem>> -> memref<768x768xf32, #tpu.memory_space<vmem>>
      %dma_wait3A_219 = arith.constant 2304 : i32
      %dma_wait3A_220 = arith.constant 0 : i32
      %dma_wait3A_221 = tpu.memref_slice %arg6[%get3A_0, %dma_wait3A_219, %dma_wait3A_220] : memref<8x3072x768xf32, #tpu.memory_space<any>> -> memref<1x768x768xf32, #tpu.memory_space<any>>
      %dma_wait3A_222 = tpu.memref_squeeze %dma_wait3A_221 : memref<1x768x768xf32, #tpu.memory_space<any>> -> memref<768x768xf32, #tpu.memory_space<any>>
      tpu.wait_dma2 semaphore(%arg15 : memref<!tpu.dma_semaphore, #tpu.memory_space<semaphore_mem>>) src(%dma_wait3A_222 : memref<768x768xf32, #tpu.memory_space<any>>) dst(%dma_wait3A_218 : memref<768x768xf32, #tpu.memory_space<vmem>>)
      %get3A_223 = arith.constant 0 : index
      %get3A_224 = arith.constant 0 : index
      %get3A_225 = arith.constant 0 : index
      %get3A_226 = vector.load %arg9[%get3A_223, %get3A_224, %get3A_225] : memref<2x768x3072xf32, #tpu.memory_space<vmem>>, vector<1x768x3072xf32>
      %get3A_227 = vector.shape_cast %get3A_226 : vector<1x768x3072xf32> to vector<768x3072xf32>
      %convert_element_type3A_228 = arith.truncf %get3A_227 : vector<768x3072xf32> to vector<768x3072xbf16>
      %swap3A_229 = arith.constant 0 : index
      %swap3A_230 = arith.constant 0 : index
      %swap3A_231 = arith.constant 0 : index
      %swap3A_232 = vector.load %arg11[%swap3A_229, %swap3A_230, %swap3A_231] : memref<2x768x3072xbf16, #tpu.memory_space<vmem>>, vector<1x768x3072xbf16>
      %swap3A_233 = vector.shape_cast %swap3A_232 : vector<1x768x3072xbf16> to vector<768x3072xbf16>
      %swap3A_234 = vector.shape_cast %convert_element_type3A_228 : vector<768x3072xbf16> to vector<1x768x3072xbf16>
      tpu.vector_store %arg11[%swap3A_229, %swap3A_230, %swap3A_231], %swap3A_234 {strides = array<i32>} : memref<2x768x3072xbf16, #tpu.memory_space<vmem>>, vector<1x768x3072xbf16>,
      %get3A_235 = arith.constant 0 : index
      %get3A_236 = arith.constant 0 : index
      %get3A_237 = arith.constant 0 : index
      %get3A_238 = vector.load %arg10[%get3A_235, %get3A_236, %get3A_237] : memref<2x3072x768xf32, #tpu.memory_space<vmem>>, vector<1x3072x768xf32>
      %get3A_239 = vector.shape_cast %get3A_238 : vector<1x3072x768xf32> to vector<3072x768xf32>
      %convert_element_type3A_240 = arith.truncf %get3A_239 : vector<3072x768xf32> to vector<3072x768xbf16>
      %swap3A_241 = arith.constant 0 : index
      %swap3A_242 = arith.constant 0 : index
      %swap3A_243 = arith.constant 0 : index
      %swap3A_244 = vector.load %arg12[%swap3A_241, %swap3A_242, %swap3A_243] : memref<2x3072x768xbf16, #tpu.memory_space<vmem>>, vector<1x3072x768xbf16>
      %swap3A_245 = vector.shape_cast %swap3A_244 : vector<1x3072x768xbf16> to vector<3072x768xbf16>
      %swap3A_246 = vector.shape_cast %convert_element_type3A_240 : vector<3072x768xbf16> to vector<1x3072x768xbf16>
      tpu.vector_store %arg12[%swap3A_241, %swap3A_242, %swap3A_243], %swap3A_246 {strides = array<i32>} : memref<2x3072x768xbf16, #tpu.memory_space<vmem>>, vector<1x3072x768xbf16>,
    } else {
    }
    %get3A_20 = arith.constant 0 : index
    %get3A_21 = memref.load %arg13[%get3A_20] : memref<1xi32, #tpu.memory_space<smem>>
    %and3A = arith.andi %or3A, %ne3A_16 : i1
    %convert_element_type3A_22 = arith.extui %and3A : i1 to i32
    %cond3A_23 = arith.constant 0 : i32
    %cond3A_24 = arith.cmpi ne, %convert_element_type3A_22, %cond3A_23 : i32
    scf.if %cond3A_24 {
      %sub3A_78 = arith.constant 1 : i32
      %sub3A_79 = arith.subi %sub3A_78, %get3A_21 : i32
      %dma_start3A = arith.constant 0 : i32
      %dma_start3A_80 = arith.constant 0 : i32
      %dma_start3A_81 = tpu.memref_slice %arg9[%sub3A_79, %dma_start3A, %dma_start3A_80] : memref<2x768x3072xf32, #tpu.memory_space<vmem>> -> memref<1x192x3072xf32, #tpu.memory_space<vmem>>
      %dma_start3A_82 = tpu.memref_squeeze %dma_start3A_81 : memref<1x192x3072xf32, #tpu.memory_space<vmem>> -> memref<192x3072xf32, #tpu.memory_space<vmem>>
      %dma_start3A_83 = arith.constant 0 : i32
      %dma_start3A_84 = arith.constant 0 : i32
      %dma_start3A_85 = tpu.memref_slice %arg4[%get3A_2, %dma_start3A_83, %dma_start3A_84] : memref<8x768x3072xf32, #tpu.memory_space<any>> -> memref<1x192x3072xf32, #tpu.memory_space<any>>
      %dma_start3A_86 = tpu.memref_squeeze %dma_start3A_85 : memref<1x192x3072xf32, #tpu.memory_space<any>> -> memref<192x3072xf32, #tpu.memory_space<any>>
      tpu.enqueue_dma source(%dma_start3A_86 : memref<192x3072xf32, #tpu.memory_space<any>>) target(%dma_start3A_82 : memref<192x3072xf32, #tpu.memory_space<vmem>>) target_semaphore(%arg14 : memref<!tpu.dma_semaphore, #tpu.memory_space<semaphore_mem>>)
      %dma_start3A_87 = arith.constant 0 : i32
      %dma_start3A_88 = arith.constant 0 : i32
      %dma_start3A_89 = tpu.memref_slice %arg10[%sub3A_79, %dma_start3A_87, %dma_start3A_88] : memref<2x3072x768xf32, #tpu.memory_space<vmem>> -> memref<1x768x768xf32, #tpu.memory_space<vmem>>
      %dma_start3A_90 = tpu.memref_squeeze %dma_start3A_89 : memref<1x768x768xf32, #tpu.memory_space<vmem>> -> memref<768x768xf32, #tpu.memory_space<vmem>>
      %dma_start3A_91 = arith.constant 0 : i32
      %dma_start3A_92 = arith.constant 0 : i32
      %dma_start3A_93 = tpu.memref_slice %arg6[%get3A_2, %dma_start3A_91, %dma_start3A_92] : memref<8x3072x768xf32, #tpu.memory_space<any>> -> memref<1x768x768xf32, #tpu.memory_space<any>>
      %dma_start3A_94 = tpu.memref_squeeze %dma_start3A_93 : memref<1x768x768xf32, #tpu.memory_space<any>> -> memref<768x768xf32, #tpu.memory_space<any>>
      tpu.enqueue_dma source(%dma_start3A_94 : memref<768x768xf32, #tpu.memory_space<any>>) target(%dma_start3A_90 : memref<768x768xf32, #tpu.memory_space<vmem>>) target_semaphore(%arg15 : memref<!tpu.dma_semaphore, #tpu.memory_space<semaphore_mem>>)
      %dma_start3A_95 = arith.constant 192 : i32
      %dma_start3A_96 = arith.constant 0 : i32
      %dma_start3A_97 = tpu.memref_slice %arg9[%sub3A_79, %dma_start3A_95, %dma_start3A_96] : memref<2x768x3072xf32, #tpu.memory_space<vmem>> -> memref<1x192x3072xf32, #tpu.memory_space<vmem>>
      %dma_start3A_98 = tpu.memref_squeeze %dma_start3A_97 : memref<1x192x3072xf32, #tpu.memory_space<vmem>> -> memref<192x3072xf32, #tpu.memory_space<vmem>>
      %dma_start3A_99 = arith.constant 192 : i32
      %dma_start3A_100 = arith.constant 0 : i32
      %dma_start3A_101 = tpu.memref_slice %arg4[%get3A_2, %dma_start3A_99, %dma_start3A_100] : memref<8x768x3072xf32, #tpu.memory_space<any>> -> memref<1x192x3072xf32, #tpu.memory_space<any>>
      %dma_start3A_102 = tpu.memref_squeeze %dma_start3A_101 : memref<1x192x3072xf32, #tpu.memory_space<any>> -> memref<192x3072xf32, #tpu.memory_space<any>>
      tpu.enqueue_dma source(%dma_start3A_102 : memref<192x3072xf32, #tpu.memory_space<any>>) target(%dma_start3A_98 : memref<192x3072xf32, #tpu.memory_space<vmem>>) target_semaphore(%arg14 : memref<!tpu.dma_semaphore, #tpu.memory_space<semaphore_mem>>)
      %dma_start3A_103 = arith.constant 768 : i32
      %dma_start3A_104 = arith.constant 0 : i32
      %dma_start3A_105 = tpu.memref_slice %arg10[%sub3A_79, %dma_start3A_103, %dma_start3A_104] : memref<2x3072x768xf32, #tpu.memory_space<vmem>> -> memref<1x768x768xf32, #tpu.memory_space<vmem>>
      %dma_start3A_106 = tpu.memref_squeeze %dma_start3A_105 : memref<1x768x768xf32, #tpu.memory_space<vmem>> -> memref<768x768xf32, #tpu.memory_space<vmem>>
      %dma_start3A_107 = arith.constant 768 : i32
      %dma_start3A_108 = arith.constant 0 : i32
      %dma_start3A_109 = tpu.memref_slice %arg6[%get3A_2, %dma_start3A_107, %dma_start3A_108] : memref<8x3072x768xf32, #tpu.memory_space<any>> -> memref<1x768x768xf32, #tpu.memory_space<any>>
      %dma_start3A_110 = tpu.memref_squeeze %dma_start3A_109 : memref<1x768x768xf32, #tpu.memory_space<any>> -> memref<768x768xf32, #tpu.memory_space<any>>
      tpu.enqueue_dma source(%dma_start3A_110 : memref<768x768xf32, #tpu.memory_space<any>>) target(%dma_start3A_106 : memref<768x768xf32, #tpu.memory_space<vmem>>) target_semaphore(%arg15 : memref<!tpu.dma_semaphore, #tpu.memory_space<semaphore_mem>>)
      %dma_start3A_111 = arith.constant 384 : i32
      %dma_start3A_112 = arith.constant 0 : i32
      %dma_start3A_113 = tpu.memref_slice %arg9[%sub3A_79, %dma_start3A_111, %dma_start3A_112] : memref<2x768x3072xf32, #tpu.memory_space<vmem>> -> memref<1x192x3072xf32, #tpu.memory_space<vmem>>
      %dma_start3A_114 = tpu.memref_squeeze %dma_start3A_113 : memref<1x192x3072xf32, #tpu.memory_space<vmem>> -> memref<192x3072xf32, #tpu.memory_space<vmem>>
      %dma_start3A_115 = arith.constant 384 : i32
      %dma_start3A_116 = arith.constant 0 : i32
      %dma_start3A_117 = tpu.memref_slice %arg4[%get3A_2, %dma_start3A_115, %dma_start3A_116] : memref<8x768x3072xf32, #tpu.memory_space<any>> -> memref<1x192x3072xf32, #tpu.memory_space<any>>
      %dma_start3A_118 = tpu.memref_squeeze %dma_start3A_117 : memref<1x192x3072xf32, #tpu.memory_space<any>> -> memref<192x3072xf32, #tpu.memory_space<any>>
      tpu.enqueue_dma source(%dma_start3A_118 : memref<192x3072xf32, #tpu.memory_space<any>>) target(%dma_start3A_114 : memref<192x3072xf32, #tpu.memory_space<vmem>>) target_semaphore(%arg14 : memref<!tpu.dma_semaphore, #tpu.memory_space<semaphore_mem>>)
      %dma_start3A_119 = arith.constant 1536 : i32
      %dma_start3A_120 = arith.constant 0 : i32
      %dma_start3A_121 = tpu.memref_slice %arg10[%sub3A_79, %dma_start3A_119, %dma_start3A_120] : memref<2x3072x768xf32, #tpu.memory_space<vmem>> -> memref<1x768x768xf32, #tpu.memory_space<vmem>>
      %dma_start3A_122 = tpu.memref_squeeze %dma_start3A_121 : memref<1x768x768xf32, #tpu.memory_space<vmem>> -> memref<768x768xf32, #tpu.memory_space<vmem>>
      %dma_start3A_123 = arith.constant 1536 : i32
      %dma_start3A_124 = arith.constant 0 : i32
      %dma_start3A_125 = tpu.memref_slice %arg6[%get3A_2, %dma_start3A_123, %dma_start3A_124] : memref<8x3072x768xf32, #tpu.memory_space<any>> -> memref<1x768x768xf32, #tpu.memory_space<any>>
      %dma_start3A_126 = tpu.memref_squeeze %dma_start3A_125 : memref<1x768x768xf32, #tpu.memory_space<any>> -> memref<768x768xf32, #tpu.memory_space<any>>
      tpu.enqueue_dma source(%dma_start3A_126 : memref<768x768xf32, #tpu.memory_space<any>>) target(%dma_start3A_122 : memref<768x768xf32, #tpu.memory_space<vmem>>) target_semaphore(%arg15 : memref<!tpu.dma_semaphore, #tpu.memory_space<semaphore_mem>>)
      %dma_start3A_127 = arith.constant 576 : i32
      %dma_start3A_128 = arith.constant 0 : i32
      %dma_start3A_129 = tpu.memref_slice %arg9[%sub3A_79, %dma_start3A_127, %dma_start3A_128] : memref<2x768x3072xf32, #tpu.memory_space<vmem>> -> memref<1x192x3072xf32, #tpu.memory_space<vmem>>
      %dma_start3A_130 = tpu.memref_squeeze %dma_start3A_129 : memref<1x192x3072xf32, #tpu.memory_space<vmem>> -> memref<192x3072xf32, #tpu.memory_space<vmem>>
      %dma_start3A_131 = arith.constant 576 : i32
      %dma_start3A_132 = arith.constant 0 : i32
      %dma_start3A_133 = tpu.memref_slice %arg4[%get3A_2, %dma_start3A_131, %dma_start3A_132] : memref<8x768x3072xf32, #tpu.memory_space<any>> -> memref<1x192x3072xf32, #tpu.memory_space<any>>
      %dma_start3A_134 = tpu.memref_squeeze %dma_start3A_133 : memref<1x192x3072xf32, #tpu.memory_space<any>> -> memref<192x3072xf32, #tpu.memory_space<any>>
      tpu.enqueue_dma source(%dma_start3A_134 : memref<192x3072xf32, #tpu.memory_space<any>>) target(%dma_start3A_130 : memref<192x3072xf32, #tpu.memory_space<vmem>>) target_semaphore(%arg14 : memref<!tpu.dma_semaphore, #tpu.memory_space<semaphore_mem>>)
      %dma_start3A_135 = arith.constant 2304 : i32
      %dma_start3A_136 = arith.constant 0 : i32
      %dma_start3A_137 = tpu.memref_slice %arg10[%sub3A_79, %dma_start3A_135, %dma_start3A_136] : memref<2x3072x768xf32, #tpu.memory_space<vmem>> -> memref<1x768x768xf32, #tpu.memory_space<vmem>>
      %dma_start3A_138 = tpu.memref_squeeze %dma_start3A_137 : memref<1x768x768xf32, #tpu.memory_space<vmem>> -> memref<768x768xf32, #tpu.memory_space<vmem>>
      %dma_start3A_139 = arith.constant 2304 : i32
      %dma_start3A_140 = arith.constant 0 : i32
      %dma_start3A_141 = tpu.memref_slice %arg6[%get3A_2, %dma_start3A_139, %dma_start3A_140] : memref<8x3072x768xf32, #tpu.memory_space<any>> -> memref<1x768x768xf32, #tpu.memory_space<any>>
      %dma_start3A_142 = tpu.memref_squeeze %dma_start3A_141 : memref<1x768x768xf32, #tpu.memory_space<any>> -> memref<768x768xf32, #tpu.memory_space<any>>
      tpu.enqueue_dma source(%dma_start3A_142 : memref<768x768xf32, #tpu.memory_space<any>>) target(%dma_start3A_138 : memref<768x768xf32, #tpu.memory_space<vmem>>) target_semaphore(%arg15 : memref<!tpu.dma_semaphore, #tpu.memory_space<semaphore_mem>>)
    } else {
    }
    %get3A_25 = arith.constant 0 : index
    %get3A_26 = arith.constant 0 : index
    %get3A_27 = vector.load %arg3[%get3A_25, %get3A_26] : memref<128x768xf32, #tpu.memory_space<vmem>>, vector<128x768xf32>
    %convert_element_type3A_28 = arith.truncf %get3A_27 : vector<128x768xf32> to vector<128x768xbf16>
    %get3A_29 = arith.index_cast %get3A_21 : i32 to index
    %get3A_30 = arith.constant 0 : index
    %get3A_31 = arith.constant 0 : index
    %get3A_32 = vector.load %arg11[%get3A_29, %get3A_30, %get3A_31] : memref<2x768x3072xbf16, #tpu.memory_space<vmem>>, vector<1x768x3072xbf16>
    %get3A_33 = vector.shape_cast %get3A_32 : vector<1x768x3072xbf16> to vector<768x3072xbf16>
    %dot_general3A = arith.constant dense<0.000000e+00> : vector<128x3072xf32>
    %dot_general3A_34 = tpu.matmul %convert_element_type3A_28, %get3A_33, %dot_general3A {dimension_numbers = #tpu.dot_dimension_numbers<[1], [0], [0], [1], [0, 0, 1, 1], [], []>, transpose_lhs_hint = false} : vector<128x768xbf16>, vector<768x3072xbf16>, vector<128x3072xf32> -> vector<128x3072xf32>
    %get3A_35 = arith.constant 0 : index
    %get3A_36 = arith.constant 0 : index
    %get3A_37 = arith.constant 0 : index
    %get3A_38 = vector.load %arg5[%get3A_35, %get3A_36, %get3A_37] : memref<1x1x3072xf32, #tpu.memory_space<vmem>>, vector<1x1x3072xf32>
    %get3A_39 = vector.shape_cast %get3A_38 : vector<1x1x3072xf32> to vector<1x3072xf32>
    %add3A_40 = vector.broadcast %get3A_39 : vector<1x3072xf32> to vector<128x3072xf32>
    %add3A_41 = arith.addf %dot_general3A_34, %add3A_40 : vector<128x3072xf32>
    %mul3A = arith.constant 5.000000e-01 : f32
    %mul3A_42 = vector.broadcast %mul3A : f32 to vector<128x3072xf32>
    %mul3A_43 = arith.mulf %mul3A_42, %add3A_41 : vector<128x3072xf32>
    %mul3A_44 = arith.constant 4.471500e-02 : f32
    %mul3A_45 = vector.broadcast %mul3A_44 : f32 to vector<128x3072xf32>
    %mul3A_46 = arith.mulf %mul3A_45, %add3A_41 : vector<128x3072xf32>
    %mul3A_47 = arith.mulf %mul3A_46, %add3A_41 : vector<128x3072xf32>
    %mul3A_48 = arith.mulf %mul3A_47, %add3A_41 : vector<128x3072xf32>
    %add3A_49 = arith.addf %add3A_41, %mul3A_48 : vector<128x3072xf32>
    %mul3A_50 = arith.constant 0.797884583 : f32
    %mul3A_51 = vector.broadcast %mul3A_50 : f32 to vector<128x3072xf32>
    %mul3A_52 = arith.mulf %mul3A_51, %add3A_49 : vector<128x3072xf32>
    %tanh3A = math.tanh %mul3A_52 : vector<128x3072xf32>
    %add3A_53 = arith.constant 1.000000e+00 : f32
    %add3A_54 = vector.broadcast %add3A_53 : f32 to vector<128x3072xf32>
    %add3A_55 = arith.addf %add3A_54, %tanh3A : vector<128x3072xf32>
    %mul3A_56 = arith.mulf %mul3A_43, %add3A_55 : vector<128x3072xf32>
    %convert_element_type3A_57 = arith.truncf %mul3A_56 : vector<128x3072xf32> to vector<128x3072xbf16>
    %get3A_58 = arith.index_cast %get3A_21 : i32 to index
    %get3A_59 = arith.constant 0 : index
    %get3A_60 = arith.constant 0 : index
    %get3A_61 = vector.load %arg12[%get3A_58, %get3A_59, %get3A_60] : memref<2x3072x768xbf16, #tpu.memory_space<vmem>>, vector<1x3072x768xbf16>
    %get3A_62 = vector.shape_cast %get3A_61 : vector<1x3072x768xbf16> to vector<3072x768xbf16>
    %dot_general3A_63 = arith.constant dense<0.000000e+00> : vector<128x768xf32>
    %dot_general3A_64 = tpu.matmul %convert_element_type3A_57, %get3A_62, %dot_general3A_63 {dimension_numbers = #tpu.dot_dimension_numbers<[1], [0], [0], [1], [0, 0, 1, 1], [], []>, transpose_lhs_hint = false} : vector<128x3072xbf16>, vector<3072x768xbf16>, vector<128x768xf32> -> vector<128x768xf32>
    %get3A_65 = arith.constant 0 : index
    %get3A_66 = arith.constant 0 : index
    %get3A_67 = arith.constant 0 : index
    %get3A_68 = vector.load %arg7[%get3A_65, %get3A_66, %get3A_67] : memref<1x1x768xf32, #tpu.memory_space<vmem>>, vector<1x1x768xf32>
    %get3A_69 = vector.shape_cast %get3A_68 : vector<1x1x768xf32> to vector<1x768xf32>
    %add3A_70 = vector.broadcast %get3A_69 : vector<1x768xf32> to vector<128x768xf32>
    %add3A_71 = arith.addf %dot_general3A_64, %add3A_70 : vector<128x768xf32>
    %swap3A = arith.constant 0 : index
    %swap3A_72 = arith.constant 0 : index
    %swap3A_73 = vector.load %arg8[%swap3A, %swap3A_72] : memref<128x768xf32, #tpu.memory_space<vmem>>, vector<128x768xf32>
    tpu.vector_store %arg8[%swap3A, %swap3A_72], %add3A_71 {strides = array<i32>} : memref<128x768xf32, #tpu.memory_space<vmem>>, vector<128x768xf32>,
    %and3A_74 = arith.andi %or3A_15, %ne3A_16 : i1
    %convert_element_type3A_75 = arith.extui %and3A_74 : i1 to i32
    %cond3A_76 = arith.constant 0 : i32
    %cond3A_77 = arith.cmpi ne, %convert_element_type3A_75, %cond3A_76 : i32
    scf.if %cond3A_77 {
      %sub3A_78 = arith.constant 1 : i32
      %sub3A_79 = arith.subi %sub3A_78, %get3A_21 : i32
      %dma_wait3A = arith.constant 0 : i32
      %dma_wait3A_80 = arith.constant 0 : i32
      %dma_wait3A_81 = tpu.memref_slice %arg9[%sub3A_79, %dma_wait3A, %dma_wait3A_80] : memref<2x768x3072xf32, #tpu.memory_space<vmem>> -> memref<1x192x3072xf32, #tpu.memory_space<vmem>>
      %dma_wait3A_82 = tpu.memref_squeeze %dma_wait3A_81 : memref<1x192x3072xf32, #tpu.memory_space<vmem>> -> memref<192x3072xf32, #tpu.memory_space<vmem>>
      %dma_wait3A_83 = arith.constant 0 : i32
      %dma_wait3A_84 = arith.constant 0 : i32
      %dma_wait3A_85 = tpu.memref_slice %arg4[%get3A_2, %dma_wait3A_83, %dma_wait3A_84] : memref<8x768x3072xf32, #tpu.memory_space<any>> -> memref<1x192x3072xf32, #tpu.memory_space<any>>
      %dma_wait3A_86 = tpu.memref_squeeze %dma_wait3A_85 : memref<1x192x3072xf32, #tpu.memory_space<any>> -> memref<192x3072xf32, #tpu.memory_space<any>>
      tpu.wait_dma2 semaphore(%arg14 : memref<!tpu.dma_semaphore, #tpu.memory_space<semaphore_mem>>) src(%dma_wait3A_86 : memref<192x3072xf32, #tpu.memory_space<any>>) dst(%dma_wait3A_82 : memref<192x3072xf32, #tpu.memory_space<vmem>>)
      %dma_wait3A_87 = arith.constant 0 : i32
      %dma_wait3A_88 = arith.constant 0 : i32
      %dma_wait3A_89 = tpu.memref_slice %arg10[%sub3A_79, %dma_wait3A_87, %dma_wait3A_88] : memref<2x3072x768xf32, #tpu.memory_space<vmem>> -> memref<1x768x768xf32, #tpu.memory_space<vmem>>
      %dma_wait3A_90 = tpu.memref_squeeze %dma_wait3A_89 : memref<1x768x768xf32, #tpu.memory_space<vmem>> -> memref<768x768xf32, #tpu.memory_space<vmem>>
      %dma_wait3A_91 = arith.constant 0 : i32
      %dma_wait3A_92 = arith.constant 0 : i32
      %dma_wait3A_93 = tpu.memref_slice %arg6[%get3A_2, %dma_wait3A_91, %dma_wait3A_92] : memref<8x3072x768xf32, #tpu.memory_space<any>> -> memref<1x768x768xf32, #tpu.memory_space<any>>
      %dma_wait3A_94 = tpu.memref_squeeze %dma_wait3A_93 : memref<1x768x768xf32, #tpu.memory_space<any>> -> memref<768x768xf32, #tpu.memory_space<any>>
      tpu.wait_dma2 semaphore(%arg15 : memref<!tpu.dma_semaphore, #tpu.memory_space<semaphore_mem>>) src(%dma_wait3A_94 : memref<768x768xf32, #tpu.memory_space<any>>) dst(%dma_wait3A_90 : memref<768x768xf32, #tpu.memory_space<vmem>>)
      %dma_wait3A_95 = arith.constant 192 : i32
      %dma_wait3A_96 = arith.constant 0 : i32
      %dma_wait3A_97 = tpu.memref_slice %arg9[%sub3A_79, %dma_wait3A_95, %dma_wait3A_96] : memref<2x768x3072xf32, #tpu.memory_space<vmem>> -> memref<1x192x3072xf32, #tpu.memory_space<vmem>>
      %dma_wait3A_98 = tpu.memref_squeeze %dma_wait3A_97 : memref<1x192x3072xf32, #tpu.memory_space<vmem>> -> memref<192x3072xf32, #tpu.memory_space<vmem>>
      %dma_wait3A_99 = arith.constant 192 : i32
      %dma_wait3A_100 = arith.constant 0 : i32
      %dma_wait3A_101 = tpu.memref_slice %arg4[%get3A_2, %dma_wait3A_99, %dma_wait3A_100] : memref<8x768x3072xf32, #tpu.memory_space<any>> -> memref<1x192x3072xf32, #tpu.memory_space<any>>
      %dma_wait3A_102 = tpu.memref_squeeze %dma_wait3A_101 : memref<1x192x3072xf32, #tpu.memory_space<any>> -> memref<192x3072xf32, #tpu.memory_space<any>>
      tpu.wait_dma2 semaphore(%arg14 : memref<!tpu.dma_semaphore, #tpu.memory_space<semaphore_mem>>) src(%dma_wait3A_102 : memref<192x3072xf32, #tpu.memory_space<any>>) dst(%dma_wait3A_98 : memref<192x3072xf32, #tpu.memory_space<vmem>>)
      %dma_wait3A_103 = arith.constant 768 : i32
      %dma_wait3A_104 = arith.constant 0 : i32
      %dma_wait3A_105 = tpu.memref_slice %arg10[%sub3A_79, %dma_wait3A_103, %dma_wait3A_104] : memref<2x3072x768xf32, #tpu.memory_space<vmem>> -> memref<1x768x768xf32, #tpu.memory_space<vmem>>
      %dma_wait3A_106 = tpu.memref_squeeze %dma_wait3A_105 : memref<1x768x768xf32, #tpu.memory_space<vmem>> -> memref<768x768xf32, #tpu.memory_space<vmem>>
      %dma_wait3A_107 = arith.constant 768 : i32
      %dma_wait3A_108 = arith.constant 0 : i32
      %dma_wait3A_109 = tpu.memref_slice %arg6[%get3A_2, %dma_wait3A_107, %dma_wait3A_108] : memref<8x3072x768xf32, #tpu.memory_space<any>> -> memref<1x768x768xf32, #tpu.memory_space<any>>
      %dma_wait3A_110 = tpu.memref_squeeze %dma_wait3A_109 : memref<1x768x768xf32, #tpu.memory_space<any>> -> memref<768x768xf32, #tpu.memory_space<any>>
      tpu.wait_dma2 semaphore(%arg15 : memref<!tpu.dma_semaphore, #tpu.memory_space<semaphore_mem>>) src(%dma_wait3A_110 : memref<768x768xf32, #tpu.memory_space<any>>) dst(%dma_wait3A_106 : memref<768x768xf32, #tpu.memory_space<vmem>>)
      %dma_wait3A_111 = arith.constant 384 : i32
      %dma_wait3A_112 = arith.constant 0 : i32
      %dma_wait3A_113 = tpu.memref_slice %arg9[%sub3A_79, %dma_wait3A_111, %dma_wait3A_112] : memref<2x768x3072xf32, #tpu.memory_space<vmem>> -> memref<1x192x3072xf32, #tpu.memory_space<vmem>>
      %dma_wait3A_114 = tpu.memref_squeeze %dma_wait3A_113 : memref<1x192x3072xf32, #tpu.memory_space<vmem>> -> memref<192x3072xf32, #tpu.memory_space<vmem>>
      %dma_wait3A_115 = arith.constant 384 : i32
      %dma_wait3A_116 = arith.constant 0 : i32
      %dma_wait3A_117 = tpu.memref_slice %arg4[%get3A_2, %dma_wait3A_115, %dma_wait3A_116] : memref<8x768x3072xf32, #tpu.memory_space<any>> -> memref<1x192x3072xf32, #tpu.memory_space<any>>
      %dma_wait3A_118 = tpu.memref_squeeze %dma_wait3A_117 : memref<1x192x3072xf32, #tpu.memory_space<any>> -> memref<192x3072xf32, #tpu.memory_space<any>>
      tpu.wait_dma2 semaphore(%arg14 : memref<!tpu.dma_semaphore, #tpu.memory_space<semaphore_mem>>) src(%dma_wait3A_118 : memref<192x3072xf32, #tpu.memory_space<any>>) dst(%dma_wait3A_114 : memref<192x3072xf32, #tpu.memory_space<vmem>>)
      %dma_wait3A_119 = arith.constant 1536 : i32
      %dma_wait3A_120 = arith.constant 0 : i32
      %dma_wait3A_121 = tpu.memref_slice %arg10[%sub3A_79, %dma_wait3A_119, %dma_wait3A_120] : memref<2x3072x768xf32, #tpu.memory_space<vmem>> -> memref<1x768x768xf32, #tpu.memory_space<vmem>>
      %dma_wait3A_122 = tpu.memref_squeeze %dma_wait3A_121 : memref<1x768x768xf32, #tpu.memory_space<vmem>> -> memref<768x768xf32, #tpu.memory_space<vmem>>
      %dma_wait3A_123 = arith.constant 1536 : i32
      %dma_wait3A_124 = arith.constant 0 : i32
      %dma_wait3A_125 = tpu.memref_slice %arg6[%get3A_2, %dma_wait3A_123, %dma_wait3A_124] : memref<8x3072x768xf32, #tpu.memory_space<any>> -> memref<1x768x768xf32, #tpu.memory_space<any>>
      %dma_wait3A_126 = tpu.memref_squeeze %dma_wait3A_125 : memref<1x768x768xf32, #tpu.memory_space<any>> -> memref<768x768xf32, #tpu.memory_space<any>>
      tpu.wait_dma2 semaphore(%arg15 : memref<!tpu.dma_semaphore, #tpu.memory_space<semaphore_mem>>) src(%dma_wait3A_126 : memref<768x768xf32, #tpu.memory_space<any>>) dst(%dma_wait3A_122 : memref<768x768xf32, #tpu.memory_space<vmem>>)
      %dma_wait3A_127 = arith.constant 576 : i32
      %dma_wait3A_128 = arith.constant 0 : i32
      %dma_wait3A_129 = tpu.memref_slice %arg9[%sub3A_79, %dma_wait3A_127, %dma_wait3A_128] : memref<2x768x3072xf32, #tpu.memory_space<vmem>> -> memref<1x192x3072xf32, #tpu.memory_space<vmem>>
      %dma_wait3A_130 = tpu.memref_squeeze %dma_wait3A_129 : memref<1x192x3072xf32, #tpu.memory_space<vmem>> -> memref<192x3072xf32, #tpu.memory_space<vmem>>
      %dma_wait3A_131 = arith.constant 576 : i32
      %dma_wait3A_132 = arith.constant 0 : i32
      %dma_wait3A_133 = tpu.memref_slice %arg4[%get3A_2, %dma_wait3A_131, %dma_wait3A_132] : memref<8x768x3072xf32, #tpu.memory_space<any>> -> memref<1x192x3072xf32, #tpu.memory_space<any>>
      %dma_wait3A_134 = tpu.memref_squeeze %dma_wait3A_133 : memref<1x192x3072xf32, #tpu.memory_space<any>> -> memref<192x3072xf32, #tpu.memory_space<any>>
      tpu.wait_dma2 semaphore(%arg14 : memref<!tpu.dma_semaphore, #tpu.memory_space<semaphore_mem>>) src(%dma_wait3A_134 : memref<192x3072xf32, #tpu.memory_space<any>>) dst(%dma_wait3A_130 : memref<192x3072xf32, #tpu.memory_space<vmem>>)
      %dma_wait3A_135 = arith.constant 2304 : i32
      %dma_wait3A_136 = arith.constant 0 : i32
      %dma_wait3A_137 = tpu.memref_slice %arg10[%sub3A_79, %dma_wait3A_135, %dma_wait3A_136] : memref<2x3072x768xf32, #tpu.memory_space<vmem>> -> memref<1x768x768xf32, #tpu.memory_space<vmem>>
      %dma_wait3A_138 = tpu.memref_squeeze %dma_wait3A_137 : memref<1x768x768xf32, #tpu.memory_space<vmem>> -> memref<768x768xf32, #tpu.memory_space<vmem>>
      %dma_wait3A_139 = arith.constant 2304 : i32
      %dma_wait3A_140 = arith.constant 0 : i32
      %dma_wait3A_141 = tpu.memref_slice %arg6[%get3A_2, %dma_wait3A_139, %dma_wait3A_140] : memref<8x3072x768xf32, #tpu.memory_space<any>> -> memref<1x768x768xf32, #tpu.memory_space<any>>
      %dma_wait3A_142 = tpu.memref_squeeze %dma_wait3A_141 : memref<1x768x768xf32, #tpu.memory_space<any>> -> memref<768x768xf32, #tpu.memory_space<any>>
      tpu.wait_dma2 semaphore(%arg15 : memref<!tpu.dma_semaphore, #tpu.memory_space<semaphore_mem>>) src(%dma_wait3A_142 : memref<768x768xf32, #tpu.memory_space<any>>) dst(%dma_wait3A_138 : memref<768x768xf32, #tpu.memory_space<vmem>>)
      %sub3A_143 = arith.constant 1 : i32
      %sub3A_144 = arith.subi %sub3A_143, %get3A_21 : i32
      %get3A_145 = arith.index_cast %sub3A_144 : i32 to index
      %get3A_146 = arith.constant 0 : index
      %get3A_147 = arith.constant 0 : index
      %get3A_148 = vector.load %arg9[%get3A_145, %get3A_146, %get3A_147] : memref<2x768x3072xf32, #tpu.memory_space<vmem>>, vector<1x768x3072xf32>
      %get3A_149 = vector.shape_cast %get3A_148 : vector<1x768x3072xf32> to vector<768x3072xf32>
      %convert_element_type3A_150 = arith.truncf %get3A_149 : vector<768x3072xf32> to vector<768x3072xbf16>
      %sub3A_151 = arith.constant 1 : i32
      %sub3A_152 = arith.subi %sub3A_151, %get3A_21 : i32
      %swap3A_153 = arith.index_cast %sub3A_152 : i32 to index
      %swap3A_154 = arith.constant 0 : index
      %swap3A_155 = arith.constant 0 : index
      %swap3A_156 = vector.load %arg11[%swap3A_153, %swap3A_154, %swap3A_155] : memref<2x768x3072xbf16, #tpu.memory_space<vmem>>, vector<1x768x3072xbf16>
      %swap3A_157 = vector.shape_cast %swap3A_156 : vector<1x768x3072xbf16> to vector<768x3072xbf16>
      %swap3A_158 = vector.shape_cast %convert_element_type3A_150 : vector<768x3072xbf16> to vector<1x768x3072xbf16>
      tpu.vector_store %arg11[%swap3A_153, %swap3A_154, %swap3A_155], %swap3A_158 {strides = array<i32>} : memref<2x768x3072xbf16, #tpu.memory_space<vmem>>, vector<1x768x3072xbf16>,
      %sub3A_159 = arith.constant 1 : i32
      %sub3A_160 = arith.subi %sub3A_159, %get3A_21 : i32
      %get3A_161 = arith.index_cast %sub3A_160 : i32 to index
      %get3A_162 = arith.constant 0 : index
      %get3A_163 = arith.constant 0 : index
      %get3A_164 = vector.load %arg10[%get3A_161, %get3A_162, %get3A_163] : memref<2x3072x768xf32, #tpu.memory_space<vmem>>, vector<1x3072x768xf32>
      %get3A_165 = vector.shape_cast %get3A_164 : vector<1x3072x768xf32> to vector<3072x768xf32>
      %convert_element_type3A_166 = arith.truncf %get3A_165 : vector<3072x768xf32> to vector<3072x768xbf16>
      %sub3A_167 = arith.constant 1 : i32
      %sub3A_168 = arith.subi %sub3A_167, %get3A_21 : i32
      %swap3A_169 = arith.index_cast %sub3A_168 : i32 to index
      %swap3A_170 = arith.constant 0 : index
      %swap3A_171 = arith.constant 0 : index
      %swap3A_172 = vector.load %arg12[%swap3A_169, %swap3A_170, %swap3A_171] : memref<2x3072x768xbf16, #tpu.memory_space<vmem>>, vector<1x3072x768xbf16>
      %swap3A_173 = vector.shape_cast %swap3A_172 : vector<1x3072x768xbf16> to vector<3072x768xbf16>
      %swap3A_174 = vector.shape_cast %convert_element_type3A_166 : vector<3072x768xbf16> to vector<1x3072x768xbf16>
      tpu.vector_store %arg12[%swap3A_169, %swap3A_170, %swap3A_171], %swap3A_174 {strides = array<i32>} : memref<2x3072x768xbf16, #tpu.memory_space<vmem>>, vector<1x3072x768xbf16>,
      %sub3A_175 = arith.constant 1 : i32
      %sub3A_176 = arith.subi %sub3A_175, %get3A_21 : i32
      %swap3A_177 = arith.constant 0 : index
      %swap3A_178 = memref.load %arg13[%swap3A_177] : memref<1xi32, #tpu.memory_space<smem>>
      memref.store %sub3A_176, %arg13[%swap3A_177] : memref<1xi32, #tpu.memory_space<smem>>
    } else {
    }
    return
  }
  func.func @transform_0(%arg0: i32, %arg1: memref<40xi32, #tpu.memory_space<smem>>, %arg2: memref<40xi32, #tpu.memory_space<smem>>) -> (i32, i32) {
    %c0_i32 = arith.constant 0 : i32
    %c0_i32_0 = arith.constant 0 : i32
    return %arg0, %c0_i32 : i32, i32
  }
  func.func @transform_2(%arg0: i32, %arg1: memref<40xi32, #tpu.memory_space<smem>>, %arg2: memref<40xi32, #tpu.memory_space<smem>>) -> (i32, i32, i32) {
    %get3A = arith.index_cast %arg0 : i32 to index
    %get3A_0 = memref.load %arg1[%get3A] : memref<40xi32, #tpu.memory_space<smem>>
    %c0_i32 = arith.constant 0 : i32
    %c0_i32_1 = arith.constant 0 : i32
    %c0_i32_2 = arith.constant 0 : i32
    return %get3A_0, %c0_i32, %c0_i32_1 : i32, i32, i32
  }
  func.func @transform_4(%arg0: i32, %arg1: memref<40xi32, #tpu.memory_space<smem>>, %arg2: memref<40xi32, #tpu.memory_space<smem>>) -> (i32, i32, i32) {
    %get3A = arith.index_cast %arg0 : i32 to index
    %get3A_0 = memref.load %arg1[%get3A] : memref<40xi32, #tpu.memory_space<smem>>
    %c0_i32 = arith.constant 0 : i32
    %c0_i32_1 = arith.constant 0 : i32
    %c0_i32_2 = arith.constant 0 : i32
    return %get3A_0, %c0_i32, %c0_i32_1 : i32, i32, i32
  }
  func.func @transform_5(%arg0: i32, %arg1: memref<40xi32, #tpu.memory_space<smem>>, %arg2: memref<40xi32, #tpu.memory_space<smem>>) -> (i32, i32) {
    %c0_i32 = arith.constant 0 : i32
    %c0_i32_0 = arith.constant 0 : i32
    return %arg0, %c0_i32 : i32, i32
  }
}

</mosaic_0001>

<sc_bundles>
// kernel: kernel.6.cloned.1.call-start
scs
__scs_entry_jumppad:
0x0: {  	(pc) =	sbr.rel $0x88, $3  }
0x1: {  	(tag) =	ssettag $0x0;
	lr =	simm.s32 $0x1  }
0x2: {  	[smem:$0x3F9B] =	sst lr;
	_ =	strace $0xD0000000  }
0x3: {  	_ = 	snop  }
0x4: {  	_ = 	snop  }
0x5: {  	_ = 	snop  }
0x6: {  	_ = 	snop  }
0x7: {  	_ = 	snop  }
__scs_overlays_trampoline_lowered:
0x8: {  	[smem:$0x3FAA] =	sst s0  }
0x9: {  	[smem:$0x3FAB] =	sst s1  }
0xa: {  	[smem:$0x3FAC] =	sst s2  }
0xb: {  	[smem:$0x3FAD] =	sst s3  }
0xc: {  	[smem:$0x3FAE] =	sst s4  }
0xd: {  	[smem:$0x3FAF] =	sst s5  }
0xe: {  	[smem:$0x3FB0] =	sst s6  }
0xf: {  	[smem:$0x3FB1] =	sst s7  }
0x10: {  	[smem:$0x3FB2] =	sst s8  }
0x11: {  	[smem:$0x3FB3] =	sst s9;
	s0 =	simm.s32 @!p0 $0x0  }
0x12: {  	s1 =	sld [smem:$0x3F99];
	s0 =	simm.s32 @p0 $0x1  }
0x13: {  	[smem:$0x3FB4] =	sst s0;
	s0 =	simm.s32 @!p1 $0x0  }
0x14: {  	s2 =	sld [smem:$0x3F98];
	s0 =	simm.s32 @p1 $0x1  }
0x15: {  	[smem:$0x3FB5] =	sst s0;
	s0 =	simm.s32 @!p2 $0x0  }
0x16: {  	s3 =	sld [smem:$0x3FDB];
	s0 =	simm.s32 @p2 $0x1  }
0x17: {  	s4 =	simm.s32 $0x1BF5;
	[smem:$0x3FB7] =	sst s0  }
0x18: {  	s0 =	sld [smem:$0x3F9A];
	_ =	swait.ge [sflag:s4], $0x0  }
0x19: {  	s7 =	sld [smem:$0x3F9B]  }
0x1a: {  	s8 =	sadd.s32 $0xFFFFE003, lr  }
0x1b: {  	s9 =	sadd.s32 $0xFFFFFEF7, lr;
	s5 =	simm.s32 $0xFFFFFFFF;
	p2 =	slt.u32 s8, $0xFFFFF086  }
0x1c: {  	p1 =	slt.u32 s9, $0xF7A;
	s5 =	simm.s32 @!p2 $0x0  }
0x1d: {  	s5 =	simm.s32 @p1 $0x1;
	p0 =	seq.s32 s7, s2  }
0x1e: {  	s7 =	smul.u32 @!p0 $0xF7A, s2;
	p2 =	seq.s32 @!p0 s5, $0x0  }
0x1f: {  	s9 =	smul.u32 $0xF7A, s1;
	s8 =	simm.s32 @!p0 $0x1BF5;
	p2 =	por !p2, p0  }
0x20: {  	[sflag:s8] =	ssyncset.s32 @!p0 $0xFFFFF086;
	s6 =	sadd.s32 @!p0 s3, s7;
	s7 =	simm.s32 @!p0 $0x108  }
0x21: {  	s3 =	sadd.s32 s3, s9;
	s6 =	sadd.s32 @!p0 $0x88, s6;
	s7 =	simm.s32 @p2 $0x1082  }
0x22: {  	[simem:s7], [sflag:s8] =	dma.local @!p0 [hbm:s6], $0xF7A  }
0x23: {  	s9 =	sor.u32 $0xD0000000, s2;
	s6 =	simm.s32 $0x108;
	_ =	swait.ge @!p0 [sflag:s8], $0x0  }
0x24: {  	s3 =	sadd.s32 $0x88, s3;
	s6 =	simm.s32 @!p1 $0x1082;
	[sflag:s4] =	ssyncset.s32 $0xFFFFF086  }
0x25: {  	[simem:s6], [sflag:s4] =	dma.local [hbm:s3], $0xF7A  }
0x26: {  	[smem:$0x3F9B] =	sst s1;
	(tag) =	ssettag s2;
	_ =	strace s9  }
0x27: {  	s1 =	sld [smem:$0x3FAB]  }
0x28: {  	s2 =	sld [smem:$0x3FAC]  }
0x29: {  	s4 =	sld [smem:$0x3FAE]  }
0x2a: {  	p0 =	seq.s32 s5, $0x0;
	s5 =	sld [smem:$0x3FAF]  }
0x2b: {  	s6 =	sld [smem:$0x3FB0]  }
0x2c: {  	s7 =	sld [smem:$0x3FB1]  }
0x2d: {  	s3 =	simm.s32 $0x108;
	s8 =	sld [smem:$0x3FB2]  }
0x2e: {  	s3 =	simm.s32 @!p0 $0x1082;
	s9 =	sld [smem:$0x3FB3]  }
0x2f: {  	lr =	sadd.s32 s0, s3;
	s0 =	sld [smem:$0x3FAA]  }
0x30: {  	s3 =	sld [smem:$0x3FAD]  }
0x31: {  	[smem:$0x3FB6] =	sst s10  }
0x32: {  	s10 =	sld [smem:$0x3FB4];
	_ =	sdelay $0x3  }
0x33: {  	p0 =	seq.s32 s10, $0x1;
	s10 =	sld [smem:$0x3FB6];
	_ =	sdelay $0x3  }
0x34: {  	[smem:$0x3FB6] =	sst s10  }
0x35: {  	s10 =	sld [smem:$0x3FB5];
	_ =	sdelay $0x3  }
0x36: {  	p1 =	seq.s32 s10, $0x1;
	s10 =	sld [smem:$0x3FB6];
	_ =	sdelay $0x3  }
0x37: {  	[smem:$0x3FB6] =	sst s10  }
0x38: {  	s10 =	sld [smem:$0x3FB7]  }
0x39: {  	_ = 	snop;
	(pc) =	sbr.ind lr, $3  }
0x3a: {  	_ = 	snop  }
0x3b: {  	_ = 	snop  }
0x3c: {  	p2 =	seq.s32 s10, $0x1;
	s10 =	sld [smem:$0x3FB6]  }
0x3d: {  	_ =	shalt  }
0x3e: {  	_ =	shalt  }
0x3f: {  	_ =	shalt  }
0x40: {  	_ =	shalt  }
0x41: {  	_ =	shalt  }
0x42: {  	_ =	shalt  }
0x43: {  	_ =	shalt  }
0x44: {  	_ =	shalt  }
0x45: {  	_ =	shalt  }
0x46: {  	_ =	shalt  }
0x47: {  	_ =	shalt  }
0x48: {  	_ =	shalt  }
0x49: {  	_ =	shalt  }
0x4a: {  	_ =	shalt  }
0x4b: {  	_ =	shalt  }
0x4c: {  	_ =	shalt  }
0x4d: {  	_ =	shalt  }
0x4e: {  	_ =	shalt  }
0x4f: {  	_ =	shalt  }
0x50: {  	_ =	shalt  }
0x51: {  	_ =	shalt  }
0x52: {  	_ =	shalt  }
0x53: {  	_ =	shalt  }
0x54: {  	_ =	shalt  }
0x55: {  	_ =	shalt  }
0x56: {  	_ =	shalt  }
0x57: {  	_ =	shalt  }
0x58: {  	_ =	shalt  }
0x59: {  	_ =	shalt  }
0x5a: {  	_ =	shalt  }
0x5b: {  	_ =	shalt  }
0x5c: {  	_ =	shalt  }
0x5d: {  	_ =	shalt  }
0x5e: {  	_ =	shalt  }
0x5f: {  	_ =	shalt  }
0x60: {  	_ =	shalt  }
0x61: {  	_ =	shalt  }
0x62: {  	_ =	shalt  }
0x63: {  	_ =	shalt  }
0x64: {  	_ =	shalt  }
0x65: {  	_ =	shalt  }
0x66: {  	_ =	shalt  }
0x67: {  	_ =	shalt  }
0x68: {  	_ =	shalt  }
0x69: {  	_ =	shalt  }
0x6a: {  	_ =	shalt  }
0x6b: {  	_ =	shalt  }
0x6c: {  	_ =	shalt  }
0x6d: {  	_ =	shalt  }
0x6e: {  	_ =	shalt  }
0x6f: {  	_ =	shalt  }
0x70: {  	_ =	shalt  }
0x71: {  	_ =	shalt  }
0x72: {  	_ =	shalt  }
0x73: {  	_ =	shalt  }
0x74: {  	_ =	shalt  }
0x75: {  	_ =	shalt  }
0x76: {  	_ =	shalt  }
0x77: {  	_ =	shalt  }
0x78: {  	_ =	shalt  }
0x79: {  	_ =	shalt  }
0x7a: {  	_ =	shalt  }
0x7b: {  	_ =	shalt  }
0x7c: {  	_ =	shalt  }
0x7d: {  	_ =	shalt  }
0x7e: {  	_ =	shalt  }
0x7f: {  	_ =	shalt  }
0x80: {  	_ =	shalt  }
0x81: {  	_ =	shalt  }
0x82: {  	_ =	shalt  }
0x83: {  	_ =	shalt  }
0x84: {  	_ =	shalt  }
0x85: {  	_ =	shalt  }
0x86: {  	_ =	shalt  }
0x87: {  	_ =	shalt  }
.Lfunc_end0:
.L_simem_size_0:
called_computation_lowered:
.L_overlay_start_0:
0x88: {  	s2 =	sld [smem:$0x3FD9]  }
0x89: {  	s3 =	sld [smem:$0x3FFE];
	_ =	sdelay $0x1  }
0x8a: {  	s1 =	srdreg.scid  }
0x8b: {  	s0 =	sand.u32 $0x1, s1  }
0x8c: {  	s17 =	sshll.u32 s0, $0xA;
	s2 =	sadd.s32 s3, s2  }
0x8d: {  	s2 =	sadd.s32 s2, s17  }
0x8e: {  	[smem:$0x3FC2] =	sst s2  }
0x8f: {  	_ = 	snop  }
0x90: {  	s2 =	sld [smem:$0x3FC9];
	(tm) =	ssettm $0x1  }
0x91: {  	s18 =	sld [smem:$0x3FFB];
	_ =	sdelay $0x3  }
0x92: {  	_ =	strace s18  }
0x93: {  	s3 =	sld [smem:$0x3FFC];
	_ =	sdelay $0x3  }
0x94: {  	_ =	strace s3  }
0x95: {  	s3 =	sld [smem:$0x3FFD];
	_ =	sdelay $0x3  }
0x96: {  	_ =	strace s3  }
0x97: {  	_ =	strace $0x8FFFFFFF  }
0x98: {  	s19 =	sld [smem:$0x3FDB];
	_ =	sdelay $0x1  }
0x99: {  	s4 =	simm.s32 $_scs_section_size  }
0x9a: {  	s5 =	simm.s32 $_size__tile_overlayer_lowered;
	s6 =	simm.s32 $_tile_overlayer_lowered  }
0x9b: {  	s22 =	simm.s32 $0x1BFF;
	s21 =	sshll.u32 s6, $0x1;
	s3 =	sadd.s32 s4, s19  }
0x9c: {  	s7 =	simm.s32 $0x0;
	s20 =	sshll.u32 s5, $0x1;
	s5 =	sadd.s32 s21, s3  }
0x9d: {  	[timem:s7], [sflag:s22] =	dma.local [hbm:s5], s20  }
0x9e: {  	_ =	swait.ge [sflag:s22], s20  }
0x9f: {  	s4 =	ssub.s32 $0x0, s20;
	[sflag:s22] =	ssyncset.done $0x0  }
0xa0: {  	[sflag:s22] =	ssyncadd.s32 s4;
	_ =	sdelay $0x1  }
0xa1: {  	s23 =	simm.s32 $0x1B8B  }
0xa2: {  	_ =	swait.ge [sflag:s23], $0x1  }
0xa3: {  	[sflag:s23] =	ssyncset.done $0x0  }
0xa4: {  	s25 =	simm.s32 $0x1B8E;
	s24 =	sld [smem:$0x3FFE];
	[sflag:s23] =	ssyncadd.s32 $0xFFFFFFFF  }
0xa5: {  	s26 =	simm.s32 $execute0_lowered;
	[smem:$0x3FD2] =	sst s25  }
0xa6: {  	s5 =	sshll.u32 s26, $0x1;
	_ =	strace $0x80000046;
	[dreg:$0x1] =	wrdreg $0xFFFFFFFF  }
0xa7: {  	s28 =	simm.s32 $_size_execute0_lowered;
	s3 =	sadd.s32 s3, s5;
	[dreg:$0x0] =	wrdreg $0x0  }
0xa8: {  	s5 =	sshll.u32 s28, $0x1;
	[dreg:$0x2] =	wrdreg s3  }
0xa9: {  	[dreg:$0x3] =	wrdreg s5  }
0xaa: {  	[dreg:$0x4] =	wrdreg $0xC0  }
0xab: {  	_ =	task [dreg:s7], $0x5FFFF  }
0xac: {  	[dreg:$0x1] =	wrdreg $0xFFFFFFFF  }
0xad: {  	[dreg:$0x0] =	wrdreg $0x60  }
0xae: {  	[dreg:$0x2] =	wrdreg s2  }
0xaf: {  	[dreg:$0x3] =	wrdreg s24  }
0xb0: {  	[dreg:$0x4] =	wrdreg $0x9  }
0xb1: {  	_ =	task.clear_ibuf [dreg:s7], $0x5FFFF;
	_ =	strace $0x90000046  }
0xb2: {  	s29 =	simm.s32 $0x9;
	_ =	strace $0x80000048  }
0xb3: {  	_ =	swait.ge [sflag:s29], $0x1  }
0xb4: {  	[sflag:s29] =	ssyncadd.s32 $0xFFFFFFFF  }
0xb5: {  	_ =	strace $0x90000048  }
0xb6: {  	_ =	sfence  }
0xb7: {  	s30 =	sld [smem:$0x0];
	_ =	sdelay $0x2  }
0xb8: {  	s31 =	sshll.u32 s1, $0xD;
	s1 =	sshrl.u32 s1, $0x2  }
0xb9: {  	s3 =	sand.u32 $0x4000, s31;
	s1 =	sadd.s32 s1, s30  }
0xba: {  	s0 =	sor.u32 s3, s0;
	s1 =	sshll.u32 s1, $0x11  }
0xbb: {  	s0 =	sor.u32 s1, s0  }
0xbc: {  	s0 =	sadd.s32 $0x8F2B, s0  }
0xbd: {  	[sflag:s0] =	ssyncadd.remote.s32 $0x1  }
0xbe: {  	_ =	sfence.sel $0xFFFF  }
0xbf: {  	[dreg:$0x0] =	wrdreg $0xFFFFFFFF;
	(pc) =	sbr.abs _section_cstart, $3  }
0xc0: {  	[dreg:$0x1] =	wrdreg $0xFFFFFFFF  }
0xc1: {  	_ =	task.clear_ibuf [dreg:s7], $0x2FFFF;
	_ =	strace $0x9FFFFFFF  }
0xc2: {  	(tm) =	ssettm $0x7FFFFFFF  }
0xc3: {  	_ =	shalt  }
tec
execute0_lowered:
.L_overlay_start_1:
0x0: {  	(tag) =	ssettag $0x1  }
0x1: {  	s1 =	srdreg.scid;
	s3 =	rddreg [dreg:$0x0]  }
0x2: {  	s0 =	stileid.u32;
	s5 =	rddreg [dreg:$0x1]  }
0x3: {  	s2 =	simm.s32 $0x0;
	s8 =	simm.s32 $0x80;
	s10 =	simm.s32 $0x1100  }
0x4: {  	s11 =	simm.s32 $0x1900;
	s12 =	simm.s32 $0x2100;
	s13 =	simm.s32 $0x2900  }
0x5: {  	s14 =	simm.s32 $0x3100;
	s15 =	simm.s32 $0x3900;
	s16 =	simm.s32 $0x4100  }
0x6: {  	s17 =	simm.s32 $0x4900;
	s18 =	simm.s32 $0x5100;
	s19 =	simm.s32 $0x5900  }
0x7: {  	s20 =	simm.s32 $0x6100;
	s21 =	simm.s32 $0x6900;
	s22 =	simm.s32 $0x7100  }
0x8: {  	s23 =	simm.s32 $0x7900;
	s24 =	simm.s32 $0x8100;
	s25 =	simm.s32 $0x8900  }
0x9: {  	s28 =	simm.s32 $0x9900;
	s29 =	simm.s32 $0xA100;
	s30 =	simm.s32 $0xA900  }
0xa: {  	s31 =	simm.s32 $0xB100;
	s1 =	sand.u32 $0x1, s1;
	[smem:$0x7FF] =	sst s2  }
0xb: {  	s4 =	sshll.u32 s0, $0x4;
	s6 =	sshll.u32 s1, $0x3;
	_ =	strace $0x80000047  }
0xc: {  	s1 =	ssub.s32 $0x2, s1;
	[dreg:$0x6] =	wrdreg s8;
	s4 =	sor.u32 s6, s4  }
0xd: {  	s8 =	simm.s32 $0x100;
	s26 =	sshrl.u32 s1, $0x1;
	s6 =	sadd.s32 s4, s5  }
0xe: {  	s4 =	smul.u32 $0x300, s4;
	s1 =	ssub.s32 s1, s26;
	s7 =	sadd.s32 $0x1800, s6  }
0xf: {  	s26 =	simm.s32 $0x9100;
	s6 =	sadd.s32 $0x1A00, s6;
	[dreg:$0x3] =	wrdreg s7  }
0x10: {  	v2 =	vlaneseq.u32;
	[dreg:$0x4] =	wrdreg s6;
	s4 =	sadd.s32 s3, s4;
	s3 =	sadd.s32 $0x2000, s5  }
0x11: {  	vm0 =	vmmov $0xffff;
	v1 =	vshrl.u32 v2, $0x3;
	s6 =	smax.u32 s1, $0x1;
	s7 =	simm.s32 $0x1;
	s1 =	simm.s32 $0xB900  }
0x12: {  	v0 =	vand.u32 $0x7, v2;
	v2 =	vor.u32 $0x8, v2;
	v1 =	vmul.u32 $0x8, v1;
	[dreg:$0x5] =	wrdreg s4;
	s4 =	sadd.s32 $0x2100, s5;
	s5 =	sadd.s32 $0x2200, s5  }
.LBB2_1:
0x13: {  	s0 =	rddreg [dreg:$0x3]  }
0x14: {  	[tilespmem:s2], [sflag:$0x1] =	stream.linear.gather [hbm4b:s0+s2], $0x40, $0x38;
	[tilespmem:$0xC100] =	vst v63  }
0x15: {  	_ =	swait.ge [sflag:s7], $0x40  }
0x16: {  	s0 =	rddreg [dreg:$0x4];
	[sflag:s7] =	ssyncset.done $0x0  }
0x17: {  	s9 =	rddreg [dreg:$0x6];
	[sflag:s7] =	ssyncadd.s32 $0xFFFFFFC0  }
0x18: {  	[tilespmem:s9], [sflag:$0x1] =	stream.linear.gather [hbm4b:s0+s2], $0x40, $0x38;
	[tilespmem:$0xC100] =	vst v63  }
0x19: {  	_ =	swait.ge [sflag:s7], $0x40  }
0x1a: {  	[sflag:s7] =	ssyncset.done $0x0  }
0x1b: {  	s9 =	rddreg [dreg:$0x5];
	[sflag:s7] =	ssyncadd.s32 $0xFFFFFFC0  }
0x1c: {  	[tilespmem:s8], [sflag:$0x1] =	stream.linear.gather [hbm4b:s9+s2], $0xC000, $0x38;
	[tilespmem:$0xC100] =	vst v63  }
0x1d: {  	_ =	swait.ge [sflag:s7], $0xC000  }
0x1e: {  	[sflag:s7] =	ssyncset.done $0x0  }
0x1f: {  	[sflag:s7] =	ssyncadd.s32 $0xFFFF4000  }
0x20: {  	v3 =	vld [tilespmem:$0x0];
	_ =	sdelay $0x4  }
0x21: {  	v4 =	vshrl.u32 v3, $0x3  }
0x22: {  	v4 =	vmul.u32 $0x30, v4  }
0x23: {  	v3 =	vand.u32 $0x7, v3  }
0x24: {  	v3 =	vor.u32 v3, v4  }
0x25: {  	v4 =	vperm.xlane v3, v0;
	_ =	sdelay $0x1  }
0x26: {  	v4 =	vadd.s32 v1, v4;
	_ =	sdelay $0x3  }
0x27: {  	v3 =	vperm.xlane v3, v2  }
0x28: {  	[hbm4b:s3+s2] =	stream.indirect_vreg.scatter [tilespmem:s8], [sflag:$0x1], $0x80, v4, vm0, $0xb8;
	[tilespmem:$0xC100] =	vst v63  }
0x29: {  	s9 =	simm.s32 $0x900;
	v3 =	vadd.s32 v1, v3  }
0x2a: {  	[hbm4b:s4+s2] =	stream.indirect_vreg.scatter [tilespmem:s9], [sflag:$0x1], $0x80, v4, vm0, $0xb8;
	[tilespmem:$0xC100] =	vst v63  }
0x2b: {  	_ = 	snop  }
0x2c: {  	[hbm4b:s5+s2] =	stream.indirect_vreg.scatter [tilespmem:s10], [sflag:$0x1], $0x80, v4, vm0, $0xb8;
	[tilespmem:$0xC100] =	vst v63  }
0x2d: {  	_ = 	snop  }
0x2e: {  	[hbm4b:s3+s2] =	stream.indirect_vreg.scatter [tilespmem:s11], [sflag:$0x1], $0x80, v3, vm0, $0xb8;
	[tilespmem:$0xC100] =	vst v63  }
0x2f: {  	_ = 	snop  }
0x30: {  	[hbm4b:s4+s2] =	stream.indirect_vreg.scatter [tilespmem:s12], [sflag:$0x1], $0x80, v3, vm0, $0xb8;
	[tilespmem:$0xC100] =	vst v63  }
0x31: {  	_ = 	snop  }
0x32: {  	[hbm4b:s5+s2] =	stream.indirect_vreg.scatter [tilespmem:s13], [sflag:$0x1], $0x80, v3, vm0, $0xb8;
	[tilespmem:$0xC100] =	vst v63  }
0x33: {  	v3 =	vld [tilespmem:$0x10];
	_ =	sdelay $0x4  }
0x34: {  	v57 =	vshrl.u32 v3, $0x3  }
0x35: {  	v4 =	vmul.u32 $0x30, v57  }
0x36: {  	v3 =	vand.u32 $0x7, v3  }
0x37: {  	v3 =	vor.u32 v3, v4  }
0x38: {  	v4 =	vperm.xlane v3, v0;
	_ =	sdelay $0x1  }
0x39: {  	v4 =	vadd.s32 v1, v4;
	_ =	sdelay $0x3  }
0x3a: {  	v3 =	vperm.xlane v3, v2  }
0x3b: {  	[hbm4b:s3+s2] =	stream.indirect_vreg.scatter [tilespmem:s14], [sflag:$0x1], $0x80, v4, vm0, $0xb8;
	[tilespmem:$0xC100] =	vst v63  }
0x3c: {  	v3 =	vadd.s32 v1, v3  }
0x3d: {  	[hbm4b:s4+s2] =	stream.indirect_vreg.scatter [tilespmem:s15], [sflag:$0x1], $0x80, v4, vm0, $0xb8;
	[tilespmem:$0xC100] =	vst v63  }
0x3e: {  	_ = 	snop  }
0x3f: {  	[hbm4b:s5+s2] =	stream.indirect_vreg.scatter [tilespmem:s16], [sflag:$0x1], $0x80, v4, vm0, $0xb8;
	[tilespmem:$0xC100] =	vst v63  }
0x40: {  	_ = 	snop  }
0x41: {  	[hbm4b:s3+s2] =	stream.indirect_vreg.scatter [tilespmem:s17], [sflag:$0x1], $0x80, v3, vm0, $0xb8;
	[tilespmem:$0xC100] =	vst v63  }
0x42: {  	_ = 	snop  }
0x43: {  	[hbm4b:s4+s2] =	stream.indirect_vreg.scatter [tilespmem:s18], [sflag:$0x1], $0x80, v3, vm0, $0xb8;
	[tilespmem:$0xC100] =	vst v63  }
0x44: {  	_ = 	snop  }
0x45: {  	[hbm4b:s5+s2] =	stream.indirect_vreg.scatter [tilespmem:s19], [sflag:$0x1], $0x80, v3, vm0, $0xb8;
	[tilespmem:$0xC100] =	vst v63  }
0x46: {  	v3 =	vld [tilespmem:$0x20];
	_ =	sdelay $0x4  }
0x47: {  	v58 =	vshrl.u32 v3, $0x3  }
0x48: {  	v4 =	vmul.u32 $0x30, v58  }
0x49: {  	v3 =	vand.u32 $0x7, v3  }
0x4a: {  	v3 =	vor.u32 v3, v4  }
0x4b: {  	v4 =	vperm.xlane v3, v0;
	_ =	sdelay $0x1  }
0x4c: {  	v4 =	vadd.s32 v1, v4;
	_ =	sdelay $0x3  }
0x4d: {  	v3 =	vperm.xlane v3, v2  }
0x4e: {  	[hbm4b:s3+s2] =	stream.indirect_vreg.scatter [tilespmem:s20], [sflag:$0x1], $0x80, v4, vm0, $0xb8;
	[tilespmem:$0xC100] =	vst v63  }
0x4f: {  	v3 =	vadd.s32 v1, v3  }
0x50: {  	[hbm4b:s4+s2] =	stream.indirect_vreg.scatter [tilespmem:s21], [sflag:$0x1], $0x80, v4, vm0, $0xb8;
	[tilespmem:$0xC100] =	vst v63  }
0x51: {  	_ = 	snop  }
0x52: {  	[hbm4b:s5+s2] =	stream.indirect_vreg.scatter [tilespmem:s22], [sflag:$0x1], $0x80, v4, vm0, $0xb8;
	[tilespmem:$0xC100] =	vst v63  }
0x53: {  	_ = 	snop  }
0x54: {  	[hbm4b:s3+s2] =	stream.indirect_vreg.scatter [tilespmem:s23], [sflag:$0x1], $0x80, v3, vm0, $0xb8;
	[tilespmem:$0xC100] =	vst v63  }
0x55: {  	_ = 	snop  }
0x56: {  	[hbm4b:s4+s2] =	stream.indirect_vreg.scatter [tilespmem:s24], [sflag:$0x1], $0x80, v3, vm0, $0xb8;
	[tilespmem:$0xC100] =	vst v63  }
0x57: {  	_ = 	snop  }
0x58: {  	[hbm4b:s5+s2] =	stream.indirect_vreg.scatter [tilespmem:s25], [sflag:$0x1], $0x80, v3, vm0, $0xb8;
	[tilespmem:$0xC100] =	vst v63  }
0x59: {  	v3 =	vld [tilespmem:$0x30];
	_ =	sdelay $0x4  }
0x5a: {  	v59 =	vshrl.u32 v3, $0x3  }
0x5b: {  	v4 =	vmul.u32 $0x30, v59  }
0x5c: {  	v3 =	vand.u32 $0x7, v3  }
0x5d: {  	v3 =	vor.u32 v3, v4  }
0x5e: {  	v4 =	vperm.xlane v3, v0;
	_ =	sdelay $0x1  }
0x5f: {  	v4 =	vadd.s32 v1, v4;
	_ =	sdelay $0x3  }
0x60: {  	v3 =	vperm.xlane v3, v2  }
0x61: {  	[hbm4b:s3+s2] =	stream.indirect_vreg.scatter [tilespmem:s26], [sflag:$0x1], $0x80, v4, vm0, $0xb8;
	[tilespmem:$0xC100] =	vst v63  }
0x62: {  	v3 =	vadd.s32 v1, v3  }
0x63: {  	[hbm4b:s4+s2] =	stream.indirect_vreg.scatter [tilespmem:s28], [sflag:$0x1], $0x80, v4, vm0, $0xb8;
	[tilespmem:$0xC100] =	vst v63  }
0x64: {  	_ = 	snop  }
0x65: {  	[hbm4b:s5+s2] =	stream.indirect_vreg.scatter [tilespmem:s29], [sflag:$0x1], $0x80, v4, vm0, $0xb8;
	[tilespmem:$0xC100] =	vst v63  }
0x66: {  	_ = 	snop  }
0x67: {  	[hbm4b:s3+s2] =	stream.indirect_vreg.scatter [tilespmem:s30], [sflag:$0x1], $0x80, v3, vm0, $0xb8;
	[tilespmem:$0xC100] =	vst v63  }
0x68: {  	_ = 	snop  }
0x69: {  	[hbm4b:s4+s2] =	stream.indirect_vreg.scatter [tilespmem:s31], [sflag:$0x1], $0x80, v3, vm0, $0xb8;
	[tilespmem:$0xC100] =	vst v63  }
0x6a: {  	_ = 	snop  }
0x6b: {  	[hbm4b:s5+s2] =	stream.indirect_vreg.scatter [tilespmem:s1], [sflag:$0x1], $0x80, v3, vm0, $0xb8;
	[tilespmem:$0xC100] =	vst v63  }
0x6c: {  	_ =	swait.ge [sflag:s7], $0xC000  }
0x6d: {  	[sflag:s7] =	ssyncset.done $0x0  }
0x6e: {  	[sflag:s7] =	ssyncadd.s32 $0xFFFF4000  }
0x6f: {  	v3 =	vld [tilespmem:$0x80];
	_ =	sdelay $0x4  }
0x70: {  	v60 =	vshrl.u32 v3, $0x3  }
0x71: {  	v4 =	vmul.u32 $0x30, v60  }
0x72: {  	v3 =	vand.u32 $0x7, v3  }
0x73: {  	v3 =	vor.u32 v3, v4  }
0x74: {  	v4 =	vperm.xlane v3, v0;
	_ =	sdelay $0x1  }
0x75: {  	v4 =	vadd.s32 v1, v4;
	_ =	sdelay $0x3  }
0x76: {  	v3 =	vperm.xlane v3, v2  }
0x77: {  	[hbm4b:s3+s2] =	stream.indirect_vreg.scatter [tilespmem:s8], [sflag:$0x1], $0x80, v4, vm0, $0xb8;
	[tilespmem:$0xC100] =	vst v63  }
0x78: {  	v3 =	vadd.s32 v1, v3  }
0x79: {  	[hbm4b:s4+s2] =	stream.indirect_vreg.scatter [tilespmem:s9], [sflag:$0x1], $0x80, v4, vm0, $0xb8;
	[tilespmem:$0xC100] =	vst v63  }
0x7a: {  	_ = 	snop  }
0x7b: {  	[hbm4b:s5+s2] =	stream.indirect_vreg.scatter [tilespmem:s10], [sflag:$0x1], $0x80, v4, vm0, $0xb8;
	[tilespmem:$0xC100] =	vst v63  }
0x7c: {  	_ = 	snop  }
0x7d: {  	[hbm4b:s3+s2] =	stream.indirect_vreg.scatter [tilespmem:s11], [sflag:$0x1], $0x80, v3, vm0, $0xb8;
	[tilespmem:$0xC100] =	vst v63  }
0x7e: {  	_ = 	snop  }
0x7f: {  	[hbm4b:s4+s2] =	stream.indirect_vreg.scatter [tilespmem:s12], [sflag:$0x1], $0x80, v3, vm0, $0xb8;
	[tilespmem:$0xC100] =	vst v63  }
0x80: {  	_ = 	snop  }
0x81: {  	[hbm4b:s5+s2] =	stream.indirect_vreg.scatter [tilespmem:s13], [sflag:$0x1], $0x80, v3, vm0, $0xb8;
	[tilespmem:$0xC100] =	vst v63  }
0x82: {  	v3 =	vld [tilespmem:$0x90];
	_ =	sdelay $0x4  }
0x83: {  	v61 =	vshrl.u32 v3, $0x3  }
0x84: {  	v4 =	vmul.u32 $0x30, v61  }
0x85: {  	v3 =	vand.u32 $0x7, v3  }
0x86: {  	v3 =	vor.u32 v3, v4  }
0x87: {  	v4 =	vperm.xlane v3, v0;
	_ =	sdelay $0x1  }
0x88: {  	v4 =	vadd.s32 v1, v4;
	_ =	sdelay $0x3  }
0x89: {  	v3 =	vperm.xlane v3, v2  }
0x8a: {  	[hbm4b:s3+s2] =	stream.indirect_vreg.scatter [tilespmem:s14], [sflag:$0x1], $0x80, v4, vm0, $0xb8;
	[tilespmem:$0xC100] =	vst v63  }
0x8b: {  	v3 =	vadd.s32 v1, v3  }
0x8c: {  	[hbm4b:s4+s2] =	stream.indirect_vreg.scatter [tilespmem:s15], [sflag:$0x1], $0x80, v4, vm0, $0xb8;
	[tilespmem:$0xC100] =	vst v63  }
0x8d: {  	_ = 	snop  }
0x8e: {  	[hbm4b:s5+s2] =	stream.indirect_vreg.scatter [tilespmem:s16], [sflag:$0x1], $0x80, v4, vm0, $0xb8;
	[tilespmem:$0xC100] =	vst v63  }
0x8f: {  	_ = 	snop  }
0x90: {  	[hbm4b:s3+s2] =	stream.indirect_vreg.scatter [tilespmem:s17], [sflag:$0x1], $0x80, v3, vm0, $0xb8;
	[tilespmem:$0xC100] =	vst v63  }
0x91: {  	_ = 	snop  }
0x92: {  	[hbm4b:s4+s2] =	stream.indirect_vreg.scatter [tilespmem:s18], [sflag:$0x1], $0x80, v3, vm0, $0xb8;
	[tilespmem:$0xC100] =	vst v63  }
0x93: {  	_ = 	snop  }
0x94: {  	[hbm4b:s5+s2] =	stream.indirect_vreg.scatter [tilespmem:s19], [sflag:$0x1], $0x80, v3, vm0, $0xb8;
	[tilespmem:$0xC100] =	vst v63  }
0x95: {  	v3 =	vld [tilespmem:$0xA0];
	_ =	sdelay $0x4  }
0x96: {  	v62 =	vshrl.u32 v3, $0x3  }
0x97: {  	v4 =	vmul.u32 $0x30, v62  }
0x98: {  	v3 =	vand.u32 $0x7, v3  }
0x99: {  	v3 =	vor.u32 v3, v4  }
0x9a: {  	v4 =	vperm.xlane v3, v0;
	_ =	sdelay $0x1  }
0x9b: {  	v4 =	vadd.s32 v1, v4;
	_ =	sdelay $0x3  }
0x9c: {  	v3 =	vperm.xlane v3, v2  }
0x9d: {  	[hbm4b:s3+s2] =	stream.indirect_vreg.scatter [tilespmem:s20], [sflag:$0x1], $0x80, v4, vm0, $0xb8;
	[tilespmem:$0xC100] =	vst v63  }
0x9e: {  	v3 =	vadd.s32 v1, v3  }
0x9f: {  	[hbm4b:s4+s2] =	stream.indirect_vreg.scatter [tilespmem:s21], [sflag:$0x1], $0x80, v4, vm0, $0xb8;
	[tilespmem:$0xC100] =	vst v63  }
0xa0: {  	_ = 	snop  }
0xa1: {  	[hbm4b:s5+s2] =	stream.indirect_vreg.scatter [tilespmem:s22], [sflag:$0x1], $0x80, v4, vm0, $0xb8;
	[tilespmem:$0xC100] =	vst v63  }
0xa2: {  	_ = 	snop  }
0xa3: {  	[hbm4b:s3+s2] =	stream.indirect_vreg.scatter [tilespmem:s23], [sflag:$0x1], $0x80, v3, vm0, $0xb8;
	[tilespmem:$0xC100] =	vst v63  }
0xa4: {  	_ = 	snop  }
0xa5: {  	[hbm4b:s4+s2] =	stream.indirect_vreg.scatter [tilespmem:s24], [sflag:$0x1], $0x80, v3, vm0, $0xb8;
	[tilespmem:$0xC100] =	vst v63  }
0xa6: {  	_ = 	snop  }
0xa7: {  	[hbm4b:s5+s2] =	stream.indirect_vreg.scatter [tilespmem:s25], [sflag:$0x1], $0x80, v3, vm0, $0xb8;
	[tilespmem:$0xC100] =	vst v63  }
0xa8: {  	v3 =	vld [tilespmem:$0xB0];
	_ =	sdelay $0x4  }
0xa9: {  	v63 =	vshrl.u32 v3, $0x3  }
0xaa: {  	v4 =	vmul.u32 $0x30, v63  }
0xab: {  	v3 =	vand.u32 $0x7, v3  }
0xac: {  	v3 =	vor.u32 v3, v4  }
0xad: {  	v4 =	vperm.xlane v3, v0;
	_ =	sdelay $0x1  }
0xae: {  	v4 =	vadd.s32 v1, v4;
	_ =	sdelay $0x3  }
0xaf: {  	v3 =	vperm.xlane v3, v2  }
0xb0: {  	[hbm4b:s3+s2] =	stream.indirect_vreg.scatter [tilespmem:s26], [sflag:$0x1], $0x80, v4, vm0, $0xb8;
	[tilespmem:$0xC100] =	vst v63  }
0xb1: {  	v3 =	vadd.s32 v1, v3  }
0xb2: {  	[hbm4b:s4+s2] =	stream.indirect_vreg.scatter [tilespmem:s28], [sflag:$0x1], $0x80, v4, vm0, $0xb8;
	[tilespmem:$0xC100] =	vst v63  }
0xb3: {  	_ = 	snop  }
0xb4: {  	[hbm4b:s5+s2] =	stream.indirect_vreg.scatter [tilespmem:s29], [sflag:$0x1], $0x80, v4, vm0, $0xb8;
	[tilespmem:$0xC100] =	vst v63  }
0xb5: {  	_ = 	snop  }
0xb6: {  	[hbm4b:s3+s2] =	stream.indirect_vreg.scatter [tilespmem:s30], [sflag:$0x1], $0x80, v3, vm0, $0xb8;
	[tilespmem:$0xC100] =	vst v63  }
0xb7: {  	p0 =	sne.s32 s6, $0x1  }
0xb8: {  	[hbm4b:s4+s2] =	stream.indirect_vreg.scatter [tilespmem:s31], [sflag:$0x1], $0x80, v3, vm0, $0xb8;
	[tilespmem:$0xC100] =	vst v63  }
.Ltmp0:
0xb9: {  	_ = 	snop;
	(pc) =	sbr.rel @p0 .LBB2_1-.Ltmp0, $4  }
0xba: {  	[hbm4b:s5+s2] =	stream.indirect_vreg.scatter [tilespmem:s1], [sflag:$0x1], $0x80, v3, vm0, $0xb8;
	[tilespmem:$0xC100] =	vst v63  }
0xbb: {  	_ =	swait.ge [sflag:s7], $0xC000  }
0xbc: {  	[sflag:s7] =	ssyncset.done $0x0  }
0xbd: {  	s6 =	sadd.s32 $0xFFFFFFFF, s6;
	[sflag:s7] =	ssyncadd.s32 $0xFFFF4000  }
0xbe: {  	_ =	sfence.sel $0x180000  }
0xbf: {  	[bflag:$0x0] =	sbarrier.arrive $0xFFFF  }
0xc0: {  	_ =	strace $0x90000047  }
0xc1: {  	s0 =	stileid.u32;
	[bflag:$0x2] =	sbarrier.arrive $0xFFFF  }
0xc2: {  	p0 =	sne.s32 s0, $0x0;
	s0 =	rddreg [dreg:$0x2]  }
0xc3: {  	s0 =	sadd.s32 @!p0 $0x100000, s0  }
0xc4: {  	[sflag:s0] =	ssyncadd.tile.s32 @!p0 $0x1;
	_ =	shalt  }
.Lfunc_end2:
_tile_overlayer_lowered:
.L_overlay_start_2:
0xc5: {  	(tag) =	ssettag $0x2  }
0xc6: {  	s0 =	rddreg [dreg:$0x0];
	s2 =	stileid.u32  }
0xc7: {  	s1 =	rddreg [dreg:$0x1];
	p0 =	sne.s32 s2, $0x0  }
0xc8: {  	s3 =	rddreg [dreg:$0x2];
	[bflag:$0x3] =	sbarrier.arrive $0xFFFF;
	s2 =	simm.s32 @!p0 $0x1C01  }
0xc9: {  	[timem:s3], [sflag:s2] =	dma.local @!p0 [hbm:s0], s1  }
0xca: {  	s0 =	simm.s32 @!p0 $0x1  }
0xcb: {  	_ =	swait.ge @!p0 [sflag:s0], s1  }
0xcc: {  	s1 =	ssub.s32 @!p0 $0x0, s1;
	[sflag:s0] =	ssyncset.done @!p0 $0x0  }
0xcd: {  	[sflag:s0] =	ssyncadd.s32 @!p0 s1  }
0xce: {  	[bflag:$0x3] =	sbarrier.arrive $0xFFFF  }
0xcf: {  	_ =	shalt  }

// kernel: kernel.9.cloned.1.call-start
scs
__scs_entry_jumppad:
0x0: {  	(pc) =	sbr.rel $0x88, $3  }
0x1: {  	(tag) =	ssettag $0x0;
	lr =	simm.s32 $0x1  }
0x2: {  	[smem:$0x3F9B] =	sst lr;
	_ =	strace $0xD0000000  }
0x3: {  	_ = 	snop  }
0x4: {  	_ = 	snop  }
0x5: {  	_ = 	snop  }
0x6: {  	_ = 	snop  }
0x7: {  	_ = 	snop  }
__scs_overlays_trampoline_lowered:
0x8: {  	[smem:$0x3FAA] =	sst s0  }
0x9: {  	[smem:$0x3FAB] =	sst s1  }
0xa: {  	[smem:$0x3FAC] =	sst s2  }
0xb: {  	[smem:$0x3FAD] =	sst s3  }
0xc: {  	[smem:$0x3FAE] =	sst s4  }
0xd: {  	[smem:$0x3FAF] =	sst s5  }
0xe: {  	[smem:$0x3FB0] =	sst s6  }
0xf: {  	[smem:$0x3FB1] =	sst s7  }
0x10: {  	[smem:$0x3FB2] =	sst s8  }
0x11: {  	[smem:$0x3FB3] =	sst s9;
	s0 =	simm.s32 @!p0 $0x0  }
0x12: {  	s1 =	sld [smem:$0x3F99];
	s0 =	simm.s32 @p0 $0x1  }
0x13: {  	[smem:$0x3FB4] =	sst s0;
	s0 =	simm.s32 @!p1 $0x0  }
0x14: {  	s2 =	sld [smem:$0x3F98];
	s0 =	simm.s32 @p1 $0x1  }
0x15: {  	[smem:$0x3FB5] =	sst s0;
	s0 =	simm.s32 @!p2 $0x0  }
0x16: {  	s3 =	sld [smem:$0x3FDB];
	s0 =	simm.s32 @p2 $0x1  }
0x17: {  	s4 =	simm.s32 $0x1BF5;
	[smem:$0x3FB7] =	sst s0  }
0x18: {  	s0 =	sld [smem:$0x3F9A];
	_ =	swait.ge [sflag:s4], $0x0  }
0x19: {  	s7 =	sld [smem:$0x3F9B]  }
0x1a: {  	s8 =	sadd.s32 $0xFFFFE003, lr  }
0x1b: {  	s9 =	sadd.s32 $0xFFFFFEF7, lr;
	s5 =	simm.s32 $0xFFFFFFFF;
	p2 =	slt.u32 s8, $0xFFFFF086  }
0x1c: {  	p1 =	slt.u32 s9, $0xF7A;
	s5 =	simm.s32 @!p2 $0x0  }
0x1d: {  	s5 =	simm.s32 @p1 $0x1;
	p0 =	seq.s32 s7, s2  }
0x1e: {  	s7 =	smul.u32 @!p0 $0xF7A, s2;
	p2 =	seq.s32 @!p0 s5, $0x0  }
0x1f: {  	s9 =	smul.u32 $0xF7A, s1;
	s8 =	simm.s32 @!p0 $0x1BF5;
	p2 =	por !p2, p0  }
0x20: {  	[sflag:s8] =	ssyncset.s32 @!p0 $0xFFFFF086;
	s6 =	sadd.s32 @!p0 s3, s7;
	s7 =	simm.s32 @!p0 $0x108  }
0x21: {  	s3 =	sadd.s32 s3, s9;
	s6 =	sadd.s32 @!p0 $0x88, s6;
	s7 =	simm.s32 @p2 $0x1082  }
0x22: {  	[simem:s7], [sflag:s8] =	dma.local @!p0 [hbm:s6], $0xF7A  }
0x23: {  	s9 =	sor.u32 $0xD0000000, s2;
	s6 =	simm.s32 $0x108;
	_ =	swait.ge @!p0 [sflag:s8], $0x0  }
0x24: {  	s3 =	sadd.s32 $0x88, s3;
	s6 =	simm.s32 @!p1 $0x1082;
	[sflag:s4] =	ssyncset.s32 $0xFFFFF086  }
0x25: {  	[simem:s6], [sflag:s4] =	dma.local [hbm:s3], $0xF7A  }
0x26: {  	[smem:$0x3F9B] =	sst s1;
	(tag) =	ssettag s2;
	_ =	strace s9  }
0x27: {  	s1 =	sld [smem:$0x3FAB]  }
0x28: {  	s2 =	sld [smem:$0x3FAC]  }
0x29: {  	s4 =	sld [smem:$0x3FAE]  }
0x2a: {  	p0 =	seq.s32 s5, $0x0;
	s5 =	sld [smem:$0x3FAF]  }
0x2b: {  	s6 =	sld [smem:$0x3FB0]  }
0x2c: {  	s7 =	sld [smem:$0x3FB1]  }
0x2d: {  	s3 =	simm.s32 $0x108;
	s8 =	sld [smem:$0x3FB2]  }
0x2e: {  	s3 =	simm.s32 @!p0 $0x1082;
	s9 =	sld [smem:$0x3FB3]  }
0x2f: {  	lr =	sadd.s32 s0, s3;
	s0 =	sld [smem:$0x3FAA]  }
0x30: {  	s3 =	sld [smem:$0x3FAD]  }
0x31: {  	[smem:$0x3FB6] =	sst s10  }
0x32: {  	s10 =	sld [smem:$0x3FB4];
	_ =	sdelay $0x3  }
0x33: {  	p0 =	seq.s32 s10, $0x1;
	s10 =	sld [smem:$0x3FB6];
	_ =	sdelay $0x3  }
0x34: {  	[smem:$0x3FB6] =	sst s10  }
0x35: {  	s10 =	sld [smem:$0x3FB5];
	_ =	sdelay $0x3  }
0x36: {  	p1 =	seq.s32 s10, $0x1;
	s10 =	sld [smem:$0x3FB6];
	_ =	sdelay $0x3  }
0x37: {  	[smem:$0x3FB6] =	sst s10  }
0x38: {  	s10 =	sld [smem:$0x3FB7]  }
0x39: {  	_ = 	snop;
	(pc) =	sbr.ind lr, $3  }
0x3a: {  	_ = 	snop  }
0x3b: {  	_ = 	snop  }
0x3c: {  	p2 =	seq.s32 s10, $0x1;
	s10 =	sld [smem:$0x3FB6]  }
0x3d: {  	_ =	shalt  }
0x3e: {  	_ =	shalt  }
0x3f: {  	_ =	shalt  }
0x40: {  	_ =	shalt  }
0x41: {  	_ =	shalt  }
0x42: {  	_ =	shalt  }
0x43: {  	_ =	shalt  }
0x44: {  	_ =	shalt  }
0x45: {  	_ =	shalt  }
0x46: {  	_ =	shalt  }
0x47: {  	_ =	shalt  }
0x48: {  	_ =	shalt  }
0x49: {  	_ =	shalt  }
0x4a: {  	_ =	shalt  }
0x4b: {  	_ =	shalt  }
0x4c: {  	_ =	shalt  }
0x4d: {  	_ =	shalt  }
0x4e: {  	_ =	shalt  }
0x4f: {  	_ =	shalt  }
0x50: {  	_ =	shalt  }
0x51: {  	_ =	shalt  }
0x52: {  	_ =	shalt  }
0x53: {  	_ =	shalt  }
0x54: {  	_ =	shalt  }
0x55: {  	_ =	shalt  }
0x56: {  	_ =	shalt  }
0x57: {  	_ =	shalt  }
0x58: {  	_ =	shalt  }
0x59: {  	_ =	shalt  }
0x5a: {  	_ =	shalt  }
0x5b: {  	_ =	shalt  }
0x5c: {  	_ =	shalt  }
0x5d: {  	_ =	shalt  }
0x5e: {  	_ =	shalt  }
0x5f: {  	_ =	shalt  }
0x60: {  	_ =	shalt  }
0x61: {  	_ =	shalt  }
0x62: {  	_ =	shalt  }
0x63: {  	_ =	shalt  }
0x64: {  	_ =	shalt  }
0x65: {  	_ =	shalt  }
0x66: {  	_ =	shalt  }
0x67: {  	_ =	shalt  }
0x68: {  	_ =	shalt  }
0x69: {  	_ =	shalt  }
0x6a: {  	_ =	shalt  }
0x6b: {  	_ =	shalt  }
0x6c: {  	_ =	shalt  }
0x6d: {  	_ =	shalt  }
0x6e: {  	_ =	shalt  }
0x6f: {  	_ =	shalt  }
0x70: {  	_ =	shalt  }
0x71: {  	_ =	shalt  }
0x72: {  	_ =	shalt  }
0x73: {  	_ =	shalt  }
0x74: {  	_ =	shalt  }
0x75: {  	_ =	shalt  }
0x76: {  	_ =	shalt  }
0x77: {  	_ =	shalt  }
0x78: {  	_ =	shalt  }
0x79: {  	_ =	shalt  }
0x7a: {  	_ =	shalt  }
0x7b: {  	_ =	shalt  }
0x7c: {  	_ =	shalt  }
0x7d: {  	_ =	shalt  }
0x7e: {  	_ =	shalt  }
0x7f: {  	_ =	shalt  }
0x80: {  	_ =	shalt  }
0x81: {  	_ =	shalt  }
0x82: {  	_ =	shalt  }
0x83: {  	_ =	shalt  }
0x84: {  	_ =	shalt  }
0x85: {  	_ =	shalt  }
0x86: {  	_ =	shalt  }
0x87: {  	_ =	shalt  }
.Lfunc_end0:
.L_simem_size_0:
called_computation.1_lowered:
.L_overlay_start_0:
0x88: {  	s2 =	sld [smem:$0x3FD9]  }
0x89: {  	s3 =	sld [smem:$0x3FFE];
	_ =	sdelay $0x1  }
0x8a: {  	s1 =	srdreg.scid  }
0x8b: {  	s0 =	sand.u32 $0x1, s1  }
0x8c: {  	s17 =	sshll.u32 s0, $0xA;
	s2 =	sadd.s32 s3, s2  }
0x8d: {  	s2 =	sadd.s32 s2, s17  }
0x8e: {  	[smem:$0x3FC2] =	sst s2  }
0x8f: {  	_ = 	snop  }
0x90: {  	s2 =	sld [smem:$0x3FD0];
	(tm) =	ssettm $0x1  }
0x91: {  	s18 =	sld [smem:$0x3FFB];
	_ =	sdelay $0x3  }
0x92: {  	_ =	strace s18  }
0x93: {  	s3 =	sld [smem:$0x3FFC];
	_ =	sdelay $0x3  }
0x94: {  	_ =	strace s3  }
0x95: {  	s3 =	sld [smem:$0x3FFD];
	_ =	sdelay $0x3  }
0x96: {  	_ =	strace s3  }
0x97: {  	_ =	strace $0x8FFFFFFF  }
0x98: {  	s19 =	sld [smem:$0x3FDB];
	_ =	sdelay $0x1  }
0x99: {  	s4 =	simm.s32 $_scs_section_size  }
0x9a: {  	s5 =	simm.s32 $_size__tile_overlayer_lowered;
	s6 =	simm.s32 $_tile_overlayer_lowered  }
0x9b: {  	s22 =	simm.s32 $0x1BFF;
	s21 =	sshll.u32 s6, $0x1;
	s3 =	sadd.s32 s4, s19  }
0x9c: {  	s7 =	simm.s32 $0x0;
	s20 =	sshll.u32 s5, $0x1;
	s5 =	sadd.s32 s21, s3  }
0x9d: {  	[timem:s7], [sflag:s22] =	dma.local [hbm:s5], s20  }
0x9e: {  	_ =	swait.ge [sflag:s22], s20  }
0x9f: {  	s4 =	ssub.s32 $0x0, s20;
	[sflag:s22] =	ssyncset.done $0x0  }
0xa0: {  	[sflag:s22] =	ssyncadd.s32 s4;
	_ =	sdelay $0x1  }
0xa1: {  	s23 =	simm.s32 $0x1B8B  }
0xa2: {  	_ =	swait.ge [sflag:s23], $0x1  }
0xa3: {  	[sflag:s23] =	ssyncset.done $0x0  }
0xa4: {  	s25 =	simm.s32 $0x1B8E;
	s24 =	sld [smem:$0x3FFE];
	[sflag:s23] =	ssyncadd.s32 $0xFFFFFFFF  }
0xa5: {  	s26 =	simm.s32 $execute0_lowered;
	[smem:$0x3FD2] =	sst s25  }
0xa6: {  	s5 =	sshll.u32 s26, $0x1;
	_ =	strace $0x80000049;
	[dreg:$0x1] =	wrdreg $0xFFFFFFFF  }
0xa7: {  	s28 =	simm.s32 $_size_execute0_lowered;
	s3 =	sadd.s32 s3, s5;
	[dreg:$0x0] =	wrdreg $0x0  }
0xa8: {  	s5 =	sshll.u32 s28, $0x1;
	[dreg:$0x2] =	wrdreg s3  }
0xa9: {  	[dreg:$0x3] =	wrdreg s5  }
0xaa: {  	[dreg:$0x4] =	wrdreg $0xC0  }
0xab: {  	_ =	task [dreg:s7], $0x5FFFF  }
0xac: {  	[dreg:$0x1] =	wrdreg $0xFFFFFFFF  }
0xad: {  	[dreg:$0x0] =	wrdreg $0x60  }
0xae: {  	[dreg:$0x2] =	wrdreg s24  }
0xaf: {  	[dreg:$0x3] =	wrdreg s2  }
0xb0: {  	[dreg:$0x4] =	wrdreg $0x9  }
0xb1: {  	_ =	task.clear_ibuf [dreg:s7], $0x5FFFF;
	_ =	strace $0x90000049  }
0xb2: {  	s29 =	simm.s32 $0x9;
	_ =	strace $0x8000004B  }
0xb3: {  	_ =	swait.ge [sflag:s29], $0x1  }
0xb4: {  	[sflag:s29] =	ssyncadd.s32 $0xFFFFFFFF  }
0xb5: {  	_ =	strace $0x9000004B  }
0xb6: {  	_ =	sfence  }
0xb7: {  	s30 =	sld [smem:$0x0];
	_ =	sdelay $0x2  }
0xb8: {  	s31 =	sshll.u32 s1, $0xD;
	s1 =	sshrl.u32 s1, $0x2  }
0xb9: {  	s3 =	sand.u32 $0x4000, s31;
	s1 =	sadd.s32 s1, s30  }
0xba: {  	s0 =	sor.u32 s3, s0;
	s1 =	sshll.u32 s1, $0x11  }
0xbb: {  	s0 =	sor.u32 s1, s0  }
0xbc: {  	s0 =	sadd.s32 $0x8F2B, s0  }
0xbd: {  	[sflag:s0] =	ssyncadd.remote.s32 $0x1  }
0xbe: {  	_ =	sfence.sel $0xFFFF  }
0xbf: {  	[dreg:$0x0] =	wrdreg $0xFFFFFFFF;
	(pc) =	sbr.abs _section_cstart, $3  }
0xc0: {  	[dreg:$0x1] =	wrdreg $0xFFFFFFFF  }
0xc1: {  	_ =	task.clear_ibuf [dreg:s7], $0x2FFFF;
	_ =	strace $0x9FFFFFFF  }
0xc2: {  	(tm) =	ssettm $0x7FFFFFFF  }
0xc3: {  	_ =	shalt  }
tec
execute0_lowered:
.L_overlay_start_1:
0x0: {  	(tag) =	ssettag $0x1  }
0x1: {  	s0 =	rddreg [dreg:$0x0]  }
0x2: {  	s2 =	rddreg [dreg:$0x1];
	s1 =	simm.s32 $0x0;
	s4 =	srdreg.scid  }
0x3: {  	s6 =	stileid.u32;
	s17 =	simm.s32 $0x1;
	s20 =	simm.s32 $0x8500  }
0x4: {  	s21 =	simm.s32 $0x8D00;
	s28 =	simm.s32 $0xBD00;
	s29 =	simm.s32 $0xC500  }
0x5: {  	s30 =	simm.s32 $0x0;
	[smem:$0x7FF] =	sst s1;
	s3 =	sadd.s32 $0x7C400, s0  }
0x6: {  	s11 =	sadd.s32 $0x1800, s0;
	s4 =	sand.u32 $0x1, s4;
	s12 =	sadd.s32 $0x1A00, s0  }
0x7: {  	s6 =	sshll.u32 s6, $0x1;
	s13 =	sadd.s32 $0x7A400, s0;
	s14 =	sadd.s32 $0x7B400, s0  }
0x8: {  	s8 =	sadd.s32 $0x7C500, s0;
	s5 =	ssub.s32 $0x2, s4;
	s4 =	sor.u32 s4, s6  }
0x9: {  	_ =	strace $0x8000004A;
	s7 =	sshrl.u32 s5, $0x1;
	s22 =	sshll.u32 s4, $0x3  }
0xa: {  	s9 =	sshll.u32 s4, $0x6;
	s24 =	sshll.u32 s4, $0x7;
	s4 =	smul.u32 $0x1800, s4  }
0xb: {  	s16 =	ssub.s32 s5, s7;
	s23 =	sadd.s32 s11, s22;
	s5 =	sadd.s32 s12, s22  }
0xc: {  	s6 =	sadd.s32 s13, s24;
	s7 =	sadd.s32 s14, s24;
	s15 =	sor.u32 $0x20, s9  }
0xd: {  	s9 =	sadd.s32 $0x7C600, s0;
	s22 =	simm.s32 $0x9500;
	[dreg:$0x3] =	wrdreg s23  }
0xe: {  	s24 =	simm.s32 $0xA500;
	[dreg:$0x4] =	wrdreg s5;
	s10 =	sadd.s32 s2, s4  }
0xf: {  	s25 =	sshrl.u32 s15, $0x3;
	s26 =	sshll.u32 s15, $0x1;
	s16 =	smax.u32 s16, $0x1  }
0x10: {  	v2 =	vlaneseq.u32;
	s23 =	simm.s32 $0x9D00;
	s11 =	sadd.s32 s11, s25;
	s31 =	smul.u32 $0x300, s25  }
0x11: {  	vm0 =	vmmov $0xffff;
	v1 =	vshrl.u32 v2, $0x3;
	s12 =	sadd.s32 s12, s25;
	s13 =	sadd.s32 s13, s26;
	s14 =	sadd.s32 s14, s26  }
0x12: {  	v0 =	vand.u32 $0x7, v2;
	v2 =	vor.u32 $0x8, v2;
	v1 =	vmul.u32 $0x8, v1;
	s25 =	simm.s32 $0xAD00;
	s26 =	simm.s32 $0xB500;
	s15 =	sadd.s32 s2, s31  }
.LBB2_1:
0x13: {  	s0 =	rddreg [dreg:$0x3]  }
0x14: {  	[tilespmem:s1], [sflag:$0x1] =	stream.linear.gather [hbm4b:s0+s1], $0x20, $0x38;
	[tilespmem:$0x12500] =	vst v63  }
0x15: {  	_ =	swait.ge [sflag:s17], $0x20  }
0x16: {  	[sflag:s17] =	ssyncset.done $0x0  }
0x17: {  	s2 =	simm.s32 $0x80;
	s5 =	rddreg [dreg:$0x4];
	[sflag:s17] =	ssyncadd.s32 $0xFFFFFFE0  }
0x18: {  	[tilespmem:s2], [sflag:$0x1] =	stream.linear.gather [hbm4b:s5+s1], $0x20, $0x38;
	[tilespmem:$0x12500] =	vst v63  }
0x19: {  	_ =	swait.ge [sflag:s17], $0x20  }
0x1a: {  	[sflag:s17] =	ssyncset.done $0x0  }
0x1b: {  	s31 =	simm.s32 $0x100;
	[sflag:s17] =	ssyncadd.s32 $0xFFFFFFE0  }
0x1c: {  	[tilespmem:s31], [sflag:$0x1] =	stream.linear.gather [hbm4b:s6+s1], $0x200, $0x38;
	[tilespmem:$0x12500] =	vst v63  }
0x1d: {  	_ =	swait.ge [sflag:s17], $0x200  }
0x1e: {  	[sflag:s17] =	ssyncset.done $0x0  }
0x1f: {  	s0 =	simm.s32 $0x300;
	[sflag:s17] =	ssyncadd.s32 $0xFFFFFE00  }
0x20: {  	[tilespmem:s0], [sflag:$0x1] =	stream.linear.gather [hbm4b:s7+s1], $0x200, $0x38;
	[tilespmem:$0x12500] =	vst v63  }
0x21: {  	_ =	swait.ge [sflag:s17], $0x200  }
0x22: {  	[sflag:s17] =	ssyncset.done $0x0  }
0x23: {  	[sflag:s17] =	ssyncadd.s32 $0xFFFFFE00  }
0x24: {  	v3 =	vld [tilespmem:$0x0];
	_ =	sdelay $0x4  }
0x25: {  	v4 =	vshrl.u32 v3, $0x3  }
0x26: {  	v4 =	vmul.u32 $0x30, v4  }
0x27: {  	v3 =	vand.u32 $0x7, v3  }
0x28: {  	v3 =	vor.u32 v3, v4  }
0x29: {  	v4 =	vperm.xlane v3, v0;
	_ =	sdelay $0x1  }
0x2a: {  	v4 =	vadd.s32 v1, v4;
	_ =	sdelay $0x3  }
0x2b: {  	s18 =	simm.s32 $0x500;
	v3 =	vperm.xlane v3, v2  }
0x2c: {  	[tilespmem:s18], [sflag:$0x1] =	stream.indirect_vreg.gather [hbm4b:s3+s1], $0x80, v4, vm0, $0xb8;
	[tilespmem:$0x12500] =	vst v63  }
0x2d: {  	s19 =	simm.s32 $0xD00;
	v3 =	vadd.s32 v1, v3  }
0x2e: {  	[tilespmem:s19], [sflag:$0x1] =	stream.indirect_vreg.gather [hbm4b:s8+s1], $0x80, v4, vm0, $0xb8;
	[tilespmem:$0x12500] =	vst v63  }
0x2f: {  	s4 =	simm.s32 $0x1500  }
0x30: {  	[tilespmem:s4], [sflag:$0x1] =	stream.indirect_vreg.gather [hbm4b:s9+s1], $0x80, v4, vm0, $0xb8;
	[tilespmem:$0x12500] =	vst v63  }
0x31: {  	s5 =	simm.s32 $0x1D00  }
0x32: {  	[tilespmem:s5], [sflag:$0x1] =	stream.indirect_vreg.gather [hbm4b:s3+s1], $0x80, v3, vm0, $0xb8;
	[tilespmem:$0x12500] =	vst v63  }
0x33: {  	s18 =	simm.s32 $0x2500  }
0x34: {  	[tilespmem:s18], [sflag:$0x1] =	stream.indirect_vreg.gather [hbm4b:s8+s1], $0x80, v3, vm0, $0xb8;
	[tilespmem:$0x12500] =	vst v63  }
0x35: {  	s19 =	simm.s32 $0x2D00  }
0x36: {  	[tilespmem:s19], [sflag:$0x1] =	stream.indirect_vreg.gather [hbm4b:s9+s1], $0x80, v3, vm0, $0xb8;
	[tilespmem:$0x12500] =	vst v63  }
0x37: {  	v3 =	vld [tilespmem:$0x10];
	_ =	sdelay $0x4  }
0x38: {  	v4 =	vshrl.u32 v3, $0x3  }
0x39: {  	v4 =	vmul.u32 $0x30, v4  }
0x3a: {  	v3 =	vand.u32 $0x7, v3  }
0x3b: {  	v3 =	vor.u32 v3, v4  }
0x3c: {  	v4 =	vperm.xlane v3, v0;
	_ =	sdelay $0x1  }
0x3d: {  	v4 =	vadd.s32 v1, v4;
	_ =	sdelay $0x3  }
0x3e: {  	s4 =	simm.s32 $0x3500;
	v3 =	vperm.xlane v3, v2  }
0x3f: {  	[tilespmem:s4], [sflag:$0x1] =	stream.indirect_vreg.gather [hbm4b:s3+s1], $0x80, v4, vm0, $0xb8;
	[tilespmem:$0x12500] =	vst v63  }
0x40: {  	s5 =	simm.s32 $0x3D00;
	v3 =	vadd.s32 v1, v3  }
0x41: {  	[tilespmem:s5], [sflag:$0x1] =	stream.indirect_vreg.gather [hbm4b:s8+s1], $0x80, v4, vm0, $0xb8;
	[tilespmem:$0x12500] =	vst v63  }
0x42: {  	s18 =	simm.s32 $0x4500  }
0x43: {  	[tilespmem:s18], [sflag:$0x1] =	stream.indirect_vreg.gather [hbm4b:s9+s1], $0x80, v4, vm0, $0xb8;
	[tilespmem:$0x12500] =	vst v63  }
0x44: {  	s19 =	simm.s32 $0x4D00  }
0x45: {  	[tilespmem:s19], [sflag:$0x1] =	stream.indirect_vreg.gather [hbm4b:s3+s1], $0x80, v3, vm0, $0xb8;
	[tilespmem:$0x12500] =	vst v63  }
0x46: {  	s4 =	simm.s32 $0x5500  }
0x47: {  	[tilespmem:s4], [sflag:$0x1] =	stream.indirect_vreg.gather [hbm4b:s8+s1], $0x80, v3, vm0, $0xb8;
	[tilespmem:$0x12500] =	vst v63  }
0x48: {  	s5 =	simm.s32 $0x5D00  }
0x49: {  	[tilespmem:s5], [sflag:$0x1] =	stream.indirect_vreg.gather [hbm4b:s9+s1], $0x80, v3, vm0, $0xb8;
	[tilespmem:$0x12500] =	vst v63  }
0x4a: {  	_ =	swait.ge [sflag:s17], $0x6000  }
0x4b: {  	[sflag:s17] =	ssyncset.done $0x0  }
0x4c: {  	[sflag:s17] =	ssyncadd.s32 $0xFFFFA000  }
0x4d: {  	v3 =	vld [tilespmem:$0x80];
	_ =	sdelay $0x4  }
0x4e: {  	v4 =	vshrl.u32 v3, $0x3  }
0x4f: {  	v4 =	vmul.u32 $0x30, v4  }
0x50: {  	v3 =	vand.u32 $0x7, v3  }
0x51: {  	v3 =	vor.u32 v3, v4  }
0x52: {  	v4 =	vperm.xlane v3, v0;
	_ =	sdelay $0x1  }
0x53: {  	v4 =	vadd.s32 v1, v4;
	_ =	sdelay $0x3  }
0x54: {  	s18 =	simm.s32 $0x6500;
	v3 =	vperm.xlane v3, v2  }
0x55: {  	[tilespmem:s18], [sflag:$0x1] =	stream.indirect_vreg.gather [hbm4b:s3+s1], $0x80, v4, vm0, $0xb8;
	[tilespmem:$0x12500] =	vst v63  }
0x56: {  	s19 =	simm.s32 $0x6D00;
	v3 =	vadd.s32 v1, v3  }
0x57: {  	[tilespmem:s19], [sflag:$0x1] =	stream.indirect_vreg.gather [hbm4b:s8+s1], $0x80, v4, vm0, $0xb8;
	[tilespmem:$0x12500] =	vst v63  }
0x58: {  	s4 =	simm.s32 $0x7500  }
0x59: {  	[tilespmem:s4], [sflag:$0x1] =	stream.indirect_vreg.gather [hbm4b:s9+s1], $0x80, v4, vm0, $0xb8;
	[tilespmem:$0x12500] =	vst v63  }
0x5a: {  	s5 =	simm.s32 $0x7D00  }
0x5b: {  	[tilespmem:s5], [sflag:$0x1] =	stream.indirect_vreg.gather [hbm4b:s3+s1], $0x80, v3, vm0, $0xb8;
	[tilespmem:$0x12500] =	vst v63  }
0x5c: {  	_ = 	snop  }
0x5d: {  	[tilespmem:s20], [sflag:$0x1] =	stream.indirect_vreg.gather [hbm4b:s8+s1], $0x80, v3, vm0, $0xb8;
	[tilespmem:$0x12500] =	vst v63  }
0x5e: {  	_ = 	snop  }
0x5f: {  	[tilespmem:s21], [sflag:$0x1] =	stream.indirect_vreg.gather [hbm4b:s9+s1], $0x80, v3, vm0, $0xb8;
	[tilespmem:$0x12500] =	vst v63  }
0x60: {  	v3 =	vld [tilespmem:$0x90];
	_ =	sdelay $0x4  }
0x61: {  	v4 =	vshrl.u32 v3, $0x3  }
0x62: {  	v4 =	vmul.u32 $0x30, v4  }
0x63: {  	v3 =	vand.u32 $0x7, v3  }
0x64: {  	v3 =	vor.u32 v3, v4  }
0x65: {  	v4 =	vperm.xlane v3, v0;
	_ =	sdelay $0x1  }
0x66: {  	v4 =	vadd.s32 v1, v4;
	_ =	sdelay $0x3  }
0x67: {  	v3 =	vperm.xlane v3, v2  }
0x68: {  	[tilespmem:s22], [sflag:$0x1] =	stream.indirect_vreg.gather [hbm4b:s3+s1], $0x80, v4, vm0, $0xb8;
	[tilespmem:$0x12500] =	vst v63  }
0x69: {  	v3 =	vadd.s32 v1, v3  }
0x6a: {  	[tilespmem:s23], [sflag:$0x1] =	stream.indirect_vreg.gather [hbm4b:s8+s1], $0x80, v4, vm0, $0xb8;
	[tilespmem:$0x12500] =	vst v63  }
0x6b: {  	_ = 	snop  }
0x6c: {  	[tilespmem:s24], [sflag:$0x1] =	stream.indirect_vreg.gather [hbm4b:s9+s1], $0x80, v4, vm0, $0xb8;
	[tilespmem:$0x12500] =	vst v63  }
0x6d: {  	_ = 	snop  }
0x6e: {  	[tilespmem:s25], [sflag:$0x1] =	stream.indirect_vreg.gather [hbm4b:s3+s1], $0x80, v3, vm0, $0xb8;
	[tilespmem:$0x12500] =	vst v63  }
0x6f: {  	_ = 	snop  }
0x70: {  	[tilespmem:s26], [sflag:$0x1] =	stream.indirect_vreg.gather [hbm4b:s8+s1], $0x80, v3, vm0, $0xb8;
	[tilespmem:$0x12500] =	vst v63  }
0x71: {  	s18 =	simm.s32 $0x0  }
0x72: {  	[tilespmem:s28], [sflag:$0x1] =	stream.indirect_vreg.gather [hbm4b:s9+s1], $0x80, v3, vm0, $0xb8;
	[tilespmem:$0x12500] =	vst v63  }
0x73: {  	s2 =	smul.u32 $0x1800, s18;
	_ =	swait.ge [sflag:s17], $0x6000  }
0x74: {  	s4 =	sand.u32 $0x380, s1;
	[sflag:s17] =	ssyncset.done $0x0  }
0x75: {  	s18 =	sor.u32 s4, s2;
	[sflag:s17] =	ssyncadd.s32 $0xFFFFA000  }
0x76: {  	v10 =	vld [tilespmem:s18+$0x500]  }
0x77: {  	v5 =	vld [tilespmem:s18+$0x510]  }
0x78: {  	v6 =	vld [tilespmem:s18+$0x6510]  }
0x79: {  	v4 =	vld [tilespmem:s18+$0x520]  }
0x7a: {  	v7 =	vld [tilespmem:s18+$0x6520]  }
0x7b: {  	v3 =	vld [tilespmem:s18+$0x550]  }
0x7c: {  	v8 =	vld [tilespmem:s18+$0x560]  }
0x7d: {  	v9 =	vld [tilespmem:s18+$0x570]  }
0x7e: {  	v13 =	vld [tilespmem:s18+$0x900]  }
0x7f: {  	v14 =	vld [tilespmem:s18+$0x910]  }
0x80: {  	v15 =	vld [tilespmem:s18+$0x920]  }
0x81: {  	v16 =	vld [tilespmem:s18+$0x930]  }
0x82: {  	v17 =	vld [tilespmem:s18+$0x940]  }
0x83: {  	v18 =	vld [tilespmem:s18+$0x950]  }
0x84: {  	v19 =	vld [tilespmem:s18+$0x960]  }
0x85: {  	v20 =	vld [tilespmem:s18+$0x970]  }
0x86: {  	v21 =	vld [tilespmem:s18+$0xD00]  }
0x87: {  	v22 =	vld [tilespmem:s18+$0xD10]  }
0x88: {  	v23 =	vld [tilespmem:s18+$0xD20]  }
0x89: {  	v24 =	vld [tilespmem:s18+$0xD30]  }
0x8a: {  	v25 =	vld [tilespmem:s18+$0xD40]  }
0x8b: {  	v26 =	vld [tilespmem:s18+$0xD50]  }
0x8c: {  	v27 =	vld [tilespmem:s18+$0xD60]  }
0x8d: {  	v28 =	vld [tilespmem:s18+$0xD70]  }
0x8e: {  	v29 =	vld [tilespmem:s18+$0x1100]  }
0x8f: {  	v30 =	vld [tilespmem:s18+$0x1110]  }
0x90: {  	v31 =	vld [tilespmem:s18+$0x1120]  }
0x91: {  	v32 =	vld [tilespmem:s18+$0x1130]  }
0x92: {  	v33 =	vld [tilespmem:s18+$0x1140]  }
0x93: {  	v34 =	vld [tilespmem:s18+$0x1150]  }
0x94: {  	v35 =	vld [tilespmem:s18+$0x1160]  }
0x95: {  	v36 =	vld [tilespmem:s18+$0x1170]  }
0x96: {  	v37 =	vld [tilespmem:s18+$0x1500]  }
0x97: {  	v38 =	vld [tilespmem:s18+$0x1510]  }
0x98: {  	v39 =	vld [tilespmem:s18+$0x1520]  }
0x99: {  	v40 =	vld [tilespmem:s18+$0x1530]  }
0x9a: {  	v41 =	vld [tilespmem:s18+$0x1540]  }
0x9b: {  	v42 =	vld [tilespmem:s18+$0x1550]  }
0x9c: {  	v43 =	vld [tilespmem:s18+$0x1560]  }
0x9d: {  	v44 =	vld [tilespmem:s18+$0x1900]  }
0x9e: {  	v45 =	vld [tilespmem:s18+$0x1910]  }
0x9f: {  	v46 =	vld [tilespmem:s18+$0x7910]  }
0xa0: {  	v47 =	vld [tilespmem:s18+$0x1920]  }
0xa1: {  	v48 =	vld [tilespmem:s18+$0x1930]  }
0xa2: {  	v49 =	vld [tilespmem:s18+$0x7930]  }
0xa3: {  	v11 =	vld [tilespmem:s31+$0x0]  }
0xa4: {  	v12 =	vld [tilespmem:s0+$0x0]  }
0xa5: {  	v50 =	vld [tilespmem:s18+$0x7920]  }
0xa6: {  	v51 =	vld [tilespmem:s18+$0x7900]  }
0xa7: {  	v52 =	vld [tilespmem:s18+$0x1570]  }
0xa8: {  	v53 =	vld [tilespmem:s18+$0x7570]  }
0xa9: {  	v54 =	vld [tilespmem:s18+$0x7560];
	v48 =	vmul.f32 v48, v11;
	v49 =	vmul.f32 v49, v12  }
0xaa: {  	v55 =	vld [tilespmem:s18+$0x7550];
	v47 =	vmul.f32 v47, v11;
	v50 =	vmul.f32 v50, v12  }
0xab: {  	v56 =	vld [tilespmem:s18+$0x7540];
	v45 =	vmul.f32 v45, v11;
	v46 =	vmul.f32 v46, v12;
	v48 =	vadd.f32 v49, v48  }
0xac: {  	v58 =	vld [tilespmem:s18+$0x7170];
	v44 =	vmul.f32 v44, v11;
	v60 =	vmul.f32 v51, v12;
	v47 =	vadd.f32 v50, v47  }
0xad: {  	v51 =	vld [tilespmem:s18+$0x7530];
	v61 =	vmul.f32 v52, v11;
	v62 =	vmul.f32 v53, v12;
	v45 =	vadd.f32 v46, v45;
	[tilespmem:s18+$0xD930] =	vst v48  }
0xae: {  	v43 =	vmul.f32 v43, v11;
	v63 =	vmul.f32 v54, v12;
	v52 =	vld [tilespmem:s18+$0x7130];
	v44 =	vadd.f32 v60, v44;
	[tilespmem:s18+$0xD920] =	vst v47  }
0xaf: {  	v42 =	vmul.f32 v42, v11;
	v57 =	vmul.f32 v55, v12;
	v53 =	vld [tilespmem:s18+$0x7120];
	v50 =	vadd.f32 v62, v61;
	[tilespmem:s18+$0xD910] =	vst v45  }
0xb0: {  	v41 =	vmul.f32 v41, v11;
	v59 =	vmul.f32 v56, v12;
	v46 =	vld [tilespmem:s18+$0x7520];
	v43 =	vadd.f32 v63, v43;
	[tilespmem:s18+$0xD900] =	vst v44  }
0xb1: {  	v36 =	vmul.f32 v36, v11;
	v60 =	vld [tilespmem:s18+$0x7160];
	v42 =	vadd.f32 v57, v42;
	[tilespmem:s18+$0xD570] =	vst v50;
	v45 =	vmul.f32 v58, v12  }
0xb2: {  	v40 =	vmul.f32 v40, v11;
	v62 =	vld [tilespmem:s18+$0x7150];
	v41 =	vadd.f32 v59, v41;
	[tilespmem:s18+$0xD560] =	vst v43;
	v61 =	vmul.f32 v51, v12  }
0xb3: {  	v32 =	vmul.f32 v32, v11;
	v63 =	vld [tilespmem:s18+$0x7140];
	[tilespmem:s18+$0xD550] =	vst v42;
	v42 =	vmul.f32 v52, v12;
	v36 =	vadd.f32 v45, v36  }
0xb4: {  	v31 =	vmul.f32 v31, v11;
	v59 =	vld [tilespmem:s18+$0x6D50];
	[tilespmem:s18+$0xD540] =	vst v41;
	v41 =	vmul.f32 v53, v12;
	v40 =	vadd.f32 v61, v40  }
0xb5: {  	v39 =	vmul.f32 v39, v11;
	v48 =	vld [tilespmem:s18+$0x7510];
	v46 =	vmul.f32 v46, v12;
	v32 =	vadd.f32 v42, v32;
	[tilespmem:s18+$0xD170] =	vst v36  }
0xb6: {  	v35 =	vmul.f32 v35, v11;
	v47 =	vld [tilespmem:s18+$0x7500];
	v44 =	vmul.f32 v60, v12;
	v31 =	vadd.f32 v41, v31;
	[tilespmem:s18+$0xD530] =	vst v40  }
0xb7: {  	v54 =	vld [tilespmem:s18+$0x7110];
	v34 =	vmul.f32 v34, v11;
	v56 =	vmul.f32 v62, v12;
	v39 =	vadd.f32 v46, v39;
	[tilespmem:s18+$0xD130] =	vst v32  }
0xb8: {  	v55 =	vld [tilespmem:s18+$0x7100];
	v33 =	vmul.f32 v33, v11;
	v43 =	vmul.f32 v63, v12;
	v35 =	vadd.f32 v44, v35;
	[tilespmem:s18+$0xD120] =	vst v31  }
0xb9: {  	v26 =	vmul.f32 v26, v11;
	v60 =	vld [tilespmem:s18+$0x6D40];
	v36 =	vmul.f32 v59, v12;
	v34 =	vadd.f32 v56, v34;
	[tilespmem:s18+$0xD520] =	vst v39  }
0xba: {  	v38 =	vmul.f32 v38, v11;
	v61 =	vld [tilespmem:s18+$0x6D30];
	v48 =	vmul.f32 v48, v12;
	v33 =	vadd.f32 v43, v33;
	[tilespmem:s18+$0xD160] =	vst v35  }
0xbb: {  	v37 =	vmul.f32 v37, v11;
	v57 =	vld [tilespmem:s18+$0x6D70];
	v47 =	vmul.f32 v47, v12;
	v26 =	vadd.f32 v36, v26;
	[tilespmem:s18+$0xD150] =	vst v34  }
0xbc: {  	v30 =	vmul.f32 v30, v11;
	v62 =	vld [tilespmem:s18+$0x6D20];
	v40 =	vmul.f32 v54, v12;
	v38 =	vadd.f32 v48, v38;
	[tilespmem:s18+$0xD140] =	vst v33  }
0xbd: {  	v29 =	vmul.f32 v29, v11;
	v58 =	vld [tilespmem:s18+$0x6D60];
	v37 =	vadd.f32 v47, v37;
	v39 =	vmul.f32 v55, v12;
	[tilespmem:s18+$0xCD50] =	vst v26  }
0xbe: {  	v25 =	vmul.f32 v25, v11;
	v63 =	vld [tilespmem:s18+$0x6D10];
	v30 =	vadd.f32 v40, v30;
	v35 =	vmul.f32 v60, v12;
	[tilespmem:s18+$0xD510] =	vst v38  }
0xbf: {  	v24 =	vmul.f32 v24, v11;
	v31 =	vld [tilespmem:s18+$0x6D00];
	v34 =	vmul.f32 v61, v12;
	[tilespmem:s18+$0xD500] =	vst v37;
	v29 =	vadd.f32 v39, v29  }
0xc0: {  	v28 =	vmul.f32 v28, v11;
	v26 =	vld [tilespmem:s18+$0x6930];
	v38 =	vmul.f32 v57, v12;
	[tilespmem:s18+$0xD110] =	vst v30;
	v25 =	vadd.f32 v35, v25  }
0xc1: {  	v23 =	vmul.f32 v23, v11;
	v33 =	vmul.f32 v62, v12;
	v30 =	vld [tilespmem:s18+$0x6970];
	v24 =	vadd.f32 v34, v24;
	[tilespmem:s18+$0xD100] =	vst v29  }
0xc2: {  	v27 =	vmul.f32 v27, v11;
	v37 =	vmul.f32 v58, v12;
	v28 =	vadd.f32 v38, v28;
	v29 =	vld [tilespmem:s18+$0x6960];
	[tilespmem:s18+$0xCD40] =	vst v25  }
0xc3: {  	v22 =	vmul.f32 v22, v11;
	v32 =	vmul.f32 v63, v12;
	v23 =	vadd.f32 v33, v23;
	v25 =	vld [tilespmem:s18+$0x6920];
	[tilespmem:s18+$0xCD30] =	vst v24  }
0xc4: {  	v21 =	vmul.f32 v21, v11;
	v31 =	vmul.f32 v31, v12;
	v27 =	vadd.f32 v37, v27;
	[tilespmem:s18+$0xCD70] =	vst v28;
	v28 =	vld [tilespmem:s18+$0x6950]  }
0xc5: {  	v16 =	vmul.f32 v16, v11;
	v22 =	vadd.f32 v32, v22;
	v24 =	vld [tilespmem:s18+$0x6910];
	[tilespmem:s18+$0xCD20] =	vst v23;
	v26 =	vmul.f32 v26, v12  }
0xc6: {  	v20 =	vmul.f32 v20, v11;
	v21 =	vadd.f32 v31, v21;
	[tilespmem:s18+$0xCD60] =	vst v27;
	v27 =	vld [tilespmem:s18+$0x6940];
	v30 =	vmul.f32 v30, v12  }
0xc7: {  	v19 =	vmul.f32 v19, v11;
	v23 =	vld [tilespmem:s18+$0x6900];
	[tilespmem:s18+$0xCD10] =	vst v22;
	v16 =	vadd.f32 v26, v16;
	v29 =	vmul.f32 v29, v12  }
0xc8: {  	v15 =	vmul.f32 v15, v11;
	v22 =	vld [tilespmem:s18+$0x6570];
	[tilespmem:s18+$0xCD00] =	vst v21;
	v20 =	vadd.f32 v30, v20;
	v25 =	vmul.f32 v25, v12  }
0xc9: {  	v18 =	vmul.f32 v18, v11;
	v21 =	vld [tilespmem:s18+$0x6560];
	[tilespmem:s18+$0xC930] =	vst v16;
	v28 =	vmul.f32 v28, v12;
	v19 =	vadd.f32 v29, v19  }
0xca: {  	v14 =	vmul.f32 v14, v11;
	v24 =	vmul.f32 v24, v12;
	[tilespmem:s18+$0xC970] =	vst v20;
	v20 =	vld [tilespmem:s18+$0x6550];
	v15 =	vadd.f32 v25, v15  }
0xcb: {  	v17 =	vmul.f32 v17, v11;
	v16 =	vld [tilespmem:s18+$0x6530];
	v27 =	vmul.f32 v27, v12;
	v18 =	vadd.f32 v28, v18;
	[tilespmem:s18+$0xC960] =	vst v19  }
0xcc: {  	v13 =	vmul.f32 v13, v11;
	v23 =	vmul.f32 v23, v12;
	v14 =	vadd.f32 v24, v14;
	v19 =	vld [tilespmem:s18+$0x540];
	[tilespmem:s18+$0xC920] =	vst v15  }
0xcd: {  	v9 =	vmul.f32 v9, v11;
	v22 =	vmul.f32 v22, v12;
	v17 =	vadd.f32 v27, v17;
	[tilespmem:s18+$0xC950] =	vst v18;
	v18 =	vld [tilespmem:s18+$0x6540]  }
0xce: {  	v8 =	vmul.f32 v8, v11;
	v21 =	vmul.f32 v21, v12;
	v13 =	vadd.f32 v23, v13;
	v15 =	vld [tilespmem:s18+$0x1940];
	[tilespmem:s18+$0xC910] =	vst v14  }
0xcf: {  	v3 =	vmul.f32 v3, v11;
	v9 =	vadd.f32 v22, v9;
	[tilespmem:s18+$0xC940] =	vst v17;
	v17 =	vld [tilespmem:s18+$0x530];
	v20 =	vmul.f32 v20, v12  }
0xd0: {  	s19 =	simm.s32 $0x0;
	v14 =	vld [tilespmem:s18+$0x7940];
	v8 =	vadd.f32 v21, v8;
	[tilespmem:s18+$0xC900] =	vst v13  }
0xd1: {  	s2 =	smul.u32 $0x1800, s19;
	s4 =	simm.s32 $0x80;
	v13 =	vld [tilespmem:s18+$0x1950];
	[tilespmem:s18+$0xC570] =	vst v9;
	v3 =	vadd.f32 v20, v3  }
0xd2: {  	s19 =	sand.u32 $0x380, s4;
	v9 =	vld [tilespmem:s18+$0x7950];
	[tilespmem:s18+$0xC560] =	vst v8;
	v19 =	vmul.f32 v19, v11;
	v18 =	vmul.f32 v18, v12  }
0xd3: {  	s2 =	sor.u32 s19, s2;
	v8 =	vld [tilespmem:s18+$0x1960];
	[tilespmem:s18+$0xC550] =	vst v3  }
0xd4: {  	v16 =	vmul.f32 v16, v12;
	v17 =	vmul.f32 v17, v11;
	v3 =	vld [tilespmem:s2+$0x500];
	v18 =	vadd.f32 v18, v19  }
0xd5: {  	v19 =	vld [tilespmem:s18+$0x7960]  }
0xd6: {  	v16 =	vadd.f32 v16, v17;
	v17 =	vld [tilespmem:s18+$0x1970];
	[tilespmem:s18+$0xC540] =	vst v18  }
0xd7: {  	v7 =	vmul.f32 v7, v12;
	v20 =	vmul.f32 v4, v11;
	v4 =	vld [tilespmem:s2+$0x510]  }
0xd8: {  	v6 =	vmul.f32 v6, v12;
	v18 =	vmul.f32 v5, v11;
	[tilespmem:s18+$0xC530] =	vst v16;
	v16 =	vld [tilespmem:s18+$0x7970]  }
0xd9: {  	v15 =	vmul.f32 v15, v11;
	v14 =	vmul.f32 v14, v12;
	v7 =	vadd.f32 v7, v20;
	v20 =	vld [tilespmem:s18+$0x6500]  }
0xda: {  	v18 =	vadd.f32 v6, v18  }
0xdb: {  	v13 =	vmul.f32 v13, v11;
	v9 =	vmul.f32 v9, v12;
	v14 =	vadd.f32 v14, v15;
	v5 =	vld [tilespmem:s2+$0x6510];
	[tilespmem:s18+$0xC520] =	vst v7  }
0xdc: {  	v15 =	vmul.f32 v8, v11;
	v6 =	vld [tilespmem:s2+$0x520];
	[tilespmem:s18+$0xC510] =	vst v18;
	v18 =	vmul.f32 v19, v12  }
0xdd: {  	v9 =	vadd.f32 v9, v13;
	v13 =	vmul.f32 v17, v11;
	v7 =	vld [tilespmem:s2+$0x6520];
	[tilespmem:s18+$0xD940] =	vst v14;
	v14 =	vmul.f32 v16, v12  }
0xde: {  	v10 =	vmul.f32 v10, v11;
	v15 =	vadd.f32 v18, v15;
	v12 =	vmul.f32 v20, v12  }
0xdf: {  	v8 =	vld [tilespmem:s2+$0x530];
	[tilespmem:s18+$0xD950] =	vst v9;
	v13 =	vadd.f32 v14, v13  }
0xe0: {  	v9 =	vld [tilespmem:s2+$0x6530];
	[tilespmem:s18+$0xD960] =	vst v15;
	v12 =	vadd.f32 v12, v10  }
0xe1: {  	v11 =	vld [tilespmem:s2+$0x540];
	[tilespmem:s18+$0xD970] =	vst v13  }
0xe2: {  	v10 =	vld [tilespmem:s2+$0x6540];
	[tilespmem:s18+$0xC500] =	vst v12  }
0xe3: {  	v12 =	vld [tilespmem:s2+$0x550]  }
0xe4: {  	v13 =	vld [tilespmem:s2+$0x560]  }
0xe5: {  	v14 =	vld [tilespmem:s2+$0x570]  }
0xe6: {  	v15 =	vld [tilespmem:s2+$0x900]  }
0xe7: {  	v16 =	vld [tilespmem:s2+$0x910]  }
0xe8: {  	v17 =	vld [tilespmem:s2+$0x920]  }
0xe9: {  	v18 =	vld [tilespmem:s2+$0x930]  }
0xea: {  	v19 =	vld [tilespmem:s2+$0x940]  }
0xeb: {  	v20 =	vld [tilespmem:s2+$0x950]  }
0xec: {  	v21 =	vld [tilespmem:s2+$0x960]  }
0xed: {  	v22 =	vld [tilespmem:s2+$0x970]  }
0xee: {  	v23 =	vld [tilespmem:s2+$0xD00]  }
0xef: {  	v24 =	vld [tilespmem:s2+$0xD10]  }
0xf0: {  	v25 =	vld [tilespmem:s2+$0xD20]  }
0xf1: {  	v26 =	vld [tilespmem:s2+$0xD30]  }
0xf2: {  	v27 =	vld [tilespmem:s2+$0xD40]  }
0xf3: {  	v28 =	vld [tilespmem:s2+$0xD50]  }
0xf4: {  	v29 =	vld [tilespmem:s2+$0xD60]  }
0xf5: {  	v30 =	vld [tilespmem:s2+$0xD70]  }
0xf6: {  	v32 =	vld [tilespmem:s2+$0x1100]  }
0xf7: {  	v34 =	vld [tilespmem:s2+$0x1110]  }
0xf8: {  	v35 =	vld [tilespmem:s2+$0x1120]  }
0xf9: {  	v36 =	vld [tilespmem:s2+$0x1130]  }
0xfa: {  	v37 =	vld [tilespmem:s2+$0x1140]  }
0xfb: {  	v38 =	vld [tilespmem:s2+$0x1150]  }
0xfc: {  	v39 =	vld [tilespmem:s2+$0x1160]  }
0xfd: {  	v40 =	vld [tilespmem:s2+$0x1170]  }
0xfe: {  	v41 =	vld [tilespmem:s2+$0x1500]  }
0xff: {  	v42 =	vld [tilespmem:s2+$0x1510]  }
0x100: {  	v43 =	vld [tilespmem:s2+$0x1520]  }
0x101: {  	v44 =	vld [tilespmem:s2+$0x1530]  }
0x102: {  	v45 =	vld [tilespmem:s2+$0x1540]  }
0x103: {  	v46 =	vld [tilespmem:s2+$0x1550]  }
0x104: {  	v47 =	vld [tilespmem:s2+$0x1560]  }
0x105: {  	v48 =	vld [tilespmem:s2+$0x1900]  }
0x106: {  	v50 =	vld [tilespmem:s2+$0x1910]  }
0x107: {  	v49 =	vld [tilespmem:s2+$0x7910]  }
0x108: {  	s18 =	simm.s32 $0x2;
	v51 =	vld [tilespmem:s2+$0x1920]  }
.LBB2_2:
0x109: {  	p0 =	sne.s32 s18, $0x1F;
	v52 =	vld [tilespmem:s2+$0x1930]  }
0x10a: {  	s31 =	sadd.s32 $0x10, s31;
	v53 =	vld [tilespmem:s2+$0x7930]  }
0x10b: {  	s0 =	sadd.s32 $0x10, s0;
	v33 =	vld [tilespmem:s31+$0x0]  }
0x10c: {  	v31 =	vld [tilespmem:s0+$0x0]  }
0x10d: {  	v54 =	vld [tilespmem:s2+$0x7920]  }
0x10e: {  	v55 =	vld [tilespmem:s2+$0x7900]  }
0x10f: {  	v56 =	vld [tilespmem:s2+$0x1570]  }
0x110: {  	v57 =	vld [tilespmem:s2+$0x7570];
	v50 =	vmul.f32 v50, v33;
	v51 =	vmul.f32 v51, v33  }
0x111: {  	v52 =	vmul.f32 v52, v33;
	v58 =	vld [tilespmem:s2+$0x7560];
	v53 =	vmul.f32 v53, v31  }
0x112: {  	v49 =	vmul.f32 v49, v31;
	v59 =	vld [tilespmem:s2+$0x7550];
	v54 =	vmul.f32 v54, v31  }
0x113: {  	v48 =	vmul.f32 v48, v33;
	v60 =	vld [tilespmem:s2+$0x7540];
	v55 =	vmul.f32 v55, v31;
	v52 =	vadd.f32 v53, v52  }
0x114: {  	v49 =	vadd.f32 v49, v50;
	v53 =	vld [tilespmem:s2+$0x7530];
	v56 =	vmul.f32 v56, v33;
	v50 =	vadd.f32 v54, v51  }
0x115: {  	v47 =	vmul.f32 v47, v33;
	v51 =	vld [tilespmem:s2+$0x7520];
	v54 =	vmul.f32 v57, v31;
	v48 =	vadd.f32 v55, v48;
	[tilespmem:s2+$0xD930] =	vst v52  }
0x116: {  	v46 =	vmul.f32 v46, v33;
	v52 =	vld [tilespmem:s2+$0x7510];
	v55 =	vmul.f32 v58, v31;
	[tilespmem:s2+$0xD920] =	vst v50  }
0x117: {  	v45 =	vmul.f32 v45, v33;
	v50 =	vld [tilespmem:s2+$0x7500];
	v57 =	vmul.f32 v59, v31;
	v54 =	vadd.f32 v54, v56;
	[tilespmem:s2+$0xD910] =	vst v49  }
0x118: {  	v44 =	vmul.f32 v44, v33;
	v49 =	vld [tilespmem:s2+$0x7170];
	v56 =	vmul.f32 v60, v31;
	v47 =	vadd.f32 v55, v47;
	[tilespmem:s2+$0xD900] =	vst v48  }
0x119: {  	v43 =	vmul.f32 v43, v33;
	v48 =	vld [tilespmem:s2+$0x7160];
	v53 =	vmul.f32 v53, v31;
	v46 =	vadd.f32 v57, v46;
	[tilespmem:s2+$0xD570] =	vst v54  }
0x11a: {  	v42 =	vmul.f32 v42, v33;
	v54 =	vld [tilespmem:s2+$0x7150];
	v51 =	vmul.f32 v51, v31;
	v45 =	vadd.f32 v56, v45;
	[tilespmem:s2+$0xD560] =	vst v47  }
0x11b: {  	v41 =	vmul.f32 v41, v33;
	v47 =	vld [tilespmem:s2+$0x7140];
	v52 =	vmul.f32 v52, v31;
	v44 =	vadd.f32 v53, v44;
	[tilespmem:s2+$0xD550] =	vst v46  }
0x11c: {  	v40 =	vmul.f32 v40, v33;
	v46 =	vld [tilespmem:s2+$0x7130];
	v50 =	vmul.f32 v50, v31;
	v43 =	vadd.f32 v51, v43;
	[tilespmem:s2+$0xD540] =	vst v45  }
0x11d: {  	v39 =	vmul.f32 v39, v33;
	v45 =	vld [tilespmem:s2+$0x7120];
	v49 =	vmul.f32 v49, v31;
	v42 =	vadd.f32 v52, v42;
	[tilespmem:s2+$0xD530] =	vst v44  }
0x11e: {  	v38 =	vmul.f32 v38, v33;
	v44 =	vld [tilespmem:s2+$0x7110];
	v48 =	vmul.f32 v48, v31;
	v41 =	vadd.f32 v50, v41;
	[tilespmem:s2+$0xD520] =	vst v43  }
0x11f: {  	v37 =	vmul.f32 v37, v33;
	v43 =	vld [tilespmem:s2+$0x7100];
	v50 =	vmul.f32 v54, v31;
	v40 =	vadd.f32 v49, v40;
	[tilespmem:s2+$0xD510] =	vst v42  }
0x120: {  	v36 =	vmul.f32 v36, v33;
	v42 =	vld [tilespmem:s2+$0x6D70];
	v47 =	vmul.f32 v47, v31;
	v39 =	vadd.f32 v48, v39;
	[tilespmem:s2+$0xD500] =	vst v41  }
0x121: {  	v35 =	vmul.f32 v35, v33;
	v41 =	vld [tilespmem:s2+$0x6D60];
	v46 =	vmul.f32 v46, v31;
	v38 =	vadd.f32 v50, v38;
	[tilespmem:s2+$0xD170] =	vst v40  }
0x122: {  	v34 =	vmul.f32 v34, v33;
	v40 =	vld [tilespmem:s2+$0x6D50];
	v45 =	vmul.f32 v45, v31;
	v37 =	vadd.f32 v47, v37;
	[tilespmem:s2+$0xD160] =	vst v39  }
0x123: {  	v32 =	vmul.f32 v32, v33;
	v39 =	vld [tilespmem:s2+$0x6D40];
	v44 =	vmul.f32 v44, v31;
	v36 =	vadd.f32 v46, v36;
	[tilespmem:s2+$0xD150] =	vst v38  }
0x124: {  	v30 =	vmul.f32 v30, v33;
	v38 =	vld [tilespmem:s2+$0x6D30];
	v43 =	vmul.f32 v43, v31;
	v35 =	vadd.f32 v45, v35;
	[tilespmem:s2+$0xD140] =	vst v37  }
0x125: {  	v29 =	vmul.f32 v29, v33;
	v37 =	vld [tilespmem:s2+$0x6D20];
	v42 =	vmul.f32 v42, v31;
	v34 =	vadd.f32 v44, v34;
	[tilespmem:s2+$0xD130] =	vst v36  }
0x126: {  	v28 =	vmul.f32 v28, v33;
	v36 =	vld [tilespmem:s2+$0x6D10];
	v41 =	vmul.f32 v41, v31;
	v32 =	vadd.f32 v43, v32;
	[tilespmem:s2+$0xD120] =	vst v35  }
0x127: {  	v27 =	vmul.f32 v27, v33;
	v35 =	vld [tilespmem:s2+$0x6D00];
	v40 =	vmul.f32 v40, v31;
	v30 =	vadd.f32 v42, v30;
	[tilespmem:s2+$0xD110] =	vst v34  }
0x128: {  	v26 =	vmul.f32 v26, v33;
	v34 =	vld [tilespmem:s2+$0x6970];
	v39 =	vmul.f32 v39, v31;
	v29 =	vadd.f32 v41, v29;
	[tilespmem:s2+$0xD100] =	vst v32  }
0x129: {  	v25 =	vmul.f32 v25, v33;
	v32 =	vld [tilespmem:s2+$0x6960];
	v38 =	vmul.f32 v38, v31;
	v28 =	vadd.f32 v40, v28;
	[tilespmem:s2+$0xCD70] =	vst v30  }
0x12a: {  	v24 =	vmul.f32 v24, v33;
	v30 =	vld [tilespmem:s2+$0x6950];
	v37 =	vmul.f32 v37, v31;
	v27 =	vadd.f32 v39, v27;
	[tilespmem:s2+$0xCD60] =	vst v29  }
0x12b: {  	v23 =	vmul.f32 v23, v33;
	v29 =	vld [tilespmem:s2+$0x6940];
	v36 =	vmul.f32 v36, v31;
	v26 =	vadd.f32 v38, v26;
	[tilespmem:s2+$0xCD50] =	vst v28  }
0x12c: {  	v22 =	vmul.f32 v22, v33;
	v28 =	vld [tilespmem:s2+$0x6930];
	v35 =	vmul.f32 v35, v31;
	v25 =	vadd.f32 v37, v25;
	[tilespmem:s2+$0xCD40] =	vst v27  }
0x12d: {  	v21 =	vmul.f32 v21, v33;
	v27 =	vld [tilespmem:s2+$0x6920];
	v34 =	vmul.f32 v34, v31;
	v24 =	vadd.f32 v36, v24;
	[tilespmem:s2+$0xCD30] =	vst v26  }
0x12e: {  	v20 =	vmul.f32 v20, v33;
	v26 =	vld [tilespmem:s2+$0x6910];
	v32 =	vmul.f32 v32, v31;
	v23 =	vadd.f32 v35, v23;
	[tilespmem:s2+$0xCD20] =	vst v25  }
0x12f: {  	v19 =	vmul.f32 v19, v33;
	v25 =	vld [tilespmem:s2+$0x6900];
	v30 =	vmul.f32 v30, v31;
	v22 =	vadd.f32 v34, v22;
	[tilespmem:s2+$0xCD10] =	vst v24  }
0x130: {  	v18 =	vmul.f32 v18, v33;
	v24 =	vld [tilespmem:s2+$0x6570];
	v29 =	vmul.f32 v29, v31;
	v21 =	vadd.f32 v32, v21;
	[tilespmem:s2+$0xCD00] =	vst v23  }
0x131: {  	v17 =	vmul.f32 v17, v33;
	v23 =	vld [tilespmem:s2+$0x6560];
	v28 =	vmul.f32 v28, v31;
	v20 =	vadd.f32 v30, v20;
	[tilespmem:s2+$0xC970] =	vst v22  }
0x132: {  	v16 =	vmul.f32 v16, v33;
	v22 =	vld [tilespmem:s2+$0x6550];
	v27 =	vmul.f32 v27, v31;
	v19 =	vadd.f32 v29, v19;
	[tilespmem:s2+$0xC960] =	vst v21  }
0x133: {  	v15 =	vmul.f32 v15, v33;
	v21 =	vmul.f32 v26, v31;
	v18 =	vadd.f32 v28, v18;
	[tilespmem:s2+$0xC950] =	vst v20;
	v20 =	vld [tilespmem:s2+$0x1940]  }
0x134: {  	v14 =	vmul.f32 v14, v33;
	v25 =	vmul.f32 v25, v31;
	v17 =	vadd.f32 v27, v17;
	[tilespmem:s2+$0xC940] =	vst v19;
	v19 =	vld [tilespmem:s2+$0x7940]  }
0x135: {  	v13 =	vmul.f32 v13, v33;
	v24 =	vmul.f32 v24, v31;
	v16 =	vadd.f32 v21, v16;
	[tilespmem:s2+$0xC930] =	vst v18;
	v18 =	vld [tilespmem:s2+$0x1950]  }
0x136: {  	v12 =	vmul.f32 v12, v33;
	v21 =	vmul.f32 v23, v31;
	v15 =	vadd.f32 v25, v15;
	[tilespmem:s2+$0xC920] =	vst v17;
	v17 =	vld [tilespmem:s2+$0x7950]  }
0x137: {  	v11 =	vmul.f32 v11, v33;
	v22 =	vmul.f32 v22, v31;
	v14 =	vadd.f32 v24, v14;
	[tilespmem:s2+$0xC910] =	vst v16;
	v16 =	vld [tilespmem:s2+$0x1960]  }
0x138: {  	s19 =	sshrl.u32 s18, $0x3;
	v8 =	vmul.f32 v8, v33;
	v10 =	vmul.f32 v10, v31;
	v13 =	vadd.f32 v21, v13;
	[tilespmem:s2+$0xC900] =	vst v15;
	v15 =	vld [tilespmem:s2+$0x7960]  }
0x139: {  	s4 =	sadd.s32 $0x80, s4;
	s19 =	smul.u32 $0x1800, s19;
	v6 =	vmul.f32 v6, v33;
	v9 =	vmul.f32 v9, v31;
	v12 =	vadd.f32 v22, v12;
	[tilespmem:s2+$0xC570] =	vst v14;
	v14 =	vld [tilespmem:s2+$0x1970]  }
0x13a: {  	s5 =	sand.u32 $0x380, s4;
	v21 =	vmul.f32 v4, v33;
	v4 =	vmul.f32 v7, v31;
	v7 =	vadd.f32 v10, v11;
	[tilespmem:s2+$0xC560] =	vst v13;
	v10 =	vld [tilespmem:s2+$0x7970]  }
0x13b: {  	s5 =	sor.u32 s5, s19;
	v5 =	vmul.f32 v5, v31;
	v8 =	vadd.f32 v9, v8;
	v9 =	vmul.f32 v20, v33;
	v11 =	vld [tilespmem:s2+$0x6500];
	[tilespmem:s2+$0xC550] =	vst v12  }
0x13c: {  	v6 =	vadd.f32 v4, v6;
	v13 =	vmul.f32 v18, v33;
	v12 =	vld [tilespmem:s5+$0x500];
	[tilespmem:s2+$0xC540] =	vst v7;
	v7 =	vmul.f32 v19, v31  }
0x13d: {  	v18 =	vadd.f32 v5, v21;
	v16 =	vmul.f32 v16, v33;
	v4 =	vld [tilespmem:s5+$0x510];
	[tilespmem:s2+$0xC530] =	vst v8;
	v8 =	vmul.f32 v17, v31  }
0x13e: {  	v15 =	vmul.f32 v15, v31;
	v5 =	vld [tilespmem:s5+$0x6510];
	[tilespmem:s2+$0xC520] =	vst v6;
	v9 =	vadd.f32 v7, v9;
	v14 =	vmul.f32 v14, v33  }
0x13f: {  	v17 =	vmul.f32 v3, v33;
	v6 =	vld [tilespmem:s5+$0x520];
	[tilespmem:s2+$0xC510] =	vst v18;
	v18 =	vadd.f32 v8, v13;
	v10 =	vmul.f32 v10, v31  }
0x140: {  	v13 =	vadd.f32 v15, v16;
	v7 =	vld [tilespmem:s5+$0x6520];
	v11 =	vmul.f32 v11, v31;
	[tilespmem:s2+$0xD940] =	vst v9  }
0x141: {  	v8 =	vld [tilespmem:s5+$0x530];
	[tilespmem:s2+$0xD950] =	vst v18;
	v10 =	vadd.f32 v10, v14;
	v3 =	vmov v12  }
0x142: {  	v9 =	vld [tilespmem:s5+$0x6530];
	v12 =	vadd.f32 v11, v17;
	[tilespmem:s2+$0xD960] =	vst v13  }
0x143: {  	v11 =	vld [tilespmem:s5+$0x540];
	[tilespmem:s2+$0xD970] =	vst v10  }
0x144: {  	v10 =	vld [tilespmem:s5+$0x6540];
	[tilespmem:s2+$0xC500] =	vst v12;
	s2 =	smov.u32 s5  }
0x145: {  	v12 =	vld [tilespmem:s2+$0x550]  }
0x146: {  	v13 =	vld [tilespmem:s2+$0x560]  }
0x147: {  	v14 =	vld [tilespmem:s2+$0x570]  }
0x148: {  	v15 =	vld [tilespmem:s2+$0x900]  }
0x149: {  	v16 =	vld [tilespmem:s2+$0x910]  }
0x14a: {  	v17 =	vld [tilespmem:s2+$0x920]  }
0x14b: {  	v18 =	vld [tilespmem:s2+$0x930]  }
0x14c: {  	v19 =	vld [tilespmem:s2+$0x940]  }
0x14d: {  	v20 =	vld [tilespmem:s2+$0x950]  }
0x14e: {  	v21 =	vld [tilespmem:s2+$0x960]  }
0x14f: {  	v22 =	vld [tilespmem:s2+$0x970]  }
0x150: {  	v23 =	vld [tilespmem:s2+$0xD00]  }
0x151: {  	v24 =	vld [tilespmem:s2+$0xD10]  }
0x152: {  	v25 =	vld [tilespmem:s2+$0xD20]  }
0x153: {  	v26 =	vld [tilespmem:s2+$0xD30]  }
0x154: {  	v27 =	vld [tilespmem:s2+$0xD40]  }
0x155: {  	v28 =	vld [tilespmem:s2+$0xD50]  }
0x156: {  	v29 =	vld [tilespmem:s2+$0xD60]  }
0x157: {  	v30 =	vld [tilespmem:s2+$0xD70]  }
0x158: {  	v32 =	vld [tilespmem:s2+$0x1100]  }
0x159: {  	v34 =	vld [tilespmem:s2+$0x1110]  }
0x15a: {  	v35 =	vld [tilespmem:s2+$0x1120]  }
0x15b: {  	v36 =	vld [tilespmem:s2+$0x1130]  }
0x15c: {  	v37 =	vld [tilespmem:s2+$0x1140]  }
0x15d: {  	v38 =	vld [tilespmem:s2+$0x1150]  }
0x15e: {  	v39 =	vld [tilespmem:s2+$0x1160]  }
0x15f: {  	v40 =	vld [tilespmem:s2+$0x1170]  }
0x160: {  	v41 =	vld [tilespmem:s2+$0x1500]  }
0x161: {  	v42 =	vld [tilespmem:s2+$0x1510]  }
0x162: {  	v43 =	vld [tilespmem:s2+$0x1520]  }
0x163: {  	v44 =	vld [tilespmem:s2+$0x1530]  }
0x164: {  	v45 =	vld [tilespmem:s2+$0x1540]  }
0x165: {  	v46 =	vld [tilespmem:s2+$0x1550]  }
.Ltmp0:
0x166: {  	v47 =	vld [tilespmem:s2+$0x1560];
	(pc) =	sbr.rel @p0 .LBB2_2-.Ltmp0, $4  }
0x167: {  	v48 =	vld [tilespmem:s2+$0x1900]  }
0x168: {  	v50 =	vld [tilespmem:s2+$0x1910]  }
0x169: {  	v49 =	vld [tilespmem:s2+$0x7910]  }
0x16a: {  	s18 =	sadd.s32 $0x1, s18;
	v51 =	vld [tilespmem:s2+$0x1920]  }
0x16b: {  	v52 =	vld [tilespmem:s2+$0x1930]  }
0x16c: {  	v53 =	vld [tilespmem:s2+$0x7930];
	s4 =	sadd.s32 $0x10, s31  }
0x16d: {  	s0 =	sadd.s32 $0x10, s0;
	v31 =	vld [tilespmem:s4+$0x0]  }
0x16e: {  	v33 =	vld [tilespmem:s0+$0x0]  }
0x16f: {  	v54 =	vld [tilespmem:s2+$0x7920]  }
0x170: {  	v55 =	vld [tilespmem:s2+$0x7900]  }
0x171: {  	v56 =	vld [tilespmem:s2+$0x1570]  }
0x172: {  	v58 =	vld [tilespmem:s2+$0x7560]  }
0x173: {  	v57 =	vld [tilespmem:s2+$0x7570];
	v52 =	vmul.f32 v52, v31;
	v53 =	vmul.f32 v53, v33  }
0x174: {  	v59 =	vld [tilespmem:s2+$0x7550];
	v51 =	vmul.f32 v51, v31;
	v54 =	vmul.f32 v54, v33  }
0x175: {  	v60 =	vld [tilespmem:s2+$0x7540];
	v50 =	vmul.f32 v50, v31;
	v49 =	vmul.f32 v49, v33;
	v52 =	vadd.f32 v53, v52  }
0x176: {  	v61 =	vld [tilespmem:s2+$0x7520];
	v48 =	vmul.f32 v48, v31;
	v62 =	vmul.f32 v55, v33;
	v51 =	vadd.f32 v54, v51  }
0x177: {  	v47 =	vmul.f32 v47, v31;
	v58 =	vmul.f32 v58, v33;
	v53 =	vld [tilespmem:s2+$0x7530];
	v49 =	vadd.f32 v49, v50;
	[tilespmem:s2+$0xD930] =	vst v52  }
0x178: {  	v63 =	vmul.f32 v56, v31;
	v57 =	vmul.f32 v57, v33;
	v50 =	vld [tilespmem:s2+$0x7500];
	v48 =	vadd.f32 v62, v48;
	[tilespmem:s2+$0xD920] =	vst v51  }
0x179: {  	v46 =	vmul.f32 v46, v31;
	v62 =	vmul.f32 v59, v33;
	v47 =	vadd.f32 v58, v47;
	v58 =	vld [tilespmem:s2+$0x7120];
	[tilespmem:s2+$0xD910] =	vst v49  }
0x17a: {  	v45 =	vmul.f32 v45, v31;
	v52 =	vld [tilespmem:s2+$0x7510];
	v51 =	vadd.f32 v57, v63;
	[tilespmem:s2+$0xD900] =	vst v48;
	v63 =	vmul.f32 v60, v33  }
0x17b: {  	v43 =	vmul.f32 v43, v31;
	v49 =	vld [tilespmem:s2+$0x7170];
	v46 =	vadd.f32 v62, v46;
	[tilespmem:s2+$0xD560] =	vst v47;
	v57 =	vmul.f32 v61, v33  }
0x17c: {  	v44 =	vmul.f32 v44, v31;
	v48 =	vld [tilespmem:s2+$0x7160];
	[tilespmem:s2+$0xD570] =	vst v51;
	v45 =	vadd.f32 v63, v45;
	v53 =	vmul.f32 v53, v33  }
0x17d: {  	v41 =	vmul.f32 v41, v31;
	v47 =	vld [tilespmem:s2+$0x7140];
	[tilespmem:s2+$0xD550] =	vst v46;
	v43 =	vadd.f32 v57, v43;
	v50 =	vmul.f32 v50, v33  }
0x17e: {  	v35 =	vmul.f32 v35, v31;
	v60 =	vld [tilespmem:s2+$0x7100];
	[tilespmem:s2+$0xD540] =	vst v45;
	v45 =	vmul.f32 v58, v33;
	v44 =	vadd.f32 v53, v44  }
0x17f: {  	v42 =	vmul.f32 v42, v31;
	v51 =	vld [tilespmem:s2+$0x7150];
	[tilespmem:s2+$0xD520] =	vst v43;
	v52 =	vmul.f32 v52, v33;
	v41 =	vadd.f32 v50, v41  }
0x180: {  	v40 =	vmul.f32 v40, v31;
	v46 =	vld [tilespmem:s2+$0x7130];
	v49 =	vmul.f32 v49, v33;
	v35 =	vadd.f32 v45, v35;
	[tilespmem:s2+$0xD530] =	vst v44  }
0x181: {  	v39 =	vmul.f32 v39, v31;
	v59 =	vld [tilespmem:s2+$0x7110];
	v48 =	vmul.f32 v48, v33;
	v42 =	vadd.f32 v52, v42;
	[tilespmem:s2+$0xD500] =	vst v41  }
0x182: {  	v37 =	vmul.f32 v37, v31;
	v62 =	vld [tilespmem:s2+$0x6D60];
	v47 =	vmul.f32 v47, v33;
	v40 =	vadd.f32 v49, v40;
	[tilespmem:s2+$0xD120] =	vst v35  }
0x183: {  	v32 =	vmul.f32 v32, v31;
	v54 =	vld [tilespmem:s2+$0x6D00];
	v43 =	vmul.f32 v60, v33;
	v39 =	vadd.f32 v48, v39;
	[tilespmem:s2+$0xD510] =	vst v42  }
0x184: {  	v38 =	vmul.f32 v38, v31;
	v61 =	vld [tilespmem:s2+$0x6D70];
	v63 =	vmul.f32 v51, v33;
	v37 =	vadd.f32 v47, v37;
	[tilespmem:s2+$0xD170] =	vst v40  }
0x185: {  	v36 =	vmul.f32 v36, v31;
	v50 =	vld [tilespmem:s2+$0x6D40];
	v46 =	vmul.f32 v46, v33;
	v32 =	vadd.f32 v43, v32;
	[tilespmem:s2+$0xD160] =	vst v39  }
0x186: {  	v34 =	vmul.f32 v34, v31;
	v55 =	vld [tilespmem:s2+$0x6970];
	v44 =	vmul.f32 v59, v33;
	v38 =	vadd.f32 v63, v38;
	[tilespmem:s2+$0xD140] =	vst v37  }
0x187: {  	v29 =	vmul.f32 v29, v31;
	v48 =	vld [tilespmem:s2+$0x6D50];
	v41 =	vmul.f32 v62, v33;
	v36 =	vadd.f32 v46, v36;
	[tilespmem:s2+$0xD100] =	vst v32  }
0x188: {  	v23 =	vmul.f32 v23, v31;
	v52 =	vld [tilespmem:s2+$0x6D20];
	v35 =	vmul.f32 v54, v33;
	v34 =	vadd.f32 v44, v34;
	[tilespmem:s2+$0xD150] =	vst v38  }
0x189: {  	v30 =	vmul.f32 v30, v31;
	v51 =	vld [tilespmem:s2+$0x6D30];
	v42 =	vmul.f32 v61, v33;
	v29 =	vadd.f32 v41, v29;
	[tilespmem:s2+$0xD130] =	vst v36  }
0x18a: {  	v27 =	vmul.f32 v27, v31;
	v53 =	vld [tilespmem:s2+$0x6D10];
	v39 =	vmul.f32 v50, v33;
	v23 =	vadd.f32 v35, v23;
	[tilespmem:s2+$0xD110] =	vst v34  }
0x18b: {  	v22 =	vmul.f32 v22, v31;
	v30 =	vadd.f32 v42, v30;
	[tilespmem:s2+$0xCD60] =	vst v29;
	v34 =	vmul.f32 v55, v33  }
0x18c: {  	v56 =	vld [tilespmem:s2+$0x6960];
	v28 =	vmul.f32 v28, v31;
	v40 =	vmul.f32 v48, v33;
	v27 =	vadd.f32 v39, v27;
	[tilespmem:s2+$0xCD00] =	vst v23  }
0x18d: {  	v25 =	vmul.f32 v25, v31;
	v29 =	vld [tilespmem:s2+$0x6940];
	v37 =	vmul.f32 v52, v33;
	[tilespmem:s2+$0xCD70] =	vst v30;
	v22 =	vadd.f32 v34, v22  }
0x18e: {  	v26 =	vmul.f32 v26, v31;
	v38 =	vmul.f32 v51, v33;
	v30 =	vld [tilespmem:s2+$0x6950];
	v28 =	vadd.f32 v40, v28;
	[tilespmem:s2+$0xCD40] =	vst v27  }
0x18f: {  	v24 =	vmul.f32 v24, v31;
	v36 =	vmul.f32 v53, v33;
	v27 =	vld [tilespmem:s2+$0x6920];
	v25 =	vadd.f32 v37, v25;
	[tilespmem:s2+$0xC970] =	vst v22  }
0x190: {  	v21 =	vmul.f32 v21, v31;
	v20 =	vmul.f32 v20, v31;
	v26 =	vadd.f32 v38, v26;
	[tilespmem:s2+$0xCD50] =	vst v28;
	v28 =	vld [tilespmem:s2+$0x6930]  }
0x191: {  	v19 =	vmul.f32 v19, v31;
	v32 =	vmul.f32 v56, v33;
	v24 =	vadd.f32 v36, v24;
	[tilespmem:s2+$0xCD20] =	vst v25;
	v25 =	vld [tilespmem:s2+$0x6900]  }
0x192: {  	v18 =	vmul.f32 v18, v31;
	[tilespmem:s2+$0xCD30] =	vst v26;
	v26 =	vld [tilespmem:s2+$0x6910];
	v22 =	vmul.f32 v29, v33  }
0x193: {  	v17 =	vmul.f32 v17, v31;
	v21 =	vadd.f32 v32, v21;
	[tilespmem:s2+$0xCD10] =	vst v24;
	v24 =	vld [tilespmem:s2+$0x6570];
	v23 =	vmul.f32 v30, v33  }
0x194: {  	v16 =	vmul.f32 v16, v31;
	v30 =	vld [tilespmem:s2+$0x6560];
	v19 =	vadd.f32 v22, v19;
	v22 =	vmul.f32 v27, v33  }
0x195: {  	v15 =	vmul.f32 v15, v31;
	[tilespmem:s2+$0xC960] =	vst v21;
	v20 =	vadd.f32 v23, v20;
	v23 =	vld [tilespmem:s2+$0x6550];
	v21 =	vmul.f32 v28, v33  }
0x196: {  	v14 =	vmul.f32 v14, v31;
	[tilespmem:s2+$0xC940] =	vst v19;
	v19 =	vld [tilespmem:s2+$0x7940];
	v17 =	vadd.f32 v22, v17;
	v22 =	vmul.f32 v25, v33  }
0x197: {  	v13 =	vmul.f32 v13, v31;
	[tilespmem:s2+$0xC950] =	vst v20;
	v20 =	vld [tilespmem:s2+$0x1940];
	v18 =	vadd.f32 v21, v18;
	v21 =	vmul.f32 v26, v33  }
0x198: {  	v11 =	vmul.f32 v11, v31;
	v10 =	vmul.f32 v10, v33;
	[tilespmem:s2+$0xC920] =	vst v17;
	v17 =	vld [tilespmem:s2+$0x7950];
	v15 =	vadd.f32 v22, v15  }
0x199: {  	v8 =	vmul.f32 v8, v31;
	v22 =	vmul.f32 v30, v33;
	[tilespmem:s2+$0xC930] =	vst v18;
	v18 =	vld [tilespmem:s2+$0x1950];
	v16 =	vadd.f32 v21, v16  }
0x19a: {  	v9 =	vmul.f32 v9, v33;
	v10 =	vadd.f32 v10, v11;
	v21 =	vmul.f32 v24, v33;
	[tilespmem:s2+$0xC900] =	vst v15;
	v15 =	vld [tilespmem:s2+$0x7960]  }
0x19b: {  	v6 =	vmul.f32 v6, v31;
	v13 =	vadd.f32 v22, v13;
	[tilespmem:s2+$0xC910] =	vst v16;
	v16 =	vld [tilespmem:s2+$0x1960]  }
0x19c: {  	v7 =	vmul.f32 v7, v33;
	v8 =	vadd.f32 v9, v8;
	[tilespmem:s2+$0xC540] =	vst v10;
	v14 =	vadd.f32 v21, v14;
	v21 =	vld [tilespmem:s2+$0x1970]  }
0x19d: {  	v4 =	vmul.f32 v4, v31;
	v5 =	vmul.f32 v5, v33;
	[tilespmem:s2+$0xC560] =	vst v13;
	v13 =	vld [tilespmem:s2+$0x7970]  }
0x19e: {  	v11 =	vld [tilespmem:s2+$0x6500];
	v6 =	vadd.f32 v7, v6;
	[tilespmem:s2+$0xC530] =	vst v8;
	v7 =	vmul.f32 v19, v33;
	v9 =	vmul.f32 v20, v31  }
0x19f: {  	v12 =	vmul.f32 v12, v31;
	v4 =	vadd.f32 v5, v4;
	[tilespmem:s2+$0xC570] =	vst v14;
	v14 =	vmul.f32 v23, v33  }
0x1a0: {  	[tilespmem:s2+$0xC520] =	vst v6;
	v5 =	vmul.f32 v17, v33;
	v6 =	vadd.f32 v7, v9;
	v10 =	vmul.f32 v18, v31  }
0x1a1: {  	[tilespmem:s2+$0xC510] =	vst v4;
	v7 =	vmul.f32 v15, v33;
	v12 =	vadd.f32 v14, v12;
	v8 =	vmul.f32 v16, v31  }
0x1a2: {  	[tilespmem:s2+$0xD940] =	vst v6;
	v9 =	vmul.f32 v21, v31;
	v4 =	vadd.f32 v5, v10;
	v5 =	vmul.f32 v13, v33  }
0x1a3: {  	v3 =	vmul.f32 v3, v31;
	v10 =	vmul.f32 v11, v33;
	[tilespmem:s2+$0xC550] =	vst v12;
	v6 =	vadd.f32 v7, v8  }
0x1a4: {  	[tilespmem:s2+$0xD950] =	vst v4;
	v4 =	vadd.f32 v5, v9  }
0x1a5: {  	v3 =	vadd.f32 v10, v3;
	[tilespmem:s2+$0xD960] =	vst v6  }
0x1a6: {  	[tilespmem:s2+$0xD970] =	vst v4  }
0x1a7: {  	[tilespmem:s2+$0xC500] =	vst v3;
	s2 =	simm.s32 $0x0  }
0x1a8: {  	[hbm4b:s10+s2] =	stream.linear.scatter [tilespmem:s29], [sflag:$0x1], $0x6000, $0x38;
	[tilespmem:$0x12500] =	vst v63  }
0x1a9: {  	_ =	swait.ge [sflag:s17], $0x6000  }
0x1aa: {  	[sflag:s17] =	ssyncset.done $0x0  }
0x1ab: {  	[sflag:s17] =	ssyncadd.s32 $0xFFFFA000  }
0x1ac: {  	[tilespmem:s2], [sflag:$0x1] =	stream.linear.gather [hbm4b:s11+s2], $0x20, $0x38;
	[tilespmem:$0x12500] =	vst v63  }
0x1ad: {  	_ =	swait.ge [sflag:s17], $0x20  }
0x1ae: {  	[sflag:s17] =	ssyncset.done $0x0  }
0x1af: {  	s4 =	simm.s32 $0x80;
	[sflag:s17] =	ssyncadd.s32 $0xFFFFFFE0  }
0x1b0: {  	[tilespmem:s4], [sflag:$0x1] =	stream.linear.gather [hbm4b:s12+s2], $0x20, $0x38;
	[tilespmem:$0x12500] =	vst v63  }
0x1b1: {  	_ =	swait.ge [sflag:s17], $0x20  }
0x1b2: {  	[sflag:s17] =	ssyncset.done $0x0  }
0x1b3: {  	s31 =	simm.s32 $0x100;
	[sflag:s17] =	ssyncadd.s32 $0xFFFFFFE0  }
0x1b4: {  	[tilespmem:s31], [sflag:$0x1] =	stream.linear.gather [hbm4b:s13+s2], $0x200, $0x38;
	[tilespmem:$0x12500] =	vst v63  }
0x1b5: {  	_ =	swait.ge [sflag:s17], $0x200  }
0x1b6: {  	[sflag:s17] =	ssyncset.done $0x0  }
0x1b7: {  	s0 =	simm.s32 $0x300;
	[sflag:s17] =	ssyncadd.s32 $0xFFFFFE00  }
0x1b8: {  	[tilespmem:s0], [sflag:$0x1] =	stream.linear.gather [hbm4b:s14+s2], $0x200, $0x38;
	[tilespmem:$0x12500] =	vst v63  }
0x1b9: {  	_ =	swait.ge [sflag:s17], $0x200  }
0x1ba: {  	[sflag:s17] =	ssyncset.done $0x0  }
0x1bb: {  	[sflag:s17] =	ssyncadd.s32 $0xFFFFFE00  }
0x1bc: {  	v3 =	vld [tilespmem:$0x0];
	_ =	sdelay $0x4  }
0x1bd: {  	v4 =	vshrl.u32 v3, $0x3  }
0x1be: {  	v4 =	vmul.u32 $0x30, v4  }
0x1bf: {  	v3 =	vand.u32 $0x7, v3  }
0x1c0: {  	v3 =	vor.u32 v3, v4  }
0x1c1: {  	v4 =	vperm.xlane v3, v0;
	_ =	sdelay $0x1  }
0x1c2: {  	v4 =	vadd.s32 v1, v4;
	_ =	sdelay $0x3  }
0x1c3: {  	s5 =	simm.s32 $0x500;
	v3 =	vperm.xlane v3, v2  }
0x1c4: {  	[tilespmem:s5], [sflag:$0x1] =	stream.indirect_vreg.gather [hbm4b:s3+s2], $0x80, v4, vm0, $0xb8;
	[tilespmem:$0x12500] =	vst v63  }
0x1c5: {  	s18 =	simm.s32 $0xD00;
	v3 =	vadd.s32 v1, v3  }
0x1c6: {  	[tilespmem:s18], [sflag:$0x1] =	stream.indirect_vreg.gather [hbm4b:s8+s2], $0x80, v4, vm0, $0xb8;
	[tilespmem:$0x12500] =	vst v63  }
0x1c7: {  	s19 =	simm.s32 $0x1500  }
0x1c8: {  	[tilespmem:s19], [sflag:$0x1] =	stream.indirect_vreg.gather [hbm4b:s9+s2], $0x80, v4, vm0, $0xb8;
	[tilespmem:$0x12500] =	vst v63  }
0x1c9: {  	s5 =	simm.s32 $0x1D00  }
0x1ca: {  	[tilespmem:s5], [sflag:$0x1] =	stream.indirect_vreg.gather [hbm4b:s3+s2], $0x80, v3, vm0, $0xb8;
	[tilespmem:$0x12500] =	vst v63  }
0x1cb: {  	s18 =	simm.s32 $0x2500  }
0x1cc: {  	[tilespmem:s18], [sflag:$0x1] =	stream.indirect_vreg.gather [hbm4b:s8+s2], $0x80, v3, vm0, $0xb8;
	[tilespmem:$0x12500] =	vst v63  }
0x1cd: {  	s19 =	simm.s32 $0x2D00  }
0x1ce: {  	[tilespmem:s19], [sflag:$0x1] =	stream.indirect_vreg.gather [hbm4b:s9+s2], $0x80, v3, vm0, $0xb8;
	[tilespmem:$0x12500] =	vst v63  }
0x1cf: {  	v3 =	vld [tilespmem:$0x10];
	_ =	sdelay $0x4  }
0x1d0: {  	v4 =	vshrl.u32 v3, $0x3  }
0x1d1: {  	v4 =	vmul.u32 $0x30, v4  }
0x1d2: {  	v3 =	vand.u32 $0x7, v3  }
0x1d3: {  	v3 =	vor.u32 v3, v4  }
0x1d4: {  	v4 =	vperm.xlane v3, v0;
	_ =	sdelay $0x1  }
0x1d5: {  	v4 =	vadd.s32 v1, v4;
	_ =	sdelay $0x3  }
0x1d6: {  	s5 =	simm.s32 $0x3500;
	v3 =	vperm.xlane v3, v2  }
0x1d7: {  	[tilespmem:s5], [sflag:$0x1] =	stream.indirect_vreg.gather [hbm4b:s3+s2], $0x80, v4, vm0, $0xb8;
	[tilespmem:$0x12500] =	vst v63  }
0x1d8: {  	s18 =	simm.s32 $0x3D00;
	v3 =	vadd.s32 v1, v3  }
0x1d9: {  	[tilespmem:s18], [sflag:$0x1] =	stream.indirect_vreg.gather [hbm4b:s8+s2], $0x80, v4, vm0, $0xb8;
	[tilespmem:$0x12500] =	vst v63  }
0x1da: {  	s19 =	simm.s32 $0x4500  }
0x1db: {  	[tilespmem:s19], [sflag:$0x1] =	stream.indirect_vreg.gather [hbm4b:s9+s2], $0x80, v4, vm0, $0xb8;
	[tilespmem:$0x12500] =	vst v63  }
0x1dc: {  	s5 =	simm.s32 $0x4D00  }
0x1dd: {  	[tilespmem:s5], [sflag:$0x1] =	stream.indirect_vreg.gather [hbm4b:s3+s2], $0x80, v3, vm0, $0xb8;
	[tilespmem:$0x12500] =	vst v63  }
0x1de: {  	s18 =	simm.s32 $0x5500  }
0x1df: {  	[tilespmem:s18], [sflag:$0x1] =	stream.indirect_vreg.gather [hbm4b:s8+s2], $0x80, v3, vm0, $0xb8;
	[tilespmem:$0x12500] =	vst v63  }
0x1e0: {  	s19 =	simm.s32 $0x5D00  }
0x1e1: {  	[tilespmem:s19], [sflag:$0x1] =	stream.indirect_vreg.gather [hbm4b:s9+s2], $0x80, v3, vm0, $0xb8;
	[tilespmem:$0x12500] =	vst v63  }
0x1e2: {  	_ =	swait.ge [sflag:s17], $0x6000  }
0x1e3: {  	[sflag:s17] =	ssyncset.done $0x0  }
0x1e4: {  	[sflag:s17] =	ssyncadd.s32 $0xFFFFA000  }
0x1e5: {  	v3 =	vld [tilespmem:$0x80];
	_ =	sdelay $0x4  }
0x1e6: {  	v4 =	vshrl.u32 v3, $0x3  }
0x1e7: {  	v4 =	vmul.u32 $0x30, v4  }
0x1e8: {  	v3 =	vand.u32 $0x7, v3  }
0x1e9: {  	v3 =	vor.u32 v3, v4  }
0x1ea: {  	v4 =	vperm.xlane v3, v0;
	_ =	sdelay $0x1  }
0x1eb: {  	v4 =	vadd.s32 v1, v4;
	_ =	sdelay $0x3  }
0x1ec: {  	s5 =	simm.s32 $0x6500;
	v3 =	vperm.xlane v3, v2  }
0x1ed: {  	[tilespmem:s5], [sflag:$0x1] =	stream.indirect_vreg.gather [hbm4b:s3+s2], $0x80, v4, vm0, $0xb8;
	[tilespmem:$0x12500] =	vst v63  }
0x1ee: {  	s18 =	simm.s32 $0x6D00;
	v3 =	vadd.s32 v1, v3  }
0x1ef: {  	[tilespmem:s18], [sflag:$0x1] =	stream.indirect_vreg.gather [hbm4b:s8+s2], $0x80, v4, vm0, $0xb8;
	[tilespmem:$0x12500] =	vst v63  }
0x1f0: {  	s19 =	simm.s32 $0x7500  }
0x1f1: {  	[tilespmem:s19], [sflag:$0x1] =	stream.indirect_vreg.gather [hbm4b:s9+s2], $0x80, v4, vm0, $0xb8;
	[tilespmem:$0x12500] =	vst v63  }
0x1f2: {  	s5 =	simm.s32 $0x7D00  }
0x1f3: {  	[tilespmem:s5], [sflag:$0x1] =	stream.indirect_vreg.gather [hbm4b:s3+s2], $0x80, v3, vm0, $0xb8;
	[tilespmem:$0x12500] =	vst v63  }
0x1f4: {  	_ = 	snop  }
0x1f5: {  	[tilespmem:s20], [sflag:$0x1] =	stream.indirect_vreg.gather [hbm4b:s8+s2], $0x80, v3, vm0, $0xb8;
	[tilespmem:$0x12500] =	vst v63  }
0x1f6: {  	_ = 	snop  }
0x1f7: {  	[tilespmem:s21], [sflag:$0x1] =	stream.indirect_vreg.gather [hbm4b:s9+s2], $0x80, v3, vm0, $0xb8;
	[tilespmem:$0x12500] =	vst v63  }
0x1f8: {  	v3 =	vld [tilespmem:$0x90];
	_ =	sdelay $0x4  }
0x1f9: {  	v4 =	vshrl.u32 v3, $0x3  }
0x1fa: {  	v4 =	vmul.u32 $0x30, v4  }
0x1fb: {  	v3 =	vand.u32 $0x7, v3  }
0x1fc: {  	v3 =	vor.u32 v3, v4  }
0x1fd: {  	v4 =	vperm.xlane v3, v0;
	_ =	sdelay $0x1  }
0x1fe: {  	v4 =	vadd.s32 v1, v4;
	_ =	sdelay $0x3  }
0x1ff: {  	v3 =	vperm.xlane v3, v2  }
0x200: {  	[tilespmem:s22], [sflag:$0x1] =	stream.indirect_vreg.gather [hbm4b:s3+s2], $0x80, v4, vm0, $0xb8;
	[tilespmem:$0x12500] =	vst v63  }
0x201: {  	v3 =	vadd.s32 v1, v3  }
0x202: {  	[tilespmem:s23], [sflag:$0x1] =	stream.indirect_vreg.gather [hbm4b:s8+s2], $0x80, v4, vm0, $0xb8;
	[tilespmem:$0x12500] =	vst v63  }
0x203: {  	_ = 	snop  }
0x204: {  	[tilespmem:s24], [sflag:$0x1] =	stream.indirect_vreg.gather [hbm4b:s9+s2], $0x80, v4, vm0, $0xb8;
	[tilespmem:$0x12500] =	vst v63  }
0x205: {  	_ = 	snop  }
0x206: {  	[tilespmem:s25], [sflag:$0x1] =	stream.indirect_vreg.gather [hbm4b:s3+s2], $0x80, v3, vm0, $0xb8;
	[tilespmem:$0x12500] =	vst v63  }
0x207: {  	_ = 	snop  }
0x208: {  	[tilespmem:s26], [sflag:$0x1] =	stream.indirect_vreg.gather [hbm4b:s8+s2], $0x80, v3, vm0, $0xb8;
	[tilespmem:$0x12500] =	vst v63  }
0x209: {  	s18 =	simm.s32 $0x0  }
0x20a: {  	[tilespmem:s28], [sflag:$0x1] =	stream.indirect_vreg.gather [hbm4b:s9+s2], $0x80, v3, vm0, $0xb8;
	[tilespmem:$0x12500] =	vst v63  }
0x20b: {  	s4 =	smul.u32 $0x1800, s18;
	_ =	swait.ge [sflag:s17], $0x6000  }
0x20c: {  	s2 =	sand.u32 $0x380, s2;
	[sflag:s17] =	ssyncset.done $0x0  }
0x20d: {  	s18 =	sor.u32 s2, s4;
	[sflag:s17] =	ssyncadd.s32 $0xFFFFA000  }
0x20e: {  	v10 =	vld [tilespmem:s18+$0x500]  }
0x20f: {  	v5 =	vld [tilespmem:s18+$0x510]  }
0x210: {  	v6 =	vld [tilespmem:s18+$0x6510]  }
0x211: {  	v4 =	vld [tilespmem:s18+$0x520]  }
0x212: {  	v7 =	vld [tilespmem:s18+$0x6520]  }
0x213: {  	v3 =	vld [tilespmem:s18+$0x550]  }
0x214: {  	v8 =	vld [tilespmem:s18+$0x560]  }
0x215: {  	v9 =	vld [tilespmem:s18+$0x570]  }
0x216: {  	v13 =	vld [tilespmem:s18+$0x900]  }
0x217: {  	v14 =	vld [tilespmem:s18+$0x910]  }
0x218: {  	v15 =	vld [tilespmem:s18+$0x920]  }
0x219: {  	v16 =	vld [tilespmem:s18+$0x930]  }
0x21a: {  	v17 =	vld [tilespmem:s18+$0x940]  }
0x21b: {  	v18 =	vld [tilespmem:s18+$0x950]  }
0x21c: {  	v19 =	vld [tilespmem:s18+$0x960]  }
0x21d: {  	v20 =	vld [tilespmem:s18+$0x970]  }
0x21e: {  	v21 =	vld [tilespmem:s18+$0xD00]  }
0x21f: {  	v22 =	vld [tilespmem:s18+$0xD10]  }
0x220: {  	v23 =	vld [tilespmem:s18+$0xD20]  }
0x221: {  	v24 =	vld [tilespmem:s18+$0xD30]  }
0x222: {  	v25 =	vld [tilespmem:s18+$0xD40]  }
0x223: {  	v26 =	vld [tilespmem:s18+$0xD50]  }
0x224: {  	v27 =	vld [tilespmem:s18+$0xD60]  }
0x225: {  	v28 =	vld [tilespmem:s18+$0xD70]  }
0x226: {  	v29 =	vld [tilespmem:s18+$0x1100]  }
0x227: {  	v30 =	vld [tilespmem:s18+$0x1110]  }
0x228: {  	v31 =	vld [tilespmem:s18+$0x1120]  }
0x229: {  	v32 =	vld [tilespmem:s18+$0x1130]  }
0x22a: {  	v33 =	vld [tilespmem:s18+$0x1140]  }
0x22b: {  	v34 =	vld [tilespmem:s18+$0x1150]  }
0x22c: {  	v35 =	vld [tilespmem:s18+$0x1160]  }
0x22d: {  	v36 =	vld [tilespmem:s18+$0x1170]  }
0x22e: {  	v37 =	vld [tilespmem:s18+$0x1500]  }
0x22f: {  	v38 =	vld [tilespmem:s18+$0x1510]  }
0x230: {  	v39 =	vld [tilespmem:s18+$0x1520]  }
0x231: {  	v40 =	vld [tilespmem:s18+$0x1530]  }
0x232: {  	v41 =	vld [tilespmem:s18+$0x1540]  }
0x233: {  	v42 =	vld [tilespmem:s18+$0x1550]  }
0x234: {  	v43 =	vld [tilespmem:s18+$0x1560]  }
0x235: {  	v44 =	vld [tilespmem:s18+$0x1900]  }
0x236: {  	v45 =	vld [tilespmem:s18+$0x1910]  }
0x237: {  	v46 =	vld [tilespmem:s18+$0x7910]  }
0x238: {  	v47 =	vld [tilespmem:s18+$0x1920]  }
0x239: {  	v57 =	vld [tilespmem:s18+$0x1930]  }
0x23a: {  	v58 =	vld [tilespmem:s18+$0x7930]  }
0x23b: {  	v11 =	vld [tilespmem:s31+$0x0]  }
0x23c: {  	v12 =	vld [tilespmem:s0+$0x0]  }
0x23d: {  	v59 =	vld [tilespmem:s18+$0x7920]  }
0x23e: {  	v60 =	vld [tilespmem:s18+$0x7900]  }
0x23f: {  	v61 =	vld [tilespmem:s18+$0x1570]  }
0x240: {  	v62 =	vld [tilespmem:s18+$0x7570]  }
0x241: {  	v55 =	vld [tilespmem:s18+$0x7550];
	v48 =	vmul.f32 v57, v11;
	v49 =	vmul.f32 v58, v12  }
0x242: {  	v56 =	vld [tilespmem:s18+$0x7540];
	v47 =	vmul.f32 v47, v11;
	v50 =	vmul.f32 v59, v12  }
0x243: {  	v63 =	vld [tilespmem:s18+$0x7560];
	v45 =	vmul.f32 v45, v11;
	v46 =	vmul.f32 v46, v12;
	v48 =	vadd.f32 v49, v48  }
0x244: {  	v51 =	vld [tilespmem:s18+$0x7530];
	v44 =	vmul.f32 v44, v11;
	v60 =	vmul.f32 v60, v12;
	v47 =	vadd.f32 v50, v47  }
0x245: {  	v52 =	vld [tilespmem:s18+$0x7130];
	v61 =	vmul.f32 v61, v11;
	v62 =	vmul.f32 v62, v12;
	v45 =	vadd.f32 v46, v45;
	[tilespmem:s18+$0xD930] =	vst v48  }
0x246: {  	v53 =	vld [tilespmem:s18+$0x7120];
	v42 =	vmul.f32 v42, v11;
	v57 =	vmul.f32 v55, v12;
	v44 =	vadd.f32 v60, v44;
	[tilespmem:s18+$0xD920] =	vst v47  }
0x247: {  	v41 =	vmul.f32 v41, v11;
	v58 =	vld [tilespmem:s18+$0x7170];
	v59 =	vmul.f32 v56, v12;
	v50 =	vadd.f32 v62, v61;
	[tilespmem:s18+$0xD910] =	vst v45  }
0x248: {  	v54 =	vld [tilespmem:s18+$0x7110];
	v43 =	vmul.f32 v43, v11;
	v63 =	vmul.f32 v63, v12;
	v42 =	vadd.f32 v57, v42;
	[tilespmem:s18+$0xD900] =	vst v44  }
0x249: {  	v40 =	vmul.f32 v40, v11;
	v46 =	vld [tilespmem:s18+$0x7520];
	v61 =	vmul.f32 v51, v12;
	v41 =	vadd.f32 v59, v41;
	[tilespmem:s18+$0xD570] =	vst v50  }
0x24a: {  	v32 =	vmul.f32 v32, v11;
	v43 =	vadd.f32 v63, v43;
	v60 =	vld [tilespmem:s18+$0x7160];
	[tilespmem:s18+$0xD550] =	vst v42;
	v42 =	vmul.f32 v52, v12  }
0x24b: {  	v31 =	vmul.f32 v31, v11;
	v62 =	vld [tilespmem:s18+$0x7150];
	v40 =	vadd.f32 v61, v40;
	[tilespmem:s18+$0xD540] =	vst v41;
	v41 =	vmul.f32 v53, v12  }
0x24c: {  	v36 =	vmul.f32 v36, v11;
	v63 =	vld [tilespmem:s18+$0x7140];
	[tilespmem:s18+$0xD560] =	vst v43;
	v45 =	vmul.f32 v58, v12;
	v32 =	vadd.f32 v42, v32  }
0x24d: {  	v30 =	vmul.f32 v30, v11;
	v48 =	vld [tilespmem:s18+$0x7510];
	[tilespmem:s18+$0xD530] =	vst v40;
	v40 =	vmul.f32 v54, v12;
	v31 =	vadd.f32 v41, v31  }
0x24e: {  	v39 =	vmul.f32 v39, v11;
	v47 =	vld [tilespmem:s18+$0x7500];
	v46 =	vmul.f32 v46, v12;
	v36 =	vadd.f32 v45, v36;
	[tilespmem:s18+$0xD130] =	vst v32  }
0x24f: {  	v35 =	vmul.f32 v35, v11;
	v59 =	vld [tilespmem:s18+$0x6D50];
	v44 =	vmul.f32 v60, v12;
	v30 =	vadd.f32 v40, v30;
	[tilespmem:s18+$0xD120] =	vst v31  }
0x250: {  	v34 =	vmul.f32 v34, v11;
	v55 =	vld [tilespmem:s18+$0x7100];
	v56 =	vmul.f32 v62, v12;
	v39 =	vadd.f32 v46, v39;
	[tilespmem:s18+$0xD170] =	vst v36  }
0x251: {  	v33 =	vmul.f32 v33, v11;
	v61 =	vld [tilespmem:s18+$0x6D30];
	v43 =	vmul.f32 v63, v12;
	v35 =	vadd.f32 v44, v35;
	[tilespmem:s18+$0xD110] =	vst v30  }
0x252: {  	v38 =	vmul.f32 v38, v11;
	v60 =	vld [tilespmem:s18+$0x6D40];
	v48 =	vmul.f32 v48, v12;
	v34 =	vadd.f32 v56, v34;
	[tilespmem:s18+$0xD520] =	vst v39  }
0x253: {  	v37 =	vmul.f32 v37, v11;
	v57 =	vld [tilespmem:s18+$0x6D70];
	v47 =	vmul.f32 v47, v12;
	v33 =	vadd.f32 v43, v33;
	[tilespmem:s18+$0xD160] =	vst v35  }
0x254: {  	v26 =	vmul.f32 v26, v11;
	v62 =	vld [tilespmem:s18+$0x6D20];
	v36 =	vmul.f32 v59, v12;
	v38 =	vadd.f32 v48, v38;
	[tilespmem:s18+$0xD150] =	vst v34  }
0x255: {  	v29 =	vmul.f32 v29, v11;
	v58 =	vld [tilespmem:s18+$0x6D60];
	v37 =	vadd.f32 v47, v37;
	v39 =	vmul.f32 v55, v12;
	[tilespmem:s18+$0xD140] =	vst v33  }
0x256: {  	v24 =	vmul.f32 v24, v11;
	v63 =	vld [tilespmem:s18+$0x6D10];
	v34 =	vmul.f32 v61, v12;
	v26 =	vadd.f32 v36, v26;
	[tilespmem:s18+$0xD510] =	vst v38  }
0x257: {  	v25 =	vmul.f32 v25, v11;
	v31 =	vld [tilespmem:s18+$0x6D00];
	v35 =	vmul.f32 v60, v12;
	[tilespmem:s18+$0xD500] =	vst v37;
	v29 =	vadd.f32 v39, v29  }
0x258: {  	v28 =	vmul.f32 v28, v11;
	v30 =	vld [tilespmem:s18+$0x6970];
	v38 =	vmul.f32 v57, v12;
	v24 =	vadd.f32 v34, v24;
	[tilespmem:s18+$0xCD50] =	vst v26  }
0x259: {  	v23 =	vmul.f32 v23, v11;
	v33 =	vmul.f32 v62, v12;
	v26 =	vld [tilespmem:s18+$0x6930];
	v25 =	vadd.f32 v35, v25;
	[tilespmem:s18+$0xD100] =	vst v29  }
0x25a: {  	v27 =	vmul.f32 v27, v11;
	v37 =	vmul.f32 v58, v12;
	v28 =	vadd.f32 v38, v28;
	v29 =	vld [tilespmem:s18+$0x6960];
	[tilespmem:s18+$0xCD30] =	vst v24  }
0x25b: {  	v22 =	vmul.f32 v22, v11;
	v32 =	vmul.f32 v63, v12;
	v23 =	vadd.f32 v33, v23;
	v24 =	vld [tilespmem:s18+$0x6910];
	[tilespmem:s18+$0xCD40] =	vst v25  }
0x25c: {  	v21 =	vmul.f32 v21, v11;
	v31 =	vmul.f32 v31, v12;
	v27 =	vadd.f32 v37, v27;
	[tilespmem:s18+$0xCD70] =	vst v28;
	v28 =	vld [tilespmem:s18+$0x6950]  }
0x25d: {  	v20 =	vmul.f32 v20, v11;
	v22 =	vadd.f32 v32, v22;
	v30 =	vmul.f32 v30, v12;
	v25 =	vld [tilespmem:s18+$0x6920];
	[tilespmem:s18+$0xCD20] =	vst v23  }
0x25e: {  	v16 =	vmul.f32 v16, v11;
	v21 =	vadd.f32 v31, v21;
	[tilespmem:s18+$0xCD60] =	vst v27;
	v27 =	vld [tilespmem:s18+$0x6940];
	v26 =	vmul.f32 v26, v12  }
0x25f: {  	v19 =	vmul.f32 v19, v11;
	v23 =	vld [tilespmem:s18+$0x6900];
	[tilespmem:s18+$0xCD10] =	vst v22;
	v20 =	vadd.f32 v30, v20;
	v29 =	vmul.f32 v29, v12  }
0x260: {  	v14 =	vmul.f32 v14, v11;
	v22 =	vld [tilespmem:s18+$0x6570];
	[tilespmem:s18+$0xCD00] =	vst v21;
	v24 =	vmul.f32 v24, v12;
	v16 =	vadd.f32 v26, v16  }
0x261: {  	v18 =	vmul.f32 v18, v11;
	v21 =	vld [tilespmem:s18+$0x6560];
	[tilespmem:s18+$0xC970] =	vst v20;
	v28 =	vmul.f32 v28, v12;
	v19 =	vadd.f32 v29, v19  }
0x262: {  	v15 =	vmul.f32 v15, v11;
	v20 =	vld [tilespmem:s18+$0x6550];
	v25 =	vmul.f32 v25, v12;
	v14 =	vadd.f32 v24, v14;
	[tilespmem:s18+$0xC930] =	vst v16  }
0x263: {  	v17 =	vmul.f32 v17, v11;
	v27 =	vmul.f32 v27, v12;
	v16 =	vld [tilespmem:s18+$0x6530];
	v18 =	vadd.f32 v28, v18;
	[tilespmem:s18+$0xC960] =	vst v19  }
0x264: {  	v13 =	vmul.f32 v13, v11;
	v23 =	vmul.f32 v23, v12;
	v15 =	vadd.f32 v25, v15;
	v19 =	vld [tilespmem:s18+$0x540];
	[tilespmem:s18+$0xC910] =	vst v14  }
0x265: {  	v9 =	vmul.f32 v9, v11;
	v22 =	vmul.f32 v22, v12;
	v17 =	vadd.f32 v27, v17;
	[tilespmem:s18+$0xC950] =	vst v18;
	v18 =	vld [tilespmem:s18+$0x6540]  }
0x266: {  	v8 =	vmul.f32 v8, v11;
	v21 =	vmul.f32 v21, v12;
	v13 =	vadd.f32 v23, v13;
	v14 =	vld [tilespmem:s18+$0x7940];
	[tilespmem:s18+$0xC920] =	vst v15  }
0x267: {  	v3 =	vmul.f32 v3, v11;
	v9 =	vadd.f32 v22, v9;
	v20 =	vmul.f32 v20, v12;
	[tilespmem:s18+$0xC940] =	vst v17;
	v17 =	vld [tilespmem:s18+$0x530]  }
0x268: {  	s19 =	simm.s32 $0x0;
	v8 =	vadd.f32 v21, v8;
	v15 =	vld [tilespmem:s18+$0x1940];
	[tilespmem:s18+$0xC900] =	vst v13  }
0x269: {  	s2 =	smul.u32 $0x1800, s19;
	s4 =	simm.s32 $0x80;
	v13 =	vld [tilespmem:s18+$0x1950];
	[tilespmem:s18+$0xC570] =	vst v9;
	v3 =	vadd.f32 v20, v3  }
0x26a: {  	s5 =	sand.u32 $0x380, s4;
	v9 =	vld [tilespmem:s18+$0x7950];
	[tilespmem:s18+$0xC560] =	vst v8;
	v19 =	vmul.f32 v19, v11;
	v18 =	vmul.f32 v18, v12  }
0x26b: {  	s2 =	sor.u32 s5, s2;
	v8 =	vld [tilespmem:s18+$0x1960];
	[tilespmem:s18+$0xC550] =	vst v3  }
0x26c: {  	v16 =	vmul.f32 v16, v12;
	v3 =	vld [tilespmem:s2+$0x500];
	v17 =	vmul.f32 v17, v11;
	v18 =	vadd.f32 v18, v19  }
0x26d: {  	v19 =	vld [tilespmem:s18+$0x7960]  }
0x26e: {  	v16 =	vadd.f32 v16, v17;
	v17 =	vld [tilespmem:s18+$0x1970];
	[tilespmem:s18+$0xC540] =	vst v18  }
0x26f: {  	v7 =	vmul.f32 v7, v12;
	v20 =	vmul.f32 v4, v11;
	v4 =	vld [tilespmem:s2+$0x510]  }
0x270: {  	v6 =	vmul.f32 v6, v12;
	v18 =	vmul.f32 v5, v11;
	[tilespmem:s18+$0xC530] =	vst v16;
	v16 =	vld [tilespmem:s18+$0x7970]  }
0x271: {  	v7 =	vadd.f32 v7, v20;
	v20 =	vld [tilespmem:s18+$0x6500];
	v14 =	vmul.f32 v14, v12;
	v15 =	vmul.f32 v15, v11  }
0x272: {  	v18 =	vadd.f32 v6, v18  }
0x273: {  	v13 =	vmul.f32 v13, v11;
	v9 =	vmul.f32 v9, v12;
	v14 =	vadd.f32 v14, v15;
	v5 =	vld [tilespmem:s2+$0x6510];
	[tilespmem:s18+$0xC520] =	vst v7  }
0x274: {  	v15 =	vmul.f32 v8, v11;
	v6 =	vld [tilespmem:s2+$0x520];
	[tilespmem:s18+$0xC510] =	vst v18;
	v18 =	vmul.f32 v19, v12  }
0x275: {  	v9 =	vadd.f32 v9, v13;
	v13 =	vmul.f32 v17, v11;
	v7 =	vld [tilespmem:s2+$0x6520];
	[tilespmem:s18+$0xD940] =	vst v14;
	v14 =	vmul.f32 v16, v12  }
0x276: {  	v10 =	vmul.f32 v10, v11;
	v15 =	vadd.f32 v18, v15;
	v12 =	vmul.f32 v20, v12  }
0x277: {  	v8 =	vld [tilespmem:s2+$0x530];
	[tilespmem:s18+$0xD950] =	vst v9;
	v13 =	vadd.f32 v14, v13  }
0x278: {  	v9 =	vld [tilespmem:s2+$0x6530];
	[tilespmem:s18+$0xD960] =	vst v15;
	v12 =	vadd.f32 v12, v10  }
0x279: {  	v11 =	vld [tilespmem:s2+$0x540];
	[tilespmem:s18+$0xD970] =	vst v13  }
0x27a: {  	v10 =	vld [tilespmem:s2+$0x6540];
	[tilespmem:s18+$0xC500] =	vst v12  }
0x27b: {  	v12 =	vld [tilespmem:s2+$0x550]  }
0x27c: {  	v13 =	vld [tilespmem:s2+$0x560]  }
0x27d: {  	v14 =	vld [tilespmem:s2+$0x570]  }
0x27e: {  	v15 =	vld [tilespmem:s2+$0x900]  }
0x27f: {  	v16 =	vld [tilespmem:s2+$0x910]  }
0x280: {  	v17 =	vld [tilespmem:s2+$0x920]  }
0x281: {  	v18 =	vld [tilespmem:s2+$0x930]  }
0x282: {  	v19 =	vld [tilespmem:s2+$0x940]  }
0x283: {  	v20 =	vld [tilespmem:s2+$0x950]  }
0x284: {  	v21 =	vld [tilespmem:s2+$0x960]  }
0x285: {  	v22 =	vld [tilespmem:s2+$0x970]  }
0x286: {  	v23 =	vld [tilespmem:s2+$0xD00]  }
0x287: {  	v24 =	vld [tilespmem:s2+$0xD10]  }
0x288: {  	v25 =	vld [tilespmem:s2+$0xD20]  }
0x289: {  	v26 =	vld [tilespmem:s2+$0xD30]  }
0x28a: {  	v27 =	vld [tilespmem:s2+$0xD40]  }
0x28b: {  	v28 =	vld [tilespmem:s2+$0xD50]  }
0x28c: {  	v29 =	vld [tilespmem:s2+$0xD60]  }
0x28d: {  	v30 =	vld [tilespmem:s2+$0xD70]  }
0x28e: {  	v32 =	vld [tilespmem:s2+$0x1100]  }
0x28f: {  	v34 =	vld [tilespmem:s2+$0x1110]  }
0x290: {  	v35 =	vld [tilespmem:s2+$0x1120]  }
0x291: {  	v36 =	vld [tilespmem:s2+$0x1130]  }
0x292: {  	v37 =	vld [tilespmem:s2+$0x1140]  }
0x293: {  	v38 =	vld [tilespmem:s2+$0x1150]  }
0x294: {  	v39 =	vld [tilespmem:s2+$0x1160]  }
0x295: {  	v40 =	vld [tilespmem:s2+$0x1170]  }
0x296: {  	v41 =	vld [tilespmem:s2+$0x1500]  }
0x297: {  	v42 =	vld [tilespmem:s2+$0x1510]  }
0x298: {  	v43 =	vld [tilespmem:s2+$0x1520]  }
0x299: {  	v44 =	vld [tilespmem:s2+$0x1530]  }
0x29a: {  	v45 =	vld [tilespmem:s2+$0x1540]  }
0x29b: {  	v46 =	vld [tilespmem:s2+$0x1550]  }
0x29c: {  	v47 =	vld [tilespmem:s2+$0x1560]  }
0x29d: {  	v48 =	vld [tilespmem:s2+$0x1900]  }
0x29e: {  	v50 =	vld [tilespmem:s2+$0x1910]  }
0x29f: {  	v49 =	vld [tilespmem:s2+$0x7910]  }
0x2a0: {  	s18 =	simm.s32 $0x2;
	v51 =	vld [tilespmem:s2+$0x1920]  }
.LBB2_4:
0x2a1: {  	p0 =	sne.s32 s18, $0x1F;
	v52 =	vld [tilespmem:s2+$0x1930]  }
0x2a2: {  	s31 =	sadd.s32 $0x10, s31;
	v53 =	vld [tilespmem:s2+$0x7930]  }
0x2a3: {  	s0 =	sadd.s32 $0x10, s0;
	v33 =	vld [tilespmem:s31+$0x0]  }
0x2a4: {  	v31 =	vld [tilespmem:s0+$0x0]  }
0x2a5: {  	v54 =	vld [tilespmem:s2+$0x7920]  }
0x2a6: {  	v55 =	vld [tilespmem:s2+$0x7900]  }
0x2a7: {  	v56 =	vld [tilespmem:s2+$0x1570]  }
0x2a8: {  	v57 =	vld [tilespmem:s2+$0x7570];
	v50 =	vmul.f32 v50, v33;
	v51 =	vmul.f32 v51, v33  }
0x2a9: {  	v52 =	vmul.f32 v52, v33;
	v58 =	vld [tilespmem:s2+$0x7560];
	v53 =	vmul.f32 v53, v31  }
0x2aa: {  	v49 =	vmul.f32 v49, v31;
	v59 =	vld [tilespmem:s2+$0x7550];
	v54 =	vmul.f32 v54, v31  }
0x2ab: {  	v48 =	vmul.f32 v48, v33;
	v60 =	vld [tilespmem:s2+$0x7540];
	v55 =	vmul.f32 v55, v31;
	v52 =	vadd.f32 v53, v52  }
0x2ac: {  	v49 =	vadd.f32 v49, v50;
	v53 =	vld [tilespmem:s2+$0x7530];
	v56 =	vmul.f32 v56, v33;
	v50 =	vadd.f32 v54, v51  }
0x2ad: {  	v47 =	vmul.f32 v47, v33;
	v51 =	vld [tilespmem:s2+$0x7520];
	v54 =	vmul.f32 v57, v31;
	v48 =	vadd.f32 v55, v48;
	[tilespmem:s2+$0xD930] =	vst v52  }
0x2ae: {  	v46 =	vmul.f32 v46, v33;
	v52 =	vld [tilespmem:s2+$0x7510];
	v55 =	vmul.f32 v58, v31;
	[tilespmem:s2+$0xD920] =	vst v50  }
0x2af: {  	v45 =	vmul.f32 v45, v33;
	v50 =	vld [tilespmem:s2+$0x7500];
	v57 =	vmul.f32 v59, v31;
	v54 =	vadd.f32 v54, v56;
	[tilespmem:s2+$0xD910] =	vst v49  }
0x2b0: {  	v44 =	vmul.f32 v44, v33;
	v49 =	vld [tilespmem:s2+$0x7170];
	v56 =	vmul.f32 v60, v31;
	v47 =	vadd.f32 v55, v47;
	[tilespmem:s2+$0xD900] =	vst v48  }
0x2b1: {  	v43 =	vmul.f32 v43, v33;
	v48 =	vld [tilespmem:s2+$0x7160];
	v53 =	vmul.f32 v53, v31;
	v46 =	vadd.f32 v57, v46;
	[tilespmem:s2+$0xD570] =	vst v54  }
0x2b2: {  	v42 =	vmul.f32 v42, v33;
	v54 =	vld [tilespmem:s2+$0x7150];
	v51 =	vmul.f32 v51, v31;
	v45 =	vadd.f32 v56, v45;
	[tilespmem:s2+$0xD560] =	vst v47  }
0x2b3: {  	v41 =	vmul.f32 v41, v33;
	v47 =	vld [tilespmem:s2+$0x7140];
	v52 =	vmul.f32 v52, v31;
	v44 =	vadd.f32 v53, v44;
	[tilespmem:s2+$0xD550] =	vst v46  }
0x2b4: {  	v40 =	vmul.f32 v40, v33;
	v46 =	vld [tilespmem:s2+$0x7130];
	v50 =	vmul.f32 v50, v31;
	v43 =	vadd.f32 v51, v43;
	[tilespmem:s2+$0xD540] =	vst v45  }
0x2b5: {  	v39 =	vmul.f32 v39, v33;
	v45 =	vld [tilespmem:s2+$0x7120];
	v49 =	vmul.f32 v49, v31;
	v42 =	vadd.f32 v52, v42;
	[tilespmem:s2+$0xD530] =	vst v44  }
0x2b6: {  	v38 =	vmul.f32 v38, v33;
	v44 =	vld [tilespmem:s2+$0x7110];
	v48 =	vmul.f32 v48, v31;
	v41 =	vadd.f32 v50, v41;
	[tilespmem:s2+$0xD520] =	vst v43  }
0x2b7: {  	v37 =	vmul.f32 v37, v33;
	v43 =	vld [tilespmem:s2+$0x7100];
	v50 =	vmul.f32 v54, v31;
	v40 =	vadd.f32 v49, v40;
	[tilespmem:s2+$0xD510] =	vst v42  }
0x2b8: {  	v36 =	vmul.f32 v36, v33;
	v42 =	vld [tilespmem:s2+$0x6D70];
	v47 =	vmul.f32 v47, v31;
	v39 =	vadd.f32 v48, v39;
	[tilespmem:s2+$0xD500] =	vst v41  }
0x2b9: {  	v35 =	vmul.f32 v35, v33;
	v41 =	vld [tilespmem:s2+$0x6D60];
	v46 =	vmul.f32 v46, v31;
	v38 =	vadd.f32 v50, v38;
	[tilespmem:s2+$0xD170] =	vst v40  }
0x2ba: {  	v34 =	vmul.f32 v34, v33;
	v40 =	vld [tilespmem:s2+$0x6D50];
	v45 =	vmul.f32 v45, v31;
	v37 =	vadd.f32 v47, v37;
	[tilespmem:s2+$0xD160] =	vst v39  }
0x2bb: {  	v32 =	vmul.f32 v32, v33;
	v39 =	vld [tilespmem:s2+$0x6D40];
	v44 =	vmul.f32 v44, v31;
	v36 =	vadd.f32 v46, v36;
	[tilespmem:s2+$0xD150] =	vst v38  }
0x2bc: {  	v30 =	vmul.f32 v30, v33;
	v38 =	vld [tilespmem:s2+$0x6D30];
	v43 =	vmul.f32 v43, v31;
	v35 =	vadd.f32 v45, v35;
	[tilespmem:s2+$0xD140] =	vst v37  }
0x2bd: {  	v29 =	vmul.f32 v29, v33;
	v37 =	vld [tilespmem:s2+$0x6D20];
	v42 =	vmul.f32 v42, v31;
	v34 =	vadd.f32 v44, v34;
	[tilespmem:s2+$0xD130] =	vst v36  }
0x2be: {  	v28 =	vmul.f32 v28, v33;
	v36 =	vld [tilespmem:s2+$0x6D10];
	v41 =	vmul.f32 v41, v31;
	v32 =	vadd.f32 v43, v32;
	[tilespmem:s2+$0xD120] =	vst v35  }
0x2bf: {  	v27 =	vmul.f32 v27, v33;
	v35 =	vld [tilespmem:s2+$0x6D00];
	v40 =	vmul.f32 v40, v31;
	v30 =	vadd.f32 v42, v30;
	[tilespmem:s2+$0xD110] =	vst v34  }
0x2c0: {  	v26 =	vmul.f32 v26, v33;
	v34 =	vld [tilespmem:s2+$0x6970];
	v39 =	vmul.f32 v39, v31;
	v29 =	vadd.f32 v41, v29;
	[tilespmem:s2+$0xD100] =	vst v32  }
0x2c1: {  	v25 =	vmul.f32 v25, v33;
	v32 =	vld [tilespmem:s2+$0x6960];
	v38 =	vmul.f32 v38, v31;
	v28 =	vadd.f32 v40, v28;
	[tilespmem:s2+$0xCD70] =	vst v30  }
0x2c2: {  	v24 =	vmul.f32 v24, v33;
	v30 =	vld [tilespmem:s2+$0x6950];
	v37 =	vmul.f32 v37, v31;
	v27 =	vadd.f32 v39, v27;
	[tilespmem:s2+$0xCD60] =	vst v29  }
0x2c3: {  	v23 =	vmul.f32 v23, v33;
	v29 =	vld [tilespmem:s2+$0x6940];
	v36 =	vmul.f32 v36, v31;
	v26 =	vadd.f32 v38, v26;
	[tilespmem:s2+$0xCD50] =	vst v28  }
0x2c4: {  	v22 =	vmul.f32 v22, v33;
	v28 =	vld [tilespmem:s2+$0x6930];
	v35 =	vmul.f32 v35, v31;
	v25 =	vadd.f32 v37, v25;
	[tilespmem:s2+$0xCD40] =	vst v27  }
0x2c5: {  	v21 =	vmul.f32 v21, v33;
	v27 =	vld [tilespmem:s2+$0x6920];
	v34 =	vmul.f32 v34, v31;
	v24 =	vadd.f32 v36, v24;
	[tilespmem:s2+$0xCD30] =	vst v26  }
0x2c6: {  	v20 =	vmul.f32 v20, v33;
	v26 =	vld [tilespmem:s2+$0x6910];
	v32 =	vmul.f32 v32, v31;
	v23 =	vadd.f32 v35, v23;
	[tilespmem:s2+$0xCD20] =	vst v25  }
0x2c7: {  	v19 =	vmul.f32 v19, v33;
	v25 =	vld [tilespmem:s2+$0x6900];
	v30 =	vmul.f32 v30, v31;
	v22 =	vadd.f32 v34, v22;
	[tilespmem:s2+$0xCD10] =	vst v24  }
0x2c8: {  	v18 =	vmul.f32 v18, v33;
	v24 =	vld [tilespmem:s2+$0x6570];
	v29 =	vmul.f32 v29, v31;
	v21 =	vadd.f32 v32, v21;
	[tilespmem:s2+$0xCD00] =	vst v23  }
0x2c9: {  	v17 =	vmul.f32 v17, v33;
	v23 =	vld [tilespmem:s2+$0x6560];
	v28 =	vmul.f32 v28, v31;
	v20 =	vadd.f32 v30, v20;
	[tilespmem:s2+$0xC970] =	vst v22  }
0x2ca: {  	v16 =	vmul.f32 v16, v33;
	v22 =	vld [tilespmem:s2+$0x6550];
	v27 =	vmul.f32 v27, v31;
	v19 =	vadd.f32 v29, v19;
	[tilespmem:s2+$0xC960] =	vst v21  }
0x2cb: {  	v15 =	vmul.f32 v15, v33;
	v21 =	vmul.f32 v26, v31;
	v18 =	vadd.f32 v28, v18;
	[tilespmem:s2+$0xC950] =	vst v20;
	v20 =	vld [tilespmem:s2+$0x1940]  }
0x2cc: {  	v14 =	vmul.f32 v14, v33;
	v25 =	vmul.f32 v25, v31;
	v17 =	vadd.f32 v27, v17;
	[tilespmem:s2+$0xC940] =	vst v19;
	v19 =	vld [tilespmem:s2+$0x7940]  }
0x2cd: {  	v13 =	vmul.f32 v13, v33;
	v24 =	vmul.f32 v24, v31;
	v16 =	vadd.f32 v21, v16;
	[tilespmem:s2+$0xC930] =	vst v18;
	v18 =	vld [tilespmem:s2+$0x1950]  }
0x2ce: {  	v12 =	vmul.f32 v12, v33;
	v21 =	vmul.f32 v23, v31;
	v15 =	vadd.f32 v25, v15;
	[tilespmem:s2+$0xC920] =	vst v17;
	v17 =	vld [tilespmem:s2+$0x7950]  }
0x2cf: {  	v11 =	vmul.f32 v11, v33;
	v22 =	vmul.f32 v22, v31;
	v14 =	vadd.f32 v24, v14;
	[tilespmem:s2+$0xC910] =	vst v16;
	v16 =	vld [tilespmem:s2+$0x1960]  }
0x2d0: {  	s5 =	sshrl.u32 s18, $0x3;
	v8 =	vmul.f32 v8, v33;
	v10 =	vmul.f32 v10, v31;
	v13 =	vadd.f32 v21, v13;
	[tilespmem:s2+$0xC900] =	vst v15;
	v15 =	vld [tilespmem:s2+$0x7960]  }
0x2d1: {  	s4 =	sadd.s32 $0x80, s4;
	s5 =	smul.u32 $0x1800, s5;
	v6 =	vmul.f32 v6, v33;
	v9 =	vmul.f32 v9, v31;
	v12 =	vadd.f32 v22, v12;
	[tilespmem:s2+$0xC570] =	vst v14;
	v14 =	vld [tilespmem:s2+$0x1970]  }
0x2d2: {  	s19 =	sand.u32 $0x380, s4;
	v21 =	vmul.f32 v4, v33;
	v4 =	vmul.f32 v7, v31;
	v7 =	vadd.f32 v10, v11;
	[tilespmem:s2+$0xC560] =	vst v13;
	v10 =	vld [tilespmem:s2+$0x7970]  }
0x2d3: {  	s5 =	sor.u32 s19, s5;
	v5 =	vmul.f32 v5, v31;
	v8 =	vadd.f32 v9, v8;
	v9 =	vmul.f32 v20, v33;
	v11 =	vld [tilespmem:s2+$0x6500];
	[tilespmem:s2+$0xC550] =	vst v12  }
0x2d4: {  	v6 =	vadd.f32 v4, v6;
	v13 =	vmul.f32 v18, v33;
	v12 =	vld [tilespmem:s5+$0x500];
	[tilespmem:s2+$0xC540] =	vst v7;
	v7 =	vmul.f32 v19, v31  }
0x2d5: {  	v18 =	vadd.f32 v5, v21;
	v16 =	vmul.f32 v16, v33;
	v4 =	vld [tilespmem:s5+$0x510];
	[tilespmem:s2+$0xC530] =	vst v8;
	v8 =	vmul.f32 v17, v31  }
0x2d6: {  	v15 =	vmul.f32 v15, v31;
	v5 =	vld [tilespmem:s5+$0x6510];
	[tilespmem:s2+$0xC520] =	vst v6;
	v9 =	vadd.f32 v7, v9;
	v14 =	vmul.f32 v14, v33  }
0x2d7: {  	v17 =	vmul.f32 v3, v33;
	v6 =	vld [tilespmem:s5+$0x520];
	[tilespmem:s2+$0xC510] =	vst v18;
	v18 =	vadd.f32 v8, v13;
	v10 =	vmul.f32 v10, v31  }
0x2d8: {  	v13 =	vadd.f32 v15, v16;
	v7 =	vld [tilespmem:s5+$0x6520];
	v11 =	vmul.f32 v11, v31;
	[tilespmem:s2+$0xD940] =	vst v9  }
0x2d9: {  	v8 =	vld [tilespmem:s5+$0x530];
	[tilespmem:s2+$0xD950] =	vst v18;
	v10 =	vadd.f32 v10, v14;
	v3 =	vmov v12  }
0x2da: {  	v9 =	vld [tilespmem:s5+$0x6530];
	v12 =	vadd.f32 v11, v17;
	[tilespmem:s2+$0xD960] =	vst v13  }
0x2db: {  	v11 =	vld [tilespmem:s5+$0x540];
	[tilespmem:s2+$0xD970] =	vst v10  }
0x2dc: {  	v10 =	vld [tilespmem:s5+$0x6540];
	[tilespmem:s2+$0xC500] =	vst v12;
	s2 =	smov.u32 s5  }
0x2dd: {  	v12 =	vld [tilespmem:s2+$0x550]  }
0x2de: {  	v13 =	vld [tilespmem:s2+$0x560]  }
0x2df: {  	v14 =	vld [tilespmem:s2+$0x570]  }
0x2e0: {  	v15 =	vld [tilespmem:s2+$0x900]  }
0x2e1: {  	v16 =	vld [tilespmem:s2+$0x910]  }
0x2e2: {  	v17 =	vld [tilespmem:s2+$0x920]  }
0x2e3: {  	v18 =	vld [tilespmem:s2+$0x930]  }
0x2e4: {  	v19 =	vld [tilespmem:s2+$0x940]  }
0x2e5: {  	v20 =	vld [tilespmem:s2+$0x950]  }
0x2e6: {  	v21 =	vld [tilespmem:s2+$0x960]  }
0x2e7: {  	v22 =	vld [tilespmem:s2+$0x970]  }
0x2e8: {  	v23 =	vld [tilespmem:s2+$0xD00]  }
0x2e9: {  	v24 =	vld [tilespmem:s2+$0xD10]  }
0x2ea: {  	v25 =	vld [tilespmem:s2+$0xD20]  }
0x2eb: {  	v26 =	vld [tilespmem:s2+$0xD30]  }
0x2ec: {  	v27 =	vld [tilespmem:s2+$0xD40]  }
0x2ed: {  	v28 =	vld [tilespmem:s2+$0xD50]  }
0x2ee: {  	v29 =	vld [tilespmem:s2+$0xD60]  }
0x2ef: {  	v30 =	vld [tilespmem:s2+$0xD70]  }
0x2f0: {  	v32 =	vld [tilespmem:s2+$0x1100]  }
0x2f1: {  	v34 =	vld [tilespmem:s2+$0x1110]  }
0x2f2: {  	v35 =	vld [tilespmem:s2+$0x1120]  }
0x2f3: {  	v36 =	vld [tilespmem:s2+$0x1130]  }
0x2f4: {  	v37 =	vld [tilespmem:s2+$0x1140]  }
0x2f5: {  	v38 =	vld [tilespmem:s2+$0x1150]  }
0x2f6: {  	v39 =	vld [tilespmem:s2+$0x1160]  }
0x2f7: {  	v40 =	vld [tilespmem:s2+$0x1170]  }
0x2f8: {  	v41 =	vld [tilespmem:s2+$0x1500]  }
0x2f9: {  	v42 =	vld [tilespmem:s2+$0x1510]  }
0x2fa: {  	v43 =	vld [tilespmem:s2+$0x1520]  }
0x2fb: {  	v44 =	vld [tilespmem:s2+$0x1530]  }
0x2fc: {  	v45 =	vld [tilespmem:s2+$0x1540]  }
0x2fd: {  	v46 =	vld [tilespmem:s2+$0x1550]  }
.Ltmp1:
0x2fe: {  	v47 =	vld [tilespmem:s2+$0x1560];
	(pc) =	sbr.rel @p0 .LBB2_4-.Ltmp1, $4  }
0x2ff: {  	v48 =	vld [tilespmem:s2+$0x1900]  }
0x300: {  	v50 =	vld [tilespmem:s2+$0x1910]  }
0x301: {  	v49 =	vld [tilespmem:s2+$0x7910]  }
0x302: {  	s18 =	sadd.s32 $0x1, s18;
	v51 =	vld [tilespmem:s2+$0x1920]  }
0x303: {  	v52 =	vld [tilespmem:s2+$0x1930]  }
0x304: {  	v53 =	vld [tilespmem:s2+$0x7930];
	s4 =	sadd.s32 $0x10, s31  }
0x305: {  	s0 =	sadd.s32 $0x10, s0;
	v31 =	vld [tilespmem:s4+$0x0]  }
0x306: {  	v33 =	vld [tilespmem:s0+$0x0]  }
0x307: {  	v54 =	vld [tilespmem:s2+$0x7920]  }
0x308: {  	v55 =	vld [tilespmem:s2+$0x7900]  }
0x309: {  	v56 =	vld [tilespmem:s2+$0x1570]  }
0x30a: {  	v57 =	vld [tilespmem:s2+$0x7570]  }
0x30b: {  	v58 =	vld [tilespmem:s2+$0x7560];
	v52 =	vmul.f32 v52, v31;
	v53 =	vmul.f32 v53, v33  }
0x30c: {  	v59 =	vld [tilespmem:s2+$0x7550];
	v51 =	vmul.f32 v51, v31;
	v54 =	vmul.f32 v54, v33  }
0x30d: {  	v50 =	vmul.f32 v50, v31;
	v49 =	vmul.f32 v49, v33  }
0x30e: {  	v60 =	vld [tilespmem:s2+$0x7540];
	v48 =	vmul.f32 v48, v31;
	v62 =	vmul.f32 v55, v33;
	v52 =	vadd.f32 v53, v52  }
0x30f: {  	v61 =	vld [tilespmem:s2+$0x7520];
	v63 =	vmul.f32 v56, v31;
	v57 =	vmul.f32 v57, v33;
	v51 =	vadd.f32 v54, v51  }
0x310: {  	v47 =	vmul.f32 v47, v31;
	v58 =	vmul.f32 v58, v33;
	v55 =	vld [tilespmem:s2+$0x6950];
	v49 =	vadd.f32 v49, v50;
	[tilespmem:s2+$0xD930] =	vst v52  }
0x311: {  	v46 =	vmul.f32 v46, v31;
	v59 =	vmul.f32 v59, v33;
	v56 =	vld [tilespmem:s2+$0x6940];
	v48 =	vadd.f32 v62, v48;
	[tilespmem:s2+$0xD920] =	vst v51  }
0x312: {  	v11 =	vmul.f32 v11, v31;
	v10 =	vmul.f32 v10, v33;
	v53 =	vld [tilespmem:s2+$0x7530];
	v47 =	vadd.f32 v58, v47;
	[tilespmem:s2+$0xD910] =	vst v49  }
0x313: {  	v8 =	vmul.f32 v8, v31;
	v9 =	vmul.f32 v9, v33;
	v50 =	vld [tilespmem:s2+$0x7500];
	v46 =	vadd.f32 v59, v46;
	[tilespmem:s2+$0xD900] =	vst v48  }
0x314: {  	v6 =	vmul.f32 v6, v31;
	v7 =	vmul.f32 v7, v33;
	v58 =	vld [tilespmem:s2+$0x7110];
	v10 =	vadd.f32 v10, v11;
	[tilespmem:s2+$0xD560] =	vst v47  }
0x315: {  	v4 =	vmul.f32 v4, v31;
	v5 =	vmul.f32 v5, v33;
	v59 =	vld [tilespmem:s2+$0x7100];
	v8 =	vadd.f32 v9, v8;
	[tilespmem:s2+$0xD550] =	vst v46  }
0x316: {  	v43 =	vmul.f32 v43, v31;
	v62 =	vmul.f32 v60, v33;
	v60 =	vld [tilespmem:s2+$0x6D70];
	v6 =	vadd.f32 v7, v6;
	[tilespmem:s2+$0xC540] =	vst v10  }
0x317: {  	v4 =	vadd.f32 v5, v4;
	v52 =	vld [tilespmem:s2+$0x7510];
	v51 =	vadd.f32 v57, v63;
	v63 =	vmul.f32 v61, v33;
	[tilespmem:s2+$0xC530] =	vst v8  }
0x318: {  	v45 =	vmul.f32 v45, v31;
	v49 =	vld [tilespmem:s2+$0x7170];
	[tilespmem:s2+$0xC520] =	vst v6  }
0x319: {  	v44 =	vmul.f32 v44, v31;
	v48 =	vld [tilespmem:s2+$0x7160];
	[tilespmem:s2+$0xC510] =	vst v4;
	v43 =	vadd.f32 v63, v43;
	v53 =	vmul.f32 v53, v33  }
0x31a: {  	v41 =	vmul.f32 v41, v31;
	v47 =	vld [tilespmem:s2+$0x7140];
	v45 =	vadd.f32 v62, v45;
	[tilespmem:s2+$0xD570] =	vst v51;
	v50 =	vmul.f32 v50, v33  }
0x31b: {  	v32 =	vmul.f32 v32, v31;
	v46 =	vld [tilespmem:s2+$0x7130];
	[tilespmem:s2+$0xD520] =	vst v43;
	v43 =	vmul.f32 v59, v33;
	v44 =	vadd.f32 v53, v44  }
0x31c: {  	v42 =	vmul.f32 v42, v31;
	v57 =	vld [tilespmem:s2+$0x7120];
	[tilespmem:s2+$0xD540] =	vst v45;
	v52 =	vmul.f32 v52, v33;
	v41 =	vadd.f32 v50, v41  }
0x31d: {  	v40 =	vmul.f32 v40, v31;
	v51 =	vld [tilespmem:s2+$0x7150];
	v49 =	vmul.f32 v49, v33;
	v32 =	vadd.f32 v43, v32;
	[tilespmem:s2+$0xD530] =	vst v44  }
0x31e: {  	v39 =	vmul.f32 v39, v31;
	v54 =	vld [tilespmem:s2+$0x6960];
	v48 =	vmul.f32 v48, v33;
	v42 =	vadd.f32 v52, v42;
	[tilespmem:s2+$0xD500] =	vst v41  }
0x31f: {  	v37 =	vmul.f32 v37, v31;
	v61 =	vld [tilespmem:s2+$0x6D60];
	v47 =	vmul.f32 v47, v33;
	v40 =	vadd.f32 v49, v40;
	[tilespmem:s2+$0xD100] =	vst v32  }
0x320: {  	v36 =	vmul.f32 v36, v31;
	v63 =	vld [tilespmem:s2+$0x6D50];
	v46 =	vmul.f32 v46, v33;
	v39 =	vadd.f32 v48, v39;
	[tilespmem:s2+$0xD510] =	vst v42  }
0x321: {  	v35 =	vmul.f32 v35, v31;
	v59 =	vld [tilespmem:s2+$0x6910];
	v45 =	vmul.f32 v57, v33;
	v37 =	vadd.f32 v47, v37;
	[tilespmem:s2+$0xD170] =	vst v40  }
0x322: {  	v38 =	vmul.f32 v38, v31;
	v50 =	vld [tilespmem:s2+$0x6D20];
	v62 =	vmul.f32 v51, v33;
	v36 =	vadd.f32 v46, v36;
	[tilespmem:s2+$0xD160] =	vst v39  }
0x323: {  	v34 =	vmul.f32 v34, v31;
	v53 =	vld [tilespmem:s2+$0x6970];
	v44 =	vmul.f32 v58, v33;
	v35 =	vadd.f32 v45, v35;
	[tilespmem:s2+$0xD140] =	vst v37  }
0x324: {  	v29 =	vmul.f32 v29, v31;
	v57 =	vld [tilespmem:s2+$0x6930];
	v41 =	vmul.f32 v61, v33;
	v38 =	vadd.f32 v62, v38;
	[tilespmem:s2+$0xD130] =	vst v36  }
0x325: {  	v21 =	vmul.f32 v21, v31;
	v48 =	vld [tilespmem:s2+$0x6D40];
	v32 =	vmul.f32 v54, v33;
	v34 =	vadd.f32 v44, v34;
	[tilespmem:s2+$0xD120] =	vst v35  }
0x326: {  	v30 =	vmul.f32 v30, v31;
	v49 =	vld [tilespmem:s2+$0x6D30];
	v42 =	vmul.f32 v60, v33;
	v29 =	vadd.f32 v41, v29;
	[tilespmem:s2+$0xD150] =	vst v38  }
0x327: {  	v28 =	vmul.f32 v28, v31;
	v51 =	vld [tilespmem:s2+$0x6D10];
	v40 =	vmul.f32 v63, v33;
	v21 =	vadd.f32 v32, v21;
	[tilespmem:s2+$0xD110] =	vst v34  }
0x328: {  	v20 =	vmul.f32 v20, v31;
	v52 =	vld [tilespmem:s2+$0x6D00];
	v62 =	vmul.f32 v55, v33;
	v30 =	vadd.f32 v42, v30;
	[tilespmem:s2+$0xCD60] =	vst v29  }
0x329: {  	v25 =	vmul.f32 v25, v31;
	v58 =	vld [tilespmem:s2+$0x6920];
	v37 =	vmul.f32 v50, v33;
	v28 =	vadd.f32 v40, v28;
	[tilespmem:s2+$0xC960] =	vst v21  }
0x32a: {  	v19 =	vmul.f32 v19, v31;
	v61 =	vld [tilespmem:s2+$0x6570];
	v32 =	vmul.f32 v56, v33;
	v20 =	vadd.f32 v62, v20;
	[tilespmem:s2+$0xCD70] =	vst v30  }
0x32b: {  	v22 =	vmul.f32 v22, v31;
	v46 =	vld [tilespmem:s2+$0x7960];
	v34 =	vmul.f32 v53, v33;
	v25 =	vadd.f32 v37, v25;
	[tilespmem:s2+$0xCD50] =	vst v28  }
0x32c: {  	v27 =	vmul.f32 v27, v31;
	v60 =	vld [tilespmem:s2+$0x6900];
	v39 =	vmul.f32 v48, v33;
	v19 =	vadd.f32 v32, v19;
	[tilespmem:s2+$0xC950] =	vst v20  }
0x32d: {  	v26 =	vmul.f32 v26, v31;
	v63 =	vld [tilespmem:s2+$0x6560];
	v38 =	vmul.f32 v49, v33;
	v22 =	vadd.f32 v34, v22;
	[tilespmem:s2+$0xCD20] =	vst v25  }
0x32e: {  	v24 =	vmul.f32 v24, v31;
	v44 =	vld [tilespmem:s2+$0x1960];
	v36 =	vmul.f32 v51, v33;
	v27 =	vadd.f32 v39, v27;
	[tilespmem:s2+$0xC940] =	vst v19  }
0x32f: {  	v23 =	vmul.f32 v23, v31;
	v50 =	vld [tilespmem:s2+$0x6500];
	v35 =	vmul.f32 v52, v33;
	v26 =	vadd.f32 v38, v26;
	[tilespmem:s2+$0xC970] =	vst v22  }
0x330: {  	v17 =	vmul.f32 v17, v31;
	v40 =	vld [tilespmem:s2+$0x1950];
	v37 =	vmul.f32 v58, v33;
	v24 =	vadd.f32 v36, v24;
	[tilespmem:s2+$0xCD40] =	vst v27  }
0x331: {  	v14 =	vmul.f32 v14, v31;
	v42 =	vld [tilespmem:s2+$0x7950];
	v43 =	vmul.f32 v61, v33;
	v23 =	vadd.f32 v35, v23;
	[tilespmem:s2+$0xCD30] =	vst v26  }
0x332: {  	v18 =	vmul.f32 v18, v31;
	v48 =	vld [tilespmem:s2+$0x1970];
	v35 =	vmul.f32 v57, v33;
	v17 =	vadd.f32 v37, v17;
	[tilespmem:s2+$0xCD10] =	vst v24  }
0x333: {  	v16 =	vmul.f32 v16, v31;
	v49 =	vld [tilespmem:s2+$0x7970];
	v39 =	vmul.f32 v59, v33;
	v14 =	vadd.f32 v43, v14;
	[tilespmem:s2+$0xCD00] =	vst v23  }
0x334: {  	v15 =	vmul.f32 v15, v31;
	v34 =	vld [tilespmem:s2+$0x6550];
	v41 =	vmul.f32 v60, v33;
	v18 =	vadd.f32 v35, v18;
	[tilespmem:s2+$0xC920] =	vst v17  }
0x335: {  	v13 =	vmul.f32 v13, v31;
	v36 =	vld [tilespmem:s2+$0x1940];
	v45 =	vmul.f32 v63, v33;
	v16 =	vadd.f32 v39, v16;
	[tilespmem:s2+$0xC570] =	vst v14  }
0x336: {  	v38 =	vld [tilespmem:s2+$0x7940];
	v55 =	vmul.f32 v44, v31;
	v57 =	vmul.f32 v46, v33;
	v15 =	vadd.f32 v41, v15;
	[tilespmem:s2+$0xC930] =	vst v18  }
0x337: {  	v3 =	vmul.f32 v3, v31;
	v61 =	vmul.f32 v50, v33;
	v13 =	vadd.f32 v45, v13;
	[tilespmem:s2+$0xC910] =	vst v16  }
0x338: {  	v53 =	vmul.f32 v40, v31;
	v54 =	vmul.f32 v42, v33;
	v62 =	vadd.f32 v57, v55;
	[tilespmem:s2+$0xC900] =	vst v15  }
0x339: {  	v58 =	vmul.f32 v48, v31;
	v60 =	vmul.f32 v49, v33;
	v3 =	vadd.f32 v61, v3;
	[tilespmem:s2+$0xC560] =	vst v13  }
0x33a: {  	v12 =	vmul.f32 v12, v31;
	v47 =	vmul.f32 v34, v33;
	v59 =	vadd.f32 v54, v53;
	[tilespmem:s2+$0xD960] =	vst v62  }
0x33b: {  	v51 =	vmul.f32 v36, v31;
	v52 =	vmul.f32 v38, v33;
	v63 =	vadd.f32 v60, v58;
	[tilespmem:s2+$0xC500] =	vst v3  }
0x33c: {  	v12 =	vadd.f32 v47, v12;
	[tilespmem:s2+$0xD950] =	vst v59  }
0x33d: {  	s30 =	sadd.s32 $0x1, s30;
	v56 =	vadd.f32 v52, v51;
	[tilespmem:s2+$0xD970] =	vst v63  }
0x33e: {  	p0 =	sne.s32 s30, s16;
	[tilespmem:s2+$0xC550] =	vst v12  }
.Ltmp2:
0x33f: {  	[tilespmem:s2+$0xD940] =	vst v56;
	(pc) =	sbr.rel @p0 .LBB2_1-.Ltmp2, $4  }
0x340: {  	[hbm4b:s15+s1] =	stream.linear.scatter [tilespmem:s29], [sflag:$0x1], $0x6000, $0x38;
	[tilespmem:$0x12500] =	vst v63  }
0x341: {  	_ =	swait.ge [sflag:s17], $0x6000  }
0x342: {  	[sflag:s17] =	ssyncset.done $0x0  }
0x343: {  	[sflag:s17] =	ssyncadd.s32 $0xFFFFA000  }
0x344: {  	_ =	sfence.sel $0x180000  }
0x345: {  	[bflag:$0x0] =	sbarrier.arrive $0xFFFF  }
0x346: {  	_ =	strace $0x9000004A  }
0x347: {  	s0 =	stileid.u32;
	[bflag:$0x2] =	sbarrier.arrive $0xFFFF  }
0x348: {  	p0 =	sne.s32 s0, $0x0;
	s0 =	rddreg [dreg:$0x2]  }
0x349: {  	s0 =	sadd.s32 @!p0 $0x100000, s0  }
0x34a: {  	[sflag:s0] =	ssyncadd.tile.s32 @!p0 $0x1;
	_ =	shalt  }
.Lfunc_end2:
_tile_overlayer_lowered:
.L_overlay_start_2:
0x34b: {  	(tag) =	ssettag $0x2  }
0x34c: {  	s0 =	rddreg [dreg:$0x0];
	s2 =	stileid.u32  }
0x34d: {  	s1 =	rddreg [dreg:$0x1];
	p0 =	sne.s32 s2, $0x0  }
0x34e: {  	s3 =	rddreg [dreg:$0x2];
	[bflag:$0x3] =	sbarrier.arrive $0xFFFF;
	s2 =	simm.s32 @!p0 $0x1C01  }
0x34f: {  	[timem:s3], [sflag:s2] =	dma.local @!p0 [hbm:s0], s1  }
0x350: {  	s0 =	simm.s32 @!p0 $0x1  }
0x351: {  	_ =	swait.ge @!p0 [sflag:s0], s1  }
0x352: {  	s1 =	ssub.s32 @!p0 $0x0, s1;
	[sflag:s0] =	ssyncset.done @!p0 $0x0  }
0x353: {  	[sflag:s0] =	ssyncadd.s32 @!p0 s1  }
0x354: {  	[bflag:$0x3] =	sbarrier.arrive $0xFFFF  }
0x355: {  	_ =	shalt  }

</sc_bundles>
